<compile_context>
chip_gen: v7x
topology: tpu7x:2x2x1
jax: 0.10.2.dev20260603
libtpu: 0.0.44.dev20260713+nightly
codegen_flags: <defaults>
</compile_context>

<pallas_src>
import functools

import jax
import jax.numpy as jnp
from jax import lax
from jax.experimental import pallas as pl
from jax.experimental.pallas import tpu as pltpu
from jax.experimental.pallas import tpu_sc as plsc

VOCAB = 1000000
D = 64
B = 16384
L = 50
N = B * L

_info = plsc.get_sparse_core_info()
NC = _info.num_cores
NS = _info.num_subcores
NW = NC * NS
LANES = _info.num_lanes

BBLK = 128
NBLK = B // BBLK
BLK_PER_W = NBLK // NW
GROUPS = BLK_PER_W * L
XV = BLK_PER_W * BBLK * L
SCALE = float(D) ** 0.5

RC = 4096
GSTEPS = 123
SPLIT = RC * GSTEPS
PACK_Q = SPLIT


def _prep_body(a_ref, b_ref, o_ref):
    o_ref[:, 0:D] = jnp.swapaxes(a_ref[...], 0, 1) * SCALE
    o_ref[:, D : 2 * D] = jnp.swapaxes(b_ref[...], 0, 1) * SCALE


_prep = pl.pallas_call(
    _prep_body,
    grid=(GSTEPS,),
    in_specs=[
        pl.BlockSpec((D, RC), lambda g: (0, g)),
        pl.BlockSpec(
            (D, RC),
            lambda g: (0, jnp.minimum(GSTEPS + g, VOCAB // RC)),
        ),
    ],
    out_specs=pl.BlockSpec((RC, 2 * D), lambda g: (g, 0)),
    out_shape=jax.ShapeDtypeStruct((PACK_Q, 2 * D), jnp.float32),
)

_mesh = plsc.VectorSubcoreMesh(core_axis_name="c", subcore_axis_name="s")


@functools.partial(
    pl.kernel,
    out_type=jax.ShapeDtypeStruct((L * 8, NBLK, 8 * 128), jnp.float32),
    mesh=_mesh,
    scratch_types=[
        pltpu.VMEM((XV,), jnp.int32),
        pltpu.VMEM((GROUPS, BBLK), jnp.int32),
        pltpu.VMEM((BBLK, D), jnp.float32),
        pltpu.VMEM((BBLK, D), jnp.float32),
        pltpu.VMEM((8, 8 * 128), jnp.float32),
        pltpu.VMEM((8, 8 * 128), jnp.float32),
        pltpu.SemaphoreType.DMA,
        pltpu.SemaphoreType.DMA,
    ],
    compiler_params=pltpu.CompilerParams(
        use_tc_tiling_on_sc=False, needs_layout_passes=False
    ),
)
def _embed_kernel(idx_hbm, table_hbm, out_hbm, xv, idxt, rows_a, rows_b,
                  tiles_a, tiles_b, gsem, wsem):
    wid = lax.axis_index("s") * NC + lax.axis_index("c")
    iota = lax.iota(jnp.int32, LANES)
    i50 = iota * L
    perm = [(iota + s) % LANES for s in range(LANES)]
    prow = [p // 8 for p in perm]
    pcol = [(p % 8) * BBLK + iota for p in perm]

    pltpu.sync_copy(idx_hbm.at[pl.ds(wid * XV, XV)], xv)

    def build(g, _):
        blk = g // L
        l = g % L
        for j in range(BBLK // LANES):
            ids = i50 + (blk * (BBLK * L) + j * (LANES * L) + l)
            v = plsc.load_gather(xv, [ids])
            lr = v + v - jnp.where(v >= SPLIT, 2 * SPLIT - 1, 0)
            idxt[g, pl.ds(j * LANES, LANES)] = lr
        return 0

    lax.fori_loop(0, GROUPS, build, 0)

    def gather_start(g, rows):
        pltpu.async_copy(table_hbm.at[idxt.at[g]], rows, gsem)

    def gather_wait(rows):
        pltpu.make_async_copy(table_hbm.at[idxt.at[0]], rows, gsem).wait()

    def write_start(g, tiles):
        blk = g // L
        l = g % L
        bhi = wid * BLK_PER_W + blk
        pltpu.async_copy(tiles, out_hbm.at[pl.ds(l * 8, 8), bhi], wsem)

    def write_wait(tiles):
        pltpu.make_async_copy(tiles, out_hbm.at[pl.ds(0, 8), 0], wsem).wait()

    def transpose(rows, tiles):
        def blk(jb, _):
            rbase = iota + jb * LANES
            cbase = jb * LANES
            for jc in range(D // LANES):
                for s in range(LANES):
                    v = plsc.load_gather(rows, [rbase, perm[s] + jc * LANES])
                    plsc.store_scatter(
                        tiles, [prow[s] + 2 * jc, pcol[s] + cbase], v
                    )
            return 0

        lax.fori_loop(0, BBLK // LANES, blk, 0)

    gather_start(0, rows_a)

    def step(h, _):
        g0 = 2 * h
        g1 = 2 * h + 1
        gather_wait(rows_a)
        gather_start(g1, rows_b)

        @pl.when(h >= 1)
        def _():
            write_wait(tiles_a)

        transpose(rows_a, tiles_a)
        write_start(g0, tiles_a)

        gather_wait(rows_b)

        @pl.when(g1 + 1 < GROUPS)
        def _():
            gather_start(g1 + 1, rows_a)

        @pl.when(h >= 1)
        def _():
            write_wait(tiles_b)

        transpose(rows_b, tiles_b)
        write_start(g1, tiles_b)
        return 0

    lax.fori_loop(0, GROUPS // 2, step, 0)
    write_wait(tiles_a)
    write_wait(tiles_b)


def kernel(x, embedding):
    idx = x.reshape(-1).astype(jnp.int32)
    emb_t = embedding.T
    packed = _prep(emb_t, emb_t)
    table = packed.reshape(2 * PACK_Q, D)
    out3 = _embed_kernel(idx, table)
    out5 = out3.reshape(L, 8, NBLK, 8, BBLK)
    return out5.transpose(2, 4, 0, 1, 3).reshape(B, L, D)

# --- scband reference (transcript-rebuilt; emitter-appended) ---
"""Pipeline reference for scband-input-embeddings-9698036154996 (READ-ONLY COPY).

The authoritative reference and input builder live on the scoring server;
editing this copy changes nothing except your own understanding.
"""

import jax, jax.numpy as jnp
import numpy as np

VOCAB = 1000000
D_MODEL = 64
B = 16384
L = 50

def setup_inputs(seed: int = 0) -> dict:
    key = jax.random.key(seed)
    k_idx, k_tab = jax.random.split(key)
    x = jax.random.randint(k_idx, (B, L), 0, VOCAB, dtype=jnp.int64 if jax.config.jax_enable_x64 else jnp.int32)
    # nnx.Embed with normal(stddev=d_model**-0.5) initializer
    embedding = jax.random.normal(k_tab, (VOCAB, D_MODEL), dtype=jnp.float32) * (D_MODEL ** -0.5)
    return {"x": x, "embedding": embedding}

def reference(x, embedding):
    # InputEmbeddings.__call__: embed lookup scaled by sqrt(d_model)
    out = jnp.take(embedding, x, axis=0)
    return out * (D_MODEL ** 0.5)

if __name__ == "__main__":
    import jax
    _d = setup_inputs()
    print(jax.jit(kernel)(*tuple(_d.values())))

</pallas_src>

<mosaic_0001>
#map = affine_map<(d0, d1) -> (0)>
#map1 = affine_map<(d0, d1) -> (0, 0)>
#map2 = affine_map<(d0, d1) -> (0, 0, 0)>
module attributes {stable_mosaic.version = 14 : i64} {
  func.func @_embed_kernel(%arg0: i32, %arg1: i32, %arg2: memref<819200xi32, #tpu.memory_space<hbm>>, %arg3: memref<1007616x64xf32, #tpu.memory_space<hbm>>, %arg4: memref<400x128x1024xf32, #tpu.memory_space<hbm>>, %arg5: memref<25600xi32, #tpu.memory_space<vmem>>, %arg6: memref<200x128xi32, #tpu.memory_space<vmem>>, %arg7: memref<128x64xf32, #tpu.memory_space<vmem>>, %arg8: memref<128x64xf32, #tpu.memory_space<vmem>>, %arg9: memref<8x1024xf32, #tpu.memory_space<vmem>>, %arg10: memref<8x1024xf32, #tpu.memory_space<vmem>>, %arg11: memref<!tpu.dma_semaphore, #tpu.memory_space<semaphore_mem>>, %arg12: memref<!tpu.dma_semaphore, #tpu.memory_space<semaphore_mem>>) attributes {dimension_semantics = [#tpu.dimension_semantics<core_parallel>, #tpu.dimension_semantics<subcore_parallel>], iteration_bounds = array<i64: 2, 16>, scalar_prefetch = 0 : i64, scratch_operands = 8 : i64, tpu.core_type = #tpu.core_type<sc_vector_subcore>, window_params = [{transform_indices = #map}, {transform_indices = #map1}, {transform_indices = #map2}]} {
    %mul3A = arith.constant 2 : i32
    %mul3A_0 = arith.muli %arg1, %mul3A : i32
    %add3A = arith.addi %mul3A_0, %arg0 : i32
    %iota3A = tpu.iota {dimensions = array<i32: 0>} : vector<16xi32>
    %mul3A_1 = arith.constant 50 : i32
    %mul3A_2 = vector.broadcast %mul3A_1 : i32 to vector<16xi32>
    %mul3A_3 = arith.muli %iota3A, %mul3A_2 : vector<16xi32>
    %add3A_4 = arith.constant 0 : i32
    %add3A_5 = vector.broadcast %add3A_4 : i32 to vector<16xi32>
    %add3A_6 = arith.addi %iota3A, %add3A_5 : vector<16xi32>
    %jit3A = arith.constant 16 : i32
    %eq3A = arith.constant 0 : i32
    %eq3A_7 = arith.cmpi eq, %jit3A, %eq3A : i32
    %jit3A_8 = arith.constant 1 : i32
    %select_n3A = arith.select %eq3A_7, %jit3A_8, %jit3A : i32
    %rem3A = vector.broadcast %select_n3A : i32 to vector<16xi32>
    %rem3A_9 = arith.remsi %add3A_6, %rem3A : vector<16xi32>
    %ne3A = arith.constant 0 : i32
    %ne3A_10 = vector.broadcast %ne3A : i32 to vector<16xi32>
    %ne3A_11 = arith.cmpi ne, %rem3A_9, %ne3A_10 : vector<16xi32>
    %lt3A = arith.constant 0 : i32
    %lt3A_12 = vector.broadcast %lt3A : i32 to vector<16xi32>
    %lt3A_13 = arith.cmpi slt, %rem3A_9, %lt3A_12 : vector<16xi32>
    %lt3A_14 = arith.constant 0 : i32
    %lt3A_15 = arith.cmpi slt, %select_n3A, %lt3A_14 : i32
    %ne3A_16 = vector.broadcast %lt3A_15 : i1 to vector<16xi1>
    %ne3A_17 = vector.broadcast %ne3A_16 : vector<16xi1> to vector<16xi1>
    %ne3A_18 = arith.xori %lt3A_13, %ne3A_17 : vector<16xi1>
    %and3A = arith.andi %ne3A_18, %ne3A_11 : vector<16xi1>
    %add3A_19 = vector.broadcast %select_n3A : i32 to vector<16xi32>
    %add3A_20 = arith.addi %rem3A_9, %add3A_19 : vector<16xi32>
    %select_n3A_21 = arith.select %and3A, %add3A_20, %rem3A_9 : vector<16xi1>, vector<16xi32>
    %add3A_22 = arith.constant 1 : i32
    %add3A_23 = vector.broadcast %add3A_22 : i32 to vector<16xi32>
    %add3A_24 = arith.addi %iota3A, %add3A_23 : vector<16xi32>
    %jit3A_25 = arith.constant 16 : i32
    %eq3A_26 = arith.constant 0 : i32
    %eq3A_27 = arith.cmpi eq, %jit3A_25, %eq3A_26 : i32
    %jit3A_28 = arith.constant 1 : i32
    %select_n3A_29 = arith.select %eq3A_27, %jit3A_28, %jit3A_25 : i32
    %rem3A_30 = vector.broadcast %select_n3A_29 : i32 to vector<16xi32>
    %rem3A_31 = arith.remsi %add3A_24, %rem3A_30 : vector<16xi32>
    %ne3A_32 = arith.constant 0 : i32
    %ne3A_33 = vector.broadcast %ne3A_32 : i32 to vector<16xi32>
    %ne3A_34 = arith.cmpi ne, %rem3A_31, %ne3A_33 : vector<16xi32>
    %lt3A_35 = arith.constant 0 : i32
    %lt3A_36 = vector.broadcast %lt3A_35 : i32 to vector<16xi32>
    %lt3A_37 = arith.cmpi slt, %rem3A_31, %lt3A_36 : vector<16xi32>
    %lt3A_38 = arith.constant 0 : i32
    %lt3A_39 = arith.cmpi slt, %select_n3A_29, %lt3A_38 : i32
    %ne3A_40 = vector.broadcast %lt3A_39 : i1 to vector<16xi1>
    %ne3A_41 = vector.broadcast %ne3A_40 : vector<16xi1> to vector<16xi1>
    %ne3A_42 = arith.xori %lt3A_37, %ne3A_41 : vector<16xi1>
    %and3A_43 = arith.andi %ne3A_42, %ne3A_34 : vector<16xi1>
    %add3A_44 = vector.broadcast %select_n3A_29 : i32 to vector<16xi32>
    %add3A_45 = arith.addi %rem3A_31, %add3A_44 : vector<16xi32>
    %select_n3A_46 = arith.select %and3A_43, %add3A_45, %rem3A_31 : vector<16xi1>, vector<16xi32>
    %add3A_47 = arith.constant 2 : i32
    %add3A_48 = vector.broadcast %add3A_47 : i32 to vector<16xi32>
    %add3A_49 = arith.addi %iota3A, %add3A_48 : vector<16xi32>
    %jit3A_50 = arith.constant 16 : i32
    %eq3A_51 = arith.constant 0 : i32
    %eq3A_52 = arith.cmpi eq, %jit3A_50, %eq3A_51 : i32
    %jit3A_53 = arith.constant 1 : i32
    %select_n3A_54 = arith.select %eq3A_52, %jit3A_53, %jit3A_50 : i32
    %rem3A_55 = vector.broadcast %select_n3A_54 : i32 to vector<16xi32>
    %rem3A_56 = arith.remsi %add3A_49, %rem3A_55 : vector<16xi32>
    %ne3A_57 = arith.constant 0 : i32
    %ne3A_58 = vector.broadcast %ne3A_57 : i32 to vector<16xi32>
    %ne3A_59 = arith.cmpi ne, %rem3A_56, %ne3A_58 : vector<16xi32>
    %lt3A_60 = arith.constant 0 : i32
    %lt3A_61 = vector.broadcast %lt3A_60 : i32 to vector<16xi32>
    %lt3A_62 = arith.cmpi slt, %rem3A_56, %lt3A_61 : vector<16xi32>
    %lt3A_63 = arith.constant 0 : i32
    %lt3A_64 = arith.cmpi slt, %select_n3A_54, %lt3A_63 : i32
    %ne3A_65 = vector.broadcast %lt3A_64 : i1 to vector<16xi1>
    %ne3A_66 = vector.broadcast %ne3A_65 : vector<16xi1> to vector<16xi1>
    %ne3A_67 = arith.xori %lt3A_62, %ne3A_66 : vector<16xi1>
    %and3A_68 = arith.andi %ne3A_67, %ne3A_59 : vector<16xi1>
    %add3A_69 = vector.broadcast %select_n3A_54 : i32 to vector<16xi32>
    %add3A_70 = arith.addi %rem3A_56, %add3A_69 : vector<16xi32>
    %select_n3A_71 = arith.select %and3A_68, %add3A_70, %rem3A_56 : vector<16xi1>, vector<16xi32>
    %add3A_72 = arith.constant 3 : i32
    %add3A_73 = vector.broadcast %add3A_72 : i32 to vector<16xi32>
    %add3A_74 = arith.addi %iota3A, %add3A_73 : vector<16xi32>
    %jit3A_75 = arith.constant 16 : i32
    %eq3A_76 = arith.constant 0 : i32
    %eq3A_77 = arith.cmpi eq, %jit3A_75, %eq3A_76 : i32
    %jit3A_78 = arith.constant 1 : i32
    %select_n3A_79 = arith.select %eq3A_77, %jit3A_78, %jit3A_75 : i32
    %rem3A_80 = vector.broadcast %select_n3A_79 : i32 to vector<16xi32>
    %rem3A_81 = arith.remsi %add3A_74, %rem3A_80 : vector<16xi32>
    %ne3A_82 = arith.constant 0 : i32
    %ne3A_83 = vector.broadcast %ne3A_82 : i32 to vector<16xi32>
    %ne3A_84 = arith.cmpi ne, %rem3A_81, %ne3A_83 : vector<16xi32>
    %lt3A_85 = arith.constant 0 : i32
    %lt3A_86 = vector.broadcast %lt3A_85 : i32 to vector<16xi32>
    %lt3A_87 = arith.cmpi slt, %rem3A_81, %lt3A_86 : vector<16xi32>
    %lt3A_88 = arith.constant 0 : i32
    %lt3A_89 = arith.cmpi slt, %select_n3A_79, %lt3A_88 : i32
    %ne3A_90 = vector.broadcast %lt3A_89 : i1 to vector<16xi1>
    %ne3A_91 = vector.broadcast %ne3A_90 : vector<16xi1> to vector<16xi1>
    %ne3A_92 = arith.xori %lt3A_87, %ne3A_91 : vector<16xi1>
    %and3A_93 = arith.andi %ne3A_92, %ne3A_84 : vector<16xi1>
    %add3A_94 = vector.broadcast %select_n3A_79 : i32 to vector<16xi32>
    %add3A_95 = arith.addi %rem3A_81, %add3A_94 : vector<16xi32>
    %select_n3A_96 = arith.select %and3A_93, %add3A_95, %rem3A_81 : vector<16xi1>, vector<16xi32>
    %add3A_97 = arith.constant 4 : i32
    %add3A_98 = vector.broadcast %add3A_97 : i32 to vector<16xi32>
    %add3A_99 = arith.addi %iota3A, %add3A_98 : vector<16xi32>
    %jit3A_100 = arith.constant 16 : i32
    %eq3A_101 = arith.constant 0 : i32
    %eq3A_102 = arith.cmpi eq, %jit3A_100, %eq3A_101 : i32
    %jit3A_103 = arith.constant 1 : i32
    %select_n3A_104 = arith.select %eq3A_102, %jit3A_103, %jit3A_100 : i32
    %rem3A_105 = vector.broadcast %select_n3A_104 : i32 to vector<16xi32>
    %rem3A_106 = arith.remsi %add3A_99, %rem3A_105 : vector<16xi32>
    %ne3A_107 = arith.constant 0 : i32
    %ne3A_108 = vector.broadcast %ne3A_107 : i32 to vector<16xi32>
    %ne3A_109 = arith.cmpi ne, %rem3A_106, %ne3A_108 : vector<16xi32>
    %lt3A_110 = arith.constant 0 : i32
    %lt3A_111 = vector.broadcast %lt3A_110 : i32 to vector<16xi32>
    %lt3A_112 = arith.cmpi slt, %rem3A_106, %lt3A_111 : vector<16xi32>
    %lt3A_113 = arith.constant 0 : i32
    %lt3A_114 = arith.cmpi slt, %select_n3A_104, %lt3A_113 : i32
    %ne3A_115 = vector.broadcast %lt3A_114 : i1 to vector<16xi1>
    %ne3A_116 = vector.broadcast %ne3A_115 : vector<16xi1> to vector<16xi1>
    %ne3A_117 = arith.xori %lt3A_112, %ne3A_116 : vector<16xi1>
    %and3A_118 = arith.andi %ne3A_117, %ne3A_109 : vector<16xi1>
    %add3A_119 = vector.broadcast %select_n3A_104 : i32 to vector<16xi32>
    %add3A_120 = arith.addi %rem3A_106, %add3A_119 : vector<16xi32>
    %select_n3A_121 = arith.select %and3A_118, %add3A_120, %rem3A_106 : vector<16xi1>, vector<16xi32>
    %add3A_122 = arith.constant 5 : i32
    %add3A_123 = vector.broadcast %add3A_122 : i32 to vector<16xi32>
    %add3A_124 = arith.addi %iota3A, %add3A_123 : vector<16xi32>
    %jit3A_125 = arith.constant 16 : i32
    %eq3A_126 = arith.constant 0 : i32
    %eq3A_127 = arith.cmpi eq, %jit3A_125, %eq3A_126 : i32
    %jit3A_128 = arith.constant 1 : i32
    %select_n3A_129 = arith.select %eq3A_127, %jit3A_128, %jit3A_125 : i32
    %rem3A_130 = vector.broadcast %select_n3A_129 : i32 to vector<16xi32>
    %rem3A_131 = arith.remsi %add3A_124, %rem3A_130 : vector<16xi32>
    %ne3A_132 = arith.constant 0 : i32
    %ne3A_133 = vector.broadcast %ne3A_132 : i32 to vector<16xi32>
    %ne3A_134 = arith.cmpi ne, %rem3A_131, %ne3A_133 : vector<16xi32>
    %lt3A_135 = arith.constant 0 : i32
    %lt3A_136 = vector.broadcast %lt3A_135 : i32 to vector<16xi32>
    %lt3A_137 = arith.cmpi slt, %rem3A_131, %lt3A_136 : vector<16xi32>
    %lt3A_138 = arith.constant 0 : i32
    %lt3A_139 = arith.cmpi slt, %select_n3A_129, %lt3A_138 : i32
    %ne3A_140 = vector.broadcast %lt3A_139 : i1 to vector<16xi1>
    %ne3A_141 = vector.broadcast %ne3A_140 : vector<16xi1> to vector<16xi1>
    %ne3A_142 = arith.xori %lt3A_137, %ne3A_141 : vector<16xi1>
    %and3A_143 = arith.andi %ne3A_142, %ne3A_134 : vector<16xi1>
    %add3A_144 = vector.broadcast %select_n3A_129 : i32 to vector<16xi32>
    %add3A_145 = arith.addi %rem3A_131, %add3A_144 : vector<16xi32>
    %select_n3A_146 = arith.select %and3A_143, %add3A_145, %rem3A_131 : vector<16xi1>, vector<16xi32>
    %add3A_147 = arith.constant 6 : i32
    %add3A_148 = vector.broadcast %add3A_147 : i32 to vector<16xi32>
    %add3A_149 = arith.addi %iota3A, %add3A_148 : vector<16xi32>
    %jit3A_150 = arith.constant 16 : i32
    %eq3A_151 = arith.constant 0 : i32
    %eq3A_152 = arith.cmpi eq, %jit3A_150, %eq3A_151 : i32
    %jit3A_153 = arith.constant 1 : i32
    %select_n3A_154 = arith.select %eq3A_152, %jit3A_153, %jit3A_150 : i32
    %rem3A_155 = vector.broadcast %select_n3A_154 : i32 to vector<16xi32>
    %rem3A_156 = arith.remsi %add3A_149, %rem3A_155 : vector<16xi32>
    %ne3A_157 = arith.constant 0 : i32
    %ne3A_158 = vector.broadcast %ne3A_157 : i32 to vector<16xi32>
    %ne3A_159 = arith.cmpi ne, %rem3A_156, %ne3A_158 : vector<16xi32>
    %lt3A_160 = arith.constant 0 : i32
    %lt3A_161 = vector.broadcast %lt3A_160 : i32 to vector<16xi32>
    %lt3A_162 = arith.cmpi slt, %rem3A_156, %lt3A_161 : vector<16xi32>
    %lt3A_163 = arith.constant 0 : i32
    %lt3A_164 = arith.cmpi slt, %select_n3A_154, %lt3A_163 : i32
    %ne3A_165 = vector.broadcast %lt3A_164 : i1 to vector<16xi1>
    %ne3A_166 = vector.broadcast %ne3A_165 : vector<16xi1> to vector<16xi1>
    %ne3A_167 = arith.xori %lt3A_162, %ne3A_166 : vector<16xi1>
    %and3A_168 = arith.andi %ne3A_167, %ne3A_159 : vector<16xi1>
    %add3A_169 = vector.broadcast %select_n3A_154 : i32 to vector<16xi32>
    %add3A_170 = arith.addi %rem3A_156, %add3A_169 : vector<16xi32>
    %select_n3A_171 = arith.select %and3A_168, %add3A_170, %rem3A_156 : vector<16xi1>, vector<16xi32>
    %add3A_172 = arith.constant 7 : i32
    %add3A_173 = vector.broadcast %add3A_172 : i32 to vector<16xi32>
    %add3A_174 = arith.addi %iota3A, %add3A_173 : vector<16xi32>
    %jit3A_175 = arith.constant 16 : i32
    %eq3A_176 = arith.constant 0 : i32
    %eq3A_177 = arith.cmpi eq, %jit3A_175, %eq3A_176 : i32
    %jit3A_178 = arith.constant 1 : i32
    %select_n3A_179 = arith.select %eq3A_177, %jit3A_178, %jit3A_175 : i32
    %rem3A_180 = vector.broadcast %select_n3A_179 : i32 to vector<16xi32>
    %rem3A_181 = arith.remsi %add3A_174, %rem3A_180 : vector<16xi32>
    %ne3A_182 = arith.constant 0 : i32
    %ne3A_183 = vector.broadcast %ne3A_182 : i32 to vector<16xi32>
    %ne3A_184 = arith.cmpi ne, %rem3A_181, %ne3A_183 : vector<16xi32>
    %lt3A_185 = arith.constant 0 : i32
    %lt3A_186 = vector.broadcast %lt3A_185 : i32 to vector<16xi32>
    %lt3A_187 = arith.cmpi slt, %rem3A_181, %lt3A_186 : vector<16xi32>
    %lt3A_188 = arith.constant 0 : i32
    %lt3A_189 = arith.cmpi slt, %select_n3A_179, %lt3A_188 : i32
    %ne3A_190 = vector.broadcast %lt3A_189 : i1 to vector<16xi1>
    %ne3A_191 = vector.broadcast %ne3A_190 : vector<16xi1> to vector<16xi1>
    %ne3A_192 = arith.xori %lt3A_187, %ne3A_191 : vector<16xi1>
    %and3A_193 = arith.andi %ne3A_192, %ne3A_184 : vector<16xi1>
    %add3A_194 = vector.broadcast %select_n3A_179 : i32 to vector<16xi32>
    %add3A_195 = arith.addi %rem3A_181, %add3A_194 : vector<16xi32>
    %select_n3A_196 = arith.select %and3A_193, %add3A_195, %rem3A_181 : vector<16xi1>, vector<16xi32>
    %add3A_197 = arith.constant 8 : i32
    %add3A_198 = vector.broadcast %add3A_197 : i32 to vector<16xi32>
    %add3A_199 = arith.addi %iota3A, %add3A_198 : vector<16xi32>
    %jit3A_200 = arith.constant 16 : i32
    %eq3A_201 = arith.constant 0 : i32
    %eq3A_202 = arith.cmpi eq, %jit3A_200, %eq3A_201 : i32
    %jit3A_203 = arith.constant 1 : i32
    %select_n3A_204 = arith.select %eq3A_202, %jit3A_203, %jit3A_200 : i32
    %rem3A_205 = vector.broadcast %select_n3A_204 : i32 to vector<16xi32>
    %rem3A_206 = arith.remsi %add3A_199, %rem3A_205 : vector<16xi32>
    %ne3A_207 = arith.constant 0 : i32
    %ne3A_208 = vector.broadcast %ne3A_207 : i32 to vector<16xi32>
    %ne3A_209 = arith.cmpi ne, %rem3A_206, %ne3A_208 : vector<16xi32>
    %lt3A_210 = arith.constant 0 : i32
    %lt3A_211 = vector.broadcast %lt3A_210 : i32 to vector<16xi32>
    %lt3A_212 = arith.cmpi slt, %rem3A_206, %lt3A_211 : vector<16xi32>
    %lt3A_213 = arith.constant 0 : i32
    %lt3A_214 = arith.cmpi slt, %select_n3A_204, %lt3A_213 : i32
    %ne3A_215 = vector.broadcast %lt3A_214 : i1 to vector<16xi1>
    %ne3A_216 = vector.broadcast %ne3A_215 : vector<16xi1> to vector<16xi1>
    %ne3A_217 = arith.xori %lt3A_212, %ne3A_216 : vector<16xi1>
    %and3A_218 = arith.andi %ne3A_217, %ne3A_209 : vector<16xi1>
    %add3A_219 = vector.broadcast %select_n3A_204 : i32 to vector<16xi32>
    %add3A_220 = arith.addi %rem3A_206, %add3A_219 : vector<16xi32>
    %select_n3A_221 = arith.select %and3A_218, %add3A_220, %rem3A_206 : vector<16xi1>, vector<16xi32>
    %add3A_222 = arith.constant 9 : i32
    %add3A_223 = vector.broadcast %add3A_222 : i32 to vector<16xi32>
    %add3A_224 = arith.addi %iota3A, %add3A_223 : vector<16xi32>
    %jit3A_225 = arith.constant 16 : i32
    %eq3A_226 = arith.constant 0 : i32
    %eq3A_227 = arith.cmpi eq, %jit3A_225, %eq3A_226 : i32
    %jit3A_228 = arith.constant 1 : i32
    %select_n3A_229 = arith.select %eq3A_227, %jit3A_228, %jit3A_225 : i32
    %rem3A_230 = vector.broadcast %select_n3A_229 : i32 to vector<16xi32>
    %rem3A_231 = arith.remsi %add3A_224, %rem3A_230 : vector<16xi32>
    %ne3A_232 = arith.constant 0 : i32
    %ne3A_233 = vector.broadcast %ne3A_232 : i32 to vector<16xi32>
    %ne3A_234 = arith.cmpi ne, %rem3A_231, %ne3A_233 : vector<16xi32>
    %lt3A_235 = arith.constant 0 : i32
    %lt3A_236 = vector.broadcast %lt3A_235 : i32 to vector<16xi32>
    %lt3A_237 = arith.cmpi slt, %rem3A_231, %lt3A_236 : vector<16xi32>
    %lt3A_238 = arith.constant 0 : i32
    %lt3A_239 = arith.cmpi slt, %select_n3A_229, %lt3A_238 : i32
    %ne3A_240 = vector.broadcast %lt3A_239 : i1 to vector<16xi1>
    %ne3A_241 = vector.broadcast %ne3A_240 : vector<16xi1> to vector<16xi1>
    %ne3A_242 = arith.xori %lt3A_237, %ne3A_241 : vector<16xi1>
    %and3A_243 = arith.andi %ne3A_242, %ne3A_234 : vector<16xi1>
    %add3A_244 = vector.broadcast %select_n3A_229 : i32 to vector<16xi32>
    %add3A_245 = arith.addi %rem3A_231, %add3A_244 : vector<16xi32>
    %select_n3A_246 = arith.select %and3A_243, %add3A_245, %rem3A_231 : vector<16xi1>, vector<16xi32>
    %add3A_247 = arith.constant 10 : i32
    %add3A_248 = vector.broadcast %add3A_247 : i32 to vector<16xi32>
    %add3A_249 = arith.addi %iota3A, %add3A_248 : vector<16xi32>
    %jit3A_250 = arith.constant 16 : i32
    %eq3A_251 = arith.constant 0 : i32
    %eq3A_252 = arith.cmpi eq, %jit3A_250, %eq3A_251 : i32
    %jit3A_253 = arith.constant 1 : i32
    %select_n3A_254 = arith.select %eq3A_252, %jit3A_253, %jit3A_250 : i32
    %rem3A_255 = vector.broadcast %select_n3A_254 : i32 to vector<16xi32>
    %rem3A_256 = arith.remsi %add3A_249, %rem3A_255 : vector<16xi32>
    %ne3A_257 = arith.constant 0 : i32
    %ne3A_258 = vector.broadcast %ne3A_257 : i32 to vector<16xi32>
    %ne3A_259 = arith.cmpi ne, %rem3A_256, %ne3A_258 : vector<16xi32>
    %lt3A_260 = arith.constant 0 : i32
    %lt3A_261 = vector.broadcast %lt3A_260 : i32 to vector<16xi32>
    %lt3A_262 = arith.cmpi slt, %rem3A_256, %lt3A_261 : vector<16xi32>
    %lt3A_263 = arith.constant 0 : i32
    %lt3A_264 = arith.cmpi slt, %select_n3A_254, %lt3A_263 : i32
    %ne3A_265 = vector.broadcast %lt3A_264 : i1 to vector<16xi1>
    %ne3A_266 = vector.broadcast %ne3A_265 : vector<16xi1> to vector<16xi1>
    %ne3A_267 = arith.xori %lt3A_262, %ne3A_266 : vector<16xi1>
    %and3A_268 = arith.andi %ne3A_267, %ne3A_259 : vector<16xi1>
    %add3A_269 = vector.broadcast %select_n3A_254 : i32 to vector<16xi32>
    %add3A_270 = arith.addi %rem3A_256, %add3A_269 : vector<16xi32>
    %select_n3A_271 = arith.select %and3A_268, %add3A_270, %rem3A_256 : vector<16xi1>, vector<16xi32>
    %add3A_272 = arith.constant 11 : i32
    %add3A_273 = vector.broadcast %add3A_272 : i32 to vector<16xi32>
    %add3A_274 = arith.addi %iota3A, %add3A_273 : vector<16xi32>
    %jit3A_275 = arith.constant 16 : i32
    %eq3A_276 = arith.constant 0 : i32
    %eq3A_277 = arith.cmpi eq, %jit3A_275, %eq3A_276 : i32
    %jit3A_278 = arith.constant 1 : i32
    %select_n3A_279 = arith.select %eq3A_277, %jit3A_278, %jit3A_275 : i32
    %rem3A_280 = vector.broadcast %select_n3A_279 : i32 to vector<16xi32>
    %rem3A_281 = arith.remsi %add3A_274, %rem3A_280 : vector<16xi32>
    %ne3A_282 = arith.constant 0 : i32
    %ne3A_283 = vector.broadcast %ne3A_282 : i32 to vector<16xi32>
    %ne3A_284 = arith.cmpi ne, %rem3A_281, %ne3A_283 : vector<16xi32>
    %lt3A_285 = arith.constant 0 : i32
    %lt3A_286 = vector.broadcast %lt3A_285 : i32 to vector<16xi32>
    %lt3A_287 = arith.cmpi slt, %rem3A_281, %lt3A_286 : vector<16xi32>
    %lt3A_288 = arith.constant 0 : i32
    %lt3A_289 = arith.cmpi slt, %select_n3A_279, %lt3A_288 : i32
    %ne3A_290 = vector.broadcast %lt3A_289 : i1 to vector<16xi1>
    %ne3A_291 = vector.broadcast %ne3A_290 : vector<16xi1> to vector<16xi1>
    %ne3A_292 = arith.xori %lt3A_287, %ne3A_291 : vector<16xi1>
    %and3A_293 = arith.andi %ne3A_292, %ne3A_284 : vector<16xi1>
    %add3A_294 = vector.broadcast %select_n3A_279 : i32 to vector<16xi32>
    %add3A_295 = arith.addi %rem3A_281, %add3A_294 : vector<16xi32>
    %select_n3A_296 = arith.select %and3A_293, %add3A_295, %rem3A_281 : vector<16xi1>, vector<16xi32>
    %add3A_297 = arith.constant 12 : i32
    %add3A_298 = vector.broadcast %add3A_297 : i32 to vector<16xi32>
    %add3A_299 = arith.addi %iota3A, %add3A_298 : vector<16xi32>
    %jit3A_300 = arith.constant 16 : i32
    %eq3A_301 = arith.constant 0 : i32
    %eq3A_302 = arith.cmpi eq, %jit3A_300, %eq3A_301 : i32
    %jit3A_303 = arith.constant 1 : i32
    %select_n3A_304 = arith.select %eq3A_302, %jit3A_303, %jit3A_300 : i32
    %rem3A_305 = vector.broadcast %select_n3A_304 : i32 to vector<16xi32>
    %rem3A_306 = arith.remsi %add3A_299, %rem3A_305 : vector<16xi32>
    %ne3A_307 = arith.constant 0 : i32
    %ne3A_308 = vector.broadcast %ne3A_307 : i32 to vector<16xi32>
    %ne3A_309 = arith.cmpi ne, %rem3A_306, %ne3A_308 : vector<16xi32>
    %lt3A_310 = arith.constant 0 : i32
    %lt3A_311 = vector.broadcast %lt3A_310 : i32 to vector<16xi32>
    %lt3A_312 = arith.cmpi slt, %rem3A_306, %lt3A_311 : vector<16xi32>
    %lt3A_313 = arith.constant 0 : i32
    %lt3A_314 = arith.cmpi slt, %select_n3A_304, %lt3A_313 : i32
    %ne3A_315 = vector.broadcast %lt3A_314 : i1 to vector<16xi1>
    %ne3A_316 = vector.broadcast %ne3A_315 : vector<16xi1> to vector<16xi1>
    %ne3A_317 = arith.xori %lt3A_312, %ne3A_316 : vector<16xi1>
    %and3A_318 = arith.andi %ne3A_317, %ne3A_309 : vector<16xi1>
    %add3A_319 = vector.broadcast %select_n3A_304 : i32 to vector<16xi32>
    %add3A_320 = arith.addi %rem3A_306, %add3A_319 : vector<16xi32>
    %select_n3A_321 = arith.select %and3A_318, %add3A_320, %rem3A_306 : vector<16xi1>, vector<16xi32>
    %add3A_322 = arith.constant 13 : i32
    %add3A_323 = vector.broadcast %add3A_322 : i32 to vector<16xi32>
    %add3A_324 = arith.addi %iota3A, %add3A_323 : vector<16xi32>
    %jit3A_325 = arith.constant 16 : i32
    %eq3A_326 = arith.constant 0 : i32
    %eq3A_327 = arith.cmpi eq, %jit3A_325, %eq3A_326 : i32
    %jit3A_328 = arith.constant 1 : i32
    %select_n3A_329 = arith.select %eq3A_327, %jit3A_328, %jit3A_325 : i32
    %rem3A_330 = vector.broadcast %select_n3A_329 : i32 to vector<16xi32>
    %rem3A_331 = arith.remsi %add3A_324, %rem3A_330 : vector<16xi32>
    %ne3A_332 = arith.constant 0 : i32
    %ne3A_333 = vector.broadcast %ne3A_332 : i32 to vector<16xi32>
    %ne3A_334 = arith.cmpi ne, %rem3A_331, %ne3A_333 : vector<16xi32>
    %lt3A_335 = arith.constant 0 : i32
    %lt3A_336 = vector.broadcast %lt3A_335 : i32 to vector<16xi32>
    %lt3A_337 = arith.cmpi slt, %rem3A_331, %lt3A_336 : vector<16xi32>
    %lt3A_338 = arith.constant 0 : i32
    %lt3A_339 = arith.cmpi slt, %select_n3A_329, %lt3A_338 : i32
    %ne3A_340 = vector.broadcast %lt3A_339 : i1 to vector<16xi1>
    %ne3A_341 = vector.broadcast %ne3A_340 : vector<16xi1> to vector<16xi1>
    %ne3A_342 = arith.xori %lt3A_337, %ne3A_341 : vector<16xi1>
    %and3A_343 = arith.andi %ne3A_342, %ne3A_334 : vector<16xi1>
    %add3A_344 = vector.broadcast %select_n3A_329 : i32 to vector<16xi32>
    %add3A_345 = arith.addi %rem3A_331, %add3A_344 : vector<16xi32>
    %select_n3A_346 = arith.select %and3A_343, %add3A_345, %rem3A_331 : vector<16xi1>, vector<16xi32>
    %add3A_347 = arith.constant 14 : i32
    %add3A_348 = vector.broadcast %add3A_347 : i32 to vector<16xi32>
    %add3A_349 = arith.addi %iota3A, %add3A_348 : vector<16xi32>
    %jit3A_350 = arith.constant 16 : i32
    %eq3A_351 = arith.constant 0 : i32
    %eq3A_352 = arith.cmpi eq, %jit3A_350, %eq3A_351 : i32
    %jit3A_353 = arith.constant 1 : i32
    %select_n3A_354 = arith.select %eq3A_352, %jit3A_353, %jit3A_350 : i32
    %rem3A_355 = vector.broadcast %select_n3A_354 : i32 to vector<16xi32>
    %rem3A_356 = arith.remsi %add3A_349, %rem3A_355 : vector<16xi32>
    %ne3A_357 = arith.constant 0 : i32
    %ne3A_358 = vector.broadcast %ne3A_357 : i32 to vector<16xi32>
    %ne3A_359 = arith.cmpi ne, %rem3A_356, %ne3A_358 : vector<16xi32>
    %lt3A_360 = arith.constant 0 : i32
    %lt3A_361 = vector.broadcast %lt3A_360 : i32 to vector<16xi32>
    %lt3A_362 = arith.cmpi slt, %rem3A_356, %lt3A_361 : vector<16xi32>
    %lt3A_363 = arith.constant 0 : i32
    %lt3A_364 = arith.cmpi slt, %select_n3A_354, %lt3A_363 : i32
    %ne3A_365 = vector.broadcast %lt3A_364 : i1 to vector<16xi1>
    %ne3A_366 = vector.broadcast %ne3A_365 : vector<16xi1> to vector<16xi1>
    %ne3A_367 = arith.xori %lt3A_362, %ne3A_366 : vector<16xi1>
    %and3A_368 = arith.andi %ne3A_367, %ne3A_359 : vector<16xi1>
    %add3A_369 = vector.broadcast %select_n3A_354 : i32 to vector<16xi32>
    %add3A_370 = arith.addi %rem3A_356, %add3A_369 : vector<16xi32>
    %select_n3A_371 = arith.select %and3A_368, %add3A_370, %rem3A_356 : vector<16xi1>, vector<16xi32>
    %add3A_372 = arith.constant 15 : i32
    %add3A_373 = vector.broadcast %add3A_372 : i32 to vector<16xi32>
    %add3A_374 = arith.addi %iota3A, %add3A_373 : vector<16xi32>
    %jit3A_375 = arith.constant 16 : i32
    %eq3A_376 = arith.constant 0 : i32
    %eq3A_377 = arith.cmpi eq, %jit3A_375, %eq3A_376 : i32
    %jit3A_378 = arith.constant 1 : i32
    %select_n3A_379 = arith.select %eq3A_377, %jit3A_378, %jit3A_375 : i32
    %rem3A_380 = vector.broadcast %select_n3A_379 : i32 to vector<16xi32>
    %rem3A_381 = arith.remsi %add3A_374, %rem3A_380 : vector<16xi32>
    %ne3A_382 = arith.constant 0 : i32
    %ne3A_383 = vector.broadcast %ne3A_382 : i32 to vector<16xi32>
    %ne3A_384 = arith.cmpi ne, %rem3A_381, %ne3A_383 : vector<16xi32>
    %lt3A_385 = arith.constant 0 : i32
    %lt3A_386 = vector.broadcast %lt3A_385 : i32 to vector<16xi32>
    %lt3A_387 = arith.cmpi slt, %rem3A_381, %lt3A_386 : vector<16xi32>
    %lt3A_388 = arith.constant 0 : i32
    %lt3A_389 = arith.cmpi slt, %select_n3A_379, %lt3A_388 : i32
    %ne3A_390 = vector.broadcast %lt3A_389 : i1 to vector<16xi1>
    %ne3A_391 = vector.broadcast %ne3A_390 : vector<16xi1> to vector<16xi1>
    %ne3A_392 = arith.xori %lt3A_387, %ne3A_391 : vector<16xi1>
    %and3A_393 = arith.andi %ne3A_392, %ne3A_384 : vector<16xi1>
    %add3A_394 = vector.broadcast %select_n3A_379 : i32 to vector<16xi32>
    %add3A_395 = arith.addi %rem3A_381, %add3A_394 : vector<16xi32>
    %select_n3A_396 = arith.select %and3A_393, %add3A_395, %rem3A_381 : vector<16xi1>, vector<16xi32>
    %jit3A_397 = arith.constant 8 : i32
    %div3A = vector.broadcast %jit3A_397 : i32 to vector<16xi32>
    %div3A_398 = arith.divsi %select_n3A_21, %div3A : vector<16xi32>
    %sign3A = arith.constant 0 : i32
    %sign3A_399 = vector.broadcast %sign3A : i32 to vector<16xi32>
    %sign3A_400 = arith.cmpi sgt, %select_n3A_21, %sign3A_399 : vector<16xi32>
    %sign3A_401 = arith.extui %sign3A_400 : vector<16xi1> to vector<16xi32>
    %sign3A_402 = arith.constant 0 : i32
    %sign3A_403 = vector.broadcast %sign3A_402 : i32 to vector<16xi32>
    %sign3A_404 = arith.cmpi slt, %select_n3A_21, %sign3A_403 : vector<16xi32>
    %sign3A_405 = arith.extui %sign3A_404 : vector<16xi1> to vector<16xi32>
    %sign3A_406 = arith.subi %sign3A_401, %sign3A_405 : vector<16xi32>
    %sign3A_407 = arith.constant 0 : i32
    %sign3A_408 = arith.cmpi sgt, %jit3A_397, %sign3A_407 : i32
    %sign3A_409 = arith.extui %sign3A_408 : i1 to i32
    %sign3A_410 = arith.constant 0 : i32
    %sign3A_411 = arith.cmpi slt, %jit3A_397, %sign3A_410 : i32
    %sign3A_412 = arith.extui %sign3A_411 : i1 to i32
    %sign3A_413 = arith.subi %sign3A_409, %sign3A_412 : i32
    %ne3A_414 = vector.broadcast %sign3A_413 : i32 to vector<16xi32>
    %ne3A_415 = arith.cmpi ne, %sign3A_406, %ne3A_414 : vector<16xi32>
    %rem3A_416 = vector.broadcast %jit3A_397 : i32 to vector<16xi32>
    %rem3A_417 = arith.remsi %select_n3A_21, %rem3A_416 : vector<16xi32>
    %ne3A_418 = arith.constant 0 : i32
    %ne3A_419 = vector.broadcast %ne3A_418 : i32 to vector<16xi32>
    %ne3A_420 = arith.cmpi ne, %rem3A_417, %ne3A_419 : vector<16xi32>
    %and3A_421 = arith.andi %ne3A_415, %ne3A_420 : vector<16xi1>
    %sub3A = arith.constant 1 : i32
    %sub3A_422 = vector.broadcast %sub3A : i32 to vector<16xi32>
    %sub3A_423 = arith.subi %div3A_398, %sub3A_422 : vector<16xi32>
    %select_n3A_424 = arith.select %and3A_421, %sub3A_423, %div3A_398 : vector<16xi1>, vector<16xi32>
    %jit3A_425 = arith.constant 8 : i32
    %div3A_426 = vector.broadcast %jit3A_425 : i32 to vector<16xi32>
    %div3A_427 = arith.divsi %select_n3A_46, %div3A_426 : vector<16xi32>
    %sign3A_428 = arith.constant 0 : i32
    %sign3A_429 = vector.broadcast %sign3A_428 : i32 to vector<16xi32>
    %sign3A_430 = arith.cmpi sgt, %select_n3A_46, %sign3A_429 : vector<16xi32>
    %sign3A_431 = arith.extui %sign3A_430 : vector<16xi1> to vector<16xi32>
    %sign3A_432 = arith.constant 0 : i32
    %sign3A_433 = vector.broadcast %sign3A_432 : i32 to vector<16xi32>
    %sign3A_434 = arith.cmpi slt, %select_n3A_46, %sign3A_433 : vector<16xi32>
    %sign3A_435 = arith.extui %sign3A_434 : vector<16xi1> to vector<16xi32>
    %sign3A_436 = arith.subi %sign3A_431, %sign3A_435 : vector<16xi32>
    %sign3A_437 = arith.constant 0 : i32
    %sign3A_438 = arith.cmpi sgt, %jit3A_425, %sign3A_437 : i32
    %sign3A_439 = arith.extui %sign3A_438 : i1 to i32
    %sign3A_440 = arith.constant 0 : i32
    %sign3A_441 = arith.cmpi slt, %jit3A_425, %sign3A_440 : i32
    %sign3A_442 = arith.extui %sign3A_441 : i1 to i32
    %sign3A_443 = arith.subi %sign3A_439, %sign3A_442 : i32
    %ne3A_444 = vector.broadcast %sign3A_443 : i32 to vector<16xi32>
    %ne3A_445 = arith.cmpi ne, %sign3A_436, %ne3A_444 : vector<16xi32>
    %rem3A_446 = vector.broadcast %jit3A_425 : i32 to vector<16xi32>
    %rem3A_447 = arith.remsi %select_n3A_46, %rem3A_446 : vector<16xi32>
    %ne3A_448 = arith.constant 0 : i32
    %ne3A_449 = vector.broadcast %ne3A_448 : i32 to vector<16xi32>
    %ne3A_450 = arith.cmpi ne, %rem3A_447, %ne3A_449 : vector<16xi32>
    %and3A_451 = arith.andi %ne3A_445, %ne3A_450 : vector<16xi1>
    %sub3A_452 = arith.constant 1 : i32
    %sub3A_453 = vector.broadcast %sub3A_452 : i32 to vector<16xi32>
    %sub3A_454 = arith.subi %div3A_427, %sub3A_453 : vector<16xi32>
    %select_n3A_455 = arith.select %and3A_451, %sub3A_454, %div3A_427 : vector<16xi1>, vector<16xi32>
    %jit3A_456 = arith.constant 8 : i32
    %div3A_457 = vector.broadcast %jit3A_456 : i32 to vector<16xi32>
    %div3A_458 = arith.divsi %select_n3A_71, %div3A_457 : vector<16xi32>
    %sign3A_459 = arith.constant 0 : i32
    %sign3A_460 = vector.broadcast %sign3A_459 : i32 to vector<16xi32>
    %sign3A_461 = arith.cmpi sgt, %select_n3A_71, %sign3A_460 : vector<16xi32>
    %sign3A_462 = arith.extui %sign3A_461 : vector<16xi1> to vector<16xi32>
    %sign3A_463 = arith.constant 0 : i32
    %sign3A_464 = vector.broadcast %sign3A_463 : i32 to vector<16xi32>
    %sign3A_465 = arith.cmpi slt, %select_n3A_71, %sign3A_464 : vector<16xi32>
    %sign3A_466 = arith.extui %sign3A_465 : vector<16xi1> to vector<16xi32>
    %sign3A_467 = arith.subi %sign3A_462, %sign3A_466 : vector<16xi32>
    %sign3A_468 = arith.constant 0 : i32
    %sign3A_469 = arith.cmpi sgt, %jit3A_456, %sign3A_468 : i32
    %sign3A_470 = arith.extui %sign3A_469 : i1 to i32
    %sign3A_471 = arith.constant 0 : i32
    %sign3A_472 = arith.cmpi slt, %jit3A_456, %sign3A_471 : i32
    %sign3A_473 = arith.extui %sign3A_472 : i1 to i32
    %sign3A_474 = arith.subi %sign3A_470, %sign3A_473 : i32
    %ne3A_475 = vector.broadcast %sign3A_474 : i32 to vector<16xi32>
    %ne3A_476 = arith.cmpi ne, %sign3A_467, %ne3A_475 : vector<16xi32>
    %rem3A_477 = vector.broadcast %jit3A_456 : i32 to vector<16xi32>
    %rem3A_478 = arith.remsi %select_n3A_71, %rem3A_477 : vector<16xi32>
    %ne3A_479 = arith.constant 0 : i32
    %ne3A_480 = vector.broadcast %ne3A_479 : i32 to vector<16xi32>
    %ne3A_481 = arith.cmpi ne, %rem3A_478, %ne3A_480 : vector<16xi32>
    %and3A_482 = arith.andi %ne3A_476, %ne3A_481 : vector<16xi1>
    %sub3A_483 = arith.constant 1 : i32
    %sub3A_484 = vector.broadcast %sub3A_483 : i32 to vector<16xi32>
    %sub3A_485 = arith.subi %div3A_458, %sub3A_484 : vector<16xi32>
    %select_n3A_486 = arith.select %and3A_482, %sub3A_485, %div3A_458 : vector<16xi1>, vector<16xi32>
    %jit3A_487 = arith.constant 8 : i32
    %div3A_488 = vector.broadcast %jit3A_487 : i32 to vector<16xi32>
    %div3A_489 = arith.divsi %select_n3A_96, %div3A_488 : vector<16xi32>
    %sign3A_490 = arith.constant 0 : i32
    %sign3A_491 = vector.broadcast %sign3A_490 : i32 to vector<16xi32>
    %sign3A_492 = arith.cmpi sgt, %select_n3A_96, %sign3A_491 : vector<16xi32>
    %sign3A_493 = arith.extui %sign3A_492 : vector<16xi1> to vector<16xi32>
    %sign3A_494 = arith.constant 0 : i32
    %sign3A_495 = vector.broadcast %sign3A_494 : i32 to vector<16xi32>
    %sign3A_496 = arith.cmpi slt, %select_n3A_96, %sign3A_495 : vector<16xi32>
    %sign3A_497 = arith.extui %sign3A_496 : vector<16xi1> to vector<16xi32>
    %sign3A_498 = arith.subi %sign3A_493, %sign3A_497 : vector<16xi32>
    %sign3A_499 = arith.constant 0 : i32
    %sign3A_500 = arith.cmpi sgt, %jit3A_487, %sign3A_499 : i32
    %sign3A_501 = arith.extui %sign3A_500 : i1 to i32
    %sign3A_502 = arith.constant 0 : i32
    %sign3A_503 = arith.cmpi slt, %jit3A_487, %sign3A_502 : i32
    %sign3A_504 = arith.extui %sign3A_503 : i1 to i32
    %sign3A_505 = arith.subi %sign3A_501, %sign3A_504 : i32
    %ne3A_506 = vector.broadcast %sign3A_505 : i32 to vector<16xi32>
    %ne3A_507 = arith.cmpi ne, %sign3A_498, %ne3A_506 : vector<16xi32>
    %rem3A_508 = vector.broadcast %jit3A_487 : i32 to vector<16xi32>
    %rem3A_509 = arith.remsi %select_n3A_96, %rem3A_508 : vector<16xi32>
    %ne3A_510 = arith.constant 0 : i32
    %ne3A_511 = vector.broadcast %ne3A_510 : i32 to vector<16xi32>
    %ne3A_512 = arith.cmpi ne, %rem3A_509, %ne3A_511 : vector<16xi32>
    %and3A_513 = arith.andi %ne3A_507, %ne3A_512 : vector<16xi1>
    %sub3A_514 = arith.constant 1 : i32
    %sub3A_515 = vector.broadcast %sub3A_514 : i32 to vector<16xi32>
    %sub3A_516 = arith.subi %div3A_489, %sub3A_515 : vector<16xi32>
    %select_n3A_517 = arith.select %and3A_513, %sub3A_516, %div3A_489 : vector<16xi1>, vector<16xi32>
    %jit3A_518 = arith.constant 8 : i32
    %div3A_519 = vector.broadcast %jit3A_518 : i32 to vector<16xi32>
    %div3A_520 = arith.divsi %select_n3A_121, %div3A_519 : vector<16xi32>
    %sign3A_521 = arith.constant 0 : i32
    %sign3A_522 = vector.broadcast %sign3A_521 : i32 to vector<16xi32>
    %sign3A_523 = arith.cmpi sgt, %select_n3A_121, %sign3A_522 : vector<16xi32>
    %sign3A_524 = arith.extui %sign3A_523 : vector<16xi1> to vector<16xi32>
    %sign3A_525 = arith.constant 0 : i32
    %sign3A_526 = vector.broadcast %sign3A_525 : i32 to vector<16xi32>
    %sign3A_527 = arith.cmpi slt, %select_n3A_121, %sign3A_526 : vector<16xi32>
    %sign3A_528 = arith.extui %sign3A_527 : vector<16xi1> to vector<16xi32>
    %sign3A_529 = arith.subi %sign3A_524, %sign3A_528 : vector<16xi32>
    %sign3A_530 = arith.constant 0 : i32
    %sign3A_531 = arith.cmpi sgt, %jit3A_518, %sign3A_530 : i32
    %sign3A_532 = arith.extui %sign3A_531 : i1 to i32
    %sign3A_533 = arith.constant 0 : i32
    %sign3A_534 = arith.cmpi slt, %jit3A_518, %sign3A_533 : i32
    %sign3A_535 = arith.extui %sign3A_534 : i1 to i32
    %sign3A_536 = arith.subi %sign3A_532, %sign3A_535 : i32
    %ne3A_537 = vector.broadcast %sign3A_536 : i32 to vector<16xi32>
    %ne3A_538 = arith.cmpi ne, %sign3A_529, %ne3A_537 : vector<16xi32>
    %rem3A_539 = vector.broadcast %jit3A_518 : i32 to vector<16xi32>
    %rem3A_540 = arith.remsi %select_n3A_121, %rem3A_539 : vector<16xi32>
    %ne3A_541 = arith.constant 0 : i32
    %ne3A_542 = vector.broadcast %ne3A_541 : i32 to vector<16xi32>
    %ne3A_543 = arith.cmpi ne, %rem3A_540, %ne3A_542 : vector<16xi32>
    %and3A_544 = arith.andi %ne3A_538, %ne3A_543 : vector<16xi1>
    %sub3A_545 = arith.constant 1 : i32
    %sub3A_546 = vector.broadcast %sub3A_545 : i32 to vector<16xi32>
    %sub3A_547 = arith.subi %div3A_520, %sub3A_546 : vector<16xi32>
    %select_n3A_548 = arith.select %and3A_544, %sub3A_547, %div3A_520 : vector<16xi1>, vector<16xi32>
    %jit3A_549 = arith.constant 8 : i32
    %div3A_550 = vector.broadcast %jit3A_549 : i32 to vector<16xi32>
    %div3A_551 = arith.divsi %select_n3A_146, %div3A_550 : vector<16xi32>
    %sign3A_552 = arith.constant 0 : i32
    %sign3A_553 = vector.broadcast %sign3A_552 : i32 to vector<16xi32>
    %sign3A_554 = arith.cmpi sgt, %select_n3A_146, %sign3A_553 : vector<16xi32>
    %sign3A_555 = arith.extui %sign3A_554 : vector<16xi1> to vector<16xi32>
    %sign3A_556 = arith.constant 0 : i32
    %sign3A_557 = vector.broadcast %sign3A_556 : i32 to vector<16xi32>
    %sign3A_558 = arith.cmpi slt, %select_n3A_146, %sign3A_557 : vector<16xi32>
    %sign3A_559 = arith.extui %sign3A_558 : vector<16xi1> to vector<16xi32>
    %sign3A_560 = arith.subi %sign3A_555, %sign3A_559 : vector<16xi32>
    %sign3A_561 = arith.constant 0 : i32
    %sign3A_562 = arith.cmpi sgt, %jit3A_549, %sign3A_561 : i32
    %sign3A_563 = arith.extui %sign3A_562 : i1 to i32
    %sign3A_564 = arith.constant 0 : i32
    %sign3A_565 = arith.cmpi slt, %jit3A_549, %sign3A_564 : i32
    %sign3A_566 = arith.extui %sign3A_565 : i1 to i32
    %sign3A_567 = arith.subi %sign3A_563, %sign3A_566 : i32
    %ne3A_568 = vector.broadcast %sign3A_567 : i32 to vector<16xi32>
    %ne3A_569 = arith.cmpi ne, %sign3A_560, %ne3A_568 : vector<16xi32>
    %rem3A_570 = vector.broadcast %jit3A_549 : i32 to vector<16xi32>
    %rem3A_571 = arith.remsi %select_n3A_146, %rem3A_570 : vector<16xi32>
    %ne3A_572 = arith.constant 0 : i32
    %ne3A_573 = vector.broadcast %ne3A_572 : i32 to vector<16xi32>
    %ne3A_574 = arith.cmpi ne, %rem3A_571, %ne3A_573 : vector<16xi32>
    %and3A_575 = arith.andi %ne3A_569, %ne3A_574 : vector<16xi1>
    %sub3A_576 = arith.constant 1 : i32
    %sub3A_577 = vector.broadcast %sub3A_576 : i32 to vector<16xi32>
    %sub3A_578 = arith.subi %div3A_551, %sub3A_577 : vector<16xi32>
    %select_n3A_579 = arith.select %and3A_575, %sub3A_578, %div3A_551 : vector<16xi1>, vector<16xi32>
    %jit3A_580 = arith.constant 8 : i32
    %div3A_581 = vector.broadcast %jit3A_580 : i32 to vector<16xi32>
    %div3A_582 = arith.divsi %select_n3A_171, %div3A_581 : vector<16xi32>
    %sign3A_583 = arith.constant 0 : i32
    %sign3A_584 = vector.broadcast %sign3A_583 : i32 to vector<16xi32>
    %sign3A_585 = arith.cmpi sgt, %select_n3A_171, %sign3A_584 : vector<16xi32>
    %sign3A_586 = arith.extui %sign3A_585 : vector<16xi1> to vector<16xi32>
    %sign3A_587 = arith.constant 0 : i32
    %sign3A_588 = vector.broadcast %sign3A_587 : i32 to vector<16xi32>
    %sign3A_589 = arith.cmpi slt, %select_n3A_171, %sign3A_588 : vector<16xi32>
    %sign3A_590 = arith.extui %sign3A_589 : vector<16xi1> to vector<16xi32>
    %sign3A_591 = arith.subi %sign3A_586, %sign3A_590 : vector<16xi32>
    %sign3A_592 = arith.constant 0 : i32
    %sign3A_593 = arith.cmpi sgt, %jit3A_580, %sign3A_592 : i32
    %sign3A_594 = arith.extui %sign3A_593 : i1 to i32
    %sign3A_595 = arith.constant 0 : i32
    %sign3A_596 = arith.cmpi slt, %jit3A_580, %sign3A_595 : i32
    %sign3A_597 = arith.extui %sign3A_596 : i1 to i32
    %sign3A_598 = arith.subi %sign3A_594, %sign3A_597 : i32
    %ne3A_599 = vector.broadcast %sign3A_598 : i32 to vector<16xi32>
    %ne3A_600 = arith.cmpi ne, %sign3A_591, %ne3A_599 : vector<16xi32>
    %rem3A_601 = vector.broadcast %jit3A_580 : i32 to vector<16xi32>
    %rem3A_602 = arith.remsi %select_n3A_171, %rem3A_601 : vector<16xi32>
    %ne3A_603 = arith.constant 0 : i32
    %ne3A_604 = vector.broadcast %ne3A_603 : i32 to vector<16xi32>
    %ne3A_605 = arith.cmpi ne, %rem3A_602, %ne3A_604 : vector<16xi32>
    %and3A_606 = arith.andi %ne3A_600, %ne3A_605 : vector<16xi1>
    %sub3A_607 = arith.constant 1 : i32
    %sub3A_608 = vector.broadcast %sub3A_607 : i32 to vector<16xi32>
    %sub3A_609 = arith.subi %div3A_582, %sub3A_608 : vector<16xi32>
    %select_n3A_610 = arith.select %and3A_606, %sub3A_609, %div3A_582 : vector<16xi1>, vector<16xi32>
    %jit3A_611 = arith.constant 8 : i32
    %div3A_612 = vector.broadcast %jit3A_611 : i32 to vector<16xi32>
    %div3A_613 = arith.divsi %select_n3A_196, %div3A_612 : vector<16xi32>
    %sign3A_614 = arith.constant 0 : i32
    %sign3A_615 = vector.broadcast %sign3A_614 : i32 to vector<16xi32>
    %sign3A_616 = arith.cmpi sgt, %select_n3A_196, %sign3A_615 : vector<16xi32>
    %sign3A_617 = arith.extui %sign3A_616 : vector<16xi1> to vector<16xi32>
    %sign3A_618 = arith.constant 0 : i32
    %sign3A_619 = vector.broadcast %sign3A_618 : i32 to vector<16xi32>
    %sign3A_620 = arith.cmpi slt, %select_n3A_196, %sign3A_619 : vector<16xi32>
    %sign3A_621 = arith.extui %sign3A_620 : vector<16xi1> to vector<16xi32>
    %sign3A_622 = arith.subi %sign3A_617, %sign3A_621 : vector<16xi32>
    %sign3A_623 = arith.constant 0 : i32
    %sign3A_624 = arith.cmpi sgt, %jit3A_611, %sign3A_623 : i32
    %sign3A_625 = arith.extui %sign3A_624 : i1 to i32
    %sign3A_626 = arith.constant 0 : i32
    %sign3A_627 = arith.cmpi slt, %jit3A_611, %sign3A_626 : i32
    %sign3A_628 = arith.extui %sign3A_627 : i1 to i32
    %sign3A_629 = arith.subi %sign3A_625, %sign3A_628 : i32
    %ne3A_630 = vector.broadcast %sign3A_629 : i32 to vector<16xi32>
    %ne3A_631 = arith.cmpi ne, %sign3A_622, %ne3A_630 : vector<16xi32>
    %rem3A_632 = vector.broadcast %jit3A_611 : i32 to vector<16xi32>
    %rem3A_633 = arith.remsi %select_n3A_196, %rem3A_632 : vector<16xi32>
    %ne3A_634 = arith.constant 0 : i32
    %ne3A_635 = vector.broadcast %ne3A_634 : i32 to vector<16xi32>
    %ne3A_636 = arith.cmpi ne, %rem3A_633, %ne3A_635 : vector<16xi32>
    %and3A_637 = arith.andi %ne3A_631, %ne3A_636 : vector<16xi1>
    %sub3A_638 = arith.constant 1 : i32
    %sub3A_639 = vector.broadcast %sub3A_638 : i32 to vector<16xi32>
    %sub3A_640 = arith.subi %div3A_613, %sub3A_639 : vector<16xi32>
    %select_n3A_641 = arith.select %and3A_637, %sub3A_640, %div3A_613 : vector<16xi1>, vector<16xi32>
    %jit3A_642 = arith.constant 8 : i32
    %div3A_643 = vector.broadcast %jit3A_642 : i32 to vector<16xi32>
    %div3A_644 = arith.divsi %select_n3A_221, %div3A_643 : vector<16xi32>
    %sign3A_645 = arith.constant 0 : i32
    %sign3A_646 = vector.broadcast %sign3A_645 : i32 to vector<16xi32>
    %sign3A_647 = arith.cmpi sgt, %select_n3A_221, %sign3A_646 : vector<16xi32>
    %sign3A_648 = arith.extui %sign3A_647 : vector<16xi1> to vector<16xi32>
    %sign3A_649 = arith.constant 0 : i32
    %sign3A_650 = vector.broadcast %sign3A_649 : i32 to vector<16xi32>
    %sign3A_651 = arith.cmpi slt, %select_n3A_221, %sign3A_650 : vector<16xi32>
    %sign3A_652 = arith.extui %sign3A_651 : vector<16xi1> to vector<16xi32>
    %sign3A_653 = arith.subi %sign3A_648, %sign3A_652 : vector<16xi32>
    %sign3A_654 = arith.constant 0 : i32
    %sign3A_655 = arith.cmpi sgt, %jit3A_642, %sign3A_654 : i32
    %sign3A_656 = arith.extui %sign3A_655 : i1 to i32
    %sign3A_657 = arith.constant 0 : i32
    %sign3A_658 = arith.cmpi slt, %jit3A_642, %sign3A_657 : i32
    %sign3A_659 = arith.extui %sign3A_658 : i1 to i32
    %sign3A_660 = arith.subi %sign3A_656, %sign3A_659 : i32
    %ne3A_661 = vector.broadcast %sign3A_660 : i32 to vector<16xi32>
    %ne3A_662 = arith.cmpi ne, %sign3A_653, %ne3A_661 : vector<16xi32>
    %rem3A_663 = vector.broadcast %jit3A_642 : i32 to vector<16xi32>
    %rem3A_664 = arith.remsi %select_n3A_221, %rem3A_663 : vector<16xi32>
    %ne3A_665 = arith.constant 0 : i32
    %ne3A_666 = vector.broadcast %ne3A_665 : i32 to vector<16xi32>
    %ne3A_667 = arith.cmpi ne, %rem3A_664, %ne3A_666 : vector<16xi32>
    %and3A_668 = arith.andi %ne3A_662, %ne3A_667 : vector<16xi1>
    %sub3A_669 = arith.constant 1 : i32
    %sub3A_670 = vector.broadcast %sub3A_669 : i32 to vector<16xi32>
    %sub3A_671 = arith.subi %div3A_644, %sub3A_670 : vector<16xi32>
    %select_n3A_672 = arith.select %and3A_668, %sub3A_671, %div3A_644 : vector<16xi1>, vector<16xi32>
    %jit3A_673 = arith.constant 8 : i32
    %div3A_674 = vector.broadcast %jit3A_673 : i32 to vector<16xi32>
    %div3A_675 = arith.divsi %select_n3A_246, %div3A_674 : vector<16xi32>
    %sign3A_676 = arith.constant 0 : i32
    %sign3A_677 = vector.broadcast %sign3A_676 : i32 to vector<16xi32>
    %sign3A_678 = arith.cmpi sgt, %select_n3A_246, %sign3A_677 : vector<16xi32>
    %sign3A_679 = arith.extui %sign3A_678 : vector<16xi1> to vector<16xi32>
    %sign3A_680 = arith.constant 0 : i32
    %sign3A_681 = vector.broadcast %sign3A_680 : i32 to vector<16xi32>
    %sign3A_682 = arith.cmpi slt, %select_n3A_246, %sign3A_681 : vector<16xi32>
    %sign3A_683 = arith.extui %sign3A_682 : vector<16xi1> to vector<16xi32>
    %sign3A_684 = arith.subi %sign3A_679, %sign3A_683 : vector<16xi32>
    %sign3A_685 = arith.constant 0 : i32
    %sign3A_686 = arith.cmpi sgt, %jit3A_673, %sign3A_685 : i32
    %sign3A_687 = arith.extui %sign3A_686 : i1 to i32
    %sign3A_688 = arith.constant 0 : i32
    %sign3A_689 = arith.cmpi slt, %jit3A_673, %sign3A_688 : i32
    %sign3A_690 = arith.extui %sign3A_689 : i1 to i32
    %sign3A_691 = arith.subi %sign3A_687, %sign3A_690 : i32
    %ne3A_692 = vector.broadcast %sign3A_691 : i32 to vector<16xi32>
    %ne3A_693 = arith.cmpi ne, %sign3A_684, %ne3A_692 : vector<16xi32>
    %rem3A_694 = vector.broadcast %jit3A_673 : i32 to vector<16xi32>
    %rem3A_695 = arith.remsi %select_n3A_246, %rem3A_694 : vector<16xi32>
    %ne3A_696 = arith.constant 0 : i32
    %ne3A_697 = vector.broadcast %ne3A_696 : i32 to vector<16xi32>
    %ne3A_698 = arith.cmpi ne, %rem3A_695, %ne3A_697 : vector<16xi32>
    %and3A_699 = arith.andi %ne3A_693, %ne3A_698 : vector<16xi1>
    %sub3A_700 = arith.constant 1 : i32
    %sub3A_701 = vector.broadcast %sub3A_700 : i32 to vector<16xi32>
    %sub3A_702 = arith.subi %div3A_675, %sub3A_701 : vector<16xi32>
    %select_n3A_703 = arith.select %and3A_699, %sub3A_702, %div3A_675 : vector<16xi1>, vector<16xi32>
    %jit3A_704 = arith.constant 8 : i32
    %div3A_705 = vector.broadcast %jit3A_704 : i32 to vector<16xi32>
    %div3A_706 = arith.divsi %select_n3A_271, %div3A_705 : vector<16xi32>
    %sign3A_707 = arith.constant 0 : i32
    %sign3A_708 = vector.broadcast %sign3A_707 : i32 to vector<16xi32>
    %sign3A_709 = arith.cmpi sgt, %select_n3A_271, %sign3A_708 : vector<16xi32>
    %sign3A_710 = arith.extui %sign3A_709 : vector<16xi1> to vector<16xi32>
    %sign3A_711 = arith.constant 0 : i32
    %sign3A_712 = vector.broadcast %sign3A_711 : i32 to vector<16xi32>
    %sign3A_713 = arith.cmpi slt, %select_n3A_271, %sign3A_712 : vector<16xi32>
    %sign3A_714 = arith.extui %sign3A_713 : vector<16xi1> to vector<16xi32>
    %sign3A_715 = arith.subi %sign3A_710, %sign3A_714 : vector<16xi32>
    %sign3A_716 = arith.constant 0 : i32
    %sign3A_717 = arith.cmpi sgt, %jit3A_704, %sign3A_716 : i32
    %sign3A_718 = arith.extui %sign3A_717 : i1 to i32
    %sign3A_719 = arith.constant 0 : i32
    %sign3A_720 = arith.cmpi slt, %jit3A_704, %sign3A_719 : i32
    %sign3A_721 = arith.extui %sign3A_720 : i1 to i32
    %sign3A_722 = arith.subi %sign3A_718, %sign3A_721 : i32
    %ne3A_723 = vector.broadcast %sign3A_722 : i32 to vector<16xi32>
    %ne3A_724 = arith.cmpi ne, %sign3A_715, %ne3A_723 : vector<16xi32>
    %rem3A_725 = vector.broadcast %jit3A_704 : i32 to vector<16xi32>
    %rem3A_726 = arith.remsi %select_n3A_271, %rem3A_725 : vector<16xi32>
    %ne3A_727 = arith.constant 0 : i32
    %ne3A_728 = vector.broadcast %ne3A_727 : i32 to vector<16xi32>
    %ne3A_729 = arith.cmpi ne, %rem3A_726, %ne3A_728 : vector<16xi32>
    %and3A_730 = arith.andi %ne3A_724, %ne3A_729 : vector<16xi1>
    %sub3A_731 = arith.constant 1 : i32
    %sub3A_732 = vector.broadcast %sub3A_731 : i32 to vector<16xi32>
    %sub3A_733 = arith.subi %div3A_706, %sub3A_732 : vector<16xi32>
    %select_n3A_734 = arith.select %and3A_730, %sub3A_733, %div3A_706 : vector<16xi1>, vector<16xi32>
    %jit3A_735 = arith.constant 8 : i32
    %div3A_736 = vector.broadcast %jit3A_735 : i32 to vector<16xi32>
    %div3A_737 = arith.divsi %select_n3A_296, %div3A_736 : vector<16xi32>
    %sign3A_738 = arith.constant 0 : i32
    %sign3A_739 = vector.broadcast %sign3A_738 : i32 to vector<16xi32>
    %sign3A_740 = arith.cmpi sgt, %select_n3A_296, %sign3A_739 : vector<16xi32>
    %sign3A_741 = arith.extui %sign3A_740 : vector<16xi1> to vector<16xi32>
    %sign3A_742 = arith.constant 0 : i32
    %sign3A_743 = vector.broadcast %sign3A_742 : i32 to vector<16xi32>
    %sign3A_744 = arith.cmpi slt, %select_n3A_296, %sign3A_743 : vector<16xi32>
    %sign3A_745 = arith.extui %sign3A_744 : vector<16xi1> to vector<16xi32>
    %sign3A_746 = arith.subi %sign3A_741, %sign3A_745 : vector<16xi32>
    %sign3A_747 = arith.constant 0 : i32
    %sign3A_748 = arith.cmpi sgt, %jit3A_735, %sign3A_747 : i32
    %sign3A_749 = arith.extui %sign3A_748 : i1 to i32
    %sign3A_750 = arith.constant 0 : i32
    %sign3A_751 = arith.cmpi slt, %jit3A_735, %sign3A_750 : i32
    %sign3A_752 = arith.extui %sign3A_751 : i1 to i32
    %sign3A_753 = arith.subi %sign3A_749, %sign3A_752 : i32
    %ne3A_754 = vector.broadcast %sign3A_753 : i32 to vector<16xi32>
    %ne3A_755 = arith.cmpi ne, %sign3A_746, %ne3A_754 : vector<16xi32>
    %rem3A_756 = vector.broadcast %jit3A_735 : i32 to vector<16xi32>
    %rem3A_757 = arith.remsi %select_n3A_296, %rem3A_756 : vector<16xi32>
    %ne3A_758 = arith.constant 0 : i32
    %ne3A_759 = vector.broadcast %ne3A_758 : i32 to vector<16xi32>
    %ne3A_760 = arith.cmpi ne, %rem3A_757, %ne3A_759 : vector<16xi32>
    %and3A_761 = arith.andi %ne3A_755, %ne3A_760 : vector<16xi1>
    %sub3A_762 = arith.constant 1 : i32
    %sub3A_763 = vector.broadcast %sub3A_762 : i32 to vector<16xi32>
    %sub3A_764 = arith.subi %div3A_737, %sub3A_763 : vector<16xi32>
    %select_n3A_765 = arith.select %and3A_761, %sub3A_764, %div3A_737 : vector<16xi1>, vector<16xi32>
    %jit3A_766 = arith.constant 8 : i32
    %div3A_767 = vector.broadcast %jit3A_766 : i32 to vector<16xi32>
    %div3A_768 = arith.divsi %select_n3A_321, %div3A_767 : vector<16xi32>
    %sign3A_769 = arith.constant 0 : i32
    %sign3A_770 = vector.broadcast %sign3A_769 : i32 to vector<16xi32>
    %sign3A_771 = arith.cmpi sgt, %select_n3A_321, %sign3A_770 : vector<16xi32>
    %sign3A_772 = arith.extui %sign3A_771 : vector<16xi1> to vector<16xi32>
    %sign3A_773 = arith.constant 0 : i32
    %sign3A_774 = vector.broadcast %sign3A_773 : i32 to vector<16xi32>
    %sign3A_775 = arith.cmpi slt, %select_n3A_321, %sign3A_774 : vector<16xi32>
    %sign3A_776 = arith.extui %sign3A_775 : vector<16xi1> to vector<16xi32>
    %sign3A_777 = arith.subi %sign3A_772, %sign3A_776 : vector<16xi32>
    %sign3A_778 = arith.constant 0 : i32
    %sign3A_779 = arith.cmpi sgt, %jit3A_766, %sign3A_778 : i32
    %sign3A_780 = arith.extui %sign3A_779 : i1 to i32
    %sign3A_781 = arith.constant 0 : i32
    %sign3A_782 = arith.cmpi slt, %jit3A_766, %sign3A_781 : i32
    %sign3A_783 = arith.extui %sign3A_782 : i1 to i32
    %sign3A_784 = arith.subi %sign3A_780, %sign3A_783 : i32
    %ne3A_785 = vector.broadcast %sign3A_784 : i32 to vector<16xi32>
    %ne3A_786 = arith.cmpi ne, %sign3A_777, %ne3A_785 : vector<16xi32>
    %rem3A_787 = vector.broadcast %jit3A_766 : i32 to vector<16xi32>
    %rem3A_788 = arith.remsi %select_n3A_321, %rem3A_787 : vector<16xi32>
    %ne3A_789 = arith.constant 0 : i32
    %ne3A_790 = vector.broadcast %ne3A_789 : i32 to vector<16xi32>
    %ne3A_791 = arith.cmpi ne, %rem3A_788, %ne3A_790 : vector<16xi32>
    %and3A_792 = arith.andi %ne3A_786, %ne3A_791 : vector<16xi1>
    %sub3A_793 = arith.constant 1 : i32
    %sub3A_794 = vector.broadcast %sub3A_793 : i32 to vector<16xi32>
    %sub3A_795 = arith.subi %div3A_768, %sub3A_794 : vector<16xi32>
    %select_n3A_796 = arith.select %and3A_792, %sub3A_795, %div3A_768 : vector<16xi1>, vector<16xi32>
    %jit3A_797 = arith.constant 8 : i32
    %div3A_798 = vector.broadcast %jit3A_797 : i32 to vector<16xi32>
    %div3A_799 = arith.divsi %select_n3A_346, %div3A_798 : vector<16xi32>
    %sign3A_800 = arith.constant 0 : i32
    %sign3A_801 = vector.broadcast %sign3A_800 : i32 to vector<16xi32>
    %sign3A_802 = arith.cmpi sgt, %select_n3A_346, %sign3A_801 : vector<16xi32>
    %sign3A_803 = arith.extui %sign3A_802 : vector<16xi1> to vector<16xi32>
    %sign3A_804 = arith.constant 0 : i32
    %sign3A_805 = vector.broadcast %sign3A_804 : i32 to vector<16xi32>
    %sign3A_806 = arith.cmpi slt, %select_n3A_346, %sign3A_805 : vector<16xi32>
    %sign3A_807 = arith.extui %sign3A_806 : vector<16xi1> to vector<16xi32>
    %sign3A_808 = arith.subi %sign3A_803, %sign3A_807 : vector<16xi32>
    %sign3A_809 = arith.constant 0 : i32
    %sign3A_810 = arith.cmpi sgt, %jit3A_797, %sign3A_809 : i32
    %sign3A_811 = arith.extui %sign3A_810 : i1 to i32
    %sign3A_812 = arith.constant 0 : i32
    %sign3A_813 = arith.cmpi slt, %jit3A_797, %sign3A_812 : i32
    %sign3A_814 = arith.extui %sign3A_813 : i1 to i32
    %sign3A_815 = arith.subi %sign3A_811, %sign3A_814 : i32
    %ne3A_816 = vector.broadcast %sign3A_815 : i32 to vector<16xi32>
    %ne3A_817 = arith.cmpi ne, %sign3A_808, %ne3A_816 : vector<16xi32>
    %rem3A_818 = vector.broadcast %jit3A_797 : i32 to vector<16xi32>
    %rem3A_819 = arith.remsi %select_n3A_346, %rem3A_818 : vector<16xi32>
    %ne3A_820 = arith.constant 0 : i32
    %ne3A_821 = vector.broadcast %ne3A_820 : i32 to vector<16xi32>
    %ne3A_822 = arith.cmpi ne, %rem3A_819, %ne3A_821 : vector<16xi32>
    %and3A_823 = arith.andi %ne3A_817, %ne3A_822 : vector<16xi1>
    %sub3A_824 = arith.constant 1 : i32
    %sub3A_825 = vector.broadcast %sub3A_824 : i32 to vector<16xi32>
    %sub3A_826 = arith.subi %div3A_799, %sub3A_825 : vector<16xi32>
    %select_n3A_827 = arith.select %and3A_823, %sub3A_826, %div3A_799 : vector<16xi1>, vector<16xi32>
    %jit3A_828 = arith.constant 8 : i32
    %div3A_829 = vector.broadcast %jit3A_828 : i32 to vector<16xi32>
    %div3A_830 = arith.divsi %select_n3A_371, %div3A_829 : vector<16xi32>
    %sign3A_831 = arith.constant 0 : i32
    %sign3A_832 = vector.broadcast %sign3A_831 : i32 to vector<16xi32>
    %sign3A_833 = arith.cmpi sgt, %select_n3A_371, %sign3A_832 : vector<16xi32>
    %sign3A_834 = arith.extui %sign3A_833 : vector<16xi1> to vector<16xi32>
    %sign3A_835 = arith.constant 0 : i32
    %sign3A_836 = vector.broadcast %sign3A_835 : i32 to vector<16xi32>
    %sign3A_837 = arith.cmpi slt, %select_n3A_371, %sign3A_836 : vector<16xi32>
    %sign3A_838 = arith.extui %sign3A_837 : vector<16xi1> to vector<16xi32>
    %sign3A_839 = arith.subi %sign3A_834, %sign3A_838 : vector<16xi32>
    %sign3A_840 = arith.constant 0 : i32
    %sign3A_841 = arith.cmpi sgt, %jit3A_828, %sign3A_840 : i32
    %sign3A_842 = arith.extui %sign3A_841 : i1 to i32
    %sign3A_843 = arith.constant 0 : i32
    %sign3A_844 = arith.cmpi slt, %jit3A_828, %sign3A_843 : i32
    %sign3A_845 = arith.extui %sign3A_844 : i1 to i32
    %sign3A_846 = arith.subi %sign3A_842, %sign3A_845 : i32
    %ne3A_847 = vector.broadcast %sign3A_846 : i32 to vector<16xi32>
    %ne3A_848 = arith.cmpi ne, %sign3A_839, %ne3A_847 : vector<16xi32>
    %rem3A_849 = vector.broadcast %jit3A_828 : i32 to vector<16xi32>
    %rem3A_850 = arith.remsi %select_n3A_371, %rem3A_849 : vector<16xi32>
    %ne3A_851 = arith.constant 0 : i32
    %ne3A_852 = vector.broadcast %ne3A_851 : i32 to vector<16xi32>
    %ne3A_853 = arith.cmpi ne, %rem3A_850, %ne3A_852 : vector<16xi32>
    %and3A_854 = arith.andi %ne3A_848, %ne3A_853 : vector<16xi1>
    %sub3A_855 = arith.constant 1 : i32
    %sub3A_856 = vector.broadcast %sub3A_855 : i32 to vector<16xi32>
    %sub3A_857 = arith.subi %div3A_830, %sub3A_856 : vector<16xi32>
    %select_n3A_858 = arith.select %and3A_854, %sub3A_857, %div3A_830 : vector<16xi1>, vector<16xi32>
    %jit3A_859 = arith.constant 8 : i32
    %div3A_860 = vector.broadcast %jit3A_859 : i32 to vector<16xi32>
    %div3A_861 = arith.divsi %select_n3A_396, %div3A_860 : vector<16xi32>
    %sign3A_862 = arith.constant 0 : i32
    %sign3A_863 = vector.broadcast %sign3A_862 : i32 to vector<16xi32>
    %sign3A_864 = arith.cmpi sgt, %select_n3A_396, %sign3A_863 : vector<16xi32>
    %sign3A_865 = arith.extui %sign3A_864 : vector<16xi1> to vector<16xi32>
    %sign3A_866 = arith.constant 0 : i32
    %sign3A_867 = vector.broadcast %sign3A_866 : i32 to vector<16xi32>
    %sign3A_868 = arith.cmpi slt, %select_n3A_396, %sign3A_867 : vector<16xi32>
    %sign3A_869 = arith.extui %sign3A_868 : vector<16xi1> to vector<16xi32>
    %sign3A_870 = arith.subi %sign3A_865, %sign3A_869 : vector<16xi32>
    %sign3A_871 = arith.constant 0 : i32
    %sign3A_872 = arith.cmpi sgt, %jit3A_859, %sign3A_871 : i32
    %sign3A_873 = arith.extui %sign3A_872 : i1 to i32
    %sign3A_874 = arith.constant 0 : i32
    %sign3A_875 = arith.cmpi slt, %jit3A_859, %sign3A_874 : i32
    %sign3A_876 = arith.extui %sign3A_875 : i1 to i32
    %sign3A_877 = arith.subi %sign3A_873, %sign3A_876 : i32
    %ne3A_878 = vector.broadcast %sign3A_877 : i32 to vector<16xi32>
    %ne3A_879 = arith.cmpi ne, %sign3A_870, %ne3A_878 : vector<16xi32>
    %rem3A_880 = vector.broadcast %jit3A_859 : i32 to vector<16xi32>
    %rem3A_881 = arith.remsi %select_n3A_396, %rem3A_880 : vector<16xi32>
    %ne3A_882 = arith.constant 0 : i32
    %ne3A_883 = vector.broadcast %ne3A_882 : i32 to vector<16xi32>
    %ne3A_884 = arith.cmpi ne, %rem3A_881, %ne3A_883 : vector<16xi32>
    %and3A_885 = arith.andi %ne3A_879, %ne3A_884 : vector<16xi1>
    %sub3A_886 = arith.constant 1 : i32
    %sub3A_887 = vector.broadcast %sub3A_886 : i32 to vector<16xi32>
    %sub3A_888 = arith.subi %div3A_861, %sub3A_887 : vector<16xi32>
    %select_n3A_889 = arith.select %and3A_885, %sub3A_888, %div3A_861 : vector<16xi1>, vector<16xi32>
    %jit3A_890 = arith.constant 8 : i32
    %eq3A_891 = arith.constant 0 : i32
    %eq3A_892 = arith.cmpi eq, %jit3A_890, %eq3A_891 : i32
    %jit3A_893 = arith.constant 1 : i32
    %select_n3A_894 = arith.select %eq3A_892, %jit3A_893, %jit3A_890 : i32
    %rem3A_895 = vector.broadcast %select_n3A_894 : i32 to vector<16xi32>
    %rem3A_896 = arith.remsi %select_n3A_21, %rem3A_895 : vector<16xi32>
    %ne3A_897 = arith.constant 0 : i32
    %ne3A_898 = vector.broadcast %ne3A_897 : i32 to vector<16xi32>
    %ne3A_899 = arith.cmpi ne, %rem3A_896, %ne3A_898 : vector<16xi32>
    %lt3A_900 = arith.constant 0 : i32
    %lt3A_901 = vector.broadcast %lt3A_900 : i32 to vector<16xi32>
    %lt3A_902 = arith.cmpi slt, %rem3A_896, %lt3A_901 : vector<16xi32>
    %lt3A_903 = arith.constant 0 : i32
    %lt3A_904 = arith.cmpi slt, %select_n3A_894, %lt3A_903 : i32
    %ne3A_905 = vector.broadcast %lt3A_904 : i1 to vector<16xi1>
    %ne3A_906 = vector.broadcast %ne3A_905 : vector<16xi1> to vector<16xi1>
    %ne3A_907 = arith.xori %lt3A_902, %ne3A_906 : vector<16xi1>
    %and3A_908 = arith.andi %ne3A_907, %ne3A_899 : vector<16xi1>
    %add3A_909 = vector.broadcast %select_n3A_894 : i32 to vector<16xi32>
    %add3A_910 = arith.addi %rem3A_896, %add3A_909 : vector<16xi32>
    %select_n3A_911 = arith.select %and3A_908, %add3A_910, %rem3A_896 : vector<16xi1>, vector<16xi32>
    %mul3A_912 = arith.constant 128 : i32
    %mul3A_913 = vector.broadcast %mul3A_912 : i32 to vector<16xi32>
    %mul3A_914 = arith.muli %select_n3A_911, %mul3A_913 : vector<16xi32>
    %add3A_915 = arith.addi %mul3A_914, %iota3A : vector<16xi32>
    %jit3A_916 = arith.constant 8 : i32
    %eq3A_917 = arith.constant 0 : i32
    %eq3A_918 = arith.cmpi eq, %jit3A_916, %eq3A_917 : i32
    %jit3A_919 = arith.constant 1 : i32
    %select_n3A_920 = arith.select %eq3A_918, %jit3A_919, %jit3A_916 : i32
    %rem3A_921 = vector.broadcast %select_n3A_920 : i32 to vector<16xi32>
    %rem3A_922 = arith.remsi %select_n3A_46, %rem3A_921 : vector<16xi32>
    %ne3A_923 = arith.constant 0 : i32
    %ne3A_924 = vector.broadcast %ne3A_923 : i32 to vector<16xi32>
    %ne3A_925 = arith.cmpi ne, %rem3A_922, %ne3A_924 : vector<16xi32>
    %lt3A_926 = arith.constant 0 : i32
    %lt3A_927 = vector.broadcast %lt3A_926 : i32 to vector<16xi32>
    %lt3A_928 = arith.cmpi slt, %rem3A_922, %lt3A_927 : vector<16xi32>
    %lt3A_929 = arith.constant 0 : i32
    %lt3A_930 = arith.cmpi slt, %select_n3A_920, %lt3A_929 : i32
    %ne3A_931 = vector.broadcast %lt3A_930 : i1 to vector<16xi1>
    %ne3A_932 = vector.broadcast %ne3A_931 : vector<16xi1> to vector<16xi1>
    %ne3A_933 = arith.xori %lt3A_928, %ne3A_932 : vector<16xi1>
    %and3A_934 = arith.andi %ne3A_933, %ne3A_925 : vector<16xi1>
    %add3A_935 = vector.broadcast %select_n3A_920 : i32 to vector<16xi32>
    %add3A_936 = arith.addi %rem3A_922, %add3A_935 : vector<16xi32>
    %select_n3A_937 = arith.select %and3A_934, %add3A_936, %rem3A_922 : vector<16xi1>, vector<16xi32>
    %mul3A_938 = arith.constant 128 : i32
    %mul3A_939 = vector.broadcast %mul3A_938 : i32 to vector<16xi32>
    %mul3A_940 = arith.muli %select_n3A_937, %mul3A_939 : vector<16xi32>
    %add3A_941 = arith.addi %mul3A_940, %iota3A : vector<16xi32>
    %jit3A_942 = arith.constant 8 : i32
    %eq3A_943 = arith.constant 0 : i32
    %eq3A_944 = arith.cmpi eq, %jit3A_942, %eq3A_943 : i32
    %jit3A_945 = arith.constant 1 : i32
    %select_n3A_946 = arith.select %eq3A_944, %jit3A_945, %jit3A_942 : i32
    %rem3A_947 = vector.broadcast %select_n3A_946 : i32 to vector<16xi32>
    %rem3A_948 = arith.remsi %select_n3A_71, %rem3A_947 : vector<16xi32>
    %ne3A_949 = arith.constant 0 : i32
    %ne3A_950 = vector.broadcast %ne3A_949 : i32 to vector<16xi32>
    %ne3A_951 = arith.cmpi ne, %rem3A_948, %ne3A_950 : vector<16xi32>
    %lt3A_952 = arith.constant 0 : i32
    %lt3A_953 = vector.broadcast %lt3A_952 : i32 to vector<16xi32>
    %lt3A_954 = arith.cmpi slt, %rem3A_948, %lt3A_953 : vector<16xi32>
    %lt3A_955 = arith.constant 0 : i32
    %lt3A_956 = arith.cmpi slt, %select_n3A_946, %lt3A_955 : i32
    %ne3A_957 = vector.broadcast %lt3A_956 : i1 to vector<16xi1>
    %ne3A_958 = vector.broadcast %ne3A_957 : vector<16xi1> to vector<16xi1>
    %ne3A_959 = arith.xori %lt3A_954, %ne3A_958 : vector<16xi1>
    %and3A_960 = arith.andi %ne3A_959, %ne3A_951 : vector<16xi1>
    %add3A_961 = vector.broadcast %select_n3A_946 : i32 to vector<16xi32>
    %add3A_962 = arith.addi %rem3A_948, %add3A_961 : vector<16xi32>
    %select_n3A_963 = arith.select %and3A_960, %add3A_962, %rem3A_948 : vector<16xi1>, vector<16xi32>
    %mul3A_964 = arith.constant 128 : i32
    %mul3A_965 = vector.broadcast %mul3A_964 : i32 to vector<16xi32>
    %mul3A_966 = arith.muli %select_n3A_963, %mul3A_965 : vector<16xi32>
    %add3A_967 = arith.addi %mul3A_966, %iota3A : vector<16xi32>
    %jit3A_968 = arith.constant 8 : i32
    %eq3A_969 = arith.constant 0 : i32
    %eq3A_970 = arith.cmpi eq, %jit3A_968, %eq3A_969 : i32
    %jit3A_971 = arith.constant 1 : i32
    %select_n3A_972 = arith.select %eq3A_970, %jit3A_971, %jit3A_968 : i32
    %rem3A_973 = vector.broadcast %select_n3A_972 : i32 to vector<16xi32>
    %rem3A_974 = arith.remsi %select_n3A_96, %rem3A_973 : vector<16xi32>
    %ne3A_975 = arith.constant 0 : i32
    %ne3A_976 = vector.broadcast %ne3A_975 : i32 to vector<16xi32>
    %ne3A_977 = arith.cmpi ne, %rem3A_974, %ne3A_976 : vector<16xi32>
    %lt3A_978 = arith.constant 0 : i32
    %lt3A_979 = vector.broadcast %lt3A_978 : i32 to vector<16xi32>
    %lt3A_980 = arith.cmpi slt, %rem3A_974, %lt3A_979 : vector<16xi32>
    %lt3A_981 = arith.constant 0 : i32
    %lt3A_982 = arith.cmpi slt, %select_n3A_972, %lt3A_981 : i32
    %ne3A_983 = vector.broadcast %lt3A_982 : i1 to vector<16xi1>
    %ne3A_984 = vector.broadcast %ne3A_983 : vector<16xi1> to vector<16xi1>
    %ne3A_985 = arith.xori %lt3A_980, %ne3A_984 : vector<16xi1>
    %and3A_986 = arith.andi %ne3A_985, %ne3A_977 : vector<16xi1>
    %add3A_987 = vector.broadcast %select_n3A_972 : i32 to vector<16xi32>
    %add3A_988 = arith.addi %rem3A_974, %add3A_987 : vector<16xi32>
    %select_n3A_989 = arith.select %and3A_986, %add3A_988, %rem3A_974 : vector<16xi1>, vector<16xi32>
    %mul3A_990 = arith.constant 128 : i32
    %mul3A_991 = vector.broadcast %mul3A_990 : i32 to vector<16xi32>
    %mul3A_992 = arith.muli %select_n3A_989, %mul3A_991 : vector<16xi32>
    %add3A_993 = arith.addi %mul3A_992, %iota3A : vector<16xi32>
    %jit3A_994 = arith.constant 8 : i32
    %eq3A_995 = arith.constant 0 : i32
    %eq3A_996 = arith.cmpi eq, %jit3A_994, %eq3A_995 : i32
    %jit3A_997 = arith.constant 1 : i32
    %select_n3A_998 = arith.select %eq3A_996, %jit3A_997, %jit3A_994 : i32
    %rem3A_999 = vector.broadcast %select_n3A_998 : i32 to vector<16xi32>
    %rem3A_1000 = arith.remsi %select_n3A_121, %rem3A_999 : vector<16xi32>
    %ne3A_1001 = arith.constant 0 : i32
    %ne3A_1002 = vector.broadcast %ne3A_1001 : i32 to vector<16xi32>
    %ne3A_1003 = arith.cmpi ne, %rem3A_1000, %ne3A_1002 : vector<16xi32>
    %lt3A_1004 = arith.constant 0 : i32
    %lt3A_1005 = vector.broadcast %lt3A_1004 : i32 to vector<16xi32>
    %lt3A_1006 = arith.cmpi slt, %rem3A_1000, %lt3A_1005 : vector<16xi32>
    %lt3A_1007 = arith.constant 0 : i32
    %lt3A_1008 = arith.cmpi slt, %select_n3A_998, %lt3A_1007 : i32
    %ne3A_1009 = vector.broadcast %lt3A_1008 : i1 to vector<16xi1>
    %ne3A_1010 = vector.broadcast %ne3A_1009 : vector<16xi1> to vector<16xi1>
    %ne3A_1011 = arith.xori %lt3A_1006, %ne3A_1010 : vector<16xi1>
    %and3A_1012 = arith.andi %ne3A_1011, %ne3A_1003 : vector<16xi1>
    %add3A_1013 = vector.broadcast %select_n3A_998 : i32 to vector<16xi32>
    %add3A_1014 = arith.addi %rem3A_1000, %add3A_1013 : vector<16xi32>
    %select_n3A_1015 = arith.select %and3A_1012, %add3A_1014, %rem3A_1000 : vector<16xi1>, vector<16xi32>
    %mul3A_1016 = arith.constant 128 : i32
    %mul3A_1017 = vector.broadcast %mul3A_1016 : i32 to vector<16xi32>
    %mul3A_1018 = arith.muli %select_n3A_1015, %mul3A_1017 : vector<16xi32>
    %add3A_1019 = arith.addi %mul3A_1018, %iota3A : vector<16xi32>
    %jit3A_1020 = arith.constant 8 : i32
    %eq3A_1021 = arith.constant 0 : i32
    %eq3A_1022 = arith.cmpi eq, %jit3A_1020, %eq3A_1021 : i32
    %jit3A_1023 = arith.constant 1 : i32
    %select_n3A_1024 = arith.select %eq3A_1022, %jit3A_1023, %jit3A_1020 : i32
    %rem3A_1025 = vector.broadcast %select_n3A_1024 : i32 to vector<16xi32>
    %rem3A_1026 = arith.remsi %select_n3A_146, %rem3A_1025 : vector<16xi32>
    %ne3A_1027 = arith.constant 0 : i32
    %ne3A_1028 = vector.broadcast %ne3A_1027 : i32 to vector<16xi32>
    %ne3A_1029 = arith.cmpi ne, %rem3A_1026, %ne3A_1028 : vector<16xi32>
    %lt3A_1030 = arith.constant 0 : i32
    %lt3A_1031 = vector.broadcast %lt3A_1030 : i32 to vector<16xi32>
    %lt3A_1032 = arith.cmpi slt, %rem3A_1026, %lt3A_1031 : vector<16xi32>
    %lt3A_1033 = arith.constant 0 : i32
    %lt3A_1034 = arith.cmpi slt, %select_n3A_1024, %lt3A_1033 : i32
    %ne3A_1035 = vector.broadcast %lt3A_1034 : i1 to vector<16xi1>
    %ne3A_1036 = vector.broadcast %ne3A_1035 : vector<16xi1> to vector<16xi1>
    %ne3A_1037 = arith.xori %lt3A_1032, %ne3A_1036 : vector<16xi1>
    %and3A_1038 = arith.andi %ne3A_1037, %ne3A_1029 : vector<16xi1>
    %add3A_1039 = vector.broadcast %select_n3A_1024 : i32 to vector<16xi32>
    %add3A_1040 = arith.addi %rem3A_1026, %add3A_1039 : vector<16xi32>
    %select_n3A_1041 = arith.select %and3A_1038, %add3A_1040, %rem3A_1026 : vector<16xi1>, vector<16xi32>
    %mul3A_1042 = arith.constant 128 : i32
    %mul3A_1043 = vector.broadcast %mul3A_1042 : i32 to vector<16xi32>
    %mul3A_1044 = arith.muli %select_n3A_1041, %mul3A_1043 : vector<16xi32>
    %add3A_1045 = arith.addi %mul3A_1044, %iota3A : vector<16xi32>
    %jit3A_1046 = arith.constant 8 : i32
    %eq3A_1047 = arith.constant 0 : i32
    %eq3A_1048 = arith.cmpi eq, %jit3A_1046, %eq3A_1047 : i32
    %jit3A_1049 = arith.constant 1 : i32
    %select_n3A_1050 = arith.select %eq3A_1048, %jit3A_1049, %jit3A_1046 : i32
    %rem3A_1051 = vector.broadcast %select_n3A_1050 : i32 to vector<16xi32>
    %rem3A_1052 = arith.remsi %select_n3A_171, %rem3A_1051 : vector<16xi32>
    %ne3A_1053 = arith.constant 0 : i32
    %ne3A_1054 = vector.broadcast %ne3A_1053 : i32 to vector<16xi32>
    %ne3A_1055 = arith.cmpi ne, %rem3A_1052, %ne3A_1054 : vector<16xi32>
    %lt3A_1056 = arith.constant 0 : i32
    %lt3A_1057 = vector.broadcast %lt3A_1056 : i32 to vector<16xi32>
    %lt3A_1058 = arith.cmpi slt, %rem3A_1052, %lt3A_1057 : vector<16xi32>
    %lt3A_1059 = arith.constant 0 : i32
    %lt3A_1060 = arith.cmpi slt, %select_n3A_1050, %lt3A_1059 : i32
    %ne3A_1061 = vector.broadcast %lt3A_1060 : i1 to vector<16xi1>
    %ne3A_1062 = vector.broadcast %ne3A_1061 : vector<16xi1> to vector<16xi1>
    %ne3A_1063 = arith.xori %lt3A_1058, %ne3A_1062 : vector<16xi1>
    %and3A_1064 = arith.andi %ne3A_1063, %ne3A_1055 : vector<16xi1>
    %add3A_1065 = vector.broadcast %select_n3A_1050 : i32 to vector<16xi32>
    %add3A_1066 = arith.addi %rem3A_1052, %add3A_1065 : vector<16xi32>
    %select_n3A_1067 = arith.select %and3A_1064, %add3A_1066, %rem3A_1052 : vector<16xi1>, vector<16xi32>
    %mul3A_1068 = arith.constant 128 : i32
    %mul3A_1069 = vector.broadcast %mul3A_1068 : i32 to vector<16xi32>
    %mul3A_1070 = arith.muli %select_n3A_1067, %mul3A_1069 : vector<16xi32>
    %add3A_1071 = arith.addi %mul3A_1070, %iota3A : vector<16xi32>
    %jit3A_1072 = arith.constant 8 : i32
    %eq3A_1073 = arith.constant 0 : i32
    %eq3A_1074 = arith.cmpi eq, %jit3A_1072, %eq3A_1073 : i32
    %jit3A_1075 = arith.constant 1 : i32
    %select_n3A_1076 = arith.select %eq3A_1074, %jit3A_1075, %jit3A_1072 : i32
    %rem3A_1077 = vector.broadcast %select_n3A_1076 : i32 to vector<16xi32>
    %rem3A_1078 = arith.remsi %select_n3A_196, %rem3A_1077 : vector<16xi32>
    %ne3A_1079 = arith.constant 0 : i32
    %ne3A_1080 = vector.broadcast %ne3A_1079 : i32 to vector<16xi32>
    %ne3A_1081 = arith.cmpi ne, %rem3A_1078, %ne3A_1080 : vector<16xi32>
    %lt3A_1082 = arith.constant 0 : i32
    %lt3A_1083 = vector.broadcast %lt3A_1082 : i32 to vector<16xi32>
    %lt3A_1084 = arith.cmpi slt, %rem3A_1078, %lt3A_1083 : vector<16xi32>
    %lt3A_1085 = arith.constant 0 : i32
    %lt3A_1086 = arith.cmpi slt, %select_n3A_1076, %lt3A_1085 : i32
    %ne3A_1087 = vector.broadcast %lt3A_1086 : i1 to vector<16xi1>
    %ne3A_1088 = vector.broadcast %ne3A_1087 : vector<16xi1> to vector<16xi1>
    %ne3A_1089 = arith.xori %lt3A_1084, %ne3A_1088 : vector<16xi1>
    %and3A_1090 = arith.andi %ne3A_1089, %ne3A_1081 : vector<16xi1>
    %add3A_1091 = vector.broadcast %select_n3A_1076 : i32 to vector<16xi32>
    %add3A_1092 = arith.addi %rem3A_1078, %add3A_1091 : vector<16xi32>
    %select_n3A_1093 = arith.select %and3A_1090, %add3A_1092, %rem3A_1078 : vector<16xi1>, vector<16xi32>
    %mul3A_1094 = arith.constant 128 : i32
    %mul3A_1095 = vector.broadcast %mul3A_1094 : i32 to vector<16xi32>
    %mul3A_1096 = arith.muli %select_n3A_1093, %mul3A_1095 : vector<16xi32>
    %add3A_1097 = arith.addi %mul3A_1096, %iota3A : vector<16xi32>
    %jit3A_1098 = arith.constant 8 : i32
    %eq3A_1099 = arith.constant 0 : i32
    %eq3A_1100 = arith.cmpi eq, %jit3A_1098, %eq3A_1099 : i32
    %jit3A_1101 = arith.constant 1 : i32
    %select_n3A_1102 = arith.select %eq3A_1100, %jit3A_1101, %jit3A_1098 : i32
    %rem3A_1103 = vector.broadcast %select_n3A_1102 : i32 to vector<16xi32>
    %rem3A_1104 = arith.remsi %select_n3A_221, %rem3A_1103 : vector<16xi32>
    %ne3A_1105 = arith.constant 0 : i32
    %ne3A_1106 = vector.broadcast %ne3A_1105 : i32 to vector<16xi32>
    %ne3A_1107 = arith.cmpi ne, %rem3A_1104, %ne3A_1106 : vector<16xi32>
    %lt3A_1108 = arith.constant 0 : i32
    %lt3A_1109 = vector.broadcast %lt3A_1108 : i32 to vector<16xi32>
    %lt3A_1110 = arith.cmpi slt, %rem3A_1104, %lt3A_1109 : vector<16xi32>
    %lt3A_1111 = arith.constant 0 : i32
    %lt3A_1112 = arith.cmpi slt, %select_n3A_1102, %lt3A_1111 : i32
    %ne3A_1113 = vector.broadcast %lt3A_1112 : i1 to vector<16xi1>
    %ne3A_1114 = vector.broadcast %ne3A_1113 : vector<16xi1> to vector<16xi1>
    %ne3A_1115 = arith.xori %lt3A_1110, %ne3A_1114 : vector<16xi1>
    %and3A_1116 = arith.andi %ne3A_1115, %ne3A_1107 : vector<16xi1>
    %add3A_1117 = vector.broadcast %select_n3A_1102 : i32 to vector<16xi32>
    %add3A_1118 = arith.addi %rem3A_1104, %add3A_1117 : vector<16xi32>
    %select_n3A_1119 = arith.select %and3A_1116, %add3A_1118, %rem3A_1104 : vector<16xi1>, vector<16xi32>
    %mul3A_1120 = arith.constant 128 : i32
    %mul3A_1121 = vector.broadcast %mul3A_1120 : i32 to vector<16xi32>
    %mul3A_1122 = arith.muli %select_n3A_1119, %mul3A_1121 : vector<16xi32>
    %add3A_1123 = arith.addi %mul3A_1122, %iota3A : vector<16xi32>
    %jit3A_1124 = arith.constant 8 : i32
    %eq3A_1125 = arith.constant 0 : i32
    %eq3A_1126 = arith.cmpi eq, %jit3A_1124, %eq3A_1125 : i32
    %jit3A_1127 = arith.constant 1 : i32
    %select_n3A_1128 = arith.select %eq3A_1126, %jit3A_1127, %jit3A_1124 : i32
    %rem3A_1129 = vector.broadcast %select_n3A_1128 : i32 to vector<16xi32>
    %rem3A_1130 = arith.remsi %select_n3A_246, %rem3A_1129 : vector<16xi32>
    %ne3A_1131 = arith.constant 0 : i32
    %ne3A_1132 = vector.broadcast %ne3A_1131 : i32 to vector<16xi32>
    %ne3A_1133 = arith.cmpi ne, %rem3A_1130, %ne3A_1132 : vector<16xi32>
    %lt3A_1134 = arith.constant 0 : i32
    %lt3A_1135 = vector.broadcast %lt3A_1134 : i32 to vector<16xi32>
    %lt3A_1136 = arith.cmpi slt, %rem3A_1130, %lt3A_1135 : vector<16xi32>
    %lt3A_1137 = arith.constant 0 : i32
    %lt3A_1138 = arith.cmpi slt, %select_n3A_1128, %lt3A_1137 : i32
    %ne3A_1139 = vector.broadcast %lt3A_1138 : i1 to vector<16xi1>
    %ne3A_1140 = vector.broadcast %ne3A_1139 : vector<16xi1> to vector<16xi1>
    %ne3A_1141 = arith.xori %lt3A_1136, %ne3A_1140 : vector<16xi1>
    %and3A_1142 = arith.andi %ne3A_1141, %ne3A_1133 : vector<16xi1>
    %add3A_1143 = vector.broadcast %select_n3A_1128 : i32 to vector<16xi32>
    %add3A_1144 = arith.addi %rem3A_1130, %add3A_1143 : vector<16xi32>
    %select_n3A_1145 = arith.select %and3A_1142, %add3A_1144, %rem3A_1130 : vector<16xi1>, vector<16xi32>
    %mul3A_1146 = arith.constant 128 : i32
    %mul3A_1147 = vector.broadcast %mul3A_1146 : i32 to vector<16xi32>
    %mul3A_1148 = arith.muli %select_n3A_1145, %mul3A_1147 : vector<16xi32>
    %add3A_1149 = arith.addi %mul3A_1148, %iota3A : vector<16xi32>
    %jit3A_1150 = arith.constant 8 : i32
    %eq3A_1151 = arith.constant 0 : i32
    %eq3A_1152 = arith.cmpi eq, %jit3A_1150, %eq3A_1151 : i32
    %jit3A_1153 = arith.constant 1 : i32
    %select_n3A_1154 = arith.select %eq3A_1152, %jit3A_1153, %jit3A_1150 : i32
    %rem3A_1155 = vector.broadcast %select_n3A_1154 : i32 to vector<16xi32>
    %rem3A_1156 = arith.remsi %select_n3A_271, %rem3A_1155 : vector<16xi32>
    %ne3A_1157 = arith.constant 0 : i32
    %ne3A_1158 = vector.broadcast %ne3A_1157 : i32 to vector<16xi32>
    %ne3A_1159 = arith.cmpi ne, %rem3A_1156, %ne3A_1158 : vector<16xi32>
    %lt3A_1160 = arith.constant 0 : i32
    %lt3A_1161 = vector.broadcast %lt3A_1160 : i32 to vector<16xi32>
    %lt3A_1162 = arith.cmpi slt, %rem3A_1156, %lt3A_1161 : vector<16xi32>
    %lt3A_1163 = arith.constant 0 : i32
    %lt3A_1164 = arith.cmpi slt, %select_n3A_1154, %lt3A_1163 : i32
    %ne3A_1165 = vector.broadcast %lt3A_1164 : i1 to vector<16xi1>
    %ne3A_1166 = vector.broadcast %ne3A_1165 : vector<16xi1> to vector<16xi1>
    %ne3A_1167 = arith.xori %lt3A_1162, %ne3A_1166 : vector<16xi1>
    %and3A_1168 = arith.andi %ne3A_1167, %ne3A_1159 : vector<16xi1>
    %add3A_1169 = vector.broadcast %select_n3A_1154 : i32 to vector<16xi32>
    %add3A_1170 = arith.addi %rem3A_1156, %add3A_1169 : vector<16xi32>
    %select_n3A_1171 = arith.select %and3A_1168, %add3A_1170, %rem3A_1156 : vector<16xi1>, vector<16xi32>
    %mul3A_1172 = arith.constant 128 : i32
    %mul3A_1173 = vector.broadcast %mul3A_1172 : i32 to vector<16xi32>
    %mul3A_1174 = arith.muli %select_n3A_1171, %mul3A_1173 : vector<16xi32>
    %add3A_1175 = arith.addi %mul3A_1174, %iota3A : vector<16xi32>
    %jit3A_1176 = arith.constant 8 : i32
    %eq3A_1177 = arith.constant 0 : i32
    %eq3A_1178 = arith.cmpi eq, %jit3A_1176, %eq3A_1177 : i32
    %jit3A_1179 = arith.constant 1 : i32
    %select_n3A_1180 = arith.select %eq3A_1178, %jit3A_1179, %jit3A_1176 : i32
    %rem3A_1181 = vector.broadcast %select_n3A_1180 : i32 to vector<16xi32>
    %rem3A_1182 = arith.remsi %select_n3A_296, %rem3A_1181 : vector<16xi32>
    %ne3A_1183 = arith.constant 0 : i32
    %ne3A_1184 = vector.broadcast %ne3A_1183 : i32 to vector<16xi32>
    %ne3A_1185 = arith.cmpi ne, %rem3A_1182, %ne3A_1184 : vector<16xi32>
    %lt3A_1186 = arith.constant 0 : i32
    %lt3A_1187 = vector.broadcast %lt3A_1186 : i32 to vector<16xi32>
    %lt3A_1188 = arith.cmpi slt, %rem3A_1182, %lt3A_1187 : vector<16xi32>
    %lt3A_1189 = arith.constant 0 : i32
    %lt3A_1190 = arith.cmpi slt, %select_n3A_1180, %lt3A_1189 : i32
    %ne3A_1191 = vector.broadcast %lt3A_1190 : i1 to vector<16xi1>
    %ne3A_1192 = vector.broadcast %ne3A_1191 : vector<16xi1> to vector<16xi1>
    %ne3A_1193 = arith.xori %lt3A_1188, %ne3A_1192 : vector<16xi1>
    %and3A_1194 = arith.andi %ne3A_1193, %ne3A_1185 : vector<16xi1>
    %add3A_1195 = vector.broadcast %select_n3A_1180 : i32 to vector<16xi32>
    %add3A_1196 = arith.addi %rem3A_1182, %add3A_1195 : vector<16xi32>
    %select_n3A_1197 = arith.select %and3A_1194, %add3A_1196, %rem3A_1182 : vector<16xi1>, vector<16xi32>
    %mul3A_1198 = arith.constant 128 : i32
    %mul3A_1199 = vector.broadcast %mul3A_1198 : i32 to vector<16xi32>
    %mul3A_1200 = arith.muli %select_n3A_1197, %mul3A_1199 : vector<16xi32>
    %add3A_1201 = arith.addi %mul3A_1200, %iota3A : vector<16xi32>
    %jit3A_1202 = arith.constant 8 : i32
    %eq3A_1203 = arith.constant 0 : i32
    %eq3A_1204 = arith.cmpi eq, %jit3A_1202, %eq3A_1203 : i32
    %jit3A_1205 = arith.constant 1 : i32
    %select_n3A_1206 = arith.select %eq3A_1204, %jit3A_1205, %jit3A_1202 : i32
    %rem3A_1207 = vector.broadcast %select_n3A_1206 : i32 to vector<16xi32>
    %rem3A_1208 = arith.remsi %select_n3A_321, %rem3A_1207 : vector<16xi32>
    %ne3A_1209 = arith.constant 0 : i32
    %ne3A_1210 = vector.broadcast %ne3A_1209 : i32 to vector<16xi32>
    %ne3A_1211 = arith.cmpi ne, %rem3A_1208, %ne3A_1210 : vector<16xi32>
    %lt3A_1212 = arith.constant 0 : i32
    %lt3A_1213 = vector.broadcast %lt3A_1212 : i32 to vector<16xi32>
    %lt3A_1214 = arith.cmpi slt, %rem3A_1208, %lt3A_1213 : vector<16xi32>
    %lt3A_1215 = arith.constant 0 : i32
    %lt3A_1216 = arith.cmpi slt, %select_n3A_1206, %lt3A_1215 : i32
    %ne3A_1217 = vector.broadcast %lt3A_1216 : i1 to vector<16xi1>
    %ne3A_1218 = vector.broadcast %ne3A_1217 : vector<16xi1> to vector<16xi1>
    %ne3A_1219 = arith.xori %lt3A_1214, %ne3A_1218 : vector<16xi1>
    %and3A_1220 = arith.andi %ne3A_1219, %ne3A_1211 : vector<16xi1>
    %add3A_1221 = vector.broadcast %select_n3A_1206 : i32 to vector<16xi32>
    %add3A_1222 = arith.addi %rem3A_1208, %add3A_1221 : vector<16xi32>
    %select_n3A_1223 = arith.select %and3A_1220, %add3A_1222, %rem3A_1208 : vector<16xi1>, vector<16xi32>
    %mul3A_1224 = arith.constant 128 : i32
    %mul3A_1225 = vector.broadcast %mul3A_1224 : i32 to vector<16xi32>
    %mul3A_1226 = arith.muli %select_n3A_1223, %mul3A_1225 : vector<16xi32>
    %add3A_1227 = arith.addi %mul3A_1226, %iota3A : vector<16xi32>
    %jit3A_1228 = arith.constant 8 : i32
    %eq3A_1229 = arith.constant 0 : i32
    %eq3A_1230 = arith.cmpi eq, %jit3A_1228, %eq3A_1229 : i32
    %jit3A_1231 = arith.constant 1 : i32
    %select_n3A_1232 = arith.select %eq3A_1230, %jit3A_1231, %jit3A_1228 : i32
    %rem3A_1233 = vector.broadcast %select_n3A_1232 : i32 to vector<16xi32>
    %rem3A_1234 = arith.remsi %select_n3A_346, %rem3A_1233 : vector<16xi32>
    %ne3A_1235 = arith.constant 0 : i32
    %ne3A_1236 = vector.broadcast %ne3A_1235 : i32 to vector<16xi32>
    %ne3A_1237 = arith.cmpi ne, %rem3A_1234, %ne3A_1236 : vector<16xi32>
    %lt3A_1238 = arith.constant 0 : i32
    %lt3A_1239 = vector.broadcast %lt3A_1238 : i32 to vector<16xi32>
    %lt3A_1240 = arith.cmpi slt, %rem3A_1234, %lt3A_1239 : vector<16xi32>
    %lt3A_1241 = arith.constant 0 : i32
    %lt3A_1242 = arith.cmpi slt, %select_n3A_1232, %lt3A_1241 : i32
    %ne3A_1243 = vector.broadcast %lt3A_1242 : i1 to vector<16xi1>
    %ne3A_1244 = vector.broadcast %ne3A_1243 : vector<16xi1> to vector<16xi1>
    %ne3A_1245 = arith.xori %lt3A_1240, %ne3A_1244 : vector<16xi1>
    %and3A_1246 = arith.andi %ne3A_1245, %ne3A_1237 : vector<16xi1>
    %add3A_1247 = vector.broadcast %select_n3A_1232 : i32 to vector<16xi32>
    %add3A_1248 = arith.addi %rem3A_1234, %add3A_1247 : vector<16xi32>
    %select_n3A_1249 = arith.select %and3A_1246, %add3A_1248, %rem3A_1234 : vector<16xi1>, vector<16xi32>
    %mul3A_1250 = arith.constant 128 : i32
    %mul3A_1251 = vector.broadcast %mul3A_1250 : i32 to vector<16xi32>
    %mul3A_1252 = arith.muli %select_n3A_1249, %mul3A_1251 : vector<16xi32>
    %add3A_1253 = arith.addi %mul3A_1252, %iota3A : vector<16xi32>
    %jit3A_1254 = arith.constant 8 : i32
    %eq3A_1255 = arith.constant 0 : i32
    %eq3A_1256 = arith.cmpi eq, %jit3A_1254, %eq3A_1255 : i32
    %jit3A_1257 = arith.constant 1 : i32
    %select_n3A_1258 = arith.select %eq3A_1256, %jit3A_1257, %jit3A_1254 : i32
    %rem3A_1259 = vector.broadcast %select_n3A_1258 : i32 to vector<16xi32>
    %rem3A_1260 = arith.remsi %select_n3A_371, %rem3A_1259 : vector<16xi32>
    %ne3A_1261 = arith.constant 0 : i32
    %ne3A_1262 = vector.broadcast %ne3A_1261 : i32 to vector<16xi32>
    %ne3A_1263 = arith.cmpi ne, %rem3A_1260, %ne3A_1262 : vector<16xi32>
    %lt3A_1264 = arith.constant 0 : i32
    %lt3A_1265 = vector.broadcast %lt3A_1264 : i32 to vector<16xi32>
    %lt3A_1266 = arith.cmpi slt, %rem3A_1260, %lt3A_1265 : vector<16xi32>
    %lt3A_1267 = arith.constant 0 : i32
    %lt3A_1268 = arith.cmpi slt, %select_n3A_1258, %lt3A_1267 : i32
    %ne3A_1269 = vector.broadcast %lt3A_1268 : i1 to vector<16xi1>
    %ne3A_1270 = vector.broadcast %ne3A_1269 : vector<16xi1> to vector<16xi1>
    %ne3A_1271 = arith.xori %lt3A_1266, %ne3A_1270 : vector<16xi1>
    %and3A_1272 = arith.andi %ne3A_1271, %ne3A_1263 : vector<16xi1>
    %add3A_1273 = vector.broadcast %select_n3A_1258 : i32 to vector<16xi32>
    %add3A_1274 = arith.addi %rem3A_1260, %add3A_1273 : vector<16xi32>
    %select_n3A_1275 = arith.select %and3A_1272, %add3A_1274, %rem3A_1260 : vector<16xi1>, vector<16xi32>
    %mul3A_1276 = arith.constant 128 : i32
    %mul3A_1277 = vector.broadcast %mul3A_1276 : i32 to vector<16xi32>
    %mul3A_1278 = arith.muli %select_n3A_1275, %mul3A_1277 : vector<16xi32>
    %add3A_1279 = arith.addi %mul3A_1278, %iota3A : vector<16xi32>
    %jit3A_1280 = arith.constant 8 : i32
    %eq3A_1281 = arith.constant 0 : i32
    %eq3A_1282 = arith.cmpi eq, %jit3A_1280, %eq3A_1281 : i32
    %jit3A_1283 = arith.constant 1 : i32
    %select_n3A_1284 = arith.select %eq3A_1282, %jit3A_1283, %jit3A_1280 : i32
    %rem3A_1285 = vector.broadcast %select_n3A_1284 : i32 to vector<16xi32>
    %rem3A_1286 = arith.remsi %select_n3A_396, %rem3A_1285 : vector<16xi32>
    %ne3A_1287 = arith.constant 0 : i32
    %ne3A_1288 = vector.broadcast %ne3A_1287 : i32 to vector<16xi32>
    %ne3A_1289 = arith.cmpi ne, %rem3A_1286, %ne3A_1288 : vector<16xi32>
    %lt3A_1290 = arith.constant 0 : i32
    %lt3A_1291 = vector.broadcast %lt3A_1290 : i32 to vector<16xi32>
    %lt3A_1292 = arith.cmpi slt, %rem3A_1286, %lt3A_1291 : vector<16xi32>
    %lt3A_1293 = arith.constant 0 : i32
    %lt3A_1294 = arith.cmpi slt, %select_n3A_1284, %lt3A_1293 : i32
    %ne3A_1295 = vector.broadcast %lt3A_1294 : i1 to vector<16xi1>
    %ne3A_1296 = vector.broadcast %ne3A_1295 : vector<16xi1> to vector<16xi1>
    %ne3A_1297 = arith.xori %lt3A_1292, %ne3A_1296 : vector<16xi1>
    %and3A_1298 = arith.andi %ne3A_1297, %ne3A_1289 : vector<16xi1>
    %add3A_1299 = vector.broadcast %select_n3A_1284 : i32 to vector<16xi32>
    %add3A_1300 = arith.addi %rem3A_1286, %add3A_1299 : vector<16xi32>
    %select_n3A_1301 = arith.select %and3A_1298, %add3A_1300, %rem3A_1286 : vector<16xi1>, vector<16xi32>
    %mul3A_1302 = arith.constant 128 : i32
    %mul3A_1303 = vector.broadcast %mul3A_1302 : i32 to vector<16xi32>
    %mul3A_1304 = arith.muli %select_n3A_1301, %mul3A_1303 : vector<16xi32>
    %add3A_1305 = arith.addi %mul3A_1304, %iota3A : vector<16xi32>
    %mul3A_1306 = arith.constant 25600 : i32
    %mul3A_1307 = arith.muli %add3A, %mul3A_1306 : i32
    "tpu.region"() ({
      %run_scoped3A = tpu.sem_alloc : memref<!tpu.dma_semaphore, #tpu.memory_space<semaphore_mem>>
      %dma_start3A_1344 = tpu.memref_slice %arg2[%mul3A_1307] : memref<819200xi32, #tpu.memory_space<hbm>> -> memref<25600xi32, #tpu.memory_space<hbm>>
      %dma_start3A_1345 = tpu.memref_slice %arg2[%mul3A_1307] : memref<819200xi32, #tpu.memory_space<hbm>> -> memref<25600xi32, #tpu.memory_space<hbm>>
      tpu.enqueue_dma source(%dma_start3A_1345 : memref<25600xi32, #tpu.memory_space<hbm>>) target(%arg5 : memref<25600xi32, #tpu.memory_space<vmem>>) target_semaphore(%run_scoped3A : memref<!tpu.dma_semaphore, #tpu.memory_space<semaphore_mem>>)
      %dma_wait3A_1346 = tpu.memref_slice %arg2[%mul3A_1307] : memref<819200xi32, #tpu.memory_space<hbm>> -> memref<25600xi32, #tpu.memory_space<hbm>>
      %dma_wait3A_1347 = tpu.memref_slice %arg2[%mul3A_1307] : memref<819200xi32, #tpu.memory_space<hbm>> -> memref<25600xi32, #tpu.memory_space<hbm>>
      tpu.wait_dma2 semaphore(%run_scoped3A : memref<!tpu.dma_semaphore, #tpu.memory_space<semaphore_mem>>) src(%dma_wait3A_1347 : memref<25600xi32, #tpu.memory_space<hbm>>) dst(%arg5 : memref<25600xi32, #tpu.memory_space<vmem>>)
      tpu.yield
    }) : () -> ()
    %scan3A = arith.constant 0 : i32
    %scan3A_1308 = arith.constant 0 : i32
    %scan3A_1309 = arith.constant 200 : i32
    %scan3A_1310 = arith.addi %scan3A_1308, %scan3A_1309 : i32
    %scan3A_1311 = arith.constant 1 : i32
    %scan3A_1312 = scf.for %scan3A_1344 = %scan3A_1308 to %scan3A_1310 step %scan3A_1311 iter_args(%scan3A_1345 = %scan3A) -> (i32)  : i32 {
      %jit3A_1346 = arith.constant 50 : i32
      %div3A_1347 = arith.divsi %scan3A_1344, %jit3A_1346 : i32
      %sign3A_1348 = arith.constant 0 : i32
      %sign3A_1349 = arith.cmpi sgt, %scan3A_1344, %sign3A_1348 : i32
      %sign3A_1350 = arith.extui %sign3A_1349 : i1 to i32
      %sign3A_1351 = arith.constant 0 : i32
      %sign3A_1352 = arith.cmpi slt, %scan3A_1344, %sign3A_1351 : i32
      %sign3A_1353 = arith.extui %sign3A_1352 : i1 to i32
      %sign3A_1354 = arith.subi %sign3A_1350, %sign3A_1353 : i32
      %sign3A_1355 = arith.constant 0 : i32
      %sign3A_1356 = arith.cmpi sgt, %jit3A_1346, %sign3A_1355 : i32
      %sign3A_1357 = arith.extui %sign3A_1356 : i1 to i32
      %sign3A_1358 = arith.constant 0 : i32
      %sign3A_1359 = arith.cmpi slt, %jit3A_1346, %sign3A_1358 : i32
      %sign3A_1360 = arith.extui %sign3A_1359 : i1 to i32
      %sign3A_1361 = arith.subi %sign3A_1357, %sign3A_1360 : i32
      %ne3A_1362 = arith.cmpi ne, %sign3A_1354, %sign3A_1361 : i32
      %rem3A_1363 = arith.remsi %scan3A_1344, %jit3A_1346 : i32
      %ne3A_1364 = arith.constant 0 : i32
      %ne3A_1365 = arith.cmpi ne, %rem3A_1363, %ne3A_1364 : i32
      %and3A_1366 = arith.andi %ne3A_1362, %ne3A_1365 : i1
      %sub3A_1367 = arith.constant 1 : i32
      %sub3A_1368 = arith.subi %div3A_1347, %sub3A_1367 : i32
      %select_n3A_1369 = arith.select %and3A_1366, %sub3A_1368, %div3A_1347 : i32
      %jit3A_1370 = arith.constant 50 : i32
      %eq3A_1371 = arith.constant 0 : i32
      %eq3A_1372 = arith.cmpi eq, %jit3A_1370, %eq3A_1371 : i32
      %jit3A_1373 = arith.constant 1 : i32
      %select_n3A_1374 = arith.select %eq3A_1372, %jit3A_1373, %jit3A_1370 : i32
      %rem3A_1375 = arith.remsi %scan3A_1344, %select_n3A_1374 : i32
      %ne3A_1376 = arith.constant 0 : i32
      %ne3A_1377 = arith.cmpi ne, %rem3A_1375, %ne3A_1376 : i32
      %lt3A_1378 = arith.constant 0 : i32
      %lt3A_1379 = arith.cmpi slt, %rem3A_1375, %lt3A_1378 : i32
      %lt3A_1380 = arith.constant 0 : i32
      %lt3A_1381 = arith.cmpi slt, %select_n3A_1374, %lt3A_1380 : i32
      %ne3A_1382 = arith.xori %lt3A_1379, %lt3A_1381 : i1
      %and3A_1383 = arith.andi %ne3A_1382, %ne3A_1377 : i1
      %add3A_1384 = arith.addi %rem3A_1375, %select_n3A_1374 : i32
      %select_n3A_1385 = arith.select %and3A_1383, %add3A_1384, %rem3A_1375 : i32
      %mul3A_1386 = arith.constant 6400 : i32
      %mul3A_1387 = arith.muli %select_n3A_1369, %mul3A_1386 : i32
      %add3A_1388 = arith.constant 0 : i32
      %add3A_1389 = arith.addi %mul3A_1387, %add3A_1388 : i32
      %add3A_1390 = arith.addi %add3A_1389, %select_n3A_1385 : i32
      %add3A_1391 = vector.broadcast %add3A_1390 : i32 to vector<16xi32>
      %add3A_1392 = arith.addi %mul3A_3, %add3A_1391 : vector<16xi32>
      %gather3A = tpu.vector_load_idx %arg5[%add3A_1392] : memref<25600xi32, #tpu.memory_space<vmem>>[vector<16xi32>], vector<16xi32>,
      %add3A_1393 = arith.addi %gather3A, %gather3A : vector<16xi32>
      %ge3A = arith.constant 503808 : i32
      %ge3A_1394 = vector.broadcast %ge3A : i32 to vector<16xi32>
      %ge3A_1395 = arith.cmpi sge, %gather3A, %ge3A_1394 : vector<16xi32>
      %jit3A_1396 = arith.constant 1007615 : i32
      %jit3A_1397 = arith.constant 0 : i32
      %broadcast_in_dim3A = vector.broadcast %jit3A_1396 : i32 to vector<16xi32>
      %broadcast_in_dim3A_1398 = vector.broadcast %jit3A_1397 : i32 to vector<16xi32>
      %select_n3A_1399 = arith.select %ge3A_1395, %broadcast_in_dim3A, %broadcast_in_dim3A_1398 : vector<16xi1>, vector<16xi32>
      %sub3A_1400 = arith.subi %add3A_1393, %select_n3A_1399 : vector<16xi32>
      %swap3A = arith.index_cast %scan3A_1344 : i32 to index
      %swap3A_1401 = arith.constant 0 : index
      %swap3A_1402 = tpu.vector_load %arg6[%swap3A, %swap3A_1401] {strides = array<i32>} : memref<200x128xi32, #tpu.memory_space<vmem>>, vector<16xi32>,
      tpu.vector_store %arg6[%swap3A, %swap3A_1401], %sub3A_1400 {strides = array<i32>} : memref<200x128xi32, #tpu.memory_space<vmem>>, vector<16xi32>,
      %mul3A_1403 = arith.constant 6400 : i32
      %mul3A_1404 = arith.muli %select_n3A_1369, %mul3A_1403 : i32
      %add3A_1405 = arith.constant 800 : i32
      %add3A_1406 = arith.addi %mul3A_1404, %add3A_1405 : i32
      %add3A_1407 = arith.addi %add3A_1406, %select_n3A_1385 : i32
      %add3A_1408 = vector.broadcast %add3A_1407 : i32 to vector<16xi32>
      %add3A_1409 = arith.addi %mul3A_3, %add3A_1408 : vector<16xi32>
      %gather3A_1410 = tpu.vector_load_idx %arg5[%add3A_1409] : memref<25600xi32, #tpu.memory_space<vmem>>[vector<16xi32>], vector<16xi32>,
      %add3A_1411 = arith.addi %gather3A_1410, %gather3A_1410 : vector<16xi32>
      %ge3A_1412 = arith.constant 503808 : i32
      %ge3A_1413 = vector.broadcast %ge3A_1412 : i32 to vector<16xi32>
      %ge3A_1414 = arith.cmpi sge, %gather3A_1410, %ge3A_1413 : vector<16xi32>
      %jit3A_1415 = arith.constant 1007615 : i32
      %jit3A_1416 = arith.constant 0 : i32
      %broadcast_in_dim3A_1417 = vector.broadcast %jit3A_1415 : i32 to vector<16xi32>
      %broadcast_in_dim3A_1418 = vector.broadcast %jit3A_1416 : i32 to vector<16xi32>
      %select_n3A_1419 = arith.select %ge3A_1414, %broadcast_in_dim3A_1417, %broadcast_in_dim3A_1418 : vector<16xi1>, vector<16xi32>
      %sub3A_1420 = arith.subi %add3A_1411, %select_n3A_1419 : vector<16xi32>
      %swap3A_1421 = arith.index_cast %scan3A_1344 : i32 to index
      %swap3A_1422 = arith.constant 16 : index
      %swap3A_1423 = tpu.vector_load %arg6[%swap3A_1421, %swap3A_1422] {strides = array<i32>} : memref<200x128xi32, #tpu.memory_space<vmem>>, vector<16xi32>,
      tpu.vector_store %arg6[%swap3A_1421, %swap3A_1422], %sub3A_1420 {strides = array<i32>} : memref<200x128xi32, #tpu.memory_space<vmem>>, vector<16xi32>,
      %mul3A_1424 = arith.constant 6400 : i32
      %mul3A_1425 = arith.muli %select_n3A_1369, %mul3A_1424 : i32
      %add3A_1426 = arith.constant 1600 : i32
      %add3A_1427 = arith.addi %mul3A_1425, %add3A_1426 : i32
      %add3A_1428 = arith.addi %add3A_1427, %select_n3A_1385 : i32
      %add3A_1429 = vector.broadcast %add3A_1428 : i32 to vector<16xi32>
      %add3A_1430 = arith.addi %mul3A_3, %add3A_1429 : vector<16xi32>
      %gather3A_1431 = tpu.vector_load_idx %arg5[%add3A_1430] : memref<25600xi32, #tpu.memory_space<vmem>>[vector<16xi32>], vector<16xi32>,
      %add3A_1432 = arith.addi %gather3A_1431, %gather3A_1431 : vector<16xi32>
      %ge3A_1433 = arith.constant 503808 : i32
      %ge3A_1434 = vector.broadcast %ge3A_1433 : i32 to vector<16xi32>
      %ge3A_1435 = arith.cmpi sge, %gather3A_1431, %ge3A_1434 : vector<16xi32>
      %jit3A_1436 = arith.constant 1007615 : i32
      %jit3A_1437 = arith.constant 0 : i32
      %broadcast_in_dim3A_1438 = vector.broadcast %jit3A_1436 : i32 to vector<16xi32>
      %broadcast_in_dim3A_1439 = vector.broadcast %jit3A_1437 : i32 to vector<16xi32>
      %select_n3A_1440 = arith.select %ge3A_1435, %broadcast_in_dim3A_1438, %broadcast_in_dim3A_1439 : vector<16xi1>, vector<16xi32>
      %sub3A_1441 = arith.subi %add3A_1432, %select_n3A_1440 : vector<16xi32>
      %swap3A_1442 = arith.index_cast %scan3A_1344 : i32 to index
      %swap3A_1443 = arith.constant 32 : index
      %swap3A_1444 = tpu.vector_load %arg6[%swap3A_1442, %swap3A_1443] {strides = array<i32>} : memref<200x128xi32, #tpu.memory_space<vmem>>, vector<16xi32>,
      tpu.vector_store %arg6[%swap3A_1442, %swap3A_1443], %sub3A_1441 {strides = array<i32>} : memref<200x128xi32, #tpu.memory_space<vmem>>, vector<16xi32>,
      %mul3A_1445 = arith.constant 6400 : i32
      %mul3A_1446 = arith.muli %select_n3A_1369, %mul3A_1445 : i32
      %add3A_1447 = arith.constant 2400 : i32
      %add3A_1448 = arith.addi %mul3A_1446, %add3A_1447 : i32
      %add3A_1449 = arith.addi %add3A_1448, %select_n3A_1385 : i32
      %add3A_1450 = vector.broadcast %add3A_1449 : i32 to vector<16xi32>
      %add3A_1451 = arith.addi %mul3A_3, %add3A_1450 : vector<16xi32>
      %gather3A_1452 = tpu.vector_load_idx %arg5[%add3A_1451] : memref<25600xi32, #tpu.memory_space<vmem>>[vector<16xi32>], vector<16xi32>,
      %add3A_1453 = arith.addi %gather3A_1452, %gather3A_1452 : vector<16xi32>
      %ge3A_1454 = arith.constant 503808 : i32
      %ge3A_1455 = vector.broadcast %ge3A_1454 : i32 to vector<16xi32>
      %ge3A_1456 = arith.cmpi sge, %gather3A_1452, %ge3A_1455 : vector<16xi32>
      %jit3A_1457 = arith.constant 1007615 : i32
      %jit3A_1458 = arith.constant 0 : i32
      %broadcast_in_dim3A_1459 = vector.broadcast %jit3A_1457 : i32 to vector<16xi32>
      %broadcast_in_dim3A_1460 = vector.broadcast %jit3A_1458 : i32 to vector<16xi32>
      %select_n3A_1461 = arith.select %ge3A_1456, %broadcast_in_dim3A_1459, %broadcast_in_dim3A_1460 : vector<16xi1>, vector<16xi32>
      %sub3A_1462 = arith.subi %add3A_1453, %select_n3A_1461 : vector<16xi32>
      %swap3A_1463 = arith.index_cast %scan3A_1344 : i32 to index
      %swap3A_1464 = arith.constant 48 : index
      %swap3A_1465 = tpu.vector_load %arg6[%swap3A_1463, %swap3A_1464] {strides = array<i32>} : memref<200x128xi32, #tpu.memory_space<vmem>>, vector<16xi32>,
      tpu.vector_store %arg6[%swap3A_1463, %swap3A_1464], %sub3A_1462 {strides = array<i32>} : memref<200x128xi32, #tpu.memory_space<vmem>>, vector<16xi32>,
      %mul3A_1466 = arith.constant 6400 : i32
      %mul3A_1467 = arith.muli %select_n3A_1369, %mul3A_1466 : i32
      %add3A_1468 = arith.constant 3200 : i32
      %add3A_1469 = arith.addi %mul3A_1467, %add3A_1468 : i32
      %add3A_1470 = arith.addi %add3A_1469, %select_n3A_1385 : i32
      %add3A_1471 = vector.broadcast %add3A_1470 : i32 to vector<16xi32>
      %add3A_1472 = arith.addi %mul3A_3, %add3A_1471 : vector<16xi32>
      %gather3A_1473 = tpu.vector_load_idx %arg5[%add3A_1472] : memref<25600xi32, #tpu.memory_space<vmem>>[vector<16xi32>], vector<16xi32>,
      %add3A_1474 = arith.addi %gather3A_1473, %gather3A_1473 : vector<16xi32>
      %ge3A_1475 = arith.constant 503808 : i32
      %ge3A_1476 = vector.broadcast %ge3A_1475 : i32 to vector<16xi32>
      %ge3A_1477 = arith.cmpi sge, %gather3A_1473, %ge3A_1476 : vector<16xi32>
      %jit3A_1478 = arith.constant 1007615 : i32
      %jit3A_1479 = arith.constant 0 : i32
      %broadcast_in_dim3A_1480 = vector.broadcast %jit3A_1478 : i32 to vector<16xi32>
      %broadcast_in_dim3A_1481 = vector.broadcast %jit3A_1479 : i32 to vector<16xi32>
      %select_n3A_1482 = arith.select %ge3A_1477, %broadcast_in_dim3A_1480, %broadcast_in_dim3A_1481 : vector<16xi1>, vector<16xi32>
      %sub3A_1483 = arith.subi %add3A_1474, %select_n3A_1482 : vector<16xi32>
      %swap3A_1484 = arith.index_cast %scan3A_1344 : i32 to index
      %swap3A_1485 = arith.constant 64 : index
      %swap3A_1486 = tpu.vector_load %arg6[%swap3A_1484, %swap3A_1485] {strides = array<i32>} : memref<200x128xi32, #tpu.memory_space<vmem>>, vector<16xi32>,
      tpu.vector_store %arg6[%swap3A_1484, %swap3A_1485], %sub3A_1483 {strides = array<i32>} : memref<200x128xi32, #tpu.memory_space<vmem>>, vector<16xi32>,
      %mul3A_1487 = arith.constant 6400 : i32
      %mul3A_1488 = arith.muli %select_n3A_1369, %mul3A_1487 : i32
      %add3A_1489 = arith.constant 4000 : i32
      %add3A_1490 = arith.addi %mul3A_1488, %add3A_1489 : i32
      %add3A_1491 = arith.addi %add3A_1490, %select_n3A_1385 : i32
      %add3A_1492 = vector.broadcast %add3A_1491 : i32 to vector<16xi32>
      %add3A_1493 = arith.addi %mul3A_3, %add3A_1492 : vector<16xi32>
      %gather3A_1494 = tpu.vector_load_idx %arg5[%add3A_1493] : memref<25600xi32, #tpu.memory_space<vmem>>[vector<16xi32>], vector<16xi32>,
      %add3A_1495 = arith.addi %gather3A_1494, %gather3A_1494 : vector<16xi32>
      %ge3A_1496 = arith.constant 503808 : i32
      %ge3A_1497 = vector.broadcast %ge3A_1496 : i32 to vector<16xi32>
      %ge3A_1498 = arith.cmpi sge, %gather3A_1494, %ge3A_1497 : vector<16xi32>
      %jit3A_1499 = arith.constant 1007615 : i32
      %jit3A_1500 = arith.constant 0 : i32
      %broadcast_in_dim3A_1501 = vector.broadcast %jit3A_1499 : i32 to vector<16xi32>
      %broadcast_in_dim3A_1502 = vector.broadcast %jit3A_1500 : i32 to vector<16xi32>
      %select_n3A_1503 = arith.select %ge3A_1498, %broadcast_in_dim3A_1501, %broadcast_in_dim3A_1502 : vector<16xi1>, vector<16xi32>
      %sub3A_1504 = arith.subi %add3A_1495, %select_n3A_1503 : vector<16xi32>
      %swap3A_1505 = arith.index_cast %scan3A_1344 : i32 to index
      %swap3A_1506 = arith.constant 80 : index
      %swap3A_1507 = tpu.vector_load %arg6[%swap3A_1505, %swap3A_1506] {strides = array<i32>} : memref<200x128xi32, #tpu.memory_space<vmem>>, vector<16xi32>,
      tpu.vector_store %arg6[%swap3A_1505, %swap3A_1506], %sub3A_1504 {strides = array<i32>} : memref<200x128xi32, #tpu.memory_space<vmem>>, vector<16xi32>,
      %mul3A_1508 = arith.constant 6400 : i32
      %mul3A_1509 = arith.muli %select_n3A_1369, %mul3A_1508 : i32
      %add3A_1510 = arith.constant 4800 : i32
      %add3A_1511 = arith.addi %mul3A_1509, %add3A_1510 : i32
      %add3A_1512 = arith.addi %add3A_1511, %select_n3A_1385 : i32
      %add3A_1513 = vector.broadcast %add3A_1512 : i32 to vector<16xi32>
      %add3A_1514 = arith.addi %mul3A_3, %add3A_1513 : vector<16xi32>
      %gather3A_1515 = tpu.vector_load_idx %arg5[%add3A_1514] : memref<25600xi32, #tpu.memory_space<vmem>>[vector<16xi32>], vector<16xi32>,
      %add3A_1516 = arith.addi %gather3A_1515, %gather3A_1515 : vector<16xi32>
      %ge3A_1517 = arith.constant 503808 : i32
      %ge3A_1518 = vector.broadcast %ge3A_1517 : i32 to vector<16xi32>
      %ge3A_1519 = arith.cmpi sge, %gather3A_1515, %ge3A_1518 : vector<16xi32>
      %jit3A_1520 = arith.constant 1007615 : i32
      %jit3A_1521 = arith.constant 0 : i32
      %broadcast_in_dim3A_1522 = vector.broadcast %jit3A_1520 : i32 to vector<16xi32>
      %broadcast_in_dim3A_1523 = vector.broadcast %jit3A_1521 : i32 to vector<16xi32>
      %select_n3A_1524 = arith.select %ge3A_1519, %broadcast_in_dim3A_1522, %broadcast_in_dim3A_1523 : vector<16xi1>, vector<16xi32>
      %sub3A_1525 = arith.subi %add3A_1516, %select_n3A_1524 : vector<16xi32>
      %swap3A_1526 = arith.index_cast %scan3A_1344 : i32 to index
      %swap3A_1527 = arith.constant 96 : index
      %swap3A_1528 = tpu.vector_load %arg6[%swap3A_1526, %swap3A_1527] {strides = array<i32>} : memref<200x128xi32, #tpu.memory_space<vmem>>, vector<16xi32>,
      tpu.vector_store %arg6[%swap3A_1526, %swap3A_1527], %sub3A_1525 {strides = array<i32>} : memref<200x128xi32, #tpu.memory_space<vmem>>, vector<16xi32>,
      %mul3A_1529 = arith.constant 6400 : i32
      %mul3A_1530 = arith.muli %select_n3A_1369, %mul3A_1529 : i32
      %add3A_1531 = arith.constant 5600 : i32
      %add3A_1532 = arith.addi %mul3A_1530, %add3A_1531 : i32
      %add3A_1533 = arith.addi %add3A_1532, %select_n3A_1385 : i32
      %add3A_1534 = vector.broadcast %add3A_1533 : i32 to vector<16xi32>
      %add3A_1535 = arith.addi %mul3A_3, %add3A_1534 : vector<16xi32>
      %gather3A_1536 = tpu.vector_load_idx %arg5[%add3A_1535] : memref<25600xi32, #tpu.memory_space<vmem>>[vector<16xi32>], vector<16xi32>,
      %add3A_1537 = arith.addi %gather3A_1536, %gather3A_1536 : vector<16xi32>
      %ge3A_1538 = arith.constant 503808 : i32
      %ge3A_1539 = vector.broadcast %ge3A_1538 : i32 to vector<16xi32>
      %ge3A_1540 = arith.cmpi sge, %gather3A_1536, %ge3A_1539 : vector<16xi32>
      %jit3A_1541 = arith.constant 1007615 : i32
      %jit3A_1542 = arith.constant 0 : i32
      %broadcast_in_dim3A_1543 = vector.broadcast %jit3A_1541 : i32 to vector<16xi32>
      %broadcast_in_dim3A_1544 = vector.broadcast %jit3A_1542 : i32 to vector<16xi32>
      %select_n3A_1545 = arith.select %ge3A_1540, %broadcast_in_dim3A_1543, %broadcast_in_dim3A_1544 : vector<16xi1>, vector<16xi32>
      %sub3A_1546 = arith.subi %add3A_1537, %select_n3A_1545 : vector<16xi32>
      %swap3A_1547 = arith.index_cast %scan3A_1344 : i32 to index
      %swap3A_1548 = arith.constant 112 : index
      %swap3A_1549 = tpu.vector_load %arg6[%swap3A_1547, %swap3A_1548] {strides = array<i32>} : memref<200x128xi32, #tpu.memory_space<vmem>>, vector<16xi32>,
      tpu.vector_store %arg6[%swap3A_1547, %swap3A_1548], %sub3A_1546 {strides = array<i32>} : memref<200x128xi32, #tpu.memory_space<vmem>>, vector<16xi32>,
      %scan3A_1550 = arith.constant 0 : i32
      scf.yield %scan3A_1550 : i32
    }
    %scan3A_1313 = arith.constant 200 : i32
    %dma_start3A = arith.constant 0 : i32
    %dma_start3A_1314 = arith.constant 0 : i32
    %dma_start3A_1315 = tpu.memref_slice %arg6[%dma_start3A, %dma_start3A_1314] : memref<200x128xi32, #tpu.memory_space<vmem>> -> memref<1x128xi32, #tpu.memory_space<vmem>>
    %dma_start3A_1316 = tpu.memref_squeeze %dma_start3A_1315 : memref<1x128xi32, #tpu.memory_space<vmem>> -> memref<128xi32, #tpu.memory_space<vmem>>
    %dma_start3A_1317 = arith.constant 0 : i32
    %dma_start3A_1318 = arith.constant 0 : i32
    %dma_start3A_1319 = tpu.memref_slice %arg3[%dma_start3A_1317, %dma_start3A_1318] : memref<1007616x64xf32, #tpu.memory_space<hbm>> -> memref<1007616x64xf32, #tpu.memory_space<hbm>>
    tpu.enqueue_indirect_dma source(%dma_start3A_1319 : memref<1007616x64xf32, #tpu.memory_space<hbm>>) target(%arg7 : memref<128x64xf32, #tpu.memory_space<vmem>>) offsets(%dma_start3A_1316 : memref<128xi32, #tpu.memory_space<vmem>>) semaphore(%arg11 : memref<!tpu.dma_semaphore, #tpu.memory_space<semaphore_mem>>)
    %scan3A_1320 = arith.constant 0 : i32
    %scan3A_1321 = arith.constant 0 : i32
    %scan3A_1322 = arith.constant 100 : i32
    %scan3A_1323 = arith.addi %scan3A_1321, %scan3A_1322 : i32
    %scan3A_1324 = arith.constant 1 : i32
    %scan3A_1325 = scf.for %scan3A_1344 = %scan3A_1321 to %scan3A_1323 step %scan3A_1324 iter_args(%scan3A_1345 = %scan3A_1320) -> (i32)  : i32 {
      %mul3A_1346 = arith.constant 2 : i32
      %mul3A_1347 = arith.muli %mul3A_1346, %scan3A_1344 : i32
      %mul3A_1348 = arith.constant 2 : i32
      %mul3A_1349 = arith.muli %mul3A_1348, %scan3A_1344 : i32
      %add3A_1350 = arith.constant 1 : i32
      %add3A_1351 = arith.addi %mul3A_1349, %add3A_1350 : i32
      %dma_wait3A_1352 = arith.constant 0 : i32
      %dma_wait3A_1353 = arith.constant 0 : i32
      %dma_wait3A_1354 = tpu.memref_slice %arg6[%dma_wait3A_1352, %dma_wait3A_1353] : memref<200x128xi32, #tpu.memory_space<vmem>> -> memref<1x128xi32, #tpu.memory_space<vmem>>
      %dma_wait3A_1355 = tpu.memref_squeeze %dma_wait3A_1354 : memref<1x128xi32, #tpu.memory_space<vmem>> -> memref<128xi32, #tpu.memory_space<vmem>>
      %dma_wait3A_1356 = arith.constant 0 : i32
      %dma_wait3A_1357 = arith.constant 0 : i32
      %dma_wait3A_1358 = tpu.memref_slice %arg3[%dma_wait3A_1356, %dma_wait3A_1357] : memref<1007616x64xf32, #tpu.memory_space<hbm>> -> memref<1007616x64xf32, #tpu.memory_space<hbm>>
      tpu.wait_indirect_dma semaphore(%arg11 : memref<!tpu.dma_semaphore, #tpu.memory_space<semaphore_mem>>) src(%dma_wait3A_1358 : memref<1007616x64xf32, #tpu.memory_space<hbm>>) dst(%arg7 : memref<128x64xf32, #tpu.memory_space<vmem>>)
      %dma_start3A_1359 = arith.constant 0 : i32
      %dma_start3A_1360 = tpu.memref_slice %arg6[%add3A_1351, %dma_start3A_1359] : memref<200x128xi32, #tpu.memory_space<vmem>> -> memref<1x128xi32, #tpu.memory_space<vmem>>
      %dma_start3A_1361 = tpu.memref_squeeze %dma_start3A_1360 : memref<1x128xi32, #tpu.memory_space<vmem>> -> memref<128xi32, #tpu.memory_space<vmem>>
      %dma_start3A_1362 = arith.constant 0 : i32
      %dma_start3A_1363 = arith.constant 0 : i32
      %dma_start3A_1364 = tpu.memref_slice %arg3[%dma_start3A_1362, %dma_start3A_1363] : memref<1007616x64xf32, #tpu.memory_space<hbm>> -> memref<1007616x64xf32, #tpu.memory_space<hbm>>
      tpu.enqueue_indirect_dma source(%dma_start3A_1364 : memref<1007616x64xf32, #tpu.memory_space<hbm>>) target(%arg8 : memref<128x64xf32, #tpu.memory_space<vmem>>) offsets(%dma_start3A_1361 : memref<128xi32, #tpu.memory_space<vmem>>) semaphore(%arg11 : memref<!tpu.dma_semaphore, #tpu.memory_space<semaphore_mem>>)
      %ge3A = arith.constant 1 : i32
      %ge3A_1365 = arith.cmpi sge, %scan3A_1344, %ge3A : i32
      %convert_element_type3A = arith.extui %ge3A_1365 : i1 to i32
      %cond3A = arith.constant 0 : i32
      %cond3A_1366 = arith.cmpi ne, %convert_element_type3A, %cond3A : i32
      scf.if %cond3A_1366 {
        %dma_wait3A_1503 = arith.constant 0 : i32
        %dma_wait3A_1504 = arith.constant 0 : i32
        %dma_wait3A_1505 = arith.constant 0 : i32
        %dma_wait3A_1506 = tpu.memref_slice %arg4[%dma_wait3A_1504, %dma_wait3A_1503, %dma_wait3A_1505] : memref<400x128x1024xf32, #tpu.memory_space<hbm>> -> memref<8x1x1024xf32, #tpu.memory_space<hbm>>
        %dma_wait3A_1507 = tpu.memref_squeeze %dma_wait3A_1506 : memref<8x1x1024xf32, #tpu.memory_space<hbm>> -> memref<8x1024xf32, #tpu.memory_space<hbm>>
        %dma_wait3A_1508 = arith.constant 0 : i32
        %dma_wait3A_1509 = arith.constant 0 : i32
        %dma_wait3A_1510 = tpu.memref_slice %arg4[%dma_wait3A_1508, %dma_wait3A_1503, %dma_wait3A_1509] : memref<400x128x1024xf32, #tpu.memory_space<hbm>> -> memref<8x1x1024xf32, #tpu.memory_space<hbm>>
        %dma_wait3A_1511 = tpu.memref_squeeze %dma_wait3A_1510 : memref<8x1x1024xf32, #tpu.memory_space<hbm>> -> memref<8x1024xf32, #tpu.memory_space<hbm>>
        tpu.wait_dma2 semaphore(%arg12 : memref<!tpu.dma_semaphore, #tpu.memory_space<semaphore_mem>>) src(%arg9 : memref<8x1024xf32, #tpu.memory_space<vmem>>) dst(%dma_wait3A_1511 : memref<8x1024xf32, #tpu.memory_space<hbm>>)
      } else {
      }
      %scan3A_1367 = arith.constant 0 : i32
      %scan3A_1368 = arith.constant 0 : i32
      %scan3A_1369 = arith.constant 8 : i32
      %scan3A_1370 = arith.addi %scan3A_1368, %scan3A_1369 : i32
      %scan3A_1371 = arith.constant 1 : i32
      %scan3A_1372 = scf.for %scan3A_1503 = %scan3A_1368 to %scan3A_1370 step %scan3A_1371 iter_args(%scan3A_1504 = %scan3A_1367) -> (i32)  : i32 {
        %mul3A_1505 = arith.constant 16 : i32
        %mul3A_1506 = arith.muli %scan3A_1503, %mul3A_1505 : i32
        %add3A_1507 = vector.broadcast %mul3A_1506 : i32 to vector<16xi32>
        %add3A_1508 = arith.addi %iota3A, %add3A_1507 : vector<16xi32>
        %mul3A_1509 = arith.constant 16 : i32
        %mul3A_1510 = arith.muli %scan3A_1503, %mul3A_1509 : i32
        %add3A_1511 = arith.constant 0 : i32
        %add3A_1512 = vector.broadcast %add3A_1511 : i32 to vector<16xi32>
        %add3A_1513 = arith.addi %select_n3A_21, %add3A_1512 : vector<16xi32>
        %gather3A = tpu.vector_load_idx %arg7[%add3A_1508, %add3A_1513] : memref<128x64xf32, #tpu.memory_space<vmem>>[vector<16xi32>, vector<16xi32>], vector<16xf32>,
        %add3A_1514 = arith.constant 0 : i32
        %add3A_1515 = vector.broadcast %add3A_1514 : i32 to vector<16xi32>
        %add3A_1516 = arith.addi %select_n3A_424, %add3A_1515 : vector<16xi32>
        %add3A_1517 = vector.broadcast %mul3A_1510 : i32 to vector<16xi32>
        %add3A_1518 = arith.addi %add3A_915, %add3A_1517 : vector<16xi32>
        tpu.vector_store_idx %arg9[%add3A_1516, %add3A_1518], %gather3A : memref<8x1024xf32, #tpu.memory_space<vmem>>[vector<16xi32>, vector<16xi32>], vector<16xf32>,
        %add3A_1519 = arith.constant 0 : i32
        %add3A_1520 = vector.broadcast %add3A_1519 : i32 to vector<16xi32>
        %add3A_1521 = arith.addi %select_n3A_46, %add3A_1520 : vector<16xi32>
        %gather3A_1522 = tpu.vector_load_idx %arg7[%add3A_1508, %add3A_1521] : memref<128x64xf32, #tpu.memory_space<vmem>>[vector<16xi32>, vector<16xi32>], vector<16xf32>,
        %add3A_1523 = arith.constant 0 : i32
        %add3A_1524 = vector.broadcast %add3A_1523 : i32 to vector<16xi32>
        %add3A_1525 = arith.addi %select_n3A_455, %add3A_1524 : vector<16xi32>
        %add3A_1526 = vector.broadcast %mul3A_1510 : i32 to vector<16xi32>
        %add3A_1527 = arith.addi %add3A_941, %add3A_1526 : vector<16xi32>
        tpu.vector_store_idx %arg9[%add3A_1525, %add3A_1527], %gather3A_1522 : memref<8x1024xf32, #tpu.memory_space<vmem>>[vector<16xi32>, vector<16xi32>], vector<16xf32>,
        %add3A_1528 = arith.constant 0 : i32
        %add3A_1529 = vector.broadcast %add3A_1528 : i32 to vector<16xi32>
        %add3A_1530 = arith.addi %select_n3A_71, %add3A_1529 : vector<16xi32>
        %gather3A_1531 = tpu.vector_load_idx %arg7[%add3A_1508, %add3A_1530] : memref<128x64xf32, #tpu.memory_space<vmem>>[vector<16xi32>, vector<16xi32>], vector<16xf32>,
        %add3A_1532 = arith.constant 0 : i32
        %add3A_1533 = vector.broadcast %add3A_1532 : i32 to vector<16xi32>
        %add3A_1534 = arith.addi %select_n3A_486, %add3A_1533 : vector<16xi32>
        %add3A_1535 = vector.broadcast %mul3A_1510 : i32 to vector<16xi32>
        %add3A_1536 = arith.addi %add3A_967, %add3A_1535 : vector<16xi32>
        tpu.vector_store_idx %arg9[%add3A_1534, %add3A_1536], %gather3A_1531 : memref<8x1024xf32, #tpu.memory_space<vmem>>[vector<16xi32>, vector<16xi32>], vector<16xf32>,
        %add3A_1537 = arith.constant 0 : i32
        %add3A_1538 = vector.broadcast %add3A_1537 : i32 to vector<16xi32>
        %add3A_1539 = arith.addi %select_n3A_96, %add3A_1538 : vector<16xi32>
        %gather3A_1540 = tpu.vector_load_idx %arg7[%add3A_1508, %add3A_1539] : memref<128x64xf32, #tpu.memory_space<vmem>>[vector<16xi32>, vector<16xi32>], vector<16xf32>,
        %add3A_1541 = arith.constant 0 : i32
        %add3A_1542 = vector.broadcast %add3A_1541 : i32 to vector<16xi32>
        %add3A_1543 = arith.addi %select_n3A_517, %add3A_1542 : vector<16xi32>
        %add3A_1544 = vector.broadcast %mul3A_1510 : i32 to vector<16xi32>
        %add3A_1545 = arith.addi %add3A_993, %add3A_1544 : vector<16xi32>
        tpu.vector_store_idx %arg9[%add3A_1543, %add3A_1545], %gather3A_1540 : memref<8x1024xf32, #tpu.memory_space<vmem>>[vector<16xi32>, vector<16xi32>], vector<16xf32>,
        %add3A_1546 = arith.constant 0 : i32
        %add3A_1547 = vector.broadcast %add3A_1546 : i32 to vector<16xi32>
        %add3A_1548 = arith.addi %select_n3A_121, %add3A_1547 : vector<16xi32>
        %gather3A_1549 = tpu.vector_load_idx %arg7[%add3A_1508, %add3A_1548] : memref<128x64xf32, #tpu.memory_space<vmem>>[vector<16xi32>, vector<16xi32>], vector<16xf32>,
        %add3A_1550 = arith.constant 0 : i32
        %add3A_1551 = vector.broadcast %add3A_1550 : i32 to vector<16xi32>
        %add3A_1552 = arith.addi %select_n3A_548, %add3A_1551 : vector<16xi32>
        %add3A_1553 = vector.broadcast %mul3A_1510 : i32 to vector<16xi32>
        %add3A_1554 = arith.addi %add3A_1019, %add3A_1553 : vector<16xi32>
        tpu.vector_store_idx %arg9[%add3A_1552, %add3A_1554], %gather3A_1549 : memref<8x1024xf32, #tpu.memory_space<vmem>>[vector<16xi32>, vector<16xi32>], vector<16xf32>,
        %add3A_1555 = arith.constant 0 : i32
        %add3A_1556 = vector.broadcast %add3A_1555 : i32 to vector<16xi32>
        %add3A_1557 = arith.addi %select_n3A_146, %add3A_1556 : vector<16xi32>
        %gather3A_1558 = tpu.vector_load_idx %arg7[%add3A_1508, %add3A_1557] : memref<128x64xf32, #tpu.memory_space<vmem>>[vector<16xi32>, vector<16xi32>], vector<16xf32>,
        %add3A_1559 = arith.constant 0 : i32
        %add3A_1560 = vector.broadcast %add3A_1559 : i32 to vector<16xi32>
        %add3A_1561 = arith.addi %select_n3A_579, %add3A_1560 : vector<16xi32>
        %add3A_1562 = vector.broadcast %mul3A_1510 : i32 to vector<16xi32>
        %add3A_1563 = arith.addi %add3A_1045, %add3A_1562 : vector<16xi32>
        tpu.vector_store_idx %arg9[%add3A_1561, %add3A_1563], %gather3A_1558 : memref<8x1024xf32, #tpu.memory_space<vmem>>[vector<16xi32>, vector<16xi32>], vector<16xf32>,
        %add3A_1564 = arith.constant 0 : i32
        %add3A_1565 = vector.broadcast %add3A_1564 : i32 to vector<16xi32>
        %add3A_1566 = arith.addi %select_n3A_171, %add3A_1565 : vector<16xi32>
        %gather3A_1567 = tpu.vector_load_idx %arg7[%add3A_1508, %add3A_1566] : memref<128x64xf32, #tpu.memory_space<vmem>>[vector<16xi32>, vector<16xi32>], vector<16xf32>,
        %add3A_1568 = arith.constant 0 : i32
        %add3A_1569 = vector.broadcast %add3A_1568 : i32 to vector<16xi32>
        %add3A_1570 = arith.addi %select_n3A_610, %add3A_1569 : vector<16xi32>
        %add3A_1571 = vector.broadcast %mul3A_1510 : i32 to vector<16xi32>
        %add3A_1572 = arith.addi %add3A_1071, %add3A_1571 : vector<16xi32>
        tpu.vector_store_idx %arg9[%add3A_1570, %add3A_1572], %gather3A_1567 : memref<8x1024xf32, #tpu.memory_space<vmem>>[vector<16xi32>, vector<16xi32>], vector<16xf32>,
        %add3A_1573 = arith.constant 0 : i32
        %add3A_1574 = vector.broadcast %add3A_1573 : i32 to vector<16xi32>
        %add3A_1575 = arith.addi %select_n3A_196, %add3A_1574 : vector<16xi32>
        %gather3A_1576 = tpu.vector_load_idx %arg7[%add3A_1508, %add3A_1575] : memref<128x64xf32, #tpu.memory_space<vmem>>[vector<16xi32>, vector<16xi32>], vector<16xf32>,
        %add3A_1577 = arith.constant 0 : i32
        %add3A_1578 = vector.broadcast %add3A_1577 : i32 to vector<16xi32>
        %add3A_1579 = arith.addi %select_n3A_641, %add3A_1578 : vector<16xi32>
        %add3A_1580 = vector.broadcast %mul3A_1510 : i32 to vector<16xi32>
        %add3A_1581 = arith.addi %add3A_1097, %add3A_1580 : vector<16xi32>
        tpu.vector_store_idx %arg9[%add3A_1579, %add3A_1581], %gather3A_1576 : memref<8x1024xf32, #tpu.memory_space<vmem>>[vector<16xi32>, vector<16xi32>], vector<16xf32>,
        %add3A_1582 = arith.constant 0 : i32
        %add3A_1583 = vector.broadcast %add3A_1582 : i32 to vector<16xi32>
        %add3A_1584 = arith.addi %select_n3A_221, %add3A_1583 : vector<16xi32>
        %gather3A_1585 = tpu.vector_load_idx %arg7[%add3A_1508, %add3A_1584] : memref<128x64xf32, #tpu.memory_space<vmem>>[vector<16xi32>, vector<16xi32>], vector<16xf32>,
        %add3A_1586 = arith.constant 0 : i32
        %add3A_1587 = vector.broadcast %add3A_1586 : i32 to vector<16xi32>
        %add3A_1588 = arith.addi %select_n3A_672, %add3A_1587 : vector<16xi32>
        %add3A_1589 = vector.broadcast %mul3A_1510 : i32 to vector<16xi32>
        %add3A_1590 = arith.addi %add3A_1123, %add3A_1589 : vector<16xi32>
        tpu.vector_store_idx %arg9[%add3A_1588, %add3A_1590], %gather3A_1585 : memref<8x1024xf32, #tpu.memory_space<vmem>>[vector<16xi32>, vector<16xi32>], vector<16xf32>,
        %add3A_1591 = arith.constant 0 : i32
        %add3A_1592 = vector.broadcast %add3A_1591 : i32 to vector<16xi32>
        %add3A_1593 = arith.addi %select_n3A_246, %add3A_1592 : vector<16xi32>
        %gather3A_1594 = tpu.vector_load_idx %arg7[%add3A_1508, %add3A_1593] : memref<128x64xf32, #tpu.memory_space<vmem>>[vector<16xi32>, vector<16xi32>], vector<16xf32>,
        %add3A_1595 = arith.constant 0 : i32
        %add3A_1596 = vector.broadcast %add3A_1595 : i32 to vector<16xi32>
        %add3A_1597 = arith.addi %select_n3A_703, %add3A_1596 : vector<16xi32>
        %add3A_1598 = vector.broadcast %mul3A_1510 : i32 to vector<16xi32>
        %add3A_1599 = arith.addi %add3A_1149, %add3A_1598 : vector<16xi32>
        tpu.vector_store_idx %arg9[%add3A_1597, %add3A_1599], %gather3A_1594 : memref<8x1024xf32, #tpu.memory_space<vmem>>[vector<16xi32>, vector<16xi32>], vector<16xf32>,
        %add3A_1600 = arith.constant 0 : i32
        %add3A_1601 = vector.broadcast %add3A_1600 : i32 to vector<16xi32>
        %add3A_1602 = arith.addi %select_n3A_271, %add3A_1601 : vector<16xi32>
        %gather3A_1603 = tpu.vector_load_idx %arg7[%add3A_1508, %add3A_1602] : memref<128x64xf32, #tpu.memory_space<vmem>>[vector<16xi32>, vector<16xi32>], vector<16xf32>,
        %add3A_1604 = arith.constant 0 : i32
        %add3A_1605 = vector.broadcast %add3A_1604 : i32 to vector<16xi32>
        %add3A_1606 = arith.addi %select_n3A_734, %add3A_1605 : vector<16xi32>
        %add3A_1607 = vector.broadcast %mul3A_1510 : i32 to vector<16xi32>
        %add3A_1608 = arith.addi %add3A_1175, %add3A_1607 : vector<16xi32>
        tpu.vector_store_idx %arg9[%add3A_1606, %add3A_1608], %gather3A_1603 : memref<8x1024xf32, #tpu.memory_space<vmem>>[vector<16xi32>, vector<16xi32>], vector<16xf32>,
        %add3A_1609 = arith.constant 0 : i32
        %add3A_1610 = vector.broadcast %add3A_1609 : i32 to vector<16xi32>
        %add3A_1611 = arith.addi %select_n3A_296, %add3A_1610 : vector<16xi32>
        %gather3A_1612 = tpu.vector_load_idx %arg7[%add3A_1508, %add3A_1611] : memref<128x64xf32, #tpu.memory_space<vmem>>[vector<16xi32>, vector<16xi32>], vector<16xf32>,
        %add3A_1613 = arith.constant 0 : i32
        %add3A_1614 = vector.broadcast %add3A_1613 : i32 to vector<16xi32>
        %add3A_1615 = arith.addi %select_n3A_765, %add3A_1614 : vector<16xi32>
        %add3A_1616 = vector.broadcast %mul3A_1510 : i32 to vector<16xi32>
        %add3A_1617 = arith.addi %add3A_1201, %add3A_1616 : vector<16xi32>
        tpu.vector_store_idx %arg9[%add3A_1615, %add3A_1617], %gather3A_1612 : memref<8x1024xf32, #tpu.memory_space<vmem>>[vector<16xi32>, vector<16xi32>], vector<16xf32>,
        %add3A_1618 = arith.constant 0 : i32
        %add3A_1619 = vector.broadcast %add3A_1618 : i32 to vector<16xi32>
        %add3A_1620 = arith.addi %select_n3A_321, %add3A_1619 : vector<16xi32>
        %gather3A_1621 = tpu.vector_load_idx %arg7[%add3A_1508, %add3A_1620] : memref<128x64xf32, #tpu.memory_space<vmem>>[vector<16xi32>, vector<16xi32>], vector<16xf32>,
        %add3A_1622 = arith.constant 0 : i32
        %add3A_1623 = vector.broadcast %add3A_1622 : i32 to vector<16xi32>
        %add3A_1624 = arith.addi %select_n3A_796, %add3A_1623 : vector<16xi32>
        %add3A_1625 = vector.broadcast %mul3A_1510 : i32 to vector<16xi32>
        %add3A_1626 = arith.addi %add3A_1227, %add3A_1625 : vector<16xi32>
        tpu.vector_store_idx %arg9[%add3A_1624, %add3A_1626], %gather3A_1621 : memref<8x1024xf32, #tpu.memory_space<vmem>>[vector<16xi32>, vector<16xi32>], vector<16xf32>,
        %add3A_1627 = arith.constant 0 : i32
        %add3A_1628 = vector.broadcast %add3A_1627 : i32 to vector<16xi32>
        %add3A_1629 = arith.addi %select_n3A_346, %add3A_1628 : vector<16xi32>
        %gather3A_1630 = tpu.vector_load_idx %arg7[%add3A_1508, %add3A_1629] : memref<128x64xf32, #tpu.memory_space<vmem>>[vector<16xi32>, vector<16xi32>], vector<16xf32>,
        %add3A_1631 = arith.constant 0 : i32
        %add3A_1632 = vector.broadcast %add3A_1631 : i32 to vector<16xi32>
        %add3A_1633 = arith.addi %select_n3A_827, %add3A_1632 : vector<16xi32>
        %add3A_1634 = vector.broadcast %mul3A_1510 : i32 to vector<16xi32>
        %add3A_1635 = arith.addi %add3A_1253, %add3A_1634 : vector<16xi32>
        tpu.vector_store_idx %arg9[%add3A_1633, %add3A_1635], %gather3A_1630 : memref<8x1024xf32, #tpu.memory_space<vmem>>[vector<16xi32>, vector<16xi32>], vector<16xf32>,
        %add3A_1636 = arith.constant 0 : i32
        %add3A_1637 = vector.broadcast %add3A_1636 : i32 to vector<16xi32>
        %add3A_1638 = arith.addi %select_n3A_371, %add3A_1637 : vector<16xi32>
        %gather3A_1639 = tpu.vector_load_idx %arg7[%add3A_1508, %add3A_1638] : memref<128x64xf32, #tpu.memory_space<vmem>>[vector<16xi32>, vector<16xi32>], vector<16xf32>,
        %add3A_1640 = arith.constant 0 : i32
        %add3A_1641 = vector.broadcast %add3A_1640 : i32 to vector<16xi32>
        %add3A_1642 = arith.addi %select_n3A_858, %add3A_1641 : vector<16xi32>
        %add3A_1643 = vector.broadcast %mul3A_1510 : i32 to vector<16xi32>
        %add3A_1644 = arith.addi %add3A_1279, %add3A_1643 : vector<16xi32>
        tpu.vector_store_idx %arg9[%add3A_1642, %add3A_1644], %gather3A_1639 : memref<8x1024xf32, #tpu.memory_space<vmem>>[vector<16xi32>, vector<16xi32>], vector<16xf32>,
        %add3A_1645 = arith.constant 0 : i32
        %add3A_1646 = vector.broadcast %add3A_1645 : i32 to vector<16xi32>
        %add3A_1647 = arith.addi %select_n3A_396, %add3A_1646 : vector<16xi32>
        %gather3A_1648 = tpu.vector_load_idx %arg7[%add3A_1508, %add3A_1647] : memref<128x64xf32, #tpu.memory_space<vmem>>[vector<16xi32>, vector<16xi32>], vector<16xf32>,
        %add3A_1649 = arith.constant 0 : i32
        %add3A_1650 = vector.broadcast %add3A_1649 : i32 to vector<16xi32>
        %add3A_1651 = arith.addi %select_n3A_889, %add3A_1650 : vector<16xi32>
        %add3A_1652 = vector.broadcast %mul3A_1510 : i32 to vector<16xi32>
        %add3A_1653 = arith.addi %add3A_1305, %add3A_1652 : vector<16xi32>
        tpu.vector_store_idx %arg9[%add3A_1651, %add3A_1653], %gather3A_1648 : memref<8x1024xf32, #tpu.memory_space<vmem>>[vector<16xi32>, vector<16xi32>], vector<16xf32>,
        %add3A_1654 = arith.constant 16 : i32
        %add3A_1655 = vector.broadcast %add3A_1654 : i32 to vector<16xi32>
        %add3A_1656 = arith.addi %select_n3A_21, %add3A_1655 : vector<16xi32>
        %gather3A_1657 = tpu.vector_load_idx %arg7[%add3A_1508, %add3A_1656] : memref<128x64xf32, #tpu.memory_space<vmem>>[vector<16xi32>, vector<16xi32>], vector<16xf32>,
        %add3A_1658 = arith.constant 2 : i32
        %add3A_1659 = vector.broadcast %add3A_1658 : i32 to vector<16xi32>
        %add3A_1660 = arith.addi %select_n3A_424, %add3A_1659 : vector<16xi32>
        %add3A_1661 = vector.broadcast %mul3A_1510 : i32 to vector<16xi32>
        %add3A_1662 = arith.addi %add3A_915, %add3A_1661 : vector<16xi32>
        tpu.vector_store_idx %arg9[%add3A_1660, %add3A_1662], %gather3A_1657 : memref<8x1024xf32, #tpu.memory_space<vmem>>[vector<16xi32>, vector<16xi32>], vector<16xf32>,
        %add3A_1663 = arith.constant 16 : i32
        %add3A_1664 = vector.broadcast %add3A_1663 : i32 to vector<16xi32>
        %add3A_1665 = arith.addi %select_n3A_46, %add3A_1664 : vector<16xi32>
        %gather3A_1666 = tpu.vector_load_idx %arg7[%add3A_1508, %add3A_1665] : memref<128x64xf32, #tpu.memory_space<vmem>>[vector<16xi32>, vector<16xi32>], vector<16xf32>,
        %add3A_1667 = arith.constant 2 : i32
        %add3A_1668 = vector.broadcast %add3A_1667 : i32 to vector<16xi32>
        %add3A_1669 = arith.addi %select_n3A_455, %add3A_1668 : vector<16xi32>
        %add3A_1670 = vector.broadcast %mul3A_1510 : i32 to vector<16xi32>
        %add3A_1671 = arith.addi %add3A_941, %add3A_1670 : vector<16xi32>
        tpu.vector_store_idx %arg9[%add3A_1669, %add3A_1671], %gather3A_1666 : memref<8x1024xf32, #tpu.memory_space<vmem>>[vector<16xi32>, vector<16xi32>], vector<16xf32>,
        %add3A_1672 = arith.constant 16 : i32
        %add3A_1673 = vector.broadcast %add3A_1672 : i32 to vector<16xi32>
        %add3A_1674 = arith.addi %select_n3A_71, %add3A_1673 : vector<16xi32>
        %gather3A_1675 = tpu.vector_load_idx %arg7[%add3A_1508, %add3A_1674] : memref<128x64xf32, #tpu.memory_space<vmem>>[vector<16xi32>, vector<16xi32>], vector<16xf32>,
        %add3A_1676 = arith.constant 2 : i32
        %add3A_1677 = vector.broadcast %add3A_1676 : i32 to vector<16xi32>
        %add3A_1678 = arith.addi %select_n3A_486, %add3A_1677 : vector<16xi32>
        %add3A_1679 = vector.broadcast %mul3A_1510 : i32 to vector<16xi32>
        %add3A_1680 = arith.addi %add3A_967, %add3A_1679 : vector<16xi32>
        tpu.vector_store_idx %arg9[%add3A_1678, %add3A_1680], %gather3A_1675 : memref<8x1024xf32, #tpu.memory_space<vmem>>[vector<16xi32>, vector<16xi32>], vector<16xf32>,
        %add3A_1681 = arith.constant 16 : i32
        %add3A_1682 = vector.broadcast %add3A_1681 : i32 to vector<16xi32>
        %add3A_1683 = arith.addi %select_n3A_96, %add3A_1682 : vector<16xi32>
        %gather3A_1684 = tpu.vector_load_idx %arg7[%add3A_1508, %add3A_1683] : memref<128x64xf32, #tpu.memory_space<vmem>>[vector<16xi32>, vector<16xi32>], vector<16xf32>,
        %add3A_1685 = arith.constant 2 : i32
        %add3A_1686 = vector.broadcast %add3A_1685 : i32 to vector<16xi32>
        %add3A_1687 = arith.addi %select_n3A_517, %add3A_1686 : vector<16xi32>
        %add3A_1688 = vector.broadcast %mul3A_1510 : i32 to vector<16xi32>
        %add3A_1689 = arith.addi %add3A_993, %add3A_1688 : vector<16xi32>
        tpu.vector_store_idx %arg9[%add3A_1687, %add3A_1689], %gather3A_1684 : memref<8x1024xf32, #tpu.memory_space<vmem>>[vector<16xi32>, vector<16xi32>], vector<16xf32>,
        %add3A_1690 = arith.constant 16 : i32
        %add3A_1691 = vector.broadcast %add3A_1690 : i32 to vector<16xi32>
        %add3A_1692 = arith.addi %select_n3A_121, %add3A_1691 : vector<16xi32>
        %gather3A_1693 = tpu.vector_load_idx %arg7[%add3A_1508, %add3A_1692] : memref<128x64xf32, #tpu.memory_space<vmem>>[vector<16xi32>, vector<16xi32>], vector<16xf32>,
        %add3A_1694 = arith.constant 2 : i32
        %add3A_1695 = vector.broadcast %add3A_1694 : i32 to vector<16xi32>
        %add3A_1696 = arith.addi %select_n3A_548, %add3A_1695 : vector<16xi32>
        %add3A_1697 = vector.broadcast %mul3A_1510 : i32 to vector<16xi32>
        %add3A_1698 = arith.addi %add3A_1019, %add3A_1697 : vector<16xi32>
        tpu.vector_store_idx %arg9[%add3A_1696, %add3A_1698], %gather3A_1693 : memref<8x1024xf32, #tpu.memory_space<vmem>>[vector<16xi32>, vector<16xi32>], vector<16xf32>,
        %add3A_1699 = arith.constant 16 : i32
        %add3A_1700 = vector.broadcast %add3A_1699 : i32 to vector<16xi32>
        %add3A_1701 = arith.addi %select_n3A_146, %add3A_1700 : vector<16xi32>
        %gather3A_1702 = tpu.vector_load_idx %arg7[%add3A_1508, %add3A_1701] : memref<128x64xf32, #tpu.memory_space<vmem>>[vector<16xi32>, vector<16xi32>], vector<16xf32>,
        %add3A_1703 = arith.constant 2 : i32
        %add3A_1704 = vector.broadcast %add3A_1703 : i32 to vector<16xi32>
        %add3A_1705 = arith.addi %select_n3A_579, %add3A_1704 : vector<16xi32>
        %add3A_1706 = vector.broadcast %mul3A_1510 : i32 to vector<16xi32>
        %add3A_1707 = arith.addi %add3A_1045, %add3A_1706 : vector<16xi32>
        tpu.vector_store_idx %arg9[%add3A_1705, %add3A_1707], %gather3A_1702 : memref<8x1024xf32, #tpu.memory_space<vmem>>[vector<16xi32>, vector<16xi32>], vector<16xf32>,
        %add3A_1708 = arith.constant 16 : i32
        %add3A_1709 = vector.broadcast %add3A_1708 : i32 to vector<16xi32>
        %add3A_1710 = arith.addi %select_n3A_171, %add3A_1709 : vector<16xi32>
        %gather3A_1711 = tpu.vector_load_idx %arg7[%add3A_1508, %add3A_1710] : memref<128x64xf32, #tpu.memory_space<vmem>>[vector<16xi32>, vector<16xi32>], vector<16xf32>,
        %add3A_1712 = arith.constant 2 : i32
        %add3A_1713 = vector.broadcast %add3A_1712 : i32 to vector<16xi32>
        %add3A_1714 = arith.addi %select_n3A_610, %add3A_1713 : vector<16xi32>
        %add3A_1715 = vector.broadcast %mul3A_1510 : i32 to vector<16xi32>
        %add3A_1716 = arith.addi %add3A_1071, %add3A_1715 : vector<16xi32>
        tpu.vector_store_idx %arg9[%add3A_1714, %add3A_1716], %gather3A_1711 : memref<8x1024xf32, #tpu.memory_space<vmem>>[vector<16xi32>, vector<16xi32>], vector<16xf32>,
        %add3A_1717 = arith.constant 16 : i32
        %add3A_1718 = vector.broadcast %add3A_1717 : i32 to vector<16xi32>
        %add3A_1719 = arith.addi %select_n3A_196, %add3A_1718 : vector<16xi32>
        %gather3A_1720 = tpu.vector_load_idx %arg7[%add3A_1508, %add3A_1719] : memref<128x64xf32, #tpu.memory_space<vmem>>[vector<16xi32>, vector<16xi32>], vector<16xf32>,
        %add3A_1721 = arith.constant 2 : i32
        %add3A_1722 = vector.broadcast %add3A_1721 : i32 to vector<16xi32>
        %add3A_1723 = arith.addi %select_n3A_641, %add3A_1722 : vector<16xi32>
        %add3A_1724 = vector.broadcast %mul3A_1510 : i32 to vector<16xi32>
        %add3A_1725 = arith.addi %add3A_1097, %add3A_1724 : vector<16xi32>
        tpu.vector_store_idx %arg9[%add3A_1723, %add3A_1725], %gather3A_1720 : memref<8x1024xf32, #tpu.memory_space<vmem>>[vector<16xi32>, vector<16xi32>], vector<16xf32>,
        %add3A_1726 = arith.constant 16 : i32
        %add3A_1727 = vector.broadcast %add3A_1726 : i32 to vector<16xi32>
        %add3A_1728 = arith.addi %select_n3A_221, %add3A_1727 : vector<16xi32>
        %gather3A_1729 = tpu.vector_load_idx %arg7[%add3A_1508, %add3A_1728] : memref<128x64xf32, #tpu.memory_space<vmem>>[vector<16xi32>, vector<16xi32>], vector<16xf32>,
        %add3A_1730 = arith.constant 2 : i32
        %add3A_1731 = vector.broadcast %add3A_1730 : i32 to vector<16xi32>
        %add3A_1732 = arith.addi %select_n3A_672, %add3A_1731 : vector<16xi32>
        %add3A_1733 = vector.broadcast %mul3A_1510 : i32 to vector<16xi32>
        %add3A_1734 = arith.addi %add3A_1123, %add3A_1733 : vector<16xi32>
        tpu.vector_store_idx %arg9[%add3A_1732, %add3A_1734], %gather3A_1729 : memref<8x1024xf32, #tpu.memory_space<vmem>>[vector<16xi32>, vector<16xi32>], vector<16xf32>,
        %add3A_1735 = arith.constant 16 : i32
        %add3A_1736 = vector.broadcast %add3A_1735 : i32 to vector<16xi32>
        %add3A_1737 = arith.addi %select_n3A_246, %add3A_1736 : vector<16xi32>
        %gather3A_1738 = tpu.vector_load_idx %arg7[%add3A_1508, %add3A_1737] : memref<128x64xf32, #tpu.memory_space<vmem>>[vector<16xi32>, vector<16xi32>], vector<16xf32>,
        %add3A_1739 = arith.constant 2 : i32
        %add3A_1740 = vector.broadcast %add3A_1739 : i32 to vector<16xi32>
        %add3A_1741 = arith.addi %select_n3A_703, %add3A_1740 : vector<16xi32>
        %add3A_1742 = vector.broadcast %mul3A_1510 : i32 to vector<16xi32>
        %add3A_1743 = arith.addi %add3A_1149, %add3A_1742 : vector<16xi32>
        tpu.vector_store_idx %arg9[%add3A_1741, %add3A_1743], %gather3A_1738 : memref<8x1024xf32, #tpu.memory_space<vmem>>[vector<16xi32>, vector<16xi32>], vector<16xf32>,
        %add3A_1744 = arith.constant 16 : i32
        %add3A_1745 = vector.broadcast %add3A_1744 : i32 to vector<16xi32>
        %add3A_1746 = arith.addi %select_n3A_271, %add3A_1745 : vector<16xi32>
        %gather3A_1747 = tpu.vector_load_idx %arg7[%add3A_1508, %add3A_1746] : memref<128x64xf32, #tpu.memory_space<vmem>>[vector<16xi32>, vector<16xi32>], vector<16xf32>,
        %add3A_1748 = arith.constant 2 : i32
        %add3A_1749 = vector.broadcast %add3A_1748 : i32 to vector<16xi32>
        %add3A_1750 = arith.addi %select_n3A_734, %add3A_1749 : vector<16xi32>
        %add3A_1751 = vector.broadcast %mul3A_1510 : i32 to vector<16xi32>
        %add3A_1752 = arith.addi %add3A_1175, %add3A_1751 : vector<16xi32>
        tpu.vector_store_idx %arg9[%add3A_1750, %add3A_1752], %gather3A_1747 : memref<8x1024xf32, #tpu.memory_space<vmem>>[vector<16xi32>, vector<16xi32>], vector<16xf32>,
        %add3A_1753 = arith.constant 16 : i32
        %add3A_1754 = vector.broadcast %add3A_1753 : i32 to vector<16xi32>
        %add3A_1755 = arith.addi %select_n3A_296, %add3A_1754 : vector<16xi32>
        %gather3A_1756 = tpu.vector_load_idx %arg7[%add3A_1508, %add3A_1755] : memref<128x64xf32, #tpu.memory_space<vmem>>[vector<16xi32>, vector<16xi32>], vector<16xf32>,
        %add3A_1757 = arith.constant 2 : i32
        %add3A_1758 = vector.broadcast %add3A_1757 : i32 to vector<16xi32>
        %add3A_1759 = arith.addi %select_n3A_765, %add3A_1758 : vector<16xi32>
        %add3A_1760 = vector.broadcast %mul3A_1510 : i32 to vector<16xi32>
        %add3A_1761 = arith.addi %add3A_1201, %add3A_1760 : vector<16xi32>
        tpu.vector_store_idx %arg9[%add3A_1759, %add3A_1761], %gather3A_1756 : memref<8x1024xf32, #tpu.memory_space<vmem>>[vector<16xi32>, vector<16xi32>], vector<16xf32>,
        %add3A_1762 = arith.constant 16 : i32
        %add3A_1763 = vector.broadcast %add3A_1762 : i32 to vector<16xi32>
        %add3A_1764 = arith.addi %select_n3A_321, %add3A_1763 : vector<16xi32>
        %gather3A_1765 = tpu.vector_load_idx %arg7[%add3A_1508, %add3A_1764] : memref<128x64xf32, #tpu.memory_space<vmem>>[vector<16xi32>, vector<16xi32>], vector<16xf32>,
        %add3A_1766 = arith.constant 2 : i32
        %add3A_1767 = vector.broadcast %add3A_1766 : i32 to vector<16xi32>
        %add3A_1768 = arith.addi %select_n3A_796, %add3A_1767 : vector<16xi32>
        %add3A_1769 = vector.broadcast %mul3A_1510 : i32 to vector<16xi32>
        %add3A_1770 = arith.addi %add3A_1227, %add3A_1769 : vector<16xi32>
        tpu.vector_store_idx %arg9[%add3A_1768, %add3A_1770], %gather3A_1765 : memref<8x1024xf32, #tpu.memory_space<vmem>>[vector<16xi32>, vector<16xi32>], vector<16xf32>,
        %add3A_1771 = arith.constant 16 : i32
        %add3A_1772 = vector.broadcast %add3A_1771 : i32 to vector<16xi32>
        %add3A_1773 = arith.addi %select_n3A_346, %add3A_1772 : vector<16xi32>
        %gather3A_1774 = tpu.vector_load_idx %arg7[%add3A_1508, %add3A_1773] : memref<128x64xf32, #tpu.memory_space<vmem>>[vector<16xi32>, vector<16xi32>], vector<16xf32>,
        %add3A_1775 = arith.constant 2 : i32
        %add3A_1776 = vector.broadcast %add3A_1775 : i32 to vector<16xi32>
        %add3A_1777 = arith.addi %select_n3A_827, %add3A_1776 : vector<16xi32>
        %add3A_1778 = vector.broadcast %mul3A_1510 : i32 to vector<16xi32>
        %add3A_1779 = arith.addi %add3A_1253, %add3A_1778 : vector<16xi32>
        tpu.vector_store_idx %arg9[%add3A_1777, %add3A_1779], %gather3A_1774 : memref<8x1024xf32, #tpu.memory_space<vmem>>[vector<16xi32>, vector<16xi32>], vector<16xf32>,
        %add3A_1780 = arith.constant 16 : i32
        %add3A_1781 = vector.broadcast %add3A_1780 : i32 to vector<16xi32>
        %add3A_1782 = arith.addi %select_n3A_371, %add3A_1781 : vector<16xi32>
        %gather3A_1783 = tpu.vector_load_idx %arg7[%add3A_1508, %add3A_1782] : memref<128x64xf32, #tpu.memory_space<vmem>>[vector<16xi32>, vector<16xi32>], vector<16xf32>,
        %add3A_1784 = arith.constant 2 : i32
        %add3A_1785 = vector.broadcast %add3A_1784 : i32 to vector<16xi32>
        %add3A_1786 = arith.addi %select_n3A_858, %add3A_1785 : vector<16xi32>
        %add3A_1787 = vector.broadcast %mul3A_1510 : i32 to vector<16xi32>
        %add3A_1788 = arith.addi %add3A_1279, %add3A_1787 : vector<16xi32>
        tpu.vector_store_idx %arg9[%add3A_1786, %add3A_1788], %gather3A_1783 : memref<8x1024xf32, #tpu.memory_space<vmem>>[vector<16xi32>, vector<16xi32>], vector<16xf32>,
        %add3A_1789 = arith.constant 16 : i32
        %add3A_1790 = vector.broadcast %add3A_1789 : i32 to vector<16xi32>
        %add3A_1791 = arith.addi %select_n3A_396, %add3A_1790 : vector<16xi32>
        %gather3A_1792 = tpu.vector_load_idx %arg7[%add3A_1508, %add3A_1791] : memref<128x64xf32, #tpu.memory_space<vmem>>[vector<16xi32>, vector<16xi32>], vector<16xf32>,
        %add3A_1793 = arith.constant 2 : i32
        %add3A_1794 = vector.broadcast %add3A_1793 : i32 to vector<16xi32>
        %add3A_1795 = arith.addi %select_n3A_889, %add3A_1794 : vector<16xi32>
        %add3A_1796 = vector.broadcast %mul3A_1510 : i32 to vector<16xi32>
        %add3A_1797 = arith.addi %add3A_1305, %add3A_1796 : vector<16xi32>
        tpu.vector_store_idx %arg9[%add3A_1795, %add3A_1797], %gather3A_1792 : memref<8x1024xf32, #tpu.memory_space<vmem>>[vector<16xi32>, vector<16xi32>], vector<16xf32>,
        %add3A_1798 = arith.constant 32 : i32
        %add3A_1799 = vector.broadcast %add3A_1798 : i32 to vector<16xi32>
        %add3A_1800 = arith.addi %select_n3A_21, %add3A_1799 : vector<16xi32>
        %gather3A_1801 = tpu.vector_load_idx %arg7[%add3A_1508, %add3A_1800] : memref<128x64xf32, #tpu.memory_space<vmem>>[vector<16xi32>, vector<16xi32>], vector<16xf32>,
        %add3A_1802 = arith.constant 4 : i32
        %add3A_1803 = vector.broadcast %add3A_1802 : i32 to vector<16xi32>
        %add3A_1804 = arith.addi %select_n3A_424, %add3A_1803 : vector<16xi32>
        %add3A_1805 = vector.broadcast %mul3A_1510 : i32 to vector<16xi32>
        %add3A_1806 = arith.addi %add3A_915, %add3A_1805 : vector<16xi32>
        tpu.vector_store_idx %arg9[%add3A_1804, %add3A_1806], %gather3A_1801 : memref<8x1024xf32, #tpu.memory_space<vmem>>[vector<16xi32>, vector<16xi32>], vector<16xf32>,
        %add3A_1807 = arith.constant 32 : i32
        %add3A_1808 = vector.broadcast %add3A_1807 : i32 to vector<16xi32>
        %add3A_1809 = arith.addi %select_n3A_46, %add3A_1808 : vector<16xi32>
        %gather3A_1810 = tpu.vector_load_idx %arg7[%add3A_1508, %add3A_1809] : memref<128x64xf32, #tpu.memory_space<vmem>>[vector<16xi32>, vector<16xi32>], vector<16xf32>,
        %add3A_1811 = arith.constant 4 : i32
        %add3A_1812 = vector.broadcast %add3A_1811 : i32 to vector<16xi32>
        %add3A_1813 = arith.addi %select_n3A_455, %add3A_1812 : vector<16xi32>
        %add3A_1814 = vector.broadcast %mul3A_1510 : i32 to vector<16xi32>
        %add3A_1815 = arith.addi %add3A_941, %add3A_1814 : vector<16xi32>
        tpu.vector_store_idx %arg9[%add3A_1813, %add3A_1815], %gather3A_1810 : memref<8x1024xf32, #tpu.memory_space<vmem>>[vector<16xi32>, vector<16xi32>], vector<16xf32>,
        %add3A_1816 = arith.constant 32 : i32
        %add3A_1817 = vector.broadcast %add3A_1816 : i32 to vector<16xi32>
        %add3A_1818 = arith.addi %select_n3A_71, %add3A_1817 : vector<16xi32>
        %gather3A_1819 = tpu.vector_load_idx %arg7[%add3A_1508, %add3A_1818] : memref<128x64xf32, #tpu.memory_space<vmem>>[vector<16xi32>, vector<16xi32>], vector<16xf32>,
        %add3A_1820 = arith.constant 4 : i32
        %add3A_1821 = vector.broadcast %add3A_1820 : i32 to vector<16xi32>
        %add3A_1822 = arith.addi %select_n3A_486, %add3A_1821 : vector<16xi32>
        %add3A_1823 = vector.broadcast %mul3A_1510 : i32 to vector<16xi32>
        %add3A_1824 = arith.addi %add3A_967, %add3A_1823 : vector<16xi32>
        tpu.vector_store_idx %arg9[%add3A_1822, %add3A_1824], %gather3A_1819 : memref<8x1024xf32, #tpu.memory_space<vmem>>[vector<16xi32>, vector<16xi32>], vector<16xf32>,
        %add3A_1825 = arith.constant 32 : i32
        %add3A_1826 = vector.broadcast %add3A_1825 : i32 to vector<16xi32>
        %add3A_1827 = arith.addi %select_n3A_96, %add3A_1826 : vector<16xi32>
        %gather3A_1828 = tpu.vector_load_idx %arg7[%add3A_1508, %add3A_1827] : memref<128x64xf32, #tpu.memory_space<vmem>>[vector<16xi32>, vector<16xi32>], vector<16xf32>,
        %add3A_1829 = arith.constant 4 : i32
        %add3A_1830 = vector.broadcast %add3A_1829 : i32 to vector<16xi32>
        %add3A_1831 = arith.addi %select_n3A_517, %add3A_1830 : vector<16xi32>
        %add3A_1832 = vector.broadcast %mul3A_1510 : i32 to vector<16xi32>
        %add3A_1833 = arith.addi %add3A_993, %add3A_1832 : vector<16xi32>
        tpu.vector_store_idx %arg9[%add3A_1831, %add3A_1833], %gather3A_1828 : memref<8x1024xf32, #tpu.memory_space<vmem>>[vector<16xi32>, vector<16xi32>], vector<16xf32>,
        %add3A_1834 = arith.constant 32 : i32
        %add3A_1835 = vector.broadcast %add3A_1834 : i32 to vector<16xi32>
        %add3A_1836 = arith.addi %select_n3A_121, %add3A_1835 : vector<16xi32>
        %gather3A_1837 = tpu.vector_load_idx %arg7[%add3A_1508, %add3A_1836] : memref<128x64xf32, #tpu.memory_space<vmem>>[vector<16xi32>, vector<16xi32>], vector<16xf32>,
        %add3A_1838 = arith.constant 4 : i32
        %add3A_1839 = vector.broadcast %add3A_1838 : i32 to vector<16xi32>
        %add3A_1840 = arith.addi %select_n3A_548, %add3A_1839 : vector<16xi32>
        %add3A_1841 = vector.broadcast %mul3A_1510 : i32 to vector<16xi32>
        %add3A_1842 = arith.addi %add3A_1019, %add3A_1841 : vector<16xi32>
        tpu.vector_store_idx %arg9[%add3A_1840, %add3A_1842], %gather3A_1837 : memref<8x1024xf32, #tpu.memory_space<vmem>>[vector<16xi32>, vector<16xi32>], vector<16xf32>,
        %add3A_1843 = arith.constant 32 : i32
        %add3A_1844 = vector.broadcast %add3A_1843 : i32 to vector<16xi32>
        %add3A_1845 = arith.addi %select_n3A_146, %add3A_1844 : vector<16xi32>
        %gather3A_1846 = tpu.vector_load_idx %arg7[%add3A_1508, %add3A_1845] : memref<128x64xf32, #tpu.memory_space<vmem>>[vector<16xi32>, vector<16xi32>], vector<16xf32>,
        %add3A_1847 = arith.constant 4 : i32
        %add3A_1848 = vector.broadcast %add3A_1847 : i32 to vector<16xi32>
        %add3A_1849 = arith.addi %select_n3A_579, %add3A_1848 : vector<16xi32>
        %add3A_1850 = vector.broadcast %mul3A_1510 : i32 to vector<16xi32>
        %add3A_1851 = arith.addi %add3A_1045, %add3A_1850 : vector<16xi32>
        tpu.vector_store_idx %arg9[%add3A_1849, %add3A_1851], %gather3A_1846 : memref<8x1024xf32, #tpu.memory_space<vmem>>[vector<16xi32>, vector<16xi32>], vector<16xf32>,
        %add3A_1852 = arith.constant 32 : i32
        %add3A_1853 = vector.broadcast %add3A_1852 : i32 to vector<16xi32>
        %add3A_1854 = arith.addi %select_n3A_171, %add3A_1853 : vector<16xi32>
        %gather3A_1855 = tpu.vector_load_idx %arg7[%add3A_1508, %add3A_1854] : memref<128x64xf32, #tpu.memory_space<vmem>>[vector<16xi32>, vector<16xi32>], vector<16xf32>,
        %add3A_1856 = arith.constant 4 : i32
        %add3A_1857 = vector.broadcast %add3A_1856 : i32 to vector<16xi32>
        %add3A_1858 = arith.addi %select_n3A_610, %add3A_1857 : vector<16xi32>
        %add3A_1859 = vector.broadcast %mul3A_1510 : i32 to vector<16xi32>
        %add3A_1860 = arith.addi %add3A_1071, %add3A_1859 : vector<16xi32>
        tpu.vector_store_idx %arg9[%add3A_1858, %add3A_1860], %gather3A_1855 : memref<8x1024xf32, #tpu.memory_space<vmem>>[vector<16xi32>, vector<16xi32>], vector<16xf32>,
        %add3A_1861 = arith.constant 32 : i32
        %add3A_1862 = vector.broadcast %add3A_1861 : i32 to vector<16xi32>
        %add3A_1863 = arith.addi %select_n3A_196, %add3A_1862 : vector<16xi32>
        %gather3A_1864 = tpu.vector_load_idx %arg7[%add3A_1508, %add3A_1863] : memref<128x64xf32, #tpu.memory_space<vmem>>[vector<16xi32>, vector<16xi32>], vector<16xf32>,
        %add3A_1865 = arith.constant 4 : i32
        %add3A_1866 = vector.broadcast %add3A_1865 : i32 to vector<16xi32>
        %add3A_1867 = arith.addi %select_n3A_641, %add3A_1866 : vector<16xi32>
        %add3A_1868 = vector.broadcast %mul3A_1510 : i32 to vector<16xi32>
        %add3A_1869 = arith.addi %add3A_1097, %add3A_1868 : vector<16xi32>
        tpu.vector_store_idx %arg9[%add3A_1867, %add3A_1869], %gather3A_1864 : memref<8x1024xf32, #tpu.memory_space<vmem>>[vector<16xi32>, vector<16xi32>], vector<16xf32>,
        %add3A_1870 = arith.constant 32 : i32
        %add3A_1871 = vector.broadcast %add3A_1870 : i32 to vector<16xi32>
        %add3A_1872 = arith.addi %select_n3A_221, %add3A_1871 : vector<16xi32>
        %gather3A_1873 = tpu.vector_load_idx %arg7[%add3A_1508, %add3A_1872] : memref<128x64xf32, #tpu.memory_space<vmem>>[vector<16xi32>, vector<16xi32>], vector<16xf32>,
        %add3A_1874 = arith.constant 4 : i32
        %add3A_1875 = vector.broadcast %add3A_1874 : i32 to vector<16xi32>
        %add3A_1876 = arith.addi %select_n3A_672, %add3A_1875 : vector<16xi32>
        %add3A_1877 = vector.broadcast %mul3A_1510 : i32 to vector<16xi32>
        %add3A_1878 = arith.addi %add3A_1123, %add3A_1877 : vector<16xi32>
        tpu.vector_store_idx %arg9[%add3A_1876, %add3A_1878], %gather3A_1873 : memref<8x1024xf32, #tpu.memory_space<vmem>>[vector<16xi32>, vector<16xi32>], vector<16xf32>,
        %add3A_1879 = arith.constant 32 : i32
        %add3A_1880 = vector.broadcast %add3A_1879 : i32 to vector<16xi32>
        %add3A_1881 = arith.addi %select_n3A_246, %add3A_1880 : vector<16xi32>
        %gather3A_1882 = tpu.vector_load_idx %arg7[%add3A_1508, %add3A_1881] : memref<128x64xf32, #tpu.memory_space<vmem>>[vector<16xi32>, vector<16xi32>], vector<16xf32>,
        %add3A_1883 = arith.constant 4 : i32
        %add3A_1884 = vector.broadcast %add3A_1883 : i32 to vector<16xi32>
        %add3A_1885 = arith.addi %select_n3A_703, %add3A_1884 : vector<16xi32>
        %add3A_1886 = vector.broadcast %mul3A_1510 : i32 to vector<16xi32>
        %add3A_1887 = arith.addi %add3A_1149, %add3A_1886 : vector<16xi32>
        tpu.vector_store_idx %arg9[%add3A_1885, %add3A_1887], %gather3A_1882 : memref<8x1024xf32, #tpu.memory_space<vmem>>[vector<16xi32>, vector<16xi32>], vector<16xf32>,
        %add3A_1888 = arith.constant 32 : i32
        %add3A_1889 = vector.broadcast %add3A_1888 : i32 to vector<16xi32>
        %add3A_1890 = arith.addi %select_n3A_271, %add3A_1889 : vector<16xi32>
        %gather3A_1891 = tpu.vector_load_idx %arg7[%add3A_1508, %add3A_1890] : memref<128x64xf32, #tpu.memory_space<vmem>>[vector<16xi32>, vector<16xi32>], vector<16xf32>,
        %add3A_1892 = arith.constant 4 : i32
        %add3A_1893 = vector.broadcast %add3A_1892 : i32 to vector<16xi32>
        %add3A_1894 = arith.addi %select_n3A_734, %add3A_1893 : vector<16xi32>
        %add3A_1895 = vector.broadcast %mul3A_1510 : i32 to vector<16xi32>
        %add3A_1896 = arith.addi %add3A_1175, %add3A_1895 : vector<16xi32>
        tpu.vector_store_idx %arg9[%add3A_1894, %add3A_1896], %gather3A_1891 : memref<8x1024xf32, #tpu.memory_space<vmem>>[vector<16xi32>, vector<16xi32>], vector<16xf32>,
        %add3A_1897 = arith.constant 32 : i32
        %add3A_1898 = vector.broadcast %add3A_1897 : i32 to vector<16xi32>
        %add3A_1899 = arith.addi %select_n3A_296, %add3A_1898 : vector<16xi32>
        %gather3A_1900 = tpu.vector_load_idx %arg7[%add3A_1508, %add3A_1899] : memref<128x64xf32, #tpu.memory_space<vmem>>[vector<16xi32>, vector<16xi32>], vector<16xf32>,
        %add3A_1901 = arith.constant 4 : i32
        %add3A_1902 = vector.broadcast %add3A_1901 : i32 to vector<16xi32>
        %add3A_1903 = arith.addi %select_n3A_765, %add3A_1902 : vector<16xi32>
        %add3A_1904 = vector.broadcast %mul3A_1510 : i32 to vector<16xi32>
        %add3A_1905 = arith.addi %add3A_1201, %add3A_1904 : vector<16xi32>
        tpu.vector_store_idx %arg9[%add3A_1903, %add3A_1905], %gather3A_1900 : memref<8x1024xf32, #tpu.memory_space<vmem>>[vector<16xi32>, vector<16xi32>], vector<16xf32>,
        %add3A_1906 = arith.constant 32 : i32
        %add3A_1907 = vector.broadcast %add3A_1906 : i32 to vector<16xi32>
        %add3A_1908 = arith.addi %select_n3A_321, %add3A_1907 : vector<16xi32>
        %gather3A_1909 = tpu.vector_load_idx %arg7[%add3A_1508, %add3A_1908] : memref<128x64xf32, #tpu.memory_space<vmem>>[vector<16xi32>, vector<16xi32>], vector<16xf32>,
        %add3A_1910 = arith.constant 4 : i32
        %add3A_1911 = vector.broadcast %add3A_1910 : i32 to vector<16xi32>
        %add3A_1912 = arith.addi %select_n3A_796, %add3A_1911 : vector<16xi32>
        %add3A_1913 = vector.broadcast %mul3A_1510 : i32 to vector<16xi32>
        %add3A_1914 = arith.addi %add3A_1227, %add3A_1913 : vector<16xi32>
        tpu.vector_store_idx %arg9[%add3A_1912, %add3A_1914], %gather3A_1909 : memref<8x1024xf32, #tpu.memory_space<vmem>>[vector<16xi32>, vector<16xi32>], vector<16xf32>,
        %add3A_1915 = arith.constant 32 : i32
        %add3A_1916 = vector.broadcast %add3A_1915 : i32 to vector<16xi32>
        %add3A_1917 = arith.addi %select_n3A_346, %add3A_1916 : vector<16xi32>
        %gather3A_1918 = tpu.vector_load_idx %arg7[%add3A_1508, %add3A_1917] : memref<128x64xf32, #tpu.memory_space<vmem>>[vector<16xi32>, vector<16xi32>], vector<16xf32>,
        %add3A_1919 = arith.constant 4 : i32
        %add3A_1920 = vector.broadcast %add3A_1919 : i32 to vector<16xi32>
        %add3A_1921 = arith.addi %select_n3A_827, %add3A_1920 : vector<16xi32>
        %add3A_1922 = vector.broadcast %mul3A_1510 : i32 to vector<16xi32>
        %add3A_1923 = arith.addi %add3A_1253, %add3A_1922 : vector<16xi32>
        tpu.vector_store_idx %arg9[%add3A_1921, %add3A_1923], %gather3A_1918 : memref<8x1024xf32, #tpu.memory_space<vmem>>[vector<16xi32>, vector<16xi32>], vector<16xf32>,
        %add3A_1924 = arith.constant 32 : i32
        %add3A_1925 = vector.broadcast %add3A_1924 : i32 to vector<16xi32>
        %add3A_1926 = arith.addi %select_n3A_371, %add3A_1925 : vector<16xi32>
        %gather3A_1927 = tpu.vector_load_idx %arg7[%add3A_1508, %add3A_1926] : memref<128x64xf32, #tpu.memory_space<vmem>>[vector<16xi32>, vector<16xi32>], vector<16xf32>,
        %add3A_1928 = arith.constant 4 : i32
        %add3A_1929 = vector.broadcast %add3A_1928 : i32 to vector<16xi32>
        %add3A_1930 = arith.addi %select_n3A_858, %add3A_1929 : vector<16xi32>
        %add3A_1931 = vector.broadcast %mul3A_1510 : i32 to vector<16xi32>
        %add3A_1932 = arith.addi %add3A_1279, %add3A_1931 : vector<16xi32>
        tpu.vector_store_idx %arg9[%add3A_1930, %add3A_1932], %gather3A_1927 : memref<8x1024xf32, #tpu.memory_space<vmem>>[vector<16xi32>, vector<16xi32>], vector<16xf32>,
        %add3A_1933 = arith.constant 32 : i32
        %add3A_1934 = vector.broadcast %add3A_1933 : i32 to vector<16xi32>
        %add3A_1935 = arith.addi %select_n3A_396, %add3A_1934 : vector<16xi32>
        %gather3A_1936 = tpu.vector_load_idx %arg7[%add3A_1508, %add3A_1935] : memref<128x64xf32, #tpu.memory_space<vmem>>[vector<16xi32>, vector<16xi32>], vector<16xf32>,
        %add3A_1937 = arith.constant 4 : i32
        %add3A_1938 = vector.broadcast %add3A_1937 : i32 to vector<16xi32>
        %add3A_1939 = arith.addi %select_n3A_889, %add3A_1938 : vector<16xi32>
        %add3A_1940 = vector.broadcast %mul3A_1510 : i32 to vector<16xi32>
        %add3A_1941 = arith.addi %add3A_1305, %add3A_1940 : vector<16xi32>
        tpu.vector_store_idx %arg9[%add3A_1939, %add3A_1941], %gather3A_1936 : memref<8x1024xf32, #tpu.memory_space<vmem>>[vector<16xi32>, vector<16xi32>], vector<16xf32>,
        %add3A_1942 = arith.constant 48 : i32
        %add3A_1943 = vector.broadcast %add3A_1942 : i32 to vector<16xi32>
        %add3A_1944 = arith.addi %select_n3A_21, %add3A_1943 : vector<16xi32>
        %gather3A_1945 = tpu.vector_load_idx %arg7[%add3A_1508, %add3A_1944] : memref<128x64xf32, #tpu.memory_space<vmem>>[vector<16xi32>, vector<16xi32>], vector<16xf32>,
        %add3A_1946 = arith.constant 6 : i32
        %add3A_1947 = vector.broadcast %add3A_1946 : i32 to vector<16xi32>
        %add3A_1948 = arith.addi %select_n3A_424, %add3A_1947 : vector<16xi32>
        %add3A_1949 = vector.broadcast %mul3A_1510 : i32 to vector<16xi32>
        %add3A_1950 = arith.addi %add3A_915, %add3A_1949 : vector<16xi32>
        tpu.vector_store_idx %arg9[%add3A_1948, %add3A_1950], %gather3A_1945 : memref<8x1024xf32, #tpu.memory_space<vmem>>[vector<16xi32>, vector<16xi32>], vector<16xf32>,
        %add3A_1951 = arith.constant 48 : i32
        %add3A_1952 = vector.broadcast %add3A_1951 : i32 to vector<16xi32>
        %add3A_1953 = arith.addi %select_n3A_46, %add3A_1952 : vector<16xi32>
        %gather3A_1954 = tpu.vector_load_idx %arg7[%add3A_1508, %add3A_1953] : memref<128x64xf32, #tpu.memory_space<vmem>>[vector<16xi32>, vector<16xi32>], vector<16xf32>,
        %add3A_1955 = arith.constant 6 : i32
        %add3A_1956 = vector.broadcast %add3A_1955 : i32 to vector<16xi32>
        %add3A_1957 = arith.addi %select_n3A_455, %add3A_1956 : vector<16xi32>
        %add3A_1958 = vector.broadcast %mul3A_1510 : i32 to vector<16xi32>
        %add3A_1959 = arith.addi %add3A_941, %add3A_1958 : vector<16xi32>
        tpu.vector_store_idx %arg9[%add3A_1957, %add3A_1959], %gather3A_1954 : memref<8x1024xf32, #tpu.memory_space<vmem>>[vector<16xi32>, vector<16xi32>], vector<16xf32>,
        %add3A_1960 = arith.constant 48 : i32
        %add3A_1961 = vector.broadcast %add3A_1960 : i32 to vector<16xi32>
        %add3A_1962 = arith.addi %select_n3A_71, %add3A_1961 : vector<16xi32>
        %gather3A_1963 = tpu.vector_load_idx %arg7[%add3A_1508, %add3A_1962] : memref<128x64xf32, #tpu.memory_space<vmem>>[vector<16xi32>, vector<16xi32>], vector<16xf32>,
        %add3A_1964 = arith.constant 6 : i32
        %add3A_1965 = vector.broadcast %add3A_1964 : i32 to vector<16xi32>
        %add3A_1966 = arith.addi %select_n3A_486, %add3A_1965 : vector<16xi32>
        %add3A_1967 = vector.broadcast %mul3A_1510 : i32 to vector<16xi32>
        %add3A_1968 = arith.addi %add3A_967, %add3A_1967 : vector<16xi32>
        tpu.vector_store_idx %arg9[%add3A_1966, %add3A_1968], %gather3A_1963 : memref<8x1024xf32, #tpu.memory_space<vmem>>[vector<16xi32>, vector<16xi32>], vector<16xf32>,
        %add3A_1969 = arith.constant 48 : i32
        %add3A_1970 = vector.broadcast %add3A_1969 : i32 to vector<16xi32>
        %add3A_1971 = arith.addi %select_n3A_96, %add3A_1970 : vector<16xi32>
        %gather3A_1972 = tpu.vector_load_idx %arg7[%add3A_1508, %add3A_1971] : memref<128x64xf32, #tpu.memory_space<vmem>>[vector<16xi32>, vector<16xi32>], vector<16xf32>,
        %add3A_1973 = arith.constant 6 : i32
        %add3A_1974 = vector.broadcast %add3A_1973 : i32 to vector<16xi32>
        %add3A_1975 = arith.addi %select_n3A_517, %add3A_1974 : vector<16xi32>
        %add3A_1976 = vector.broadcast %mul3A_1510 : i32 to vector<16xi32>
        %add3A_1977 = arith.addi %add3A_993, %add3A_1976 : vector<16xi32>
        tpu.vector_store_idx %arg9[%add3A_1975, %add3A_1977], %gather3A_1972 : memref<8x1024xf32, #tpu.memory_space<vmem>>[vector<16xi32>, vector<16xi32>], vector<16xf32>,
        %add3A_1978 = arith.constant 48 : i32
        %add3A_1979 = vector.broadcast %add3A_1978 : i32 to vector<16xi32>
        %add3A_1980 = arith.addi %select_n3A_121, %add3A_1979 : vector<16xi32>
        %gather3A_1981 = tpu.vector_load_idx %arg7[%add3A_1508, %add3A_1980] : memref<128x64xf32, #tpu.memory_space<vmem>>[vector<16xi32>, vector<16xi32>], vector<16xf32>,
        %add3A_1982 = arith.constant 6 : i32
        %add3A_1983 = vector.broadcast %add3A_1982 : i32 to vector<16xi32>
        %add3A_1984 = arith.addi %select_n3A_548, %add3A_1983 : vector<16xi32>
        %add3A_1985 = vector.broadcast %mul3A_1510 : i32 to vector<16xi32>
        %add3A_1986 = arith.addi %add3A_1019, %add3A_1985 : vector<16xi32>
        tpu.vector_store_idx %arg9[%add3A_1984, %add3A_1986], %gather3A_1981 : memref<8x1024xf32, #tpu.memory_space<vmem>>[vector<16xi32>, vector<16xi32>], vector<16xf32>,
        %add3A_1987 = arith.constant 48 : i32
        %add3A_1988 = vector.broadcast %add3A_1987 : i32 to vector<16xi32>
        %add3A_1989 = arith.addi %select_n3A_146, %add3A_1988 : vector<16xi32>
        %gather3A_1990 = tpu.vector_load_idx %arg7[%add3A_1508, %add3A_1989] : memref<128x64xf32, #tpu.memory_space<vmem>>[vector<16xi32>, vector<16xi32>], vector<16xf32>,
        %add3A_1991 = arith.constant 6 : i32
        %add3A_1992 = vector.broadcast %add3A_1991 : i32 to vector<16xi32>
        %add3A_1993 = arith.addi %select_n3A_579, %add3A_1992 : vector<16xi32>
        %add3A_1994 = vector.broadcast %mul3A_1510 : i32 to vector<16xi32>
        %add3A_1995 = arith.addi %add3A_1045, %add3A_1994 : vector<16xi32>
        tpu.vector_store_idx %arg9[%add3A_1993, %add3A_1995], %gather3A_1990 : memref<8x1024xf32, #tpu.memory_space<vmem>>[vector<16xi32>, vector<16xi32>], vector<16xf32>,
        %add3A_1996 = arith.constant 48 : i32
        %add3A_1997 = vector.broadcast %add3A_1996 : i32 to vector<16xi32>
        %add3A_1998 = arith.addi %select_n3A_171, %add3A_1997 : vector<16xi32>
        %gather3A_1999 = tpu.vector_load_idx %arg7[%add3A_1508, %add3A_1998] : memref<128x64xf32, #tpu.memory_space<vmem>>[vector<16xi32>, vector<16xi32>], vector<16xf32>,
        %add3A_2000 = arith.constant 6 : i32
        %add3A_2001 = vector.broadcast %add3A_2000 : i32 to vector<16xi32>
        %add3A_2002 = arith.addi %select_n3A_610, %add3A_2001 : vector<16xi32>
        %add3A_2003 = vector.broadcast %mul3A_1510 : i32 to vector<16xi32>
        %add3A_2004 = arith.addi %add3A_1071, %add3A_2003 : vector<16xi32>
        tpu.vector_store_idx %arg9[%add3A_2002, %add3A_2004], %gather3A_1999 : memref<8x1024xf32, #tpu.memory_space<vmem>>[vector<16xi32>, vector<16xi32>], vector<16xf32>,
        %add3A_2005 = arith.constant 48 : i32
        %add3A_2006 = vector.broadcast %add3A_2005 : i32 to vector<16xi32>
        %add3A_2007 = arith.addi %select_n3A_196, %add3A_2006 : vector<16xi32>
        %gather3A_2008 = tpu.vector_load_idx %arg7[%add3A_1508, %add3A_2007] : memref<128x64xf32, #tpu.memory_space<vmem>>[vector<16xi32>, vector<16xi32>], vector<16xf32>,
        %add3A_2009 = arith.constant 6 : i32
        %add3A_2010 = vector.broadcast %add3A_2009 : i32 to vector<16xi32>
        %add3A_2011 = arith.addi %select_n3A_641, %add3A_2010 : vector<16xi32>
        %add3A_2012 = vector.broadcast %mul3A_1510 : i32 to vector<16xi32>
        %add3A_2013 = arith.addi %add3A_1097, %add3A_2012 : vector<16xi32>
        tpu.vector_store_idx %arg9[%add3A_2011, %add3A_2013], %gather3A_2008 : memref<8x1024xf32, #tpu.memory_space<vmem>>[vector<16xi32>, vector<16xi32>], vector<16xf32>,
        %add3A_2014 = arith.constant 48 : i32
        %add3A_2015 = vector.broadcast %add3A_2014 : i32 to vector<16xi32>
        %add3A_2016 = arith.addi %select_n3A_221, %add3A_2015 : vector<16xi32>
        %gather3A_2017 = tpu.vector_load_idx %arg7[%add3A_1508, %add3A_2016] : memref<128x64xf32, #tpu.memory_space<vmem>>[vector<16xi32>, vector<16xi32>], vector<16xf32>,
        %add3A_2018 = arith.constant 6 : i32
        %add3A_2019 = vector.broadcast %add3A_2018 : i32 to vector<16xi32>
        %add3A_2020 = arith.addi %select_n3A_672, %add3A_2019 : vector<16xi32>
        %add3A_2021 = vector.broadcast %mul3A_1510 : i32 to vector<16xi32>
        %add3A_2022 = arith.addi %add3A_1123, %add3A_2021 : vector<16xi32>
        tpu.vector_store_idx %arg9[%add3A_2020, %add3A_2022], %gather3A_2017 : memref<8x1024xf32, #tpu.memory_space<vmem>>[vector<16xi32>, vector<16xi32>], vector<16xf32>,
        %add3A_2023 = arith.constant 48 : i32
        %add3A_2024 = vector.broadcast %add3A_2023 : i32 to vector<16xi32>
        %add3A_2025 = arith.addi %select_n3A_246, %add3A_2024 : vector<16xi32>
        %gather3A_2026 = tpu.vector_load_idx %arg7[%add3A_1508, %add3A_2025] : memref<128x64xf32, #tpu.memory_space<vmem>>[vector<16xi32>, vector<16xi32>], vector<16xf32>,
        %add3A_2027 = arith.constant 6 : i32
        %add3A_2028 = vector.broadcast %add3A_2027 : i32 to vector<16xi32>
        %add3A_2029 = arith.addi %select_n3A_703, %add3A_2028 : vector<16xi32>
        %add3A_2030 = vector.broadcast %mul3A_1510 : i32 to vector<16xi32>
        %add3A_2031 = arith.addi %add3A_1149, %add3A_2030 : vector<16xi32>
        tpu.vector_store_idx %arg9[%add3A_2029, %add3A_2031], %gather3A_2026 : memref<8x1024xf32, #tpu.memory_space<vmem>>[vector<16xi32>, vector<16xi32>], vector<16xf32>,
        %add3A_2032 = arith.constant 48 : i32
        %add3A_2033 = vector.broadcast %add3A_2032 : i32 to vector<16xi32>
        %add3A_2034 = arith.addi %select_n3A_271, %add3A_2033 : vector<16xi32>
        %gather3A_2035 = tpu.vector_load_idx %arg7[%add3A_1508, %add3A_2034] : memref<128x64xf32, #tpu.memory_space<vmem>>[vector<16xi32>, vector<16xi32>], vector<16xf32>,
        %add3A_2036 = arith.constant 6 : i32
        %add3A_2037 = vector.broadcast %add3A_2036 : i32 to vector<16xi32>
        %add3A_2038 = arith.addi %select_n3A_734, %add3A_2037 : vector<16xi32>
        %add3A_2039 = vector.broadcast %mul3A_1510 : i32 to vector<16xi32>
        %add3A_2040 = arith.addi %add3A_1175, %add3A_2039 : vector<16xi32>
        tpu.vector_store_idx %arg9[%add3A_2038, %add3A_2040], %gather3A_2035 : memref<8x1024xf32, #tpu.memory_space<vmem>>[vector<16xi32>, vector<16xi32>], vector<16xf32>,
        %add3A_2041 = arith.constant 48 : i32
        %add3A_2042 = vector.broadcast %add3A_2041 : i32 to vector<16xi32>
        %add3A_2043 = arith.addi %select_n3A_296, %add3A_2042 : vector<16xi32>
        %gather3A_2044 = tpu.vector_load_idx %arg7[%add3A_1508, %add3A_2043] : memref<128x64xf32, #tpu.memory_space<vmem>>[vector<16xi32>, vector<16xi32>], vector<16xf32>,
        %add3A_2045 = arith.constant 6 : i32
        %add3A_2046 = vector.broadcast %add3A_2045 : i32 to vector<16xi32>
        %add3A_2047 = arith.addi %select_n3A_765, %add3A_2046 : vector<16xi32>
        %add3A_2048 = vector.broadcast %mul3A_1510 : i32 to vector<16xi32>
        %add3A_2049 = arith.addi %add3A_1201, %add3A_2048 : vector<16xi32>
        tpu.vector_store_idx %arg9[%add3A_2047, %add3A_2049], %gather3A_2044 : memref<8x1024xf32, #tpu.memory_space<vmem>>[vector<16xi32>, vector<16xi32>], vector<16xf32>,
        %add3A_2050 = arith.constant 48 : i32
        %add3A_2051 = vector.broadcast %add3A_2050 : i32 to vector<16xi32>
        %add3A_2052 = arith.addi %select_n3A_321, %add3A_2051 : vector<16xi32>
        %gather3A_2053 = tpu.vector_load_idx %arg7[%add3A_1508, %add3A_2052] : memref<128x64xf32, #tpu.memory_space<vmem>>[vector<16xi32>, vector<16xi32>], vector<16xf32>,
        %add3A_2054 = arith.constant 6 : i32
        %add3A_2055 = vector.broadcast %add3A_2054 : i32 to vector<16xi32>
        %add3A_2056 = arith.addi %select_n3A_796, %add3A_2055 : vector<16xi32>
        %add3A_2057 = vector.broadcast %mul3A_1510 : i32 to vector<16xi32>
        %add3A_2058 = arith.addi %add3A_1227, %add3A_2057 : vector<16xi32>
        tpu.vector_store_idx %arg9[%add3A_2056, %add3A_2058], %gather3A_2053 : memref<8x1024xf32, #tpu.memory_space<vmem>>[vector<16xi32>, vector<16xi32>], vector<16xf32>,
        %add3A_2059 = arith.constant 48 : i32
        %add3A_2060 = vector.broadcast %add3A_2059 : i32 to vector<16xi32>
        %add3A_2061 = arith.addi %select_n3A_346, %add3A_2060 : vector<16xi32>
        %gather3A_2062 = tpu.vector_load_idx %arg7[%add3A_1508, %add3A_2061] : memref<128x64xf32, #tpu.memory_space<vmem>>[vector<16xi32>, vector<16xi32>], vector<16xf32>,
        %add3A_2063 = arith.constant 6 : i32
        %add3A_2064 = vector.broadcast %add3A_2063 : i32 to vector<16xi32>
        %add3A_2065 = arith.addi %select_n3A_827, %add3A_2064 : vector<16xi32>
        %add3A_2066 = vector.broadcast %mul3A_1510 : i32 to vector<16xi32>
        %add3A_2067 = arith.addi %add3A_1253, %add3A_2066 : vector<16xi32>
        tpu.vector_store_idx %arg9[%add3A_2065, %add3A_2067], %gather3A_2062 : memref<8x1024xf32, #tpu.memory_space<vmem>>[vector<16xi32>, vector<16xi32>], vector<16xf32>,
        %add3A_2068 = arith.constant 48 : i32
        %add3A_2069 = vector.broadcast %add3A_2068 : i32 to vector<16xi32>
        %add3A_2070 = arith.addi %select_n3A_371, %add3A_2069 : vector<16xi32>
        %gather3A_2071 = tpu.vector_load_idx %arg7[%add3A_1508, %add3A_2070] : memref<128x64xf32, #tpu.memory_space<vmem>>[vector<16xi32>, vector<16xi32>], vector<16xf32>,
        %add3A_2072 = arith.constant 6 : i32
        %add3A_2073 = vector.broadcast %add3A_2072 : i32 to vector<16xi32>
        %add3A_2074 = arith.addi %select_n3A_858, %add3A_2073 : vector<16xi32>
        %add3A_2075 = vector.broadcast %mul3A_1510 : i32 to vector<16xi32>
        %add3A_2076 = arith.addi %add3A_1279, %add3A_2075 : vector<16xi32>
        tpu.vector_store_idx %arg9[%add3A_2074, %add3A_2076], %gather3A_2071 : memref<8x1024xf32, #tpu.memory_space<vmem>>[vector<16xi32>, vector<16xi32>], vector<16xf32>,
        %add3A_2077 = arith.constant 48 : i32
        %add3A_2078 = vector.broadcast %add3A_2077 : i32 to vector<16xi32>
        %add3A_2079 = arith.addi %select_n3A_396, %add3A_2078 : vector<16xi32>
        %gather3A_2080 = tpu.vector_load_idx %arg7[%add3A_1508, %add3A_2079] : memref<128x64xf32, #tpu.memory_space<vmem>>[vector<16xi32>, vector<16xi32>], vector<16xf32>,
        %add3A_2081 = arith.constant 6 : i32
        %add3A_2082 = vector.broadcast %add3A_2081 : i32 to vector<16xi32>
        %add3A_2083 = arith.addi %select_n3A_889, %add3A_2082 : vector<16xi32>
        %add3A_2084 = vector.broadcast %mul3A_1510 : i32 to vector<16xi32>
        %add3A_2085 = arith.addi %add3A_1305, %add3A_2084 : vector<16xi32>
        tpu.vector_store_idx %arg9[%add3A_2083, %add3A_2085], %gather3A_2080 : memref<8x1024xf32, #tpu.memory_space<vmem>>[vector<16xi32>, vector<16xi32>], vector<16xf32>,
        %scan3A_2086 = arith.constant 0 : i32
        scf.yield %scan3A_2086 : i32
      }
      %scan3A_1373 = arith.constant 8 : i32
      %jit3A_1374 = arith.constant 50 : i32
      %div3A_1375 = arith.divsi %mul3A_1347, %jit3A_1374 : i32
      %sign3A_1376 = arith.constant 0 : i32
      %sign3A_1377 = arith.cmpi sgt, %mul3A_1347, %sign3A_1376 : i32
      %sign3A_1378 = arith.extui %sign3A_1377 : i1 to i32
      %sign3A_1379 = arith.constant 0 : i32
      %sign3A_1380 = arith.cmpi slt, %mul3A_1347, %sign3A_1379 : i32
      %sign3A_1381 = arith.extui %sign3A_1380 : i1 to i32
      %sign3A_1382 = arith.subi %sign3A_1378, %sign3A_1381 : i32
      %sign3A_1383 = arith.constant 0 : i32
      %sign3A_1384 = arith.cmpi sgt, %jit3A_1374, %sign3A_1383 : i32
      %sign3A_1385 = arith.extui %sign3A_1384 : i1 to i32
      %sign3A_1386 = arith.constant 0 : i32
      %sign3A_1387 = arith.cmpi slt, %jit3A_1374, %sign3A_1386 : i32
      %sign3A_1388 = arith.extui %sign3A_1387 : i1 to i32
      %sign3A_1389 = arith.subi %sign3A_1385, %sign3A_1388 : i32
      %ne3A_1390 = arith.cmpi ne, %sign3A_1382, %sign3A_1389 : i32
      %rem3A_1391 = arith.remsi %mul3A_1347, %jit3A_1374 : i32
      %ne3A_1392 = arith.constant 0 : i32
      %ne3A_1393 = arith.cmpi ne, %rem3A_1391, %ne3A_1392 : i32
      %and3A_1394 = arith.andi %ne3A_1390, %ne3A_1393 : i1
      %sub3A_1395 = arith.constant 1 : i32
      %sub3A_1396 = arith.subi %div3A_1375, %sub3A_1395 : i32
      %select_n3A_1397 = arith.select %and3A_1394, %sub3A_1396, %div3A_1375 : i32
      %jit3A_1398 = arith.constant 50 : i32
      %eq3A_1399 = arith.constant 0 : i32
      %eq3A_1400 = arith.cmpi eq, %jit3A_1398, %eq3A_1399 : i32
      %jit3A_1401 = arith.constant 1 : i32
      %select_n3A_1402 = arith.select %eq3A_1400, %jit3A_1401, %jit3A_1398 : i32
      %rem3A_1403 = arith.remsi %mul3A_1347, %select_n3A_1402 : i32
      %ne3A_1404 = arith.constant 0 : i32
      %ne3A_1405 = arith.cmpi ne, %rem3A_1403, %ne3A_1404 : i32
      %lt3A_1406 = arith.constant 0 : i32
      %lt3A_1407 = arith.cmpi slt, %rem3A_1403, %lt3A_1406 : i32
      %lt3A_1408 = arith.constant 0 : i32
      %lt3A_1409 = arith.cmpi slt, %select_n3A_1402, %lt3A_1408 : i32
      %ne3A_1410 = arith.xori %lt3A_1407, %lt3A_1409 : i1
      %and3A_1411 = arith.andi %ne3A_1410, %ne3A_1405 : i1
      %add3A_1412 = arith.addi %rem3A_1403, %select_n3A_1402 : i32
      %select_n3A_1413 = arith.select %and3A_1411, %add3A_1412, %rem3A_1403 : i32
      %mul3A_1414 = arith.constant 4 : i32
      %mul3A_1415 = arith.muli %add3A, %mul3A_1414 : i32
      %add3A_1416 = arith.addi %mul3A_1415, %select_n3A_1397 : i32
      %mul3A_1417 = arith.constant 8 : i32
      %mul3A_1418 = arith.muli %select_n3A_1413, %mul3A_1417 : i32
      %dma_start3A_1419 = arith.constant 0 : i32
      %dma_start3A_1420 = tpu.memref_slice %arg4[%mul3A_1418, %add3A_1416, %dma_start3A_1419] : memref<400x128x1024xf32, #tpu.memory_space<hbm>> -> memref<8x1x1024xf32, #tpu.memory_space<hbm>>
      %dma_start3A_1421 = tpu.memref_squeeze %dma_start3A_1420 : memref<8x1x1024xf32, #tpu.memory_space<hbm>> -> memref<8x1024xf32, #tpu.memory_space<hbm>>
      %dma_start3A_1422 = arith.constant 0 : i32
      %dma_start3A_1423 = tpu.memref_slice %arg4[%mul3A_1418, %add3A_1416, %dma_start3A_1422] : memref<400x128x1024xf32, #tpu.memory_space<hbm>> -> memref<8x1x1024xf32, #tpu.memory_space<hbm>>
      %dma_start3A_1424 = tpu.memref_squeeze %dma_start3A_1423 : memref<8x1x1024xf32, #tpu.memory_space<hbm>> -> memref<8x1024xf32, #tpu.memory_space<hbm>>
      tpu.enqueue_dma source(%arg9 : memref<8x1024xf32, #tpu.memory_space<vmem>>) target(%dma_start3A_1424 : memref<8x1024xf32, #tpu.memory_space<hbm>>) target_semaphore(%arg12 : memref<!tpu.dma_semaphore, #tpu.memory_space<semaphore_mem>>)
      %dma_wait3A_1425 = arith.constant 0 : i32
      %dma_wait3A_1426 = arith.constant 0 : i32
      %dma_wait3A_1427 = tpu.memref_slice %arg6[%dma_wait3A_1425, %dma_wait3A_1426] : memref<200x128xi32, #tpu.memory_space<vmem>> -> memref<1x128xi32, #tpu.memory_space<vmem>>
      %dma_wait3A_1428 = tpu.memref_squeeze %dma_wait3A_1427 : memref<1x128xi32, #tpu.memory_space<vmem>> -> memref<128xi32, #tpu.memory_space<vmem>>
      %dma_wait3A_1429 = arith.constant 0 : i32
      %dma_wait3A_1430 = arith.constant 0 : i32
      %dma_wait3A_1431 = tpu.memref_slice %arg3[%dma_wait3A_1429, %dma_wait3A_1430] : memref<1007616x64xf32, #tpu.memory_space<hbm>> -> memref<1007616x64xf32, #tpu.memory_space<hbm>>
      tpu.wait_indirect_dma semaphore(%arg11 : memref<!tpu.dma_semaphore, #tpu.memory_space<semaphore_mem>>) src(%dma_wait3A_1431 : memref<1007616x64xf32, #tpu.memory_space<hbm>>) dst(%arg8 : memref<128x64xf32, #tpu.memory_space<vmem>>)
      %add3A_1432 = arith.constant 1 : i32
      %add3A_1433 = arith.addi %add3A_1351, %add3A_1432 : i32
      %lt3A_1434 = arith.constant 200 : i32
      %lt3A_1435 = arith.cmpi slt, %add3A_1433, %lt3A_1434 : i32
      %convert_element_type3A_1436 = arith.extui %lt3A_1435 : i1 to i32
      %cond3A_1437 = arith.constant 0 : i32
      %cond3A_1438 = arith.cmpi ne, %convert_element_type3A_1436, %cond3A_1437 : i32
      scf.if %cond3A_1438 {
        %add3A_1503 = arith.constant 1 : i32
        %add3A_1504 = arith.addi %add3A_1351, %add3A_1503 : i32
        %dma_start3A_1505 = arith.constant 0 : i32
        %dma_start3A_1506 = tpu.memref_slice %arg6[%add3A_1504, %dma_start3A_1505] : memref<200x128xi32, #tpu.memory_space<vmem>> -> memref<1x128xi32, #tpu.memory_space<vmem>>
        %dma_start3A_1507 = tpu.memref_squeeze %dma_start3A_1506 : memref<1x128xi32, #tpu.memory_space<vmem>> -> memref<128xi32, #tpu.memory_space<vmem>>
        %dma_start3A_1508 = arith.constant 0 : i32
        %dma_start3A_1509 = arith.constant 0 : i32
        %dma_start3A_1510 = tpu.memref_slice %arg3[%dma_start3A_1508, %dma_start3A_1509] : memref<1007616x64xf32, #tpu.memory_space<hbm>> -> memref<1007616x64xf32, #tpu.memory_space<hbm>>
        tpu.enqueue_indirect_dma source(%dma_start3A_1510 : memref<1007616x64xf32, #tpu.memory_space<hbm>>) target(%arg7 : memref<128x64xf32, #tpu.memory_space<vmem>>) offsets(%dma_start3A_1507 : memref<128xi32, #tpu.memory_space<vmem>>) semaphore(%arg11 : memref<!tpu.dma_semaphore, #tpu.memory_space<semaphore_mem>>)
      } else {
      }
      %ge3A_1439 = arith.constant 1 : i32
      %ge3A_1440 = arith.cmpi sge, %scan3A_1344, %ge3A_1439 : i32
      %convert_element_type3A_1441 = arith.extui %ge3A_1440 : i1 to i32
      %cond3A_1442 = arith.constant 0 : i32
      %cond3A_1443 = arith.cmpi ne, %convert_element_type3A_1441, %cond3A_1442 : i32
      scf.if %cond3A_1443 {
        %dma_wait3A_1503 = arith.constant 0 : i32
        %dma_wait3A_1504 = arith.constant 0 : i32
        %dma_wait3A_1505 = arith.constant 0 : i32
        %dma_wait3A_1506 = tpu.memref_slice %arg4[%dma_wait3A_1504, %dma_wait3A_1503, %dma_wait3A_1505] : memref<400x128x1024xf32, #tpu.memory_space<hbm>> -> memref<8x1x1024xf32, #tpu.memory_space<hbm>>
        %dma_wait3A_1507 = tpu.memref_squeeze %dma_wait3A_1506 : memref<8x1x1024xf32, #tpu.memory_space<hbm>> -> memref<8x1024xf32, #tpu.memory_space<hbm>>
        %dma_wait3A_1508 = arith.constant 0 : i32
        %dma_wait3A_1509 = arith.constant 0 : i32
        %dma_wait3A_1510 = tpu.memref_slice %arg4[%dma_wait3A_1508, %dma_wait3A_1503, %dma_wait3A_1509] : memref<400x128x1024xf32, #tpu.memory_space<hbm>> -> memref<8x1x1024xf32, #tpu.memory_space<hbm>>
        %dma_wait3A_1511 = tpu.memref_squeeze %dma_wait3A_1510 : memref<8x1x1024xf32, #tpu.memory_space<hbm>> -> memref<8x1024xf32, #tpu.memory_space<hbm>>
        tpu.wait_dma2 semaphore(%arg12 : memref<!tpu.dma_semaphore, #tpu.memory_space<semaphore_mem>>) src(%arg10 : memref<8x1024xf32, #tpu.memory_space<vmem>>) dst(%dma_wait3A_1511 : memref<8x1024xf32, #tpu.memory_space<hbm>>)
      } else {
      }
      %scan3A_1444 = arith.constant 0 : i32
      %scan3A_1445 = arith.constant 0 : i32
      %scan3A_1446 = arith.constant 8 : i32
      %scan3A_1447 = arith.addi %scan3A_1445, %scan3A_1446 : i32
      %scan3A_1448 = arith.constant 1 : i32
      %scan3A_1449 = scf.for %scan3A_1503 = %scan3A_1445 to %scan3A_1447 step %scan3A_1448 iter_args(%scan3A_1504 = %scan3A_1444) -> (i32)  : i32 {
        %mul3A_1505 = arith.constant 16 : i32
        %mul3A_1506 = arith.muli %scan3A_1503, %mul3A_1505 : i32
        %add3A_1507 = vector.broadcast %mul3A_1506 : i32 to vector<16xi32>
        %add3A_1508 = arith.addi %iota3A, %add3A_1507 : vector<16xi32>
        %mul3A_1509 = arith.constant 16 : i32
        %mul3A_1510 = arith.muli %scan3A_1503, %mul3A_1509 : i32
        %add3A_1511 = arith.constant 0 : i32
        %add3A_1512 = vector.broadcast %add3A_1511 : i32 to vector<16xi32>
        %add3A_1513 = arith.addi %select_n3A_21, %add3A_1512 : vector<16xi32>
        %gather3A = tpu.vector_load_idx %arg8[%add3A_1508, %add3A_1513] : memref<128x64xf32, #tpu.memory_space<vmem>>[vector<16xi32>, vector<16xi32>], vector<16xf32>,
        %add3A_1514 = arith.constant 0 : i32
        %add3A_1515 = vector.broadcast %add3A_1514 : i32 to vector<16xi32>
        %add3A_1516 = arith.addi %select_n3A_424, %add3A_1515 : vector<16xi32>
        %add3A_1517 = vector.broadcast %mul3A_1510 : i32 to vector<16xi32>
        %add3A_1518 = arith.addi %add3A_915, %add3A_1517 : vector<16xi32>
        tpu.vector_store_idx %arg10[%add3A_1516, %add3A_1518], %gather3A : memref<8x1024xf32, #tpu.memory_space<vmem>>[vector<16xi32>, vector<16xi32>], vector<16xf32>,
        %add3A_1519 = arith.constant 0 : i32
        %add3A_1520 = vector.broadcast %add3A_1519 : i32 to vector<16xi32>
        %add3A_1521 = arith.addi %select_n3A_46, %add3A_1520 : vector<16xi32>
        %gather3A_1522 = tpu.vector_load_idx %arg8[%add3A_1508, %add3A_1521] : memref<128x64xf32, #tpu.memory_space<vmem>>[vector<16xi32>, vector<16xi32>], vector<16xf32>,
        %add3A_1523 = arith.constant 0 : i32
        %add3A_1524 = vector.broadcast %add3A_1523 : i32 to vector<16xi32>
        %add3A_1525 = arith.addi %select_n3A_455, %add3A_1524 : vector<16xi32>
        %add3A_1526 = vector.broadcast %mul3A_1510 : i32 to vector<16xi32>
        %add3A_1527 = arith.addi %add3A_941, %add3A_1526 : vector<16xi32>
        tpu.vector_store_idx %arg10[%add3A_1525, %add3A_1527], %gather3A_1522 : memref<8x1024xf32, #tpu.memory_space<vmem>>[vector<16xi32>, vector<16xi32>], vector<16xf32>,
        %add3A_1528 = arith.constant 0 : i32
        %add3A_1529 = vector.broadcast %add3A_1528 : i32 to vector<16xi32>
        %add3A_1530 = arith.addi %select_n3A_71, %add3A_1529 : vector<16xi32>
        %gather3A_1531 = tpu.vector_load_idx %arg8[%add3A_1508, %add3A_1530] : memref<128x64xf32, #tpu.memory_space<vmem>>[vector<16xi32>, vector<16xi32>], vector<16xf32>,
        %add3A_1532 = arith.constant 0 : i32
        %add3A_1533 = vector.broadcast %add3A_1532 : i32 to vector<16xi32>
        %add3A_1534 = arith.addi %select_n3A_486, %add3A_1533 : vector<16xi32>
        %add3A_1535 = vector.broadcast %mul3A_1510 : i32 to vector<16xi32>
        %add3A_1536 = arith.addi %add3A_967, %add3A_1535 : vector<16xi32>
        tpu.vector_store_idx %arg10[%add3A_1534, %add3A_1536], %gather3A_1531 : memref<8x1024xf32, #tpu.memory_space<vmem>>[vector<16xi32>, vector<16xi32>], vector<16xf32>,
        %add3A_1537 = arith.constant 0 : i32
        %add3A_1538 = vector.broadcast %add3A_1537 : i32 to vector<16xi32>
        %add3A_1539 = arith.addi %select_n3A_96, %add3A_1538 : vector<16xi32>
        %gather3A_1540 = tpu.vector_load_idx %arg8[%add3A_1508, %add3A_1539] : memref<128x64xf32, #tpu.memory_space<vmem>>[vector<16xi32>, vector<16xi32>], vector<16xf32>,
        %add3A_1541 = arith.constant 0 : i32
        %add3A_1542 = vector.broadcast %add3A_1541 : i32 to vector<16xi32>
        %add3A_1543 = arith.addi %select_n3A_517, %add3A_1542 : vector<16xi32>
        %add3A_1544 = vector.broadcast %mul3A_1510 : i32 to vector<16xi32>
        %add3A_1545 = arith.addi %add3A_993, %add3A_1544 : vector<16xi32>
        tpu.vector_store_idx %arg10[%add3A_1543, %add3A_1545], %gather3A_1540 : memref<8x1024xf32, #tpu.memory_space<vmem>>[vector<16xi32>, vector<16xi32>], vector<16xf32>,
        %add3A_1546 = arith.constant 0 : i32
        %add3A_1547 = vector.broadcast %add3A_1546 : i32 to vector<16xi32>
        %add3A_1548 = arith.addi %select_n3A_121, %add3A_1547 : vector<16xi32>
        %gather3A_1549 = tpu.vector_load_idx %arg8[%add3A_1508, %add3A_1548] : memref<128x64xf32, #tpu.memory_space<vmem>>[vector<16xi32>, vector<16xi32>], vector<16xf32>,
        %add3A_1550 = arith.constant 0 : i32
        %add3A_1551 = vector.broadcast %add3A_1550 : i32 to vector<16xi32>
        %add3A_1552 = arith.addi %select_n3A_548, %add3A_1551 : vector<16xi32>
        %add3A_1553 = vector.broadcast %mul3A_1510 : i32 to vector<16xi32>
        %add3A_1554 = arith.addi %add3A_1019, %add3A_1553 : vector<16xi32>
        tpu.vector_store_idx %arg10[%add3A_1552, %add3A_1554], %gather3A_1549 : memref<8x1024xf32, #tpu.memory_space<vmem>>[vector<16xi32>, vector<16xi32>], vector<16xf32>,
        %add3A_1555 = arith.constant 0 : i32
        %add3A_1556 = vector.broadcast %add3A_1555 : i32 to vector<16xi32>
        %add3A_1557 = arith.addi %select_n3A_146, %add3A_1556 : vector<16xi32>
        %gather3A_1558 = tpu.vector_load_idx %arg8[%add3A_1508, %add3A_1557] : memref<128x64xf32, #tpu.memory_space<vmem>>[vector<16xi32>, vector<16xi32>], vector<16xf32>,
        %add3A_1559 = arith.constant 0 : i32
        %add3A_1560 = vector.broadcast %add3A_1559 : i32 to vector<16xi32>
        %add3A_1561 = arith.addi %select_n3A_579, %add3A_1560 : vector<16xi32>
        %add3A_1562 = vector.broadcast %mul3A_1510 : i32 to vector<16xi32>
        %add3A_1563 = arith.addi %add3A_1045, %add3A_1562 : vector<16xi32>
        tpu.vector_store_idx %arg10[%add3A_1561, %add3A_1563], %gather3A_1558 : memref<8x1024xf32, #tpu.memory_space<vmem>>[vector<16xi32>, vector<16xi32>], vector<16xf32>,
        %add3A_1564 = arith.constant 0 : i32
        %add3A_1565 = vector.broadcast %add3A_1564 : i32 to vector<16xi32>
        %add3A_1566 = arith.addi %select_n3A_171, %add3A_1565 : vector<16xi32>
        %gather3A_1567 = tpu.vector_load_idx %arg8[%add3A_1508, %add3A_1566] : memref<128x64xf32, #tpu.memory_space<vmem>>[vector<16xi32>, vector<16xi32>], vector<16xf32>,
        %add3A_1568 = arith.constant 0 : i32
        %add3A_1569 = vector.broadcast %add3A_1568 : i32 to vector<16xi32>
        %add3A_1570 = arith.addi %select_n3A_610, %add3A_1569 : vector<16xi32>
        %add3A_1571 = vector.broadcast %mul3A_1510 : i32 to vector<16xi32>
        %add3A_1572 = arith.addi %add3A_1071, %add3A_1571 : vector<16xi32>
        tpu.vector_store_idx %arg10[%add3A_1570, %add3A_1572], %gather3A_1567 : memref<8x1024xf32, #tpu.memory_space<vmem>>[vector<16xi32>, vector<16xi32>], vector<16xf32>,
        %add3A_1573 = arith.constant 0 : i32
        %add3A_1574 = vector.broadcast %add3A_1573 : i32 to vector<16xi32>
        %add3A_1575 = arith.addi %select_n3A_196, %add3A_1574 : vector<16xi32>
        %gather3A_1576 = tpu.vector_load_idx %arg8[%add3A_1508, %add3A_1575] : memref<128x64xf32, #tpu.memory_space<vmem>>[vector<16xi32>, vector<16xi32>], vector<16xf32>,
        %add3A_1577 = arith.constant 0 : i32
        %add3A_1578 = vector.broadcast %add3A_1577 : i32 to vector<16xi32>
        %add3A_1579 = arith.addi %select_n3A_641, %add3A_1578 : vector<16xi32>
        %add3A_1580 = vector.broadcast %mul3A_1510 : i32 to vector<16xi32>
        %add3A_1581 = arith.addi %add3A_1097, %add3A_1580 : vector<16xi32>
        tpu.vector_store_idx %arg10[%add3A_1579, %add3A_1581], %gather3A_1576 : memref<8x1024xf32, #tpu.memory_space<vmem>>[vector<16xi32>, vector<16xi32>], vector<16xf32>,
        %add3A_1582 = arith.constant 0 : i32
        %add3A_1583 = vector.broadcast %add3A_1582 : i32 to vector<16xi32>
        %add3A_1584 = arith.addi %select_n3A_221, %add3A_1583 : vector<16xi32>
        %gather3A_1585 = tpu.vector_load_idx %arg8[%add3A_1508, %add3A_1584] : memref<128x64xf32, #tpu.memory_space<vmem>>[vector<16xi32>, vector<16xi32>], vector<16xf32>,
        %add3A_1586 = arith.constant 0 : i32
        %add3A_1587 = vector.broadcast %add3A_1586 : i32 to vector<16xi32>
        %add3A_1588 = arith.addi %select_n3A_672, %add3A_1587 : vector<16xi32>
        %add3A_1589 = vector.broadcast %mul3A_1510 : i32 to vector<16xi32>
        %add3A_1590 = arith.addi %add3A_1123, %add3A_1589 : vector<16xi32>
        tpu.vector_store_idx %arg10[%add3A_1588, %add3A_1590], %gather3A_1585 : memref<8x1024xf32, #tpu.memory_space<vmem>>[vector<16xi32>, vector<16xi32>], vector<16xf32>,
        %add3A_1591 = arith.constant 0 : i32
        %add3A_1592 = vector.broadcast %add3A_1591 : i32 to vector<16xi32>
        %add3A_1593 = arith.addi %select_n3A_246, %add3A_1592 : vector<16xi32>
        %gather3A_1594 = tpu.vector_load_idx %arg8[%add3A_1508, %add3A_1593] : memref<128x64xf32, #tpu.memory_space<vmem>>[vector<16xi32>, vector<16xi32>], vector<16xf32>,
        %add3A_1595 = arith.constant 0 : i32
        %add3A_1596 = vector.broadcast %add3A_1595 : i32 to vector<16xi32>
        %add3A_1597 = arith.addi %select_n3A_703, %add3A_1596 : vector<16xi32>
        %add3A_1598 = vector.broadcast %mul3A_1510 : i32 to vector<16xi32>
        %add3A_1599 = arith.addi %add3A_1149, %add3A_1598 : vector<16xi32>
        tpu.vector_store_idx %arg10[%add3A_1597, %add3A_1599], %gather3A_1594 : memref<8x1024xf32, #tpu.memory_space<vmem>>[vector<16xi32>, vector<16xi32>], vector<16xf32>,
        %add3A_1600 = arith.constant 0 : i32
        %add3A_1601 = vector.broadcast %add3A_1600 : i32 to vector<16xi32>
        %add3A_1602 = arith.addi %select_n3A_271, %add3A_1601 : vector<16xi32>
        %gather3A_1603 = tpu.vector_load_idx %arg8[%add3A_1508, %add3A_1602] : memref<128x64xf32, #tpu.memory_space<vmem>>[vector<16xi32>, vector<16xi32>], vector<16xf32>,
        %add3A_1604 = arith.constant 0 : i32
        %add3A_1605 = vector.broadcast %add3A_1604 : i32 to vector<16xi32>
        %add3A_1606 = arith.addi %select_n3A_734, %add3A_1605 : vector<16xi32>
        %add3A_1607 = vector.broadcast %mul3A_1510 : i32 to vector<16xi32>
        %add3A_1608 = arith.addi %add3A_1175, %add3A_1607 : vector<16xi32>
        tpu.vector_store_idx %arg10[%add3A_1606, %add3A_1608], %gather3A_1603 : memref<8x1024xf32, #tpu.memory_space<vmem>>[vector<16xi32>, vector<16xi32>], vector<16xf32>,
        %add3A_1609 = arith.constant 0 : i32
        %add3A_1610 = vector.broadcast %add3A_1609 : i32 to vector<16xi32>
        %add3A_1611 = arith.addi %select_n3A_296, %add3A_1610 : vector<16xi32>
        %gather3A_1612 = tpu.vector_load_idx %arg8[%add3A_1508, %add3A_1611] : memref<128x64xf32, #tpu.memory_space<vmem>>[vector<16xi32>, vector<16xi32>], vector<16xf32>,
        %add3A_1613 = arith.constant 0 : i32
        %add3A_1614 = vector.broadcast %add3A_1613 : i32 to vector<16xi32>
        %add3A_1615 = arith.addi %select_n3A_765, %add3A_1614 : vector<16xi32>
        %add3A_1616 = vector.broadcast %mul3A_1510 : i32 to vector<16xi32>
        %add3A_1617 = arith.addi %add3A_1201, %add3A_1616 : vector<16xi32>
        tpu.vector_store_idx %arg10[%add3A_1615, %add3A_1617], %gather3A_1612 : memref<8x1024xf32, #tpu.memory_space<vmem>>[vector<16xi32>, vector<16xi32>], vector<16xf32>,
        %add3A_1618 = arith.constant 0 : i32
        %add3A_1619 = vector.broadcast %add3A_1618 : i32 to vector<16xi32>
        %add3A_1620 = arith.addi %select_n3A_321, %add3A_1619 : vector<16xi32>
        %gather3A_1621 = tpu.vector_load_idx %arg8[%add3A_1508, %add3A_1620] : memref<128x64xf32, #tpu.memory_space<vmem>>[vector<16xi32>, vector<16xi32>], vector<16xf32>,
        %add3A_1622 = arith.constant 0 : i32
        %add3A_1623 = vector.broadcast %add3A_1622 : i32 to vector<16xi32>
        %add3A_1624 = arith.addi %select_n3A_796, %add3A_1623 : vector<16xi32>
        %add3A_1625 = vector.broadcast %mul3A_1510 : i32 to vector<16xi32>
        %add3A_1626 = arith.addi %add3A_1227, %add3A_1625 : vector<16xi32>
        tpu.vector_store_idx %arg10[%add3A_1624, %add3A_1626], %gather3A_1621 : memref<8x1024xf32, #tpu.memory_space<vmem>>[vector<16xi32>, vector<16xi32>], vector<16xf32>,
        %add3A_1627 = arith.constant 0 : i32
        %add3A_1628 = vector.broadcast %add3A_1627 : i32 to vector<16xi32>
        %add3A_1629 = arith.addi %select_n3A_346, %add3A_1628 : vector<16xi32>
        %gather3A_1630 = tpu.vector_load_idx %arg8[%add3A_1508, %add3A_1629] : memref<128x64xf32, #tpu.memory_space<vmem>>[vector<16xi32>, vector<16xi32>], vector<16xf32>,
        %add3A_1631 = arith.constant 0 : i32
        %add3A_1632 = vector.broadcast %add3A_1631 : i32 to vector<16xi32>
        %add3A_1633 = arith.addi %select_n3A_827, %add3A_1632 : vector<16xi32>
        %add3A_1634 = vector.broadcast %mul3A_1510 : i32 to vector<16xi32>
        %add3A_1635 = arith.addi %add3A_1253, %add3A_1634 : vector<16xi32>
        tpu.vector_store_idx %arg10[%add3A_1633, %add3A_1635], %gather3A_1630 : memref<8x1024xf32, #tpu.memory_space<vmem>>[vector<16xi32>, vector<16xi32>], vector<16xf32>,
        %add3A_1636 = arith.constant 0 : i32
        %add3A_1637 = vector.broadcast %add3A_1636 : i32 to vector<16xi32>
        %add3A_1638 = arith.addi %select_n3A_371, %add3A_1637 : vector<16xi32>
        %gather3A_1639 = tpu.vector_load_idx %arg8[%add3A_1508, %add3A_1638] : memref<128x64xf32, #tpu.memory_space<vmem>>[vector<16xi32>, vector<16xi32>], vector<16xf32>,
        %add3A_1640 = arith.constant 0 : i32
        %add3A_1641 = vector.broadcast %add3A_1640 : i32 to vector<16xi32>
        %add3A_1642 = arith.addi %select_n3A_858, %add3A_1641 : vector<16xi32>
        %add3A_1643 = vector.broadcast %mul3A_1510 : i32 to vector<16xi32>
        %add3A_1644 = arith.addi %add3A_1279, %add3A_1643 : vector<16xi32>
        tpu.vector_store_idx %arg10[%add3A_1642, %add3A_1644], %gather3A_1639 : memref<8x1024xf32, #tpu.memory_space<vmem>>[vector<16xi32>, vector<16xi32>], vector<16xf32>,
        %add3A_1645 = arith.constant 0 : i32
        %add3A_1646 = vector.broadcast %add3A_1645 : i32 to vector<16xi32>
        %add3A_1647 = arith.addi %select_n3A_396, %add3A_1646 : vector<16xi32>
        %gather3A_1648 = tpu.vector_load_idx %arg8[%add3A_1508, %add3A_1647] : memref<128x64xf32, #tpu.memory_space<vmem>>[vector<16xi32>, vector<16xi32>], vector<16xf32>,
        %add3A_1649 = arith.constant 0 : i32
        %add3A_1650 = vector.broadcast %add3A_1649 : i32 to vector<16xi32>
        %add3A_1651 = arith.addi %select_n3A_889, %add3A_1650 : vector<16xi32>
        %add3A_1652 = vector.broadcast %mul3A_1510 : i32 to vector<16xi32>
        %add3A_1653 = arith.addi %add3A_1305, %add3A_1652 : vector<16xi32>
        tpu.vector_store_idx %arg10[%add3A_1651, %add3A_1653], %gather3A_1648 : memref<8x1024xf32, #tpu.memory_space<vmem>>[vector<16xi32>, vector<16xi32>], vector<16xf32>,
        %add3A_1654 = arith.constant 16 : i32
        %add3A_1655 = vector.broadcast %add3A_1654 : i32 to vector<16xi32>
        %add3A_1656 = arith.addi %select_n3A_21, %add3A_1655 : vector<16xi32>
        %gather3A_1657 = tpu.vector_load_idx %arg8[%add3A_1508, %add3A_1656] : memref<128x64xf32, #tpu.memory_space<vmem>>[vector<16xi32>, vector<16xi32>], vector<16xf32>,
        %add3A_1658 = arith.constant 2 : i32
        %add3A_1659 = vector.broadcast %add3A_1658 : i32 to vector<16xi32>
        %add3A_1660 = arith.addi %select_n3A_424, %add3A_1659 : vector<16xi32>
        %add3A_1661 = vector.broadcast %mul3A_1510 : i32 to vector<16xi32>
        %add3A_1662 = arith.addi %add3A_915, %add3A_1661 : vector<16xi32>
        tpu.vector_store_idx %arg10[%add3A_1660, %add3A_1662], %gather3A_1657 : memref<8x1024xf32, #tpu.memory_space<vmem>>[vector<16xi32>, vector<16xi32>], vector<16xf32>,
        %add3A_1663 = arith.constant 16 : i32
        %add3A_1664 = vector.broadcast %add3A_1663 : i32 to vector<16xi32>
        %add3A_1665 = arith.addi %select_n3A_46, %add3A_1664 : vector<16xi32>
        %gather3A_1666 = tpu.vector_load_idx %arg8[%add3A_1508, %add3A_1665] : memref<128x64xf32, #tpu.memory_space<vmem>>[vector<16xi32>, vector<16xi32>], vector<16xf32>,
        %add3A_1667 = arith.constant 2 : i32
        %add3A_1668 = vector.broadcast %add3A_1667 : i32 to vector<16xi32>
        %add3A_1669 = arith.addi %select_n3A_455, %add3A_1668 : vector<16xi32>
        %add3A_1670 = vector.broadcast %mul3A_1510 : i32 to vector<16xi32>
        %add3A_1671 = arith.addi %add3A_941, %add3A_1670 : vector<16xi32>
        tpu.vector_store_idx %arg10[%add3A_1669, %add3A_1671], %gather3A_1666 : memref<8x1024xf32, #tpu.memory_space<vmem>>[vector<16xi32>, vector<16xi32>], vector<16xf32>,
        %add3A_1672 = arith.constant 16 : i32
        %add3A_1673 = vector.broadcast %add3A_1672 : i32 to vector<16xi32>
        %add3A_1674 = arith.addi %select_n3A_71, %add3A_1673 : vector<16xi32>
        %gather3A_1675 = tpu.vector_load_idx %arg8[%add3A_1508, %add3A_1674] : memref<128x64xf32, #tpu.memory_space<vmem>>[vector<16xi32>, vector<16xi32>], vector<16xf32>,
        %add3A_1676 = arith.constant 2 : i32
        %add3A_1677 = vector.broadcast %add3A_1676 : i32 to vector<16xi32>
        %add3A_1678 = arith.addi %select_n3A_486, %add3A_1677 : vector<16xi32>
        %add3A_1679 = vector.broadcast %mul3A_1510 : i32 to vector<16xi32>
        %add3A_1680 = arith.addi %add3A_967, %add3A_1679 : vector<16xi32>
        tpu.vector_store_idx %arg10[%add3A_1678, %add3A_1680], %gather3A_1675 : memref<8x1024xf32, #tpu.memory_space<vmem>>[vector<16xi32>, vector<16xi32>], vector<16xf32>,
        %add3A_1681 = arith.constant 16 : i32
        %add3A_1682 = vector.broadcast %add3A_1681 : i32 to vector<16xi32>
        %add3A_1683 = arith.addi %select_n3A_96, %add3A_1682 : vector<16xi32>
        %gather3A_1684 = tpu.vector_load_idx %arg8[%add3A_1508, %add3A_1683] : memref<128x64xf32, #tpu.memory_space<vmem>>[vector<16xi32>, vector<16xi32>], vector<16xf32>,
        %add3A_1685 = arith.constant 2 : i32
        %add3A_1686 = vector.broadcast %add3A_1685 : i32 to vector<16xi32>
        %add3A_1687 = arith.addi %select_n3A_517, %add3A_1686 : vector<16xi32>
        %add3A_1688 = vector.broadcast %mul3A_1510 : i32 to vector<16xi32>
        %add3A_1689 = arith.addi %add3A_993, %add3A_1688 : vector<16xi32>
        tpu.vector_store_idx %arg10[%add3A_1687, %add3A_1689], %gather3A_1684 : memref<8x1024xf32, #tpu.memory_space<vmem>>[vector<16xi32>, vector<16xi32>], vector<16xf32>,
        %add3A_1690 = arith.constant 16 : i32
        %add3A_1691 = vector.broadcast %add3A_1690 : i32 to vector<16xi32>
        %add3A_1692 = arith.addi %select_n3A_121, %add3A_1691 : vector<16xi32>
        %gather3A_1693 = tpu.vector_load_idx %arg8[%add3A_1508, %add3A_1692] : memref<128x64xf32, #tpu.memory_space<vmem>>[vector<16xi32>, vector<16xi32>], vector<16xf32>,
        %add3A_1694 = arith.constant 2 : i32
        %add3A_1695 = vector.broadcast %add3A_1694 : i32 to vector<16xi32>
        %add3A_1696 = arith.addi %select_n3A_548, %add3A_1695 : vector<16xi32>
        %add3A_1697 = vector.broadcast %mul3A_1510 : i32 to vector<16xi32>
        %add3A_1698 = arith.addi %add3A_1019, %add3A_1697 : vector<16xi32>
        tpu.vector_store_idx %arg10[%add3A_1696, %add3A_1698], %gather3A_1693 : memref<8x1024xf32, #tpu.memory_space<vmem>>[vector<16xi32>, vector<16xi32>], vector<16xf32>,
        %add3A_1699 = arith.constant 16 : i32
        %add3A_1700 = vector.broadcast %add3A_1699 : i32 to vector<16xi32>
        %add3A_1701 = arith.addi %select_n3A_146, %add3A_1700 : vector<16xi32>
        %gather3A_1702 = tpu.vector_load_idx %arg8[%add3A_1508, %add3A_1701] : memref<128x64xf32, #tpu.memory_space<vmem>>[vector<16xi32>, vector<16xi32>], vector<16xf32>,
        %add3A_1703 = arith.constant 2 : i32
        %add3A_1704 = vector.broadcast %add3A_1703 : i32 to vector<16xi32>
        %add3A_1705 = arith.addi %select_n3A_579, %add3A_1704 : vector<16xi32>
        %add3A_1706 = vector.broadcast %mul3A_1510 : i32 to vector<16xi32>
        %add3A_1707 = arith.addi %add3A_1045, %add3A_1706 : vector<16xi32>
        tpu.vector_store_idx %arg10[%add3A_1705, %add3A_1707], %gather3A_1702 : memref<8x1024xf32, #tpu.memory_space<vmem>>[vector<16xi32>, vector<16xi32>], vector<16xf32>,
        %add3A_1708 = arith.constant 16 : i32
        %add3A_1709 = vector.broadcast %add3A_1708 : i32 to vector<16xi32>
        %add3A_1710 = arith.addi %select_n3A_171, %add3A_1709 : vector<16xi32>
        %gather3A_1711 = tpu.vector_load_idx %arg8[%add3A_1508, %add3A_1710] : memref<128x64xf32, #tpu.memory_space<vmem>>[vector<16xi32>, vector<16xi32>], vector<16xf32>,
        %add3A_1712 = arith.constant 2 : i32
        %add3A_1713 = vector.broadcast %add3A_1712 : i32 to vector<16xi32>
        %add3A_1714 = arith.addi %select_n3A_610, %add3A_1713 : vector<16xi32>
        %add3A_1715 = vector.broadcast %mul3A_1510 : i32 to vector<16xi32>
        %add3A_1716 = arith.addi %add3A_1071, %add3A_1715 : vector<16xi32>
        tpu.vector_store_idx %arg10[%add3A_1714, %add3A_1716], %gather3A_1711 : memref<8x1024xf32, #tpu.memory_space<vmem>>[vector<16xi32>, vector<16xi32>], vector<16xf32>,
        %add3A_1717 = arith.constant 16 : i32
        %add3A_1718 = vector.broadcast %add3A_1717 : i32 to vector<16xi32>
        %add3A_1719 = arith.addi %select_n3A_196, %add3A_1718 : vector<16xi32>
        %gather3A_1720 = tpu.vector_load_idx %arg8[%add3A_1508, %add3A_1719] : memref<128x64xf32, #tpu.memory_space<vmem>>[vector<16xi32>, vector<16xi32>], vector<16xf32>,
        %add3A_1721 = arith.constant 2 : i32
        %add3A_1722 = vector.broadcast %add3A_1721 : i32 to vector<16xi32>
        %add3A_1723 = arith.addi %select_n3A_641, %add3A_1722 : vector<16xi32>
        %add3A_1724 = vector.broadcast %mul3A_1510 : i32 to vector<16xi32>
        %add3A_1725 = arith.addi %add3A_1097, %add3A_1724 : vector<16xi32>
        tpu.vector_store_idx %arg10[%add3A_1723, %add3A_1725], %gather3A_1720 : memref<8x1024xf32, #tpu.memory_space<vmem>>[vector<16xi32>, vector<16xi32>], vector<16xf32>,
        %add3A_1726 = arith.constant 16 : i32
        %add3A_1727 = vector.broadcast %add3A_1726 : i32 to vector<16xi32>
        %add3A_1728 = arith.addi %select_n3A_221, %add3A_1727 : vector<16xi32>
        %gather3A_1729 = tpu.vector_load_idx %arg8[%add3A_1508, %add3A_1728] : memref<128x64xf32, #tpu.memory_space<vmem>>[vector<16xi32>, vector<16xi32>], vector<16xf32>,
        %add3A_1730 = arith.constant 2 : i32
        %add3A_1731 = vector.broadcast %add3A_1730 : i32 to vector<16xi32>
        %add3A_1732 = arith.addi %select_n3A_672, %add3A_1731 : vector<16xi32>
        %add3A_1733 = vector.broadcast %mul3A_1510 : i32 to vector<16xi32>
        %add3A_1734 = arith.addi %add3A_1123, %add3A_1733 : vector<16xi32>
        tpu.vector_store_idx %arg10[%add3A_1732, %add3A_1734], %gather3A_1729 : memref<8x1024xf32, #tpu.memory_space<vmem>>[vector<16xi32>, vector<16xi32>], vector<16xf32>,
        %add3A_1735 = arith.constant 16 : i32
        %add3A_1736 = vector.broadcast %add3A_1735 : i32 to vector<16xi32>
        %add3A_1737 = arith.addi %select_n3A_246, %add3A_1736 : vector<16xi32>
        %gather3A_1738 = tpu.vector_load_idx %arg8[%add3A_1508, %add3A_1737] : memref<128x64xf32, #tpu.memory_space<vmem>>[vector<16xi32>, vector<16xi32>], vector<16xf32>,
        %add3A_1739 = arith.constant 2 : i32
        %add3A_1740 = vector.broadcast %add3A_1739 : i32 to vector<16xi32>
        %add3A_1741 = arith.addi %select_n3A_703, %add3A_1740 : vector<16xi32>
        %add3A_1742 = vector.broadcast %mul3A_1510 : i32 to vector<16xi32>
        %add3A_1743 = arith.addi %add3A_1149, %add3A_1742 : vector<16xi32>
        tpu.vector_store_idx %arg10[%add3A_1741, %add3A_1743], %gather3A_1738 : memref<8x1024xf32, #tpu.memory_space<vmem>>[vector<16xi32>, vector<16xi32>], vector<16xf32>,
        %add3A_1744 = arith.constant 16 : i32
        %add3A_1745 = vector.broadcast %add3A_1744 : i32 to vector<16xi32>
        %add3A_1746 = arith.addi %select_n3A_271, %add3A_1745 : vector<16xi32>
        %gather3A_1747 = tpu.vector_load_idx %arg8[%add3A_1508, %add3A_1746] : memref<128x64xf32, #tpu.memory_space<vmem>>[vector<16xi32>, vector<16xi32>], vector<16xf32>,
        %add3A_1748 = arith.constant 2 : i32
        %add3A_1749 = vector.broadcast %add3A_1748 : i32 to vector<16xi32>
        %add3A_1750 = arith.addi %select_n3A_734, %add3A_1749 : vector<16xi32>
        %add3A_1751 = vector.broadcast %mul3A_1510 : i32 to vector<16xi32>
        %add3A_1752 = arith.addi %add3A_1175, %add3A_1751 : vector<16xi32>
        tpu.vector_store_idx %arg10[%add3A_1750, %add3A_1752], %gather3A_1747 : memref<8x1024xf32, #tpu.memory_space<vmem>>[vector<16xi32>, vector<16xi32>], vector<16xf32>,
        %add3A_1753 = arith.constant 16 : i32
        %add3A_1754 = vector.broadcast %add3A_1753 : i32 to vector<16xi32>
        %add3A_1755 = arith.addi %select_n3A_296, %add3A_1754 : vector<16xi32>
        %gather3A_1756 = tpu.vector_load_idx %arg8[%add3A_1508, %add3A_1755] : memref<128x64xf32, #tpu.memory_space<vmem>>[vector<16xi32>, vector<16xi32>], vector<16xf32>,
        %add3A_1757 = arith.constant 2 : i32
        %add3A_1758 = vector.broadcast %add3A_1757 : i32 to vector<16xi32>
        %add3A_1759 = arith.addi %select_n3A_765, %add3A_1758 : vector<16xi32>
        %add3A_1760 = vector.broadcast %mul3A_1510 : i32 to vector<16xi32>
        %add3A_1761 = arith.addi %add3A_1201, %add3A_1760 : vector<16xi32>
        tpu.vector_store_idx %arg10[%add3A_1759, %add3A_1761], %gather3A_1756 : memref<8x1024xf32, #tpu.memory_space<vmem>>[vector<16xi32>, vector<16xi32>], vector<16xf32>,
        %add3A_1762 = arith.constant 16 : i32
        %add3A_1763 = vector.broadcast %add3A_1762 : i32 to vector<16xi32>
        %add3A_1764 = arith.addi %select_n3A_321, %add3A_1763 : vector<16xi32>
        %gather3A_1765 = tpu.vector_load_idx %arg8[%add3A_1508, %add3A_1764] : memref<128x64xf32, #tpu.memory_space<vmem>>[vector<16xi32>, vector<16xi32>], vector<16xf32>,
        %add3A_1766 = arith.constant 2 : i32
        %add3A_1767 = vector.broadcast %add3A_1766 : i32 to vector<16xi32>
        %add3A_1768 = arith.addi %select_n3A_796, %add3A_1767 : vector<16xi32>
        %add3A_1769 = vector.broadcast %mul3A_1510 : i32 to vector<16xi32>
        %add3A_1770 = arith.addi %add3A_1227, %add3A_1769 : vector<16xi32>
        tpu.vector_store_idx %arg10[%add3A_1768, %add3A_1770], %gather3A_1765 : memref<8x1024xf32, #tpu.memory_space<vmem>>[vector<16xi32>, vector<16xi32>], vector<16xf32>,
        %add3A_1771 = arith.constant 16 : i32
        %add3A_1772 = vector.broadcast %add3A_1771 : i32 to vector<16xi32>
        %add3A_1773 = arith.addi %select_n3A_346, %add3A_1772 : vector<16xi32>
        %gather3A_1774 = tpu.vector_load_idx %arg8[%add3A_1508, %add3A_1773] : memref<128x64xf32, #tpu.memory_space<vmem>>[vector<16xi32>, vector<16xi32>], vector<16xf32>,
        %add3A_1775 = arith.constant 2 : i32
        %add3A_1776 = vector.broadcast %add3A_1775 : i32 to vector<16xi32>
        %add3A_1777 = arith.addi %select_n3A_827, %add3A_1776 : vector<16xi32>
        %add3A_1778 = vector.broadcast %mul3A_1510 : i32 to vector<16xi32>
        %add3A_1779 = arith.addi %add3A_1253, %add3A_1778 : vector<16xi32>
        tpu.vector_store_idx %arg10[%add3A_1777, %add3A_1779], %gather3A_1774 : memref<8x1024xf32, #tpu.memory_space<vmem>>[vector<16xi32>, vector<16xi32>], vector<16xf32>,
        %add3A_1780 = arith.constant 16 : i32
        %add3A_1781 = vector.broadcast %add3A_1780 : i32 to vector<16xi32>
        %add3A_1782 = arith.addi %select_n3A_371, %add3A_1781 : vector<16xi32>
        %gather3A_1783 = tpu.vector_load_idx %arg8[%add3A_1508, %add3A_1782] : memref<128x64xf32, #tpu.memory_space<vmem>>[vector<16xi32>, vector<16xi32>], vector<16xf32>,
        %add3A_1784 = arith.constant 2 : i32
        %add3A_1785 = vector.broadcast %add3A_1784 : i32 to vector<16xi32>
        %add3A_1786 = arith.addi %select_n3A_858, %add3A_1785 : vector<16xi32>
        %add3A_1787 = vector.broadcast %mul3A_1510 : i32 to vector<16xi32>
        %add3A_1788 = arith.addi %add3A_1279, %add3A_1787 : vector<16xi32>
        tpu.vector_store_idx %arg10[%add3A_1786, %add3A_1788], %gather3A_1783 : memref<8x1024xf32, #tpu.memory_space<vmem>>[vector<16xi32>, vector<16xi32>], vector<16xf32>,
        %add3A_1789 = arith.constant 16 : i32
        %add3A_1790 = vector.broadcast %add3A_1789 : i32 to vector<16xi32>
        %add3A_1791 = arith.addi %select_n3A_396, %add3A_1790 : vector<16xi32>
        %gather3A_1792 = tpu.vector_load_idx %arg8[%add3A_1508, %add3A_1791] : memref<128x64xf32, #tpu.memory_space<vmem>>[vector<16xi32>, vector<16xi32>], vector<16xf32>,
        %add3A_1793 = arith.constant 2 : i32
        %add3A_1794 = vector.broadcast %add3A_1793 : i32 to vector<16xi32>
        %add3A_1795 = arith.addi %select_n3A_889, %add3A_1794 : vector<16xi32>
        %add3A_1796 = vector.broadcast %mul3A_1510 : i32 to vector<16xi32>
        %add3A_1797 = arith.addi %add3A_1305, %add3A_1796 : vector<16xi32>
        tpu.vector_store_idx %arg10[%add3A_1795, %add3A_1797], %gather3A_1792 : memref<8x1024xf32, #tpu.memory_space<vmem>>[vector<16xi32>, vector<16xi32>], vector<16xf32>,
        %add3A_1798 = arith.constant 32 : i32
        %add3A_1799 = vector.broadcast %add3A_1798 : i32 to vector<16xi32>
        %add3A_1800 = arith.addi %select_n3A_21, %add3A_1799 : vector<16xi32>
        %gather3A_1801 = tpu.vector_load_idx %arg8[%add3A_1508, %add3A_1800] : memref<128x64xf32, #tpu.memory_space<vmem>>[vector<16xi32>, vector<16xi32>], vector<16xf32>,
        %add3A_1802 = arith.constant 4 : i32
        %add3A_1803 = vector.broadcast %add3A_1802 : i32 to vector<16xi32>
        %add3A_1804 = arith.addi %select_n3A_424, %add3A_1803 : vector<16xi32>
        %add3A_1805 = vector.broadcast %mul3A_1510 : i32 to vector<16xi32>
        %add3A_1806 = arith.addi %add3A_915, %add3A_1805 : vector<16xi32>
        tpu.vector_store_idx %arg10[%add3A_1804, %add3A_1806], %gather3A_1801 : memref<8x1024xf32, #tpu.memory_space<vmem>>[vector<16xi32>, vector<16xi32>], vector<16xf32>,
        %add3A_1807 = arith.constant 32 : i32
        %add3A_1808 = vector.broadcast %add3A_1807 : i32 to vector<16xi32>
        %add3A_1809 = arith.addi %select_n3A_46, %add3A_1808 : vector<16xi32>
        %gather3A_1810 = tpu.vector_load_idx %arg8[%add3A_1508, %add3A_1809] : memref<128x64xf32, #tpu.memory_space<vmem>>[vector<16xi32>, vector<16xi32>], vector<16xf32>,
        %add3A_1811 = arith.constant 4 : i32
        %add3A_1812 = vector.broadcast %add3A_1811 : i32 to vector<16xi32>
        %add3A_1813 = arith.addi %select_n3A_455, %add3A_1812 : vector<16xi32>
        %add3A_1814 = vector.broadcast %mul3A_1510 : i32 to vector<16xi32>
        %add3A_1815 = arith.addi %add3A_941, %add3A_1814 : vector<16xi32>
        tpu.vector_store_idx %arg10[%add3A_1813, %add3A_1815], %gather3A_1810 : memref<8x1024xf32, #tpu.memory_space<vmem>>[vector<16xi32>, vector<16xi32>], vector<16xf32>,
        %add3A_1816 = arith.constant 32 : i32
        %add3A_1817 = vector.broadcast %add3A_1816 : i32 to vector<16xi32>
        %add3A_1818 = arith.addi %select_n3A_71, %add3A_1817 : vector<16xi32>
        %gather3A_1819 = tpu.vector_load_idx %arg8[%add3A_1508, %add3A_1818] : memref<128x64xf32, #tpu.memory_space<vmem>>[vector<16xi32>, vector<16xi32>], vector<16xf32>,
        %add3A_1820 = arith.constant 4 : i32
        %add3A_1821 = vector.broadcast %add3A_1820 : i32 to vector<16xi32>
        %add3A_1822 = arith.addi %select_n3A_486, %add3A_1821 : vector<16xi32>
        %add3A_1823 = vector.broadcast %mul3A_1510 : i32 to vector<16xi32>
        %add3A_1824 = arith.addi %add3A_967, %add3A_1823 : vector<16xi32>
        tpu.vector_store_idx %arg10[%add3A_1822, %add3A_1824], %gather3A_1819 : memref<8x1024xf32, #tpu.memory_space<vmem>>[vector<16xi32>, vector<16xi32>], vector<16xf32>,
        %add3A_1825 = arith.constant 32 : i32
        %add3A_1826 = vector.broadcast %add3A_1825 : i32 to vector<16xi32>
        %add3A_1827 = arith.addi %select_n3A_96, %add3A_1826 : vector<16xi32>
        %gather3A_1828 = tpu.vector_load_idx %arg8[%add3A_1508, %add3A_1827] : memref<128x64xf32, #tpu.memory_space<vmem>>[vector<16xi32>, vector<16xi32>], vector<16xf32>,
        %add3A_1829 = arith.constant 4 : i32
        %add3A_1830 = vector.broadcast %add3A_1829 : i32 to vector<16xi32>
        %add3A_1831 = arith.addi %select_n3A_517, %add3A_1830 : vector<16xi32>
        %add3A_1832 = vector.broadcast %mul3A_1510 : i32 to vector<16xi32>
        %add3A_1833 = arith.addi %add3A_993, %add3A_1832 : vector<16xi32>
        tpu.vector_store_idx %arg10[%add3A_1831, %add3A_1833], %gather3A_1828 : memref<8x1024xf32, #tpu.memory_space<vmem>>[vector<16xi32>, vector<16xi32>], vector<16xf32>,
        %add3A_1834 = arith.constant 32 : i32
        %add3A_1835 = vector.broadcast %add3A_1834 : i32 to vector<16xi32>
        %add3A_1836 = arith.addi %select_n3A_121, %add3A_1835 : vector<16xi32>
        %gather3A_1837 = tpu.vector_load_idx %arg8[%add3A_1508, %add3A_1836] : memref<128x64xf32, #tpu.memory_space<vmem>>[vector<16xi32>, vector<16xi32>], vector<16xf32>,
        %add3A_1838 = arith.constant 4 : i32
        %add3A_1839 = vector.broadcast %add3A_1838 : i32 to vector<16xi32>
        %add3A_1840 = arith.addi %select_n3A_548, %add3A_1839 : vector<16xi32>
        %add3A_1841 = vector.broadcast %mul3A_1510 : i32 to vector<16xi32>
        %add3A_1842 = arith.addi %add3A_1019, %add3A_1841 : vector<16xi32>
        tpu.vector_store_idx %arg10[%add3A_1840, %add3A_1842], %gather3A_1837 : memref<8x1024xf32, #tpu.memory_space<vmem>>[vector<16xi32>, vector<16xi32>], vector<16xf32>,
        %add3A_1843 = arith.constant 32 : i32
        %add3A_1844 = vector.broadcast %add3A_1843 : i32 to vector<16xi32>
        %add3A_1845 = arith.addi %select_n3A_146, %add3A_1844 : vector<16xi32>
        %gather3A_1846 = tpu.vector_load_idx %arg8[%add3A_1508, %add3A_1845] : memref<128x64xf32, #tpu.memory_space<vmem>>[vector<16xi32>, vector<16xi32>], vector<16xf32>,
        %add3A_1847 = arith.constant 4 : i32
        %add3A_1848 = vector.broadcast %add3A_1847 : i32 to vector<16xi32>
        %add3A_1849 = arith.addi %select_n3A_579, %add3A_1848 : vector<16xi32>
        %add3A_1850 = vector.broadcast %mul3A_1510 : i32 to vector<16xi32>
        %add3A_1851 = arith.addi %add3A_1045, %add3A_1850 : vector<16xi32>
        tpu.vector_store_idx %arg10[%add3A_1849, %add3A_1851], %gather3A_1846 : memref<8x1024xf32, #tpu.memory_space<vmem>>[vector<16xi32>, vector<16xi32>], vector<16xf32>,
        %add3A_1852 = arith.constant 32 : i32
        %add3A_1853 = vector.broadcast %add3A_1852 : i32 to vector<16xi32>
        %add3A_1854 = arith.addi %select_n3A_171, %add3A_1853 : vector<16xi32>
        %gather3A_1855 = tpu.vector_load_idx %arg8[%add3A_1508, %add3A_1854] : memref<128x64xf32, #tpu.memory_space<vmem>>[vector<16xi32>, vector<16xi32>], vector<16xf32>,
        %add3A_1856 = arith.constant 4 : i32
        %add3A_1857 = vector.broadcast %add3A_1856 : i32 to vector<16xi32>
        %add3A_1858 = arith.addi %select_n3A_610, %add3A_1857 : vector<16xi32>
        %add3A_1859 = vector.broadcast %mul3A_1510 : i32 to vector<16xi32>
        %add3A_1860 = arith.addi %add3A_1071, %add3A_1859 : vector<16xi32>
        tpu.vector_store_idx %arg10[%add3A_1858, %add3A_1860], %gather3A_1855 : memref<8x1024xf32, #tpu.memory_space<vmem>>[vector<16xi32>, vector<16xi32>], vector<16xf32>,
        %add3A_1861 = arith.constant 32 : i32
        %add3A_1862 = vector.broadcast %add3A_1861 : i32 to vector<16xi32>
        %add3A_1863 = arith.addi %select_n3A_196, %add3A_1862 : vector<16xi32>
        %gather3A_1864 = tpu.vector_load_idx %arg8[%add3A_1508, %add3A_1863] : memref<128x64xf32, #tpu.memory_space<vmem>>[vector<16xi32>, vector<16xi32>], vector<16xf32>,
        %add3A_1865 = arith.constant 4 : i32
        %add3A_1866 = vector.broadcast %add3A_1865 : i32 to vector<16xi32>
        %add3A_1867 = arith.addi %select_n3A_641, %add3A_1866 : vector<16xi32>
        %add3A_1868 = vector.broadcast %mul3A_1510 : i32 to vector<16xi32>
        %add3A_1869 = arith.addi %add3A_1097, %add3A_1868 : vector<16xi32>
        tpu.vector_store_idx %arg10[%add3A_1867, %add3A_1869], %gather3A_1864 : memref<8x1024xf32, #tpu.memory_space<vmem>>[vector<16xi32>, vector<16xi32>], vector<16xf32>,
        %add3A_1870 = arith.constant 32 : i32
        %add3A_1871 = vector.broadcast %add3A_1870 : i32 to vector<16xi32>
        %add3A_1872 = arith.addi %select_n3A_221, %add3A_1871 : vector<16xi32>
        %gather3A_1873 = tpu.vector_load_idx %arg8[%add3A_1508, %add3A_1872] : memref<128x64xf32, #tpu.memory_space<vmem>>[vector<16xi32>, vector<16xi32>], vector<16xf32>,
        %add3A_1874 = arith.constant 4 : i32
        %add3A_1875 = vector.broadcast %add3A_1874 : i32 to vector<16xi32>
        %add3A_1876 = arith.addi %select_n3A_672, %add3A_1875 : vector<16xi32>
        %add3A_1877 = vector.broadcast %mul3A_1510 : i32 to vector<16xi32>
        %add3A_1878 = arith.addi %add3A_1123, %add3A_1877 : vector<16xi32>
        tpu.vector_store_idx %arg10[%add3A_1876, %add3A_1878], %gather3A_1873 : memref<8x1024xf32, #tpu.memory_space<vmem>>[vector<16xi32>, vector<16xi32>], vector<16xf32>,
        %add3A_1879 = arith.constant 32 : i32
        %add3A_1880 = vector.broadcast %add3A_1879 : i32 to vector<16xi32>
        %add3A_1881 = arith.addi %select_n3A_246, %add3A_1880 : vector<16xi32>
        %gather3A_1882 = tpu.vector_load_idx %arg8[%add3A_1508, %add3A_1881] : memref<128x64xf32, #tpu.memory_space<vmem>>[vector<16xi32>, vector<16xi32>], vector<16xf32>,
        %add3A_1883 = arith.constant 4 : i32
        %add3A_1884 = vector.broadcast %add3A_1883 : i32 to vector<16xi32>
        %add3A_1885 = arith.addi %select_n3A_703, %add3A_1884 : vector<16xi32>
        %add3A_1886 = vector.broadcast %mul3A_1510 : i32 to vector<16xi32>
        %add3A_1887 = arith.addi %add3A_1149, %add3A_1886 : vector<16xi32>
        tpu.vector_store_idx %arg10[%add3A_1885, %add3A_1887], %gather3A_1882 : memref<8x1024xf32, #tpu.memory_space<vmem>>[vector<16xi32>, vector<16xi32>], vector<16xf32>,
        %add3A_1888 = arith.constant 32 : i32
        %add3A_1889 = vector.broadcast %add3A_1888 : i32 to vector<16xi32>
        %add3A_1890 = arith.addi %select_n3A_271, %add3A_1889 : vector<16xi32>
        %gather3A_1891 = tpu.vector_load_idx %arg8[%add3A_1508, %add3A_1890] : memref<128x64xf32, #tpu.memory_space<vmem>>[vector<16xi32>, vector<16xi32>], vector<16xf32>,
        %add3A_1892 = arith.constant 4 : i32
        %add3A_1893 = vector.broadcast %add3A_1892 : i32 to vector<16xi32>
        %add3A_1894 = arith.addi %select_n3A_734, %add3A_1893 : vector<16xi32>
        %add3A_1895 = vector.broadcast %mul3A_1510 : i32 to vector<16xi32>
        %add3A_1896 = arith.addi %add3A_1175, %add3A_1895 : vector<16xi32>
        tpu.vector_store_idx %arg10[%add3A_1894, %add3A_1896], %gather3A_1891 : memref<8x1024xf32, #tpu.memory_space<vmem>>[vector<16xi32>, vector<16xi32>], vector<16xf32>,
        %add3A_1897 = arith.constant 32 : i32
        %add3A_1898 = vector.broadcast %add3A_1897 : i32 to vector<16xi32>
        %add3A_1899 = arith.addi %select_n3A_296, %add3A_1898 : vector<16xi32>
        %gather3A_1900 = tpu.vector_load_idx %arg8[%add3A_1508, %add3A_1899] : memref<128x64xf32, #tpu.memory_space<vmem>>[vector<16xi32>, vector<16xi32>], vector<16xf32>,
        %add3A_1901 = arith.constant 4 : i32
        %add3A_1902 = vector.broadcast %add3A_1901 : i32 to vector<16xi32>
        %add3A_1903 = arith.addi %select_n3A_765, %add3A_1902 : vector<16xi32>
        %add3A_1904 = vector.broadcast %mul3A_1510 : i32 to vector<16xi32>
        %add3A_1905 = arith.addi %add3A_1201, %add3A_1904 : vector<16xi32>
        tpu.vector_store_idx %arg10[%add3A_1903, %add3A_1905], %gather3A_1900 : memref<8x1024xf32, #tpu.memory_space<vmem>>[vector<16xi32>, vector<16xi32>], vector<16xf32>,
        %add3A_1906 = arith.constant 32 : i32
        %add3A_1907 = vector.broadcast %add3A_1906 : i32 to vector<16xi32>
        %add3A_1908 = arith.addi %select_n3A_321, %add3A_1907 : vector<16xi32>
        %gather3A_1909 = tpu.vector_load_idx %arg8[%add3A_1508, %add3A_1908] : memref<128x64xf32, #tpu.memory_space<vmem>>[vector<16xi32>, vector<16xi32>], vector<16xf32>,
        %add3A_1910 = arith.constant 4 : i32
        %add3A_1911 = vector.broadcast %add3A_1910 : i32 to vector<16xi32>
        %add3A_1912 = arith.addi %select_n3A_796, %add3A_1911 : vector<16xi32>
        %add3A_1913 = vector.broadcast %mul3A_1510 : i32 to vector<16xi32>
        %add3A_1914 = arith.addi %add3A_1227, %add3A_1913 : vector<16xi32>
        tpu.vector_store_idx %arg10[%add3A_1912, %add3A_1914], %gather3A_1909 : memref<8x1024xf32, #tpu.memory_space<vmem>>[vector<16xi32>, vector<16xi32>], vector<16xf32>,
        %add3A_1915 = arith.constant 32 : i32
        %add3A_1916 = vector.broadcast %add3A_1915 : i32 to vector<16xi32>
        %add3A_1917 = arith.addi %select_n3A_346, %add3A_1916 : vector<16xi32>
        %gather3A_1918 = tpu.vector_load_idx %arg8[%add3A_1508, %add3A_1917] : memref<128x64xf32, #tpu.memory_space<vmem>>[vector<16xi32>, vector<16xi32>], vector<16xf32>,
        %add3A_1919 = arith.constant 4 : i32
        %add3A_1920 = vector.broadcast %add3A_1919 : i32 to vector<16xi32>
        %add3A_1921 = arith.addi %select_n3A_827, %add3A_1920 : vector<16xi32>
        %add3A_1922 = vector.broadcast %mul3A_1510 : i32 to vector<16xi32>
        %add3A_1923 = arith.addi %add3A_1253, %add3A_1922 : vector<16xi32>
        tpu.vector_store_idx %arg10[%add3A_1921, %add3A_1923], %gather3A_1918 : memref<8x1024xf32, #tpu.memory_space<vmem>>[vector<16xi32>, vector<16xi32>], vector<16xf32>,
        %add3A_1924 = arith.constant 32 : i32
        %add3A_1925 = vector.broadcast %add3A_1924 : i32 to vector<16xi32>
        %add3A_1926 = arith.addi %select_n3A_371, %add3A_1925 : vector<16xi32>
        %gather3A_1927 = tpu.vector_load_idx %arg8[%add3A_1508, %add3A_1926] : memref<128x64xf32, #tpu.memory_space<vmem>>[vector<16xi32>, vector<16xi32>], vector<16xf32>,
        %add3A_1928 = arith.constant 4 : i32
        %add3A_1929 = vector.broadcast %add3A_1928 : i32 to vector<16xi32>
        %add3A_1930 = arith.addi %select_n3A_858, %add3A_1929 : vector<16xi32>
        %add3A_1931 = vector.broadcast %mul3A_1510 : i32 to vector<16xi32>
        %add3A_1932 = arith.addi %add3A_1279, %add3A_1931 : vector<16xi32>
        tpu.vector_store_idx %arg10[%add3A_1930, %add3A_1932], %gather3A_1927 : memref<8x1024xf32, #tpu.memory_space<vmem>>[vector<16xi32>, vector<16xi32>], vector<16xf32>,
        %add3A_1933 = arith.constant 32 : i32
        %add3A_1934 = vector.broadcast %add3A_1933 : i32 to vector<16xi32>
        %add3A_1935 = arith.addi %select_n3A_396, %add3A_1934 : vector<16xi32>
        %gather3A_1936 = tpu.vector_load_idx %arg8[%add3A_1508, %add3A_1935] : memref<128x64xf32, #tpu.memory_space<vmem>>[vector<16xi32>, vector<16xi32>], vector<16xf32>,
        %add3A_1937 = arith.constant 4 : i32
        %add3A_1938 = vector.broadcast %add3A_1937 : i32 to vector<16xi32>
        %add3A_1939 = arith.addi %select_n3A_889, %add3A_1938 : vector<16xi32>
        %add3A_1940 = vector.broadcast %mul3A_1510 : i32 to vector<16xi32>
        %add3A_1941 = arith.addi %add3A_1305, %add3A_1940 : vector<16xi32>
        tpu.vector_store_idx %arg10[%add3A_1939, %add3A_1941], %gather3A_1936 : memref<8x1024xf32, #tpu.memory_space<vmem>>[vector<16xi32>, vector<16xi32>], vector<16xf32>,
        %add3A_1942 = arith.constant 48 : i32
        %add3A_1943 = vector.broadcast %add3A_1942 : i32 to vector<16xi32>
        %add3A_1944 = arith.addi %select_n3A_21, %add3A_1943 : vector<16xi32>
        %gather3A_1945 = tpu.vector_load_idx %arg8[%add3A_1508, %add3A_1944] : memref<128x64xf32, #tpu.memory_space<vmem>>[vector<16xi32>, vector<16xi32>], vector<16xf32>,
        %add3A_1946 = arith.constant 6 : i32
        %add3A_1947 = vector.broadcast %add3A_1946 : i32 to vector<16xi32>
        %add3A_1948 = arith.addi %select_n3A_424, %add3A_1947 : vector<16xi32>
        %add3A_1949 = vector.broadcast %mul3A_1510 : i32 to vector<16xi32>
        %add3A_1950 = arith.addi %add3A_915, %add3A_1949 : vector<16xi32>
        tpu.vector_store_idx %arg10[%add3A_1948, %add3A_1950], %gather3A_1945 : memref<8x1024xf32, #tpu.memory_space<vmem>>[vector<16xi32>, vector<16xi32>], vector<16xf32>,
        %add3A_1951 = arith.constant 48 : i32
        %add3A_1952 = vector.broadcast %add3A_1951 : i32 to vector<16xi32>
        %add3A_1953 = arith.addi %select_n3A_46, %add3A_1952 : vector<16xi32>
        %gather3A_1954 = tpu.vector_load_idx %arg8[%add3A_1508, %add3A_1953] : memref<128x64xf32, #tpu.memory_space<vmem>>[vector<16xi32>, vector<16xi32>], vector<16xf32>,
        %add3A_1955 = arith.constant 6 : i32
        %add3A_1956 = vector.broadcast %add3A_1955 : i32 to vector<16xi32>
        %add3A_1957 = arith.addi %select_n3A_455, %add3A_1956 : vector<16xi32>
        %add3A_1958 = vector.broadcast %mul3A_1510 : i32 to vector<16xi32>
        %add3A_1959 = arith.addi %add3A_941, %add3A_1958 : vector<16xi32>
        tpu.vector_store_idx %arg10[%add3A_1957, %add3A_1959], %gather3A_1954 : memref<8x1024xf32, #tpu.memory_space<vmem>>[vector<16xi32>, vector<16xi32>], vector<16xf32>,
        %add3A_1960 = arith.constant 48 : i32
        %add3A_1961 = vector.broadcast %add3A_1960 : i32 to vector<16xi32>
        %add3A_1962 = arith.addi %select_n3A_71, %add3A_1961 : vector<16xi32>
        %gather3A_1963 = tpu.vector_load_idx %arg8[%add3A_1508, %add3A_1962] : memref<128x64xf32, #tpu.memory_space<vmem>>[vector<16xi32>, vector<16xi32>], vector<16xf32>,
        %add3A_1964 = arith.constant 6 : i32
        %add3A_1965 = vector.broadcast %add3A_1964 : i32 to vector<16xi32>
        %add3A_1966 = arith.addi %select_n3A_486, %add3A_1965 : vector<16xi32>
        %add3A_1967 = vector.broadcast %mul3A_1510 : i32 to vector<16xi32>
        %add3A_1968 = arith.addi %add3A_967, %add3A_1967 : vector<16xi32>
        tpu.vector_store_idx %arg10[%add3A_1966, %add3A_1968], %gather3A_1963 : memref<8x1024xf32, #tpu.memory_space<vmem>>[vector<16xi32>, vector<16xi32>], vector<16xf32>,
        %add3A_1969 = arith.constant 48 : i32
        %add3A_1970 = vector.broadcast %add3A_1969 : i32 to vector<16xi32>
        %add3A_1971 = arith.addi %select_n3A_96, %add3A_1970 : vector<16xi32>
        %gather3A_1972 = tpu.vector_load_idx %arg8[%add3A_1508, %add3A_1971] : memref<128x64xf32, #tpu.memory_space<vmem>>[vector<16xi32>, vector<16xi32>], vector<16xf32>,
        %add3A_1973 = arith.constant 6 : i32
        %add3A_1974 = vector.broadcast %add3A_1973 : i32 to vector<16xi32>
        %add3A_1975 = arith.addi %select_n3A_517, %add3A_1974 : vector<16xi32>
        %add3A_1976 = vector.broadcast %mul3A_1510 : i32 to vector<16xi32>
        %add3A_1977 = arith.addi %add3A_993, %add3A_1976 : vector<16xi32>
        tpu.vector_store_idx %arg10[%add3A_1975, %add3A_1977], %gather3A_1972 : memref<8x1024xf32, #tpu.memory_space<vmem>>[vector<16xi32>, vector<16xi32>], vector<16xf32>,
        %add3A_1978 = arith.constant 48 : i32
        %add3A_1979 = vector.broadcast %add3A_1978 : i32 to vector<16xi32>
        %add3A_1980 = arith.addi %select_n3A_121, %add3A_1979 : vector<16xi32>
        %gather3A_1981 = tpu.vector_load_idx %arg8[%add3A_1508, %add3A_1980] : memref<128x64xf32, #tpu.memory_space<vmem>>[vector<16xi32>, vector<16xi32>], vector<16xf32>,
        %add3A_1982 = arith.constant 6 : i32
        %add3A_1983 = vector.broadcast %add3A_1982 : i32 to vector<16xi32>
        %add3A_1984 = arith.addi %select_n3A_548, %add3A_1983 : vector<16xi32>
        %add3A_1985 = vector.broadcast %mul3A_1510 : i32 to vector<16xi32>
        %add3A_1986 = arith.addi %add3A_1019, %add3A_1985 : vector<16xi32>
        tpu.vector_store_idx %arg10[%add3A_1984, %add3A_1986], %gather3A_1981 : memref<8x1024xf32, #tpu.memory_space<vmem>>[vector<16xi32>, vector<16xi32>], vector<16xf32>,
        %add3A_1987 = arith.constant 48 : i32
        %add3A_1988 = vector.broadcast %add3A_1987 : i32 to vector<16xi32>
        %add3A_1989 = arith.addi %select_n3A_146, %add3A_1988 : vector<16xi32>
        %gather3A_1990 = tpu.vector_load_idx %arg8[%add3A_1508, %add3A_1989] : memref<128x64xf32, #tpu.memory_space<vmem>>[vector<16xi32>, vector<16xi32>], vector<16xf32>,
        %add3A_1991 = arith.constant 6 : i32
        %add3A_1992 = vector.broadcast %add3A_1991 : i32 to vector<16xi32>
        %add3A_1993 = arith.addi %select_n3A_579, %add3A_1992 : vector<16xi32>
        %add3A_1994 = vector.broadcast %mul3A_1510 : i32 to vector<16xi32>
        %add3A_1995 = arith.addi %add3A_1045, %add3A_1994 : vector<16xi32>
        tpu.vector_store_idx %arg10[%add3A_1993, %add3A_1995], %gather3A_1990 : memref<8x1024xf32, #tpu.memory_space<vmem>>[vector<16xi32>, vector<16xi32>], vector<16xf32>,
        %add3A_1996 = arith.constant 48 : i32
        %add3A_1997 = vector.broadcast %add3A_1996 : i32 to vector<16xi32>
        %add3A_1998 = arith.addi %select_n3A_171, %add3A_1997 : vector<16xi32>
        %gather3A_1999 = tpu.vector_load_idx %arg8[%add3A_1508, %add3A_1998] : memref<128x64xf32, #tpu.memory_space<vmem>>[vector<16xi32>, vector<16xi32>], vector<16xf32>,
        %add3A_2000 = arith.constant 6 : i32
        %add3A_2001 = vector.broadcast %add3A_2000 : i32 to vector<16xi32>
        %add3A_2002 = arith.addi %select_n3A_610, %add3A_2001 : vector<16xi32>
        %add3A_2003 = vector.broadcast %mul3A_1510 : i32 to vector<16xi32>
        %add3A_2004 = arith.addi %add3A_1071, %add3A_2003 : vector<16xi32>
        tpu.vector_store_idx %arg10[%add3A_2002, %add3A_2004], %gather3A_1999 : memref<8x1024xf32, #tpu.memory_space<vmem>>[vector<16xi32>, vector<16xi32>], vector<16xf32>,
        %add3A_2005 = arith.constant 48 : i32
        %add3A_2006 = vector.broadcast %add3A_2005 : i32 to vector<16xi32>
        %add3A_2007 = arith.addi %select_n3A_196, %add3A_2006 : vector<16xi32>
        %gather3A_2008 = tpu.vector_load_idx %arg8[%add3A_1508, %add3A_2007] : memref<128x64xf32, #tpu.memory_space<vmem>>[vector<16xi32>, vector<16xi32>], vector<16xf32>,
        %add3A_2009 = arith.constant 6 : i32
        %add3A_2010 = vector.broadcast %add3A_2009 : i32 to vector<16xi32>
        %add3A_2011 = arith.addi %select_n3A_641, %add3A_2010 : vector<16xi32>
        %add3A_2012 = vector.broadcast %mul3A_1510 : i32 to vector<16xi32>
        %add3A_2013 = arith.addi %add3A_1097, %add3A_2012 : vector<16xi32>
        tpu.vector_store_idx %arg10[%add3A_2011, %add3A_2013], %gather3A_2008 : memref<8x1024xf32, #tpu.memory_space<vmem>>[vector<16xi32>, vector<16xi32>], vector<16xf32>,
        %add3A_2014 = arith.constant 48 : i32
        %add3A_2015 = vector.broadcast %add3A_2014 : i32 to vector<16xi32>
        %add3A_2016 = arith.addi %select_n3A_221, %add3A_2015 : vector<16xi32>
        %gather3A_2017 = tpu.vector_load_idx %arg8[%add3A_1508, %add3A_2016] : memref<128x64xf32, #tpu.memory_space<vmem>>[vector<16xi32>, vector<16xi32>], vector<16xf32>,
        %add3A_2018 = arith.constant 6 : i32
        %add3A_2019 = vector.broadcast %add3A_2018 : i32 to vector<16xi32>
        %add3A_2020 = arith.addi %select_n3A_672, %add3A_2019 : vector<16xi32>
        %add3A_2021 = vector.broadcast %mul3A_1510 : i32 to vector<16xi32>
        %add3A_2022 = arith.addi %add3A_1123, %add3A_2021 : vector<16xi32>
        tpu.vector_store_idx %arg10[%add3A_2020, %add3A_2022], %gather3A_2017 : memref<8x1024xf32, #tpu.memory_space<vmem>>[vector<16xi32>, vector<16xi32>], vector<16xf32>,
        %add3A_2023 = arith.constant 48 : i32
        %add3A_2024 = vector.broadcast %add3A_2023 : i32 to vector<16xi32>
        %add3A_2025 = arith.addi %select_n3A_246, %add3A_2024 : vector<16xi32>
        %gather3A_2026 = tpu.vector_load_idx %arg8[%add3A_1508, %add3A_2025] : memref<128x64xf32, #tpu.memory_space<vmem>>[vector<16xi32>, vector<16xi32>], vector<16xf32>,
        %add3A_2027 = arith.constant 6 : i32
        %add3A_2028 = vector.broadcast %add3A_2027 : i32 to vector<16xi32>
        %add3A_2029 = arith.addi %select_n3A_703, %add3A_2028 : vector<16xi32>
        %add3A_2030 = vector.broadcast %mul3A_1510 : i32 to vector<16xi32>
        %add3A_2031 = arith.addi %add3A_1149, %add3A_2030 : vector<16xi32>
        tpu.vector_store_idx %arg10[%add3A_2029, %add3A_2031], %gather3A_2026 : memref<8x1024xf32, #tpu.memory_space<vmem>>[vector<16xi32>, vector<16xi32>], vector<16xf32>,
        %add3A_2032 = arith.constant 48 : i32
        %add3A_2033 = vector.broadcast %add3A_2032 : i32 to vector<16xi32>
        %add3A_2034 = arith.addi %select_n3A_271, %add3A_2033 : vector<16xi32>
        %gather3A_2035 = tpu.vector_load_idx %arg8[%add3A_1508, %add3A_2034] : memref<128x64xf32, #tpu.memory_space<vmem>>[vector<16xi32>, vector<16xi32>], vector<16xf32>,
        %add3A_2036 = arith.constant 6 : i32
        %add3A_2037 = vector.broadcast %add3A_2036 : i32 to vector<16xi32>
        %add3A_2038 = arith.addi %select_n3A_734, %add3A_2037 : vector<16xi32>
        %add3A_2039 = vector.broadcast %mul3A_1510 : i32 to vector<16xi32>
        %add3A_2040 = arith.addi %add3A_1175, %add3A_2039 : vector<16xi32>
        tpu.vector_store_idx %arg10[%add3A_2038, %add3A_2040], %gather3A_2035 : memref<8x1024xf32, #tpu.memory_space<vmem>>[vector<16xi32>, vector<16xi32>], vector<16xf32>,
        %add3A_2041 = arith.constant 48 : i32
        %add3A_2042 = vector.broadcast %add3A_2041 : i32 to vector<16xi32>
        %add3A_2043 = arith.addi %select_n3A_296, %add3A_2042 : vector<16xi32>
        %gather3A_2044 = tpu.vector_load_idx %arg8[%add3A_1508, %add3A_2043] : memref<128x64xf32, #tpu.memory_space<vmem>>[vector<16xi32>, vector<16xi32>], vector<16xf32>,
        %add3A_2045 = arith.constant 6 : i32
        %add3A_2046 = vector.broadcast %add3A_2045 : i32 to vector<16xi32>
        %add3A_2047 = arith.addi %select_n3A_765, %add3A_2046 : vector<16xi32>
        %add3A_2048 = vector.broadcast %mul3A_1510 : i32 to vector<16xi32>
        %add3A_2049 = arith.addi %add3A_1201, %add3A_2048 : vector<16xi32>
        tpu.vector_store_idx %arg10[%add3A_2047, %add3A_2049], %gather3A_2044 : memref<8x1024xf32, #tpu.memory_space<vmem>>[vector<16xi32>, vector<16xi32>], vector<16xf32>,
        %add3A_2050 = arith.constant 48 : i32
        %add3A_2051 = vector.broadcast %add3A_2050 : i32 to vector<16xi32>
        %add3A_2052 = arith.addi %select_n3A_321, %add3A_2051 : vector<16xi32>
        %gather3A_2053 = tpu.vector_load_idx %arg8[%add3A_1508, %add3A_2052] : memref<128x64xf32, #tpu.memory_space<vmem>>[vector<16xi32>, vector<16xi32>], vector<16xf32>,
        %add3A_2054 = arith.constant 6 : i32
        %add3A_2055 = vector.broadcast %add3A_2054 : i32 to vector<16xi32>
        %add3A_2056 = arith.addi %select_n3A_796, %add3A_2055 : vector<16xi32>
        %add3A_2057 = vector.broadcast %mul3A_1510 : i32 to vector<16xi32>
        %add3A_2058 = arith.addi %add3A_1227, %add3A_2057 : vector<16xi32>
        tpu.vector_store_idx %arg10[%add3A_2056, %add3A_2058], %gather3A_2053 : memref<8x1024xf32, #tpu.memory_space<vmem>>[vector<16xi32>, vector<16xi32>], vector<16xf32>,
        %add3A_2059 = arith.constant 48 : i32
        %add3A_2060 = vector.broadcast %add3A_2059 : i32 to vector<16xi32>
        %add3A_2061 = arith.addi %select_n3A_346, %add3A_2060 : vector<16xi32>
        %gather3A_2062 = tpu.vector_load_idx %arg8[%add3A_1508, %add3A_2061] : memref<128x64xf32, #tpu.memory_space<vmem>>[vector<16xi32>, vector<16xi32>], vector<16xf32>,
        %add3A_2063 = arith.constant 6 : i32
        %add3A_2064 = vector.broadcast %add3A_2063 : i32 to vector<16xi32>
        %add3A_2065 = arith.addi %select_n3A_827, %add3A_2064 : vector<16xi32>
        %add3A_2066 = vector.broadcast %mul3A_1510 : i32 to vector<16xi32>
        %add3A_2067 = arith.addi %add3A_1253, %add3A_2066 : vector<16xi32>
        tpu.vector_store_idx %arg10[%add3A_2065, %add3A_2067], %gather3A_2062 : memref<8x1024xf32, #tpu.memory_space<vmem>>[vector<16xi32>, vector<16xi32>], vector<16xf32>,
        %add3A_2068 = arith.constant 48 : i32
        %add3A_2069 = vector.broadcast %add3A_2068 : i32 to vector<16xi32>
        %add3A_2070 = arith.addi %select_n3A_371, %add3A_2069 : vector<16xi32>
        %gather3A_2071 = tpu.vector_load_idx %arg8[%add3A_1508, %add3A_2070] : memref<128x64xf32, #tpu.memory_space<vmem>>[vector<16xi32>, vector<16xi32>], vector<16xf32>,
        %add3A_2072 = arith.constant 6 : i32
        %add3A_2073 = vector.broadcast %add3A_2072 : i32 to vector<16xi32>
        %add3A_2074 = arith.addi %select_n3A_858, %add3A_2073 : vector<16xi32>
        %add3A_2075 = vector.broadcast %mul3A_1510 : i32 to vector<16xi32>
        %add3A_2076 = arith.addi %add3A_1279, %add3A_2075 : vector<16xi32>
        tpu.vector_store_idx %arg10[%add3A_2074, %add3A_2076], %gather3A_2071 : memref<8x1024xf32, #tpu.memory_space<vmem>>[vector<16xi32>, vector<16xi32>], vector<16xf32>,
        %add3A_2077 = arith.constant 48 : i32
        %add3A_2078 = vector.broadcast %add3A_2077 : i32 to vector<16xi32>
        %add3A_2079 = arith.addi %select_n3A_396, %add3A_2078 : vector<16xi32>
        %gather3A_2080 = tpu.vector_load_idx %arg8[%add3A_1508, %add3A_2079] : memref<128x64xf32, #tpu.memory_space<vmem>>[vector<16xi32>, vector<16xi32>], vector<16xf32>,
        %add3A_2081 = arith.constant 6 : i32
        %add3A_2082 = vector.broadcast %add3A_2081 : i32 to vector<16xi32>
        %add3A_2083 = arith.addi %select_n3A_889, %add3A_2082 : vector<16xi32>
        %add3A_2084 = vector.broadcast %mul3A_1510 : i32 to vector<16xi32>
        %add3A_2085 = arith.addi %add3A_1305, %add3A_2084 : vector<16xi32>
        tpu.vector_store_idx %arg10[%add3A_2083, %add3A_2085], %gather3A_2080 : memref<8x1024xf32, #tpu.memory_space<vmem>>[vector<16xi32>, vector<16xi32>], vector<16xf32>,
        %scan3A_2086 = arith.constant 0 : i32
        scf.yield %scan3A_2086 : i32
      }
      %scan3A_1450 = arith.constant 8 : i32
      %jit3A_1451 = arith.constant 50 : i32
      %div3A_1452 = arith.divsi %add3A_1351, %jit3A_1451 : i32
      %sign3A_1453 = arith.constant 0 : i32
      %sign3A_1454 = arith.cmpi sgt, %add3A_1351, %sign3A_1453 : i32
      %sign3A_1455 = arith.extui %sign3A_1454 : i1 to i32
      %sign3A_1456 = arith.constant 0 : i32
      %sign3A_1457 = arith.cmpi slt, %add3A_1351, %sign3A_1456 : i32
      %sign3A_1458 = arith.extui %sign3A_1457 : i1 to i32
      %sign3A_1459 = arith.subi %sign3A_1455, %sign3A_1458 : i32
      %sign3A_1460 = arith.constant 0 : i32
      %sign3A_1461 = arith.cmpi sgt, %jit3A_1451, %sign3A_1460 : i32
      %sign3A_1462 = arith.extui %sign3A_1461 : i1 to i32
      %sign3A_1463 = arith.constant 0 : i32
      %sign3A_1464 = arith.cmpi slt, %jit3A_1451, %sign3A_1463 : i32
      %sign3A_1465 = arith.extui %sign3A_1464 : i1 to i32
      %sign3A_1466 = arith.subi %sign3A_1462, %sign3A_1465 : i32
      %ne3A_1467 = arith.cmpi ne, %sign3A_1459, %sign3A_1466 : i32
      %rem3A_1468 = arith.remsi %add3A_1351, %jit3A_1451 : i32
      %ne3A_1469 = arith.constant 0 : i32
      %ne3A_1470 = arith.cmpi ne, %rem3A_1468, %ne3A_1469 : i32
      %and3A_1471 = arith.andi %ne3A_1467, %ne3A_1470 : i1
      %sub3A_1472 = arith.constant 1 : i32
      %sub3A_1473 = arith.subi %div3A_1452, %sub3A_1472 : i32
      %select_n3A_1474 = arith.select %and3A_1471, %sub3A_1473, %div3A_1452 : i32
      %jit3A_1475 = arith.constant 50 : i32
      %eq3A_1476 = arith.constant 0 : i32
      %eq3A_1477 = arith.cmpi eq, %jit3A_1475, %eq3A_1476 : i32
      %jit3A_1478 = arith.constant 1 : i32
      %select_n3A_1479 = arith.select %eq3A_1477, %jit3A_1478, %jit3A_1475 : i32
      %rem3A_1480 = arith.remsi %add3A_1351, %select_n3A_1479 : i32
      %ne3A_1481 = arith.constant 0 : i32
      %ne3A_1482 = arith.cmpi ne, %rem3A_1480, %ne3A_1481 : i32
      %lt3A_1483 = arith.constant 0 : i32
      %lt3A_1484 = arith.cmpi slt, %rem3A_1480, %lt3A_1483 : i32
      %lt3A_1485 = arith.constant 0 : i32
      %lt3A_1486 = arith.cmpi slt, %select_n3A_1479, %lt3A_1485 : i32
      %ne3A_1487 = arith.xori %lt3A_1484, %lt3A_1486 : i1
      %and3A_1488 = arith.andi %ne3A_1487, %ne3A_1482 : i1
      %add3A_1489 = arith.addi %rem3A_1480, %select_n3A_1479 : i32
      %select_n3A_1490 = arith.select %and3A_1488, %add3A_1489, %rem3A_1480 : i32
      %mul3A_1491 = arith.constant 4 : i32
      %mul3A_1492 = arith.muli %add3A, %mul3A_1491 : i32
      %add3A_1493 = arith.addi %mul3A_1492, %select_n3A_1474 : i32
      %mul3A_1494 = arith.constant 8 : i32
      %mul3A_1495 = arith.muli %select_n3A_1490, %mul3A_1494 : i32
      %dma_start3A_1496 = arith.constant 0 : i32
      %dma_start3A_1497 = tpu.memref_slice %arg4[%mul3A_1495, %add3A_1493, %dma_start3A_1496] : memref<400x128x1024xf32, #tpu.memory_space<hbm>> -> memref<8x1x1024xf32, #tpu.memory_space<hbm>>
      %dma_start3A_1498 = tpu.memref_squeeze %dma_start3A_1497 : memref<8x1x1024xf32, #tpu.memory_space<hbm>> -> memref<8x1024xf32, #tpu.memory_space<hbm>>
      %dma_start3A_1499 = arith.constant 0 : i32
      %dma_start3A_1500 = tpu.memref_slice %arg4[%mul3A_1495, %add3A_1493, %dma_start3A_1499] : memref<400x128x1024xf32, #tpu.memory_space<hbm>> -> memref<8x1x1024xf32, #tpu.memory_space<hbm>>
      %dma_start3A_1501 = tpu.memref_squeeze %dma_start3A_1500 : memref<8x1x1024xf32, #tpu.memory_space<hbm>> -> memref<8x1024xf32, #tpu.memory_space<hbm>>
      tpu.enqueue_dma source(%arg10 : memref<8x1024xf32, #tpu.memory_space<vmem>>) target(%dma_start3A_1501 : memref<8x1024xf32, #tpu.memory_space<hbm>>) target_semaphore(%arg12 : memref<!tpu.dma_semaphore, #tpu.memory_space<semaphore_mem>>)
      %scan3A_1502 = arith.constant 0 : i32
      scf.yield %scan3A_1502 : i32
    }
    %scan3A_1326 = arith.constant 100 : i32
    %dma_wait3A = arith.constant 0 : i32
    %dma_wait3A_1327 = arith.constant 0 : i32
    %dma_wait3A_1328 = arith.constant 0 : i32
    %dma_wait3A_1329 = tpu.memref_slice %arg4[%dma_wait3A_1327, %dma_wait3A, %dma_wait3A_1328] : memref<400x128x1024xf32, #tpu.memory_space<hbm>> -> memref<8x1x1024xf32, #tpu.memory_space<hbm>>
    %dma_wait3A_1330 = tpu.memref_squeeze %dma_wait3A_1329 : memref<8x1x1024xf32, #tpu.memory_space<hbm>> -> memref<8x1024xf32, #tpu.memory_space<hbm>>
    %dma_wait3A_1331 = arith.constant 0 : i32
    %dma_wait3A_1332 = arith.constant 0 : i32
    %dma_wait3A_1333 = tpu.memref_slice %arg4[%dma_wait3A_1331, %dma_wait3A, %dma_wait3A_1332] : memref<400x128x1024xf32, #tpu.memory_space<hbm>> -> memref<8x1x1024xf32, #tpu.memory_space<hbm>>
    %dma_wait3A_1334 = tpu.memref_squeeze %dma_wait3A_1333 : memref<8x1x1024xf32, #tpu.memory_space<hbm>> -> memref<8x1024xf32, #tpu.memory_space<hbm>>
    tpu.wait_dma2 semaphore(%arg12 : memref<!tpu.dma_semaphore, #tpu.memory_space<semaphore_mem>>) src(%arg9 : memref<8x1024xf32, #tpu.memory_space<vmem>>) dst(%dma_wait3A_1334 : memref<8x1024xf32, #tpu.memory_space<hbm>>)
    %dma_wait3A_1335 = arith.constant 0 : i32
    %dma_wait3A_1336 = arith.constant 0 : i32
    %dma_wait3A_1337 = arith.constant 0 : i32
    %dma_wait3A_1338 = tpu.memref_slice %arg4[%dma_wait3A_1336, %dma_wait3A_1335, %dma_wait3A_1337] : memref<400x128x1024xf32, #tpu.memory_space<hbm>> -> memref<8x1x1024xf32, #tpu.memory_space<hbm>>
    %dma_wait3A_1339 = tpu.memref_squeeze %dma_wait3A_1338 : memref<8x1x1024xf32, #tpu.memory_space<hbm>> -> memref<8x1024xf32, #tpu.memory_space<hbm>>
    %dma_wait3A_1340 = arith.constant 0 : i32
    %dma_wait3A_1341 = arith.constant 0 : i32
    %dma_wait3A_1342 = tpu.memref_slice %arg4[%dma_wait3A_1340, %dma_wait3A_1335, %dma_wait3A_1341] : memref<400x128x1024xf32, #tpu.memory_space<hbm>> -> memref<8x1x1024xf32, #tpu.memory_space<hbm>>
    %dma_wait3A_1343 = tpu.memref_squeeze %dma_wait3A_1342 : memref<8x1x1024xf32, #tpu.memory_space<hbm>> -> memref<8x1024xf32, #tpu.memory_space<hbm>>
    tpu.wait_dma2 semaphore(%arg12 : memref<!tpu.dma_semaphore, #tpu.memory_space<semaphore_mem>>) src(%arg10 : memref<8x1024xf32, #tpu.memory_space<vmem>>) dst(%dma_wait3A_1343 : memref<8x1024xf32, #tpu.memory_space<hbm>>)
    return
  }
}

module attributes {stable_mosaic.version = 14 : i64} {
  func.func @_prep_body(%arg0: i32, %arg1: memref<64x4096xf32, #tpu.memory_space<vmem>>, %arg2: memref<64x4096xf32, #tpu.memory_space<vmem>>, %arg3: memref<4096x128xf32, #tpu.memory_space<vmem>>) attributes {dimension_semantics = [#tpu.dimension_semantics<arbitrary>], iteration_bounds = array<i64: 123>, scalar_prefetch = 0 : i64, scratch_operands = 0 : i64, tpu.core_type = #tpu.core_type<tc>, window_params = [{transform_indices = @transform_0, window_bounds = array<i64: 64, 4096>}, {transform_indices = @transform_1, window_bounds = array<i64: 64, 4096>}, {transform_indices = @transform_2, window_bounds = array<i64: 4096, 128>}]} {
    %get3A = arith.constant 0 : index
    %get3A_0 = arith.constant 0 : index
    %get3A_1 = vector.load %arg1[%get3A, %get3A_0] : memref<64x4096xf32, #tpu.memory_space<vmem>>, vector<64x4096xf32>
    %transpose3A = tpu.transpose %get3A_1, [1, 0] : vector<64x4096xf32> -> vector<4096x64xf32>
    %mul3A = arith.constant 8.000000e+00 : f32
    %mul3A_2 = vector.broadcast %mul3A : f32 to vector<4096x64xf32>
    %mul3A_3 = arith.mulf %transpose3A, %mul3A_2 : vector<4096x64xf32>
    %swap3A = arith.constant 0 : index
    %swap3A_4 = arith.constant 0 : index
    %swap3A_5 = vector.load %arg3[%swap3A, %swap3A_4] : memref<4096x128xf32, #tpu.memory_space<vmem>>, vector<4096x64xf32>
    tpu.vector_store %arg3[%swap3A, %swap3A_4], %mul3A_3 {strides = array<i32>} : memref<4096x128xf32, #tpu.memory_space<vmem>>, vector<4096x64xf32>,
    %get3A_6 = arith.constant 0 : index
    %get3A_7 = arith.constant 0 : index
    %get3A_8 = vector.load %arg2[%get3A_6, %get3A_7] : memref<64x4096xf32, #tpu.memory_space<vmem>>, vector<64x4096xf32>
    %transpose3A_9 = tpu.transpose %get3A_8, [1, 0] : vector<64x4096xf32> -> vector<4096x64xf32>
    %mul3A_10 = arith.constant 8.000000e+00 : f32
    %mul3A_11 = vector.broadcast %mul3A_10 : f32 to vector<4096x64xf32>
    %mul3A_12 = arith.mulf %transpose3A_9, %mul3A_11 : vector<4096x64xf32>
    %swap3A_13 = arith.constant 0 : index
    %swap3A_14 = arith.constant 64 : index
    %swap3A_15 = vector.load %arg3[%swap3A_13, %swap3A_14] : memref<4096x128xf32, #tpu.memory_space<vmem>>, vector<4096x64xf32>
    tpu.vector_store %arg3[%swap3A_13, %swap3A_14], %mul3A_12 {strides = array<i32>} : memref<4096x128xf32, #tpu.memory_space<vmem>>, vector<4096x64xf32>,
    return
  }
  func.func @transform_0(%arg0: i32) -> (i32, i32) {
    %c0_i32 = arith.constant 0 : i32
    %c0_i32_0 = arith.constant 0 : i32
    return %c0_i32, %arg0 : i32, i32
  }
  func.func @transform_1(%arg0: i32) -> (i32, i32) {
    %add3A = arith.constant 123 : i32
    %add3A_0 = arith.addi %add3A, %arg0 : i32
    %min3A = arith.constant 244 : i32
    %min3A_1 = arith.minsi %add3A_0, %min3A : i32
    %c0_i32 = arith.constant 0 : i32
    %c0_i32_2 = arith.constant 0 : i32
    return %c0_i32, %min3A_1 : i32, i32
  }
  func.func @transform_2(%arg0: i32) -> (i32, i32) {
    %c0_i32 = arith.constant 0 : i32
    %c0_i32_0 = arith.constant 0 : i32
    return %arg0, %c0_i32 : i32, i32
  }
}

</mosaic_0001>

<sc_bundles>
// kernel: kernel.4.cloned.1.call-start
scs
__scs_entry_jumppad:
0x0: {  	(pc) =	sbr.rel $0x88, $3  }
0x1: {  	(tag) =	ssettag $0x0;
	lr =	simm.s32 $0x1  }
0x2: {  	[smem:$0x3F9F] =	sst lr;
	_ =	strace $0xD0000000  }
0x3: {  	_ = 	snop  }
0x4: {  	_ = 	snop  }
0x5: {  	_ = 	snop  }
0x6: {  	_ = 	snop  }
0x7: {  	_ = 	snop  }
__scs_overlays_trampoline_lowered:
0x8: {  	[smem:$0x3FAE] =	sst s0  }
0x9: {  	[smem:$0x3FAF] =	sst s1  }
0xa: {  	[smem:$0x3FB0] =	sst s2  }
0xb: {  	[smem:$0x3FB1] =	sst s3  }
0xc: {  	[smem:$0x3FB2] =	sst s4  }
0xd: {  	[smem:$0x3FB3] =	sst s5  }
0xe: {  	[smem:$0x3FB4] =	sst s6  }
0xf: {  	[smem:$0x3FB5] =	sst s7  }
0x10: {  	[smem:$0x3FB6] =	sst s8  }
0x11: {  	[smem:$0x3FB7] =	sst s9;
	s0 =	simm.s32 @!p0 $0x0  }
0x12: {  	s1 =	sld [smem:$0x3F9D];
	s0 =	simm.s32 @p0 $0x1  }
0x13: {  	[smem:$0x3FB8] =	sst s0;
	s0 =	simm.s32 @!p1 $0x0  }
0x14: {  	s2 =	sld [smem:$0x3F9C];
	s0 =	simm.s32 @p1 $0x1  }
0x15: {  	[smem:$0x3FB9] =	sst s0;
	s0 =	simm.s32 @!p2 $0x0  }
0x16: {  	s3 =	sld [smem:$0x3FDB];
	s0 =	simm.s32 @p2 $0x1  }
0x17: {  	s4 =	simm.s32 $0x1BF5;
	[smem:$0x3FBB] =	sst s0  }
0x18: {  	s0 =	sld [smem:$0x3F9E];
	_ =	swait.ge [sflag:s4], $0x0  }
0x19: {  	s7 =	sld [smem:$0x3F9F]  }
0x1a: {  	s8 =	sadd.s32 $0xFFFFE003, lr  }
0x1b: {  	s9 =	sadd.s32 $0xFFFFFEF7, lr;
	s5 =	simm.s32 $0xFFFFFFFF;
	p2 =	slt.u32 s8, $0xFFFFF086  }
0x1c: {  	p1 =	slt.u32 s9, $0xF7A;
	s5 =	simm.s32 @!p2 $0x0  }
0x1d: {  	s5 =	simm.s32 @p1 $0x1;
	p0 =	seq.s32 s7, s2  }
0x1e: {  	s7 =	smul.u32 @!p0 $0xF7A, s2;
	p2 =	seq.s32 @!p0 s5, $0x0  }
0x1f: {  	s9 =	smul.u32 $0xF7A, s1;
	s8 =	simm.s32 @!p0 $0x1BF5;
	p2 =	por !p2, p0  }
0x20: {  	[sflag:s8] =	ssyncset.s32 @!p0 $0xFFFFF086;
	s6 =	sadd.s32 @!p0 s3, s7;
	s7 =	simm.s32 @!p0 $0x108  }
0x21: {  	s3 =	sadd.s32 s3, s9;
	s6 =	sadd.s32 @!p0 $0x88, s6;
	s7 =	simm.s32 @p2 $0x1082  }
0x22: {  	[simem:s7], [sflag:s8] =	dma.local @!p0 [hbm:s6], $0xF7A  }
0x23: {  	s9 =	sor.u32 $0xD0000000, s2;
	s6 =	simm.s32 $0x108;
	_ =	swait.ge @!p0 [sflag:s8], $0x0  }
0x24: {  	s3 =	sadd.s32 $0x88, s3;
	s6 =	simm.s32 @!p1 $0x1082;
	[sflag:s4] =	ssyncset.s32 $0xFFFFF086  }
0x25: {  	[simem:s6], [sflag:s4] =	dma.local [hbm:s3], $0xF7A  }
0x26: {  	[smem:$0x3F9F] =	sst s1;
	(tag) =	ssettag s2;
	_ =	strace s9  }
0x27: {  	s1 =	sld [smem:$0x3FAF]  }
0x28: {  	s2 =	sld [smem:$0x3FB0]  }
0x29: {  	s4 =	sld [smem:$0x3FB2]  }
0x2a: {  	p0 =	seq.s32 s5, $0x0;
	s5 =	sld [smem:$0x3FB3]  }
0x2b: {  	s6 =	sld [smem:$0x3FB4]  }
0x2c: {  	s7 =	sld [smem:$0x3FB5]  }
0x2d: {  	s3 =	simm.s32 $0x108;
	s8 =	sld [smem:$0x3FB6]  }
0x2e: {  	s3 =	simm.s32 @!p0 $0x1082;
	s9 =	sld [smem:$0x3FB7]  }
0x2f: {  	lr =	sadd.s32 s0, s3;
	s0 =	sld [smem:$0x3FAE]  }
0x30: {  	s3 =	sld [smem:$0x3FB1]  }
0x31: {  	[smem:$0x3FBA] =	sst s10  }
0x32: {  	s10 =	sld [smem:$0x3FB8];
	_ =	sdelay $0x3  }
0x33: {  	p0 =	seq.s32 s10, $0x1;
	s10 =	sld [smem:$0x3FBA];
	_ =	sdelay $0x3  }
0x34: {  	[smem:$0x3FBA] =	sst s10  }
0x35: {  	s10 =	sld [smem:$0x3FB9];
	_ =	sdelay $0x3  }
0x36: {  	p1 =	seq.s32 s10, $0x1;
	s10 =	sld [smem:$0x3FBA];
	_ =	sdelay $0x3  }
0x37: {  	[smem:$0x3FBA] =	sst s10  }
0x38: {  	s10 =	sld [smem:$0x3FBB]  }
0x39: {  	_ = 	snop;
	(pc) =	sbr.ind lr, $3  }
0x3a: {  	_ = 	snop  }
0x3b: {  	_ = 	snop  }
0x3c: {  	p2 =	seq.s32 s10, $0x1;
	s10 =	sld [smem:$0x3FBA]  }
0x3d: {  	_ =	shalt  }
0x3e: {  	_ =	shalt  }
0x3f: {  	_ =	shalt  }
0x40: {  	_ =	shalt  }
0x41: {  	_ =	shalt  }
0x42: {  	_ =	shalt  }
0x43: {  	_ =	shalt  }
0x44: {  	_ =	shalt  }
0x45: {  	_ =	shalt  }
0x46: {  	_ =	shalt  }
0x47: {  	_ =	shalt  }
0x48: {  	_ =	shalt  }
0x49: {  	_ =	shalt  }
0x4a: {  	_ =	shalt  }
0x4b: {  	_ =	shalt  }
0x4c: {  	_ =	shalt  }
0x4d: {  	_ =	shalt  }
0x4e: {  	_ =	shalt  }
0x4f: {  	_ =	shalt  }
0x50: {  	_ =	shalt  }
0x51: {  	_ =	shalt  }
0x52: {  	_ =	shalt  }
0x53: {  	_ =	shalt  }
0x54: {  	_ =	shalt  }
0x55: {  	_ =	shalt  }
0x56: {  	_ =	shalt  }
0x57: {  	_ =	shalt  }
0x58: {  	_ =	shalt  }
0x59: {  	_ =	shalt  }
0x5a: {  	_ =	shalt  }
0x5b: {  	_ =	shalt  }
0x5c: {  	_ =	shalt  }
0x5d: {  	_ =	shalt  }
0x5e: {  	_ =	shalt  }
0x5f: {  	_ =	shalt  }
0x60: {  	_ =	shalt  }
0x61: {  	_ =	shalt  }
0x62: {  	_ =	shalt  }
0x63: {  	_ =	shalt  }
0x64: {  	_ =	shalt  }
0x65: {  	_ =	shalt  }
0x66: {  	_ =	shalt  }
0x67: {  	_ =	shalt  }
0x68: {  	_ =	shalt  }
0x69: {  	_ =	shalt  }
0x6a: {  	_ =	shalt  }
0x6b: {  	_ =	shalt  }
0x6c: {  	_ =	shalt  }
0x6d: {  	_ =	shalt  }
0x6e: {  	_ =	shalt  }
0x6f: {  	_ =	shalt  }
0x70: {  	_ =	shalt  }
0x71: {  	_ =	shalt  }
0x72: {  	_ =	shalt  }
0x73: {  	_ =	shalt  }
0x74: {  	_ =	shalt  }
0x75: {  	_ =	shalt  }
0x76: {  	_ =	shalt  }
0x77: {  	_ =	shalt  }
0x78: {  	_ =	shalt  }
0x79: {  	_ =	shalt  }
0x7a: {  	_ =	shalt  }
0x7b: {  	_ =	shalt  }
0x7c: {  	_ =	shalt  }
0x7d: {  	_ =	shalt  }
0x7e: {  	_ =	shalt  }
0x7f: {  	_ =	shalt  }
0x80: {  	_ =	shalt  }
0x81: {  	_ =	shalt  }
0x82: {  	_ =	shalt  }
0x83: {  	_ =	shalt  }
0x84: {  	_ =	shalt  }
0x85: {  	_ =	shalt  }
0x86: {  	_ =	shalt  }
0x87: {  	_ =	shalt  }
.Lfunc_end0:
.L_simem_size_0:
called_computation_lowered:
.L_overlay_start_0:
0x88: {  	s2 =	sld [smem:$0x3FD9]  }
0x89: {  	s3 =	sld [smem:$0x3FFE];
	_ =	sdelay $0x1  }
0x8a: {  	s1 =	srdreg.scid  }
0x8b: {  	s0 =	sand.u32 $0x1, s1  }
0x8c: {  	s17 =	sshll.u32 s0, $0xA;
	s2 =	sadd.s32 s3, s2  }
0x8d: {  	s2 =	sadd.s32 s2, s17  }
0x8e: {  	[smem:$0x3FC6] =	sst s2  }
0x8f: {  	_ = 	snop  }
0x90: {  	s2 =	sld [smem:$0x3FD0];
	(tm) =	ssettm $0x1  }
0x91: {  	s18 =	sld [smem:$0x3FFB];
	_ =	sdelay $0x3  }
0x92: {  	_ =	strace s18  }
0x93: {  	s3 =	sld [smem:$0x3FFC];
	_ =	sdelay $0x3  }
0x94: {  	_ =	strace s3  }
0x95: {  	s3 =	sld [smem:$0x3FFD];
	_ =	sdelay $0x3  }
0x96: {  	_ =	strace s3  }
0x97: {  	_ =	strace $0x8FFFFFFF  }
0x98: {  	s19 =	sld [smem:$0x3FDB];
	_ =	sdelay $0x1  }
0x99: {  	s4 =	simm.s32 $_scs_section_size  }
0x9a: {  	s5 =	simm.s32 $_size__tile_overlayer_lowered;
	s6 =	simm.s32 $_tile_overlayer_lowered  }
0x9b: {  	s22 =	simm.s32 $0x1BFF;
	s21 =	sshll.u32 s6, $0x1;
	s3 =	sadd.s32 s4, s19  }
0x9c: {  	s7 =	simm.s32 $0x0;
	s20 =	sshll.u32 s5, $0x1;
	s5 =	sadd.s32 s21, s3  }
0x9d: {  	[timem:s7], [sflag:s22] =	dma.local [hbm:s5], s20  }
0x9e: {  	_ =	swait.ge [sflag:s22], s20  }
0x9f: {  	s4 =	ssub.s32 $0x0, s20;
	[sflag:s22] =	ssyncset.done $0x0  }
0xa0: {  	[sflag:s22] =	ssyncadd.s32 s4;
	_ =	sdelay $0x1  }
0xa1: {  	s23 =	simm.s32 $0x1B8B  }
0xa2: {  	_ =	swait.ge [sflag:s23], $0x1  }
0xa3: {  	[sflag:s23] =	ssyncset.done $0x0  }
0xa4: {  	s25 =	simm.s32 $0x1B8E;
	s24 =	sld [smem:$0x3FFE];
	[sflag:s23] =	ssyncadd.s32 $0xFFFFFFFF  }
0xa5: {  	s26 =	simm.s32 $execute0_lowered;
	[smem:$0x3FD2] =	sst s25  }
0xa6: {  	s5 =	sshll.u32 s26, $0x1;
	_ =	strace $0x80000046;
	[dreg:$0x1] =	wrdreg $0xFFFFFFFF  }
0xa7: {  	s28 =	simm.s32 $_size_execute0_lowered;
	s3 =	sadd.s32 s3, s5;
	[dreg:$0x0] =	wrdreg $0x0  }
0xa8: {  	s5 =	sshll.u32 s28, $0x1;
	[dreg:$0x2] =	wrdreg s3  }
0xa9: {  	[dreg:$0x3] =	wrdreg s5  }
0xaa: {  	[dreg:$0x4] =	wrdreg $0xC0  }
0xab: {  	_ =	task [dreg:s7], $0x5FFFF  }
0xac: {  	[dreg:$0x1] =	wrdreg $0xFFFFFFFF  }
0xad: {  	[dreg:$0x0] =	wrdreg $0x60  }
0xae: {  	[dreg:$0x2] =	wrdreg s24  }
0xaf: {  	[dreg:$0x3] =	wrdreg s2  }
0xb0: {  	[dreg:$0x4] =	wrdreg $0x9  }
0xb1: {  	_ =	task.clear_ibuf [dreg:s7], $0x5FFFF;
	_ =	strace $0x90000046  }
0xb2: {  	s29 =	simm.s32 $0x9;
	_ =	strace $0x80000048  }
0xb3: {  	_ =	swait.ge [sflag:s29], $0x1  }
0xb4: {  	[sflag:s29] =	ssyncadd.s32 $0xFFFFFFFF  }
0xb5: {  	_ =	strace $0x90000048  }
0xb6: {  	_ =	sfence  }
0xb7: {  	s30 =	sld [smem:$0x0];
	_ =	sdelay $0x2  }
0xb8: {  	s31 =	sshll.u32 s1, $0xD;
	s1 =	sshrl.u32 s1, $0x2  }
0xb9: {  	s3 =	sand.u32 $0x4000, s31;
	s1 =	sadd.s32 s1, s30  }
0xba: {  	s0 =	sor.u32 s3, s0;
	s1 =	sshll.u32 s1, $0x11  }
0xbb: {  	s0 =	sor.u32 s1, s0  }
0xbc: {  	s0 =	sadd.s32 $0x8F2B, s0  }
0xbd: {  	[sflag:s0] =	ssyncadd.remote.s32 $0x1  }
0xbe: {  	_ =	sfence.sel $0xFFFF  }
0xbf: {  	[dreg:$0x0] =	wrdreg $0xFFFFFFFF;
	(pc) =	sbr.abs _section_cstart, $3  }
0xc0: {  	[dreg:$0x1] =	wrdreg $0xFFFFFFFF  }
0xc1: {  	_ =	task.clear_ibuf [dreg:s7], $0x2FFFF;
	_ =	strace $0x9FFFFFFF  }
0xc2: {  	(tm) =	ssettm $0x7FFFFFFF  }
0xc3: {  	_ =	shalt  }
tec
execute0_lowered:
.L_overlay_start_1:
0x0: {  	(tag) =	ssettag $0x1  }
0x1: {  	vm14 =	vcmask $0x300  }
0x2: {  	v0 =	vimm.s32 $0xF;
	v1 =	vimm.s32 $0xFEDCBA9;
	vm13 =	vcmask $0x704  }
0x3: {  	vm12 =	vcmask $0xB08;
	v2 =	vimm.s32 $0x87654321;
	vm11 =	vcmask $0xF0C  }
0x4: {  	vm10 =	vcmask $0x1310;
	vm9 =	vcmask $0x1714;
	vm8 =	vcmask $0x1B18  }
0x5: {  	vm6 =	vcmask $0x1F1C;
	vm7 =	vcmask $0x2320;
	vm5 =	vcmask $0x2724  }
0x6: {  	v4 =	vimm.s32 $0x8F;
	vm3 =	vcmask $0x2B28;
	vm4 =	vcmask $0x2F2C  }
0x7: {  	vm2 =	vcmask $0x3330;
	vm0 =	vcmask $0x3734;
	vm1 =	vcmask $0x3B38  }
0x8: {  	v5 =	vimm.s32 $0x10F;
	v60 =	vimm.s32 $0xBA987654;
	v11 =	vimm.s32 $0x20F  }
0x9: {  	v17 =	vimm.s32 $0x43210FED;
	v18 =	vimm.s32 $0xCBA98765;
	v21 =	vimm.s32 $0x28F  }
0xa: {  	v23 =	vimm.s32 $0x543210FE;
	v14 =	vimm.s32 $0xDCBA9876;
	v35 =	vimm.s32 $0x38F  }
0xb: {  	v38 =	vimm.s32 $0x40F;
	v39 =	vimm.s32 $0xFEDCBA98;
	v40 =	vimm.s32 $0x48F  }
0xc: {  	v41 =	vimm.s32 $0xD0F;
	v42 =	vimm.s32 $0xD8F;
	v43 =	vimm.s32 $0xE0F  }
0xd: {  	v44 =	vimm.s32 $0x110F;
	v45 =	vimm.s32 $0x118F;
	v24 =	vimm.s32 $0x150F  }
0xe: {  	v25 =	vimm.s32 $0x158F;
	v26 =	vimm.s32 $0x160F;
	v27 =	vimm.s32 $0x168F  }
0xf: {  	v28 =	vimm.s32 $0x170F;
	v29 =	vimm.s32 $0x180F;
	v30 =	vimm.s32 $0x188F  }
0x10: {  	v31 =	vimm.s32 $0x190F;
	v49 =	vimm.s32 $0x19181716;
	v0 =	vsel vm14, $0x80, v0  }
0x11: {  	v1 =	vunpack.c.l.s4.s8 v1;
	v2 =	vunpack.c.l.s4.s8 v2;
	v4 =	vsel vm14, $0x100, v4  }
0x12: {  	v6 =	vsel vm14, $0x180, v5;
	v62 =	vsel vm14, $0x280, v11;
	v11 =	vunpack.c.l.s4.s8 v18  }
0x13: {  	v14 =	vunpack.c.l.s4.s8 v14;
	v18 =	vimm.s32 $0x120F;
	v24 =	vsel vm14, $0x1580, v24  }
0x14: {  	v25 =	vsel vm14, $0x1600, v25;
	v26 =	vsel vm14, $0x1680, v26;
	v27 =	vsel vm14, $0x1700, v27  }
0x15: {  	v28 =	vsel vm14, $0x1780, v28;
	v29 =	vsel vm14, $0x1880, v29;
	v30 =	vsel vm14, $0x1900, v30  }
0x16: {  	v31 =	vsel vm14, $0x1980, v31;
	v0 =	vsel vm13, $0x101, v0;
	v4 =	vsel vm13, $0x181, v4  }
0x17: {  	v18 =	vsel vm14, $0x1280, v18;
	v24 =	vsel vm13, $0x1601, v24;
	v25 =	vsel vm13, $0x1681, v25  }
0x18: {  	v26 =	vsel vm13, $0x1701, v26;
	v27 =	vsel vm13, $0x1781, v27;
	v28 =	vsel vm13, $0x1001, v28  }
0x19: {  	v29 =	vsel vm13, $0x1901, v29;
	v30 =	vsel vm13, $0x1981, v30;
	v31 =	vsel vm13, $0x1A01, v31  }
0x1a: {  	v0 =	vsel vm12, $0x182, v0;
	v4 =	vsel vm12, $0x202, v4;
	v20 =	vunpack.c.0.s8.s32 v11  }
0x1b: {  	v11 =	vsel vm14, $0x300, v21;
	v21 =	vimm.s32 $0x138F;
	v3 =	vsel vm11, $0x203, v0  }
0x1c: {  	v18 =	vsel vm13, $0x1301, v18;
	v0 =	vunpack.c.0.s8.s32 v1;
	v3 =	vsel vm10, $0x284, v3  }
0x1d: {  	v1 =	vunpack.c.0.s8.s32 v2;
	v4 =	vsel vm11, $0x283, v4;
	v2 =	vsel vm9, $0x305, v3  }
0x1e: {  	v11 =	vsel vm13, $0x381, v11;
	v21 =	vsel vm14, $0x1400, v21;
	v2 =	vsel vm8, $0x386, v2  }
0x1f: {  	v11 =	vsel vm12, $0x402, v11;
	v21 =	vsel vm13, $0x1481, v21;
	v2 =	vsel vm6, $0x407, v2  }
0x20: {  	v3 =	vcombine.low v1, v0;
	v22 =	vsel vm11, $0x483, v11;
	v2 =	vsel vm7, $0x488, v2  }
0x21: {  	v11 =	vunpack.c.l.s4.s8 v23;
	v23 =	vimm.s32 $0x148F;
	v2 =	vsel vm5, $0x509, v2  }
0x22: {  	v0 =	vcombine.low v0, v1;
	v23 =	vsel vm14, $0x1500, v23;
	v2 =	vsel vm3, $0x58A, v2  }
0x23: {  	v57 =	vand.u32 $0xF, v3;
	v3 =	vsel vm10, $0x304, v4;
	v2 =	vsel vm4, $0x60B, v2  }
0x24: {  	v4 =	vimm.s32 $0x10FEDCBA;
	v32 =	vunpack.c.0.s8.s32 v11;
	v2 =	vsel vm2, $0x68C, v2  }
0x25: {  	v0 =	vand.u32 $0xF, v0;
	v3 =	vsel vm9, $0x385, v3;
	v2 =	vsel vm0, $0x70D, v2  }
0x26: {  	v3 =	vsel vm8, $0x406, v3;
	v56 =	vsel vm1, $0x78E, v2;
	v2 =	vunpack.c.l.s4.s8 v4  }
0x27: {  	v23 =	vsel vm13, $0x1581, v23;
	v3 =	vsel vm6, $0x487, v3;
	v4 =	vimm.s32 $0x98765432  }
0x28: {  	v3 =	vsel vm7, $0x508, v3;
	v4 =	vunpack.c.l.s4.s8 v4;
	v5 =	vunpack.c.0.s8.s32 v2  }
0x29: {  	v2 =	vsel vm5, $0x589, v3;
	v3 =	vsel vm13, $0x201, v6;
	v6 =	vimm.s32 $0xA9876543  }
0x2a: {  	v7 =	vunpack.c.0.s8.s32 v4;
	v2 =	vsel vm3, $0x60A, v2;
	v3 =	vsel vm12, $0x282, v3  }
0x2b: {  	v4 =	vimm.s32 $0x210FEDCB;
	v6 =	vunpack.c.l.s4.s8 v6;
	v3 =	vsel vm11, $0x303, v3  }
0x2c: {  	v4 =	vunpack.c.l.s4.s8 v4;
	v3 =	vsel vm10, $0x384, v3;
	v8 =	vcombine.low v7, v5  }
0x2d: {  	v9 =	vsel vm4, $0x68B, v2;
	v5 =	vcombine.low v5, v7;
	v10 =	vsel vm9, $0x405, v3  }
0x2e: {  	v2 =	vunpack.c.0.s8.s32 v4;
	v3 =	vunpack.c.0.s8.s32 v6;
	v6 =	vand.u32 $0xF, v8  }
0x2f: {  	v4 =	vsel vm8, $0x486, v10;
	v5 =	vand.u32 $0xF, v5;
	[tilespmem:$0x1FA70] =	vst v6;
	v6 =	vsel vm2, $0x70C, v9  }
0x30: {  	v4 =	vsel vm6, $0x507, v4;
	v8 =	vcombine.low v3, v2;
	v9 =	vunpack.c.l.s4.s8 v60  }
0x31: {  	[tilespmem:$0x1F810] =	vst v5;
	v5 =	vimm.s32 $0x58F;
	v2 =	vcombine.low v2, v3;
	v6 =	vsel vm0, $0x78D, v6  }
0x32: {  	v4 =	vsel vm7, $0x588, v4;
	v5 =	vsel vm14, $0x600, v5;
	v63 =	vsel vm1, $0xE, v6  }
0x33: {  	v4 =	vsel vm5, $0x609, v4;
	v6 =	vimm.s32 $0x18F;
	v55 =	vand.u32 $0xF, v8  }
0x34: {  	v8 =	vimm.s32 $0x3210FEDC;
	v5 =	vsel vm13, $0x681, v5;
	v2 =	vand.u32 $0xF, v2  }
0x35: {  	v4 =	vsel vm3, $0x68A, v4;
	v6 =	vsel vm14, $0x200, v6;
	v8 =	vunpack.c.l.s4.s8 v8  }
0x36: {  	v5 =	vsel vm12, $0x702, v5;
	[tilespmem:$0x1F830] =	vst v2;
	v2 =	vimm.s32 $0x60F;
	v4 =	vsel vm4, $0x70B, v4  }
0x37: {  	v6 =	vsel vm13, $0x281, v6;
	v5 =	vsel vm11, $0x783, v5;
	v2 =	vsel vm14, $0x680, v2  }
0x38: {  	v6 =	vsel vm12, $0x302, v6;
	v61 =	vsel vm2, $0x78C, v4;
	v4 =	vunpack.c.0.s8.s32 v8  }
0x39: {  	v3 =	vsel vm10, $0x4, v5;
	v2 =	vsel vm13, $0x701, v2;
	v5 =	vimm.s32 $0xB0F  }
0x3a: {  	v6 =	vsel vm11, $0x383, v6;
	v10 =	vsel vm0, $0xD, v61;
	v2 =	vsel vm12, $0x782, v2  }
0x3b: {  	v5 =	vsel vm14, $0xB80, v5;
	v8 =	vsel vm10, $0x404, v6;
	v6 =	vunpack.c.0.s8.s32 v9  }
0x3c: {  	v9 =	vsel vm13, $0x301, v62;
	v52 =	vsel vm1, $0x8E, v10;
	v8 =	vsel vm9, $0x485, v8  }
0x3d: {  	v10 =	vunpack.c.l.s4.s8 v17;
	v9 =	vsel vm12, $0x382, v9;
	v8 =	vsel vm8, $0x506, v8  }
0x3e: {  	v16 =	vcombine.low v6, v4;
	v9 =	vsel vm11, $0x403, v9;
	v8 =	vsel vm6, $0x587, v8  }
0x3f: {  	v5 =	vsel vm13, $0xC01, v5;
	v9 =	vsel vm10, $0x484, v9;
	v8 =	vsel vm7, $0x608, v8  }
0x40: {  	v46 =	vand.u32 $0xF, v16;
	v9 =	vsel vm9, $0x505, v9;
	v8 =	vsel vm5, $0x689, v8  }
0x41: {  	v16 =	vimm.s32 $0xEDCBA987;
	v9 =	vsel vm8, $0x586, v9;
	v8 =	vsel vm3, $0x70A, v8  }
0x42: {  	v16 =	vunpack.c.l.s4.s8 v16;
	v9 =	vsel vm6, $0x607, v9;
	v8 =	vsel vm4, $0x78B, v8  }
0x43: {  	v19 =	vsel vm7, $0x688, v9;
	v9 =	vsel vm14, $0xD80, v41;
	v41 =	vimm.s32 $0x1E0F  }
0x44: {  	v12 =	vsel vm2, $0xC, v8;
	v8 =	vunpack.c.0.s8.s32 v10;
	v10 =	vsel vm5, $0x709, v19  }
0x45: {  	v19 =	vimm.s32 $0x128F;
	v41 =	vsel vm14, $0x1E80, v41;
	v9 =	vsel vm13, $0xE01, v9  }
0x46: {  	v12 =	vsel vm0, $0x8D, v12;
	v10 =	vsel vm3, $0x78A, v10;
	v19 =	vsel vm14, $0x1300, v19  }
0x47: {  	v41 =	vsel vm13, $0x1F01, v41;
	v13 =	vcombine.low v20, v8;
	v10 =	vsel vm4, $0xB, v10  }
0x48: {  	v48 =	vsel vm1, $0x10E, v12;
	v19 =	vsel vm13, $0x1381, v19;
	v10 =	vsel vm2, $0x8C, v10  }
0x49: {  	v47 =	vand.u32 $0xF, v13;
	v12 =	vsel vm0, $0x10D, v10;
	v10 =	vsel vm10, $0x504, v22  }
0x4a: {  	v13 =	vimm.s32 $0x30F;
	v22 =	vimm.s32 $0x140F;
	v10 =	vsel vm9, $0x585, v10  }
0x4b: {  	v13 =	vsel vm14, $0x380, v13;
	v12 =	vsel vm1, $0x18E, v12;
	v22 =	vsel vm14, $0x1480, v22  }
0x4c: {  	v10 =	vsel vm8, $0x606, v10;
	v13 =	vsel vm13, $0x401, v13;
	v22 =	vsel vm13, $0x1501, v22  }
0x4d: {  	v15 =	vsel vm6, $0x687, v10;
	v13 =	vsel vm12, $0x482, v13;
	v10 =	vsel vm14, $0xE00, v42  }
0x4e: {  	v42 =	vimm.s32 $0x1E8F;
	v33 =	vsel vm7, $0x708, v15;
	v15 =	vsel vm11, $0x503, v13  }
0x4f: {  	v13 =	vunpack.c.0.s8.s32 v14;
	v42 =	vsel vm14, $0x1F00, v42;
	v10 =	vsel vm13, $0xE81, v10  }
0x50: {  	v11 =	vsel vm5, $0x789, v33;
	v14 =	vsel vm10, $0x584, v15;
	v15 =	vimm.s32 $0x6543210F  }
0x51: {  	v33 =	vimm.s32 $0x1A0F;
	v42 =	vsel vm13, $0x1F81, v42;
	v11 =	vsel vm3, $0xA, v11  }
0x52: {  	[tilespmem:$0x1FB30] =	vst v12;
	v12 =	vsel vm9, $0x605, v14;
	v14 =	vcombine.low v13, v32;
	v15 =	vunpack.c.l.s4.s8 v15  }
0x53: {  	v33 =	vsel vm14, $0x1A80, v33;
	v61 =	vsel vm12, $0x1802, v42;
	v12 =	vsel vm8, $0x686, v12  }
0x54: {  	v11 =	vsel vm4, $0x8B, v11;
	v33 =	vsel vm13, $0x1B01, v33;
	v12 =	vsel vm6, $0x707, v12  }
0x55: {  	v14 =	vand.u32 $0xF, v14;
	v34 =	vunpack.c.0.s8.s32 v15;
	v12 =	vsel vm7, $0x788, v12  }
0x56: {  	[tilespmem:$0x1FB40] =	vst v14;
	v14 =	vsel vm2, $0x10C, v11;
	v11 =	vsel vm14, $0xE80, v43;
	v43 =	vimm.s32 $0x1F0F  }
0x57: {  	v17 =	vsel vm5, $0x9, v12;
	v12 =	vunpack.c.0.s8.s32 v16;
	v14 =	vsel vm0, $0x18D, v14  }
0x58: {  	v16 =	vsel vm14, $0x400, v35;
	v35 =	vimm.s32 $0x1B0F;
	v43 =	vsel vm14, $0x1F80, v43  }
0x59: {  	v11 =	vsel vm13, $0xF01, v11;
	v15 =	vsel vm3, $0x8A, v17;
	v60 =	vsel vm1, $0x20E, v14  }
0x5a: {  	v17 =	vunpack.c.l.s4.s8 v39;
	v35 =	vsel vm14, $0x1B80, v35;
	v39 =	vimm.s32 $0x1D0F  }
0x5b: {  	v43 =	vsel vm13, $0x1801, v43;
	v15 =	vsel vm4, $0x10B, v15;
	v36 =	vcombine.low v12, v34  }
0x5c: {  	v39 =	vsel vm14, $0x1D80, v39;
	v35 =	vsel vm13, $0x1C01, v35;
	v15 =	vsel vm2, $0x18C, v15  }
0x5d: {  	v17 =	vunpack.c.0.s8.s32 v17;
	v39 =	vsel vm13, $0x1E01, v39;
	v14 =	vsel vm0, $0x20D, v15  }
0x5e: {  	v15 =	vsel vm13, $0x481, v16;
	v37 =	vand.u32 $0xF, v36;
	v16 =	vsel vm14, $0x480, v38  }
0x5f: {  	v36 =	vimm.s32 $0x1B8F;
	v38 =	vimm.s32 $0x1C8F;
	v14 =	vsel vm1, $0x28E, v14  }
0x60: {  	[tilespmem:$0x1F7F0] =	vst v37;
	v16 =	vsel vm13, $0x501, v16;
	v17 =	vand.u32 $0xF, v17;
	v37 =	vimm.s32 $0x1C0F  }
0x61: {  	v36 =	vsel vm14, $0x1C00, v36;
	v38 =	vsel vm14, $0x1D00, v38;
	[tilespmem:$0x1FB50] =	vst v14;
	v14 =	vsel vm12, $0x502, v15  }
0x62: {  	v15 =	vimm.s32 $0x76543210;
	v16 =	vsel vm12, $0x582, v16;
	v37 =	vsel vm14, $0x1C80, v37  }
0x63: {  	v36 =	vsel vm13, $0x1C81, v36;
	v14 =	vsel vm11, $0x583, v14;
	v15 =	vunpack.c.l.s4.s8 v15  }
0x64: {  	v38 =	vsel vm13, $0x1D81, v38;
	v16 =	vsel vm11, $0x603, v16;
	v14 =	vsel vm10, $0x604, v14  }
0x65: {  	v16 =	vsel vm10, $0x684, v16;
	v14 =	vsel vm9, $0x685, v14;
	v15 =	vunpack.c.0.s8.s32 v15  }
0x66: {  	v37 =	vsel vm13, $0x1D01, v37;
	v16 =	vsel vm9, $0x705, v16;
	v14 =	vsel vm8, $0x706, v14  }
0x67: {  	v14 =	vsel vm6, $0x787, v14;
	v15 =	vcombine.low v17, v15;
	v17 =	vsel vm14, $0x1200, v45  }
0x68: {  	v45 =	vsel vm12, $0x1882, v43;
	v14 =	vsel vm7, $0x8, v14;
	v17 =	vsel vm13, $0x1281, v17  }
0x69: {  	v42 =	vsel vm11, $0x1903, v45;
	v45 =	vimm.s32 $0x16151413;
	v14 =	vsel vm5, $0x89, v14  }
0x6a: {  	[tilespmem:$0x1F800] =	vst v15;
	v15 =	vsel vm8, $0x786, v16;
	v16 =	vsel vm14, $0x500, v40;
	v40 =	vimm.s32 $0x1D8F  }
0x6b: {  	v42 =	vsel vm10, $0x1984, v42;
	v14 =	vsel vm3, $0x10A, v14;
	v15 =	vsel vm6, $0x7, v15  }
0x6c: {  	v16 =	vsel vm13, $0x581, v16;
	v40 =	vsel vm14, $0x1E00, v40;
	v14 =	vsel vm4, $0x18B, v14  }
0x6d: {  	v42 =	vsel vm9, $0x1A05, v42;
	v15 =	vsel vm7, $0x88, v15;
	v14 =	vsel vm2, $0x20C, v14  }
0x6e: {  	v40 =	vsel vm13, $0x1E81, v40;
	v15 =	vsel vm5, $0x109, v15;
	v14 =	vsel vm0, $0x28D, v14  }
0x6f: {  	v1 =	vsel vm3, $0x18A, v15;
	v15 =	vsel vm12, $0x602, v16;
	v16 =	vsel vm14, $0x1180, v44  }
0x70: {  	v44 =	vimm.s32 $0x15141312;
	v50 =	vsel vm1, $0x30E, v14;
	v1 =	vsel vm4, $0x20B, v1  }
0x71: {  	v14 =	vsel vm11, $0x683, v15;
	v15 =	vimm.s32 $0x108F;
	v44 =	vunpack.c.0.s8.s32 v44  }
0x72: {  	[tilespmem:$0x1FB00] =	vst v0;
	v16 =	vsel vm13, $0x1201, v16;
	v0 =	vsel vm2, $0x28C, v1;
	v1 =	vsel vm10, $0x704, v14  }
0x73: {  	v14 =	vimm.s32 $0x50F;
	v15 =	vsel vm14, $0x1100, v15;
	v0 =	vsel vm0, $0x30D, v0  }
0x74: {  	v1 =	vsel vm9, $0x785, v1;
	v7 =	vsel vm14, $0x580, v14;
	v14 =	vimm.s32 $0x100F  }
0x75: {  	[tilespmem:$0x1F8E0] =	vst v44;
	v15 =	vsel vm13, $0x1181, v15;
	v44 =	vunpack.c.0.s8.s32 v49;
	v1 =	vsel vm8, $0x6, v1  }
0x76: {  	v62 =	vsel vm1, $0x38E, v0;
	v0 =	vsel vm6, $0x87, v1;
	v1 =	vsel vm13, $0x601, v7  }
0x77: {  	v49 =	vimm.s32 $0x1E1D1C1B;
	v0 =	vsel vm7, $0x108, v0;
	v1 =	vsel vm12, $0x682, v1  }
0x78: {  	v14 =	vsel vm14, $0x1080, v14;
	v0 =	vsel vm5, $0x189, v0;
	v1 =	vsel vm11, $0x703, v1  }
0x79: {  	v43 =	vunpack.c.0.s8.s32 v49;
	v0 =	vsel vm3, $0x20A, v0;
	v1 =	vsel vm10, $0x784, v1  }
0x7a: {  	v49 =	vimm.s32 $0x1A191817;
	v0 =	vsel vm4, $0x28B, v0;
	v1 =	vsel vm9, $0x5, v1  }
0x7b: {  	v7 =	vimm.s32 $0xC0F;
	v0 =	vsel vm2, $0x30C, v0;
	v1 =	vsel vm8, $0x86, v1  }
0x7c: {  	v14 =	vsel vm13, $0x1101, v14;
	v0 =	vsel vm0, $0x38D, v0;
	v1 =	vsel vm6, $0x107, v1  }
0x7d: {  	v7 =	vsel vm14, $0xC80, v7;
	v1 =	vsel vm7, $0x188, v1;
	v0 =	vsel vm1, $0x40E, v0  }
0x7e: {  	v7 =	vsel vm13, $0xD01, v7;
	[tilespmem:$0x1F820] =	vst v0;
	v0 =	vsel vm5, $0x209, v1;
	v1 =	vsel vm9, $0x85, v3  }
0x7f: {  	v3 =	vcombine.low v4, v6;
	v4 =	vimm.s32 $0xA8F;
	v1 =	vsel vm8, $0x106, v1  }
0x80: {  	v6 =	vimm.s32 $0xB8F;
	v0 =	vsel vm3, $0x28A, v0;
	v1 =	vsel vm6, $0x187, v1  }
0x81: {  	v4 =	vsel vm14, $0xB00, v4;
	v0 =	vsel vm4, $0x30B, v0;
	v1 =	vsel vm7, $0x208, v1  }
0x82: {  	v6 =	vsel vm14, $0xC00, v6;
	v0 =	vsel vm2, $0x38C, v0;
	v1 =	vsel vm5, $0x289, v1  }
0x83: {  	v4 =	vsel vm13, $0xB81, v4;
	v0 =	vsel vm0, $0x40D, v0;
	v1 =	vsel vm3, $0x30A, v1  }
0x84: {  	v6 =	vsel vm13, $0xC81, v6;
	v51 =	vsel vm1, $0x48E, v0;
	v0 =	vsel vm4, $0x38B, v1  }
0x85: {  	v1 =	vsel vm11, $0x3, v2;
	v2 =	vand.u32 $0xF, v3;
	v3 =	vcombine.low v32, v13  }
0x86: {  	v13 =	vimm.s32 $0xF0F;
	v32 =	vimm.s32 $0x198F;
	v0 =	vsel vm2, $0x40C, v0  }
0x87: {  	[tilespmem:$0x1FB10] =	vst v2;
	v1 =	vsel vm10, $0x84, v1;
	v2 =	vcombine.low v8, v20;
	v8 =	vimm.s32 $0xC8F  }
0x88: {  	v13 =	vsel vm14, $0xF80, v13;
	v20 =	vimm.s32 $0x130F;
	v32 =	vsel vm14, $0x1A00, v32  }
0x89: {  	v0 =	vsel vm0, $0x48D, v0;
	v1 =	vsel vm9, $0x105, v1;
	v8 =	vsel vm14, $0xD00, v8  }
0x8a: {  	v20 =	vsel vm14, $0x1380, v20;
	v13 =	vsel vm13, $0x801, v13;
	v0 =	vsel vm1, $0x50E, v0  }
0x8b: {  	v32 =	vsel vm13, $0x1A81, v32;
	[tilespmem:$0x1F840] =	vst v0;
	v0 =	vsel vm8, $0x186, v1;
	v1 =	vimm.s32 $0x68F  }
0x8c: {  	v2 =	vand.u32 $0xF, v2;
	v0 =	vsel vm6, $0x207, v0;
	v1 =	vsel vm14, $0x700, v1  }
0x8d: {  	v8 =	vsel vm13, $0xD81, v8;
	v0 =	vsel vm7, $0x288, v0;
	v1 =	vsel vm13, $0x781, v1  }
0x8e: {  	[tilespmem:$0x1F850] =	vst v2;
	v2 =	vimm.s32 $0x70F;
	v0 =	vsel vm5, $0x309, v0;
	v1 =	vsel vm12, $0x2, v1  }
0x8f: {  	v2 =	vsel vm14, $0x780, v2;
	v0 =	vsel vm3, $0x38A, v0;
	v1 =	vsel vm11, $0x83, v1  }
0x90: {  	v2 =	vsel vm13, $0x1, v2;
	v0 =	vsel vm4, $0x40B, v0;
	v1 =	vsel vm10, $0x104, v1  }
0x91: {  	v2 =	vsel vm12, $0x82, v2;
	v0 =	vsel vm2, $0x48C, v0;
	v1 =	vsel vm9, $0x185, v1  }
0x92: {  	v2 =	vsel vm11, $0x103, v2;
	v0 =	vsel vm0, $0x50D, v0;
	v1 =	vsel vm8, $0x206, v1  }
0x93: {  	v2 =	vsel vm10, $0x184, v2;
	v1 =	vsel vm6, $0x287, v1;
	v0 =	vsel vm1, $0x58E, v0  }
0x94: {  	v20 =	vsel vm13, $0x1401, v20;
	v2 =	vsel vm9, $0x205, v2;
	[tilespmem:$0x1F860] =	vst v0;
	v0 =	vsel vm7, $0x308, v1  }
0x95: {  	v1 =	vsel vm8, $0x286, v2;
	v2 =	vand.u32 $0xF, v3;
	v3 =	vcombine.low v34, v12  }
0x96: {  	v12 =	vimm.s32 $0xE8F;
	v0 =	vsel vm5, $0x389, v0;
	v1 =	vsel vm6, $0x307, v1  }
0x97: {  	v34 =	vimm.s32 $0x1A8F;
	v0 =	vsel vm3, $0x40A, v0;
	v1 =	vsel vm7, $0x388, v1  }
0x98: {  	[tilespmem:$0x1F870] =	vst v2;
	v2 =	vimm.s32 $0x80F;
	v0 =	vsel vm4, $0x48B, v0;
	v1 =	vsel vm5, $0x409, v1  }
0x99: {  	v2 =	vsel vm14, $0x880, v2;
	v0 =	vsel vm2, $0x50C, v0;
	v1 =	vsel vm3, $0x48A, v1  }
0x9a: {  	v2 =	vsel vm13, $0x901, v2;
	v0 =	vsel vm0, $0x58D, v0;
	v1 =	vsel vm4, $0x50B, v1  }
0x9b: {  	v2 =	vsel vm12, $0x982, v2;
	v1 =	vsel vm2, $0x58C, v1;
	v0 =	vsel vm1, $0x60E, v0  }
0x9c: {  	v12 =	vsel vm14, $0xF00, v12;
	v2 =	vsel vm11, $0xA03, v2;
	[tilespmem:$0x1F880] =	vst v0;
	v0 =	vsel vm0, $0x60D, v1  }
0x9d: {  	v34 =	vsel vm14, $0x1B00, v34;
	v1 =	vsel vm10, $0xA84, v2;
	v0 =	vsel vm1, $0x68E, v0  }
0x9e: {  	v12 =	vsel vm13, $0xF81, v12;
	v34 =	vsel vm13, $0x1B81, v34;
	[tilespmem:$0x1F8A0] =	vst v0;
	v0 =	vsel vm9, $0xB05, v1  }
0x9f: {  	v2 =	vand.u32 $0xF, v3;
	v3 =	vimm.s32 $0xA0F;
	v0 =	vsel vm8, $0xB86, v0  }
0xa0: {  	[tilespmem:$0x1F890] =	vst v2;
	v2 =	vimm.s32 $0x101F1E1D;
	v1 =	vimm.s32 $0x1C1B1A19;
	v0 =	vsel vm6, $0xC07, v0  }
0xa1: {  	v53 =	vunpack.c.0.s8.s32 v2;
	v2 =	vimm.s32 $0x88F;
	v0 =	vsel vm7, $0xC88, v0  }
0xa2: {  	v59 =	vunpack.c.0.s8.s32 v1;
	v1 =	vimm.s32 $0x14131211;
	v0 =	vsel vm5, $0xD09, v0  }
0xa3: {  	v54 =	vunpack.c.0.s8.s32 v1;
	v1 =	vsel vm14, $0x900, v2;
	v0 =	vsel vm3, $0xD8A, v0  }
0xa4: {  	v2 =	vimm.s32 $0x18171615;
	v1 =	vsel vm13, $0x981, v1;
	v0 =	vsel vm4, $0xE0B, v0  }
0xa5: {  	v58 =	vunpack.c.0.s8.s32 v2;
	v1 =	vsel vm12, $0xA02, v1;
	v0 =	vsel vm2, $0xE8C, v0  }
0xa6: {  	v2 =	vimm.s32 $0x90F;
	v1 =	vsel vm11, $0xA83, v1;
	v0 =	vsel vm0, $0xF0D, v0  }
0xa7: {  	v2 =	vsel vm14, $0x980, v2;
	v1 =	vsel vm10, $0xB04, v1;
	v0 =	vsel vm1, $0xF8E, v0  }
0xa8: {  	[tilespmem:$0x1F8B0] =	vst v0;
	v0 =	vsel vm9, $0xB85, v1;
	v1 =	vsel vm13, $0xA01, v2;
	v2 =	vimm.s32 $0x1D1C1B1A  }
0xa9: {  	v0 =	vsel vm8, $0xC06, v0;
	v1 =	vsel vm12, $0xA82, v1;
	v2 =	vunpack.c.0.s8.s32 v2  }
0xaa: {  	v3 =	vsel vm14, $0xA80, v3;
	v0 =	vsel vm6, $0xC87, v0;
	v1 =	vsel vm11, $0xB03, v1  }
0xab: {  	[tilespmem:$0x1F8C0] =	vst v2;
	v2 =	vimm.s32 $0x11101F1E;
	v0 =	vsel vm7, $0xD08, v0;
	v1 =	vsel vm10, $0xB84, v1  }
0xac: {  	v2 =	vunpack.c.0.s8.s32 v2;
	v0 =	vsel vm5, $0xD89, v0;
	v1 =	vsel vm9, $0xC05, v1  }
0xad: {  	v3 =	vsel vm13, $0xB01, v3;
	v0 =	vsel vm3, $0xE0A, v0;
	v1 =	vsel vm8, $0xC86, v1  }
0xae: {  	[tilespmem:$0x1F8D0] =	vst v2;
	v2 =	vimm.s32 $0x98F;
	v0 =	vsel vm4, $0xE8B, v0;
	v1 =	vsel vm6, $0xD07, v1  }
0xaf: {  	v2 =	vsel vm14, $0xA00, v2;
	v0 =	vsel vm2, $0xF0C, v0;
	v1 =	vsel vm7, $0xD88, v1  }
0xb0: {  	v2 =	vsel vm13, $0xA81, v2;
	v0 =	vsel vm0, $0xF8D, v0;
	v1 =	vsel vm5, $0xE09, v1  }
0xb1: {  	[tilespmem:$0x1F8F0] =	vst v44;
	v44 =	vsel vm1, $0x80E, v0;
	v0 =	vsel vm3, $0xE8A, v1;
	v1 =	vsel vm12, $0xB02, v2  }
0xb2: {  	v2 =	vsel vm12, $0xB82, v3;
	v3 =	vsel vm12, $0xC02, v4;
	v4 =	vsel vm12, $0xC82, v5  }
0xb3: {  	v5 =	vsel vm12, $0xD02, v6;
	v6 =	vsel vm12, $0xD82, v7;
	v7 =	vsel vm12, $0xE02, v8  }
0xb4: {  	v8 =	vsel vm12, $0xE82, v9;
	v9 =	vsel vm12, $0xF02, v10;
	v10 =	vsel vm12, $0xF82, v11  }
0xb5: {  	v11 =	vsel vm12, $0x802, v12;
	v12 =	vsel vm12, $0x882, v13;
	v13 =	vsel vm12, $0x1182, v14  }
0xb6: {  	v14 =	vsel vm12, $0x1202, v15;
	v15 =	vsel vm12, $0x1282, v16;
	v16 =	vsel vm12, $0x1302, v17  }
0xb7: {  	v17 =	vsel vm12, $0x1382, v18;
	v18 =	vsel vm12, $0x1402, v19;
	v19 =	vsel vm12, $0x1482, v20  }
0xb8: {  	v20 =	vsel vm12, $0x1502, v21;
	v21 =	vsel vm12, $0x1582, v22;
	v22 =	vsel vm12, $0x1602, v23  }
0xb9: {  	v23 =	vsel vm12, $0x1682, v24;
	v24 =	vsel vm12, $0x1702, v25;
	v25 =	vsel vm12, $0x1782, v26  }
0xba: {  	v26 =	vsel vm12, $0x1002, v27;
	v27 =	vsel vm12, $0x1082, v28;
	v28 =	vsel vm12, $0x1982, v29  }
0xbb: {  	v29 =	vsel vm12, $0x1A02, v30;
	v30 =	vsel vm12, $0x1A82, v31;
	v31 =	vsel vm12, $0x1B02, v32  }
0xbc: {  	v32 =	vsel vm12, $0x1B82, v33;
	v33 =	vsel vm12, $0x1C02, v34;
	v34 =	vsel vm12, $0x1C82, v35  }
0xbd: {  	v35 =	vsel vm12, $0x1D02, v36;
	v36 =	vsel vm12, $0x1D82, v37;
	v37 =	vsel vm12, $0x1E02, v38  }
0xbe: {  	v38 =	vsel vm12, $0x1E82, v39;
	v39 =	vsel vm12, $0x1F02, v40;
	v40 =	vsel vm12, $0x1F82, v41  }
0xbf: {  	v41 =	vsel vm11, $0x1883, v61;
	v61 =	vimm.s32 $0x1211101F;
	v0 =	vsel vm4, $0xF0B, v0  }
0xc0: {  	v1 =	vsel vm11, $0xB83, v1;
	v2 =	vsel vm11, $0xC03, v2;
	v3 =	vsel vm11, $0xC83, v3  }
0xc1: {  	v4 =	vsel vm11, $0xD03, v4;
	v5 =	vsel vm11, $0xD83, v5;
	v6 =	vsel vm11, $0xE03, v6  }
0xc2: {  	v7 =	vsel vm11, $0xE83, v7;
	v8 =	vsel vm11, $0xF03, v8;
	v9 =	vsel vm11, $0xF83, v9  }
0xc3: {  	v10 =	vsel vm11, $0x803, v10;
	v11 =	vsel vm11, $0x883, v11;
	v12 =	vsel vm11, $0x903, v12  }
0xc4: {  	v13 =	vsel vm11, $0x1203, v13;
	v14 =	vsel vm11, $0x1283, v14;
	v15 =	vsel vm11, $0x1303, v15  }
0xc5: {  	v16 =	vsel vm11, $0x1383, v16;
	v17 =	vsel vm11, $0x1403, v17;
	v18 =	vsel vm11, $0x1483, v18  }
0xc6: {  	v19 =	vsel vm11, $0x1503, v19;
	v20 =	vsel vm11, $0x1583, v20;
	v21 =	vsel vm11, $0x1603, v21  }
0xc7: {  	v22 =	vsel vm11, $0x1683, v22;
	v23 =	vsel vm11, $0x1703, v23;
	v24 =	vsel vm11, $0x1783, v24  }
0xc8: {  	v25 =	vsel vm11, $0x1003, v25;
	v26 =	vsel vm11, $0x1083, v26;
	v27 =	vsel vm11, $0x1103, v27  }
0xc9: {  	v28 =	vsel vm11, $0x1A03, v28;
	v29 =	vsel vm11, $0x1A83, v29;
	v30 =	vsel vm11, $0x1B03, v30  }
0xca: {  	v31 =	vsel vm11, $0x1B83, v31;
	v32 =	vsel vm11, $0x1C03, v32;
	v33 =	vsel vm11, $0x1C83, v33  }
0xcb: {  	v34 =	vsel vm11, $0x1D03, v34;
	v35 =	vsel vm11, $0x1D83, v35;
	v36 =	vsel vm11, $0x1E03, v36  }
0xcc: {  	v37 =	vsel vm11, $0x1E83, v37;
	v38 =	vsel vm11, $0x1F03, v38;
	v39 =	vsel vm11, $0x1F83, v39  }
0xcd: {  	[tilespmem:$0x1F900] =	vst v43;
	v40 =	vsel vm11, $0x1803, v40;
	v43 =	vunpack.c.0.s8.s32 v61;
	v41 =	vsel vm10, $0x1904, v41  }
0xce: {  	v0 =	vsel vm2, $0xF8C, v0;
	v1 =	vsel vm10, $0xC04, v1;
	v2 =	vsel vm10, $0xC84, v2  }
0xcf: {  	v3 =	vsel vm10, $0xD04, v3;
	v4 =	vsel vm10, $0xD84, v4;
	v5 =	vsel vm10, $0xE04, v5  }
0xd0: {  	v6 =	vsel vm10, $0xE84, v6;
	v7 =	vsel vm10, $0xF04, v7;
	v8 =	vsel vm10, $0xF84, v8  }
0xd1: {  	v9 =	vsel vm10, $0x804, v9;
	v10 =	vsel vm10, $0x884, v10;
	v11 =	vsel vm10, $0x904, v11  }
0xd2: {  	v12 =	vsel vm10, $0x984, v12;
	v13 =	vsel vm10, $0x1284, v13;
	v14 =	vsel vm10, $0x1304, v14  }
0xd3: {  	v15 =	vsel vm10, $0x1384, v15;
	v16 =	vsel vm10, $0x1404, v16;
	v17 =	vsel vm10, $0x1484, v17  }
0xd4: {  	v18 =	vsel vm10, $0x1504, v18;
	v19 =	vsel vm10, $0x1584, v19;
	v20 =	vsel vm10, $0x1604, v20  }
0xd5: {  	v21 =	vsel vm10, $0x1684, v21;
	v22 =	vsel vm10, $0x1704, v22;
	v23 =	vsel vm10, $0x1784, v23  }
0xd6: {  	v24 =	vsel vm10, $0x1004, v24;
	v25 =	vsel vm10, $0x1084, v25;
	v26 =	vsel vm10, $0x1104, v26  }
0xd7: {  	v27 =	vsel vm10, $0x1184, v27;
	v28 =	vsel vm10, $0x1A84, v28;
	v29 =	vsel vm10, $0x1B04, v29  }
0xd8: {  	v30 =	vsel vm10, $0x1B84, v30;
	v31 =	vsel vm10, $0x1C04, v31;
	v32 =	vsel vm10, $0x1C84, v32  }
0xd9: {  	v33 =	vsel vm10, $0x1D04, v33;
	v34 =	vsel vm10, $0x1D84, v34;
	v35 =	vsel vm10, $0x1E04, v35  }
0xda: {  	v36 =	vsel vm10, $0x1E84, v36;
	v37 =	vsel vm10, $0x1F04, v37;
	v38 =	vsel vm10, $0x1F84, v38  }
0xdb: {  	v39 =	vsel vm10, $0x1804, v39;
	v40 =	vsel vm10, $0x1884, v40;
	v41 =	vsel vm9, $0x1985, v41  }
0xdc: {  	[tilespmem:$0x1F910] =	vst v43;
	v43 =	vunpack.c.0.s8.s32 v45;
	v0 =	vsel vm0, $0x80D, v0;
	v1 =	vsel vm9, $0xC85, v1  }
0xdd: {  	v2 =	vsel vm9, $0xD05, v2;
	v3 =	vsel vm9, $0xD85, v3;
	v4 =	vsel vm9, $0xE05, v4  }
0xde: {  	v5 =	vsel vm9, $0xE85, v5;
	v6 =	vsel vm9, $0xF05, v6;
	v7 =	vsel vm9, $0xF85, v7  }
0xdf: {  	v8 =	vsel vm9, $0x805, v8;
	v9 =	vsel vm9, $0x885, v9;
	v10 =	vsel vm9, $0x905, v10  }
0xe0: {  	v11 =	vsel vm9, $0x985, v11;
	v12 =	vsel vm9, $0xA05, v12;
	v13 =	vsel vm9, $0x1305, v13  }
0xe1: {  	v14 =	vsel vm9, $0x1385, v14;
	v15 =	vsel vm9, $0x1405, v15;
	v16 =	vsel vm9, $0x1485, v16  }
0xe2: {  	v17 =	vsel vm9, $0x1505, v17;
	v18 =	vsel vm9, $0x1585, v18;
	v19 =	vsel vm9, $0x1605, v19  }
0xe3: {  	v20 =	vsel vm9, $0x1685, v20;
	v21 =	vsel vm9, $0x1705, v21;
	v22 =	vsel vm9, $0x1785, v22  }
0xe4: {  	v23 =	vsel vm9, $0x1005, v23;
	v24 =	vsel vm9, $0x1085, v24;
	v25 =	vsel vm9, $0x1105, v25  }
0xe5: {  	v26 =	vsel vm9, $0x1185, v26;
	v27 =	vsel vm9, $0x1205, v27;
	v28 =	vsel vm9, $0x1B05, v28  }
0xe6: {  	v29 =	vsel vm9, $0x1B85, v29;
	v30 =	vsel vm9, $0x1C05, v30;
	v31 =	vsel vm9, $0x1C85, v31  }
0xe7: {  	v32 =	vsel vm9, $0x1D05, v32;
	v33 =	vsel vm9, $0x1D85, v33;
	v34 =	vsel vm9, $0x1E05, v34  }
0xe8: {  	v35 =	vsel vm9, $0x1E85, v35;
	v36 =	vsel vm9, $0x1F05, v36;
	v37 =	vsel vm9, $0x1F85, v37  }
0xe9: {  	v38 =	vsel vm9, $0x1805, v38;
	v39 =	vsel vm9, $0x1885, v39;
	v40 =	vsel vm9, $0x1905, v40  }
0xea: {  	v61 =	vsel vm8, $0x1A06, v41;
	v45 =	vsel vm8, $0x1A86, v42;
	v0 =	vsel vm1, $0x88E, v0  }
0xeb: {  	v41 =	vsel vm6, $0x1B07, v45;
	v45 =	vimm.s32 $0x17161514;
	[tilespmem:$0x1F920] =	vst v43;
	v43 =	vunpack.c.0.s8.s32 v49  }
0xec: {  	[tilespmem:$0x1F940] =	vst v0;
	v0 =	vsel vm8, $0xD06, v1;
	v1 =	vsel vm8, $0xD86, v2;
	v2 =	vsel vm8, $0xE06, v3  }
0xed: {  	v3 =	vsel vm8, $0xE86, v4;
	v4 =	vsel vm8, $0xF06, v5;
	v5 =	vsel vm8, $0xF86, v6  }
0xee: {  	v6 =	vsel vm8, $0x806, v7;
	v7 =	vsel vm8, $0x886, v8;
	v8 =	vsel vm8, $0x906, v9  }
0xef: {  	v9 =	vsel vm8, $0x986, v10;
	v10 =	vsel vm8, $0xA06, v11;
	v11 =	vsel vm8, $0xA86, v12  }
0xf0: {  	v12 =	vsel vm8, $0x1386, v13;
	v13 =	vsel vm8, $0x1406, v14;
	v14 =	vsel vm8, $0x1486, v15  }
0xf1: {  	v15 =	vsel vm8, $0x1506, v16;
	v16 =	vsel vm8, $0x1586, v17;
	v17 =	vsel vm8, $0x1606, v18  }
0xf2: {  	v18 =	vsel vm8, $0x1686, v19;
	v19 =	vsel vm8, $0x1706, v20;
	v20 =	vsel vm8, $0x1786, v21  }
0xf3: {  	v21 =	vsel vm8, $0x1006, v22;
	v22 =	vsel vm8, $0x1086, v23;
	v23 =	vsel vm8, $0x1106, v24  }
0xf4: {  	v24 =	vsel vm8, $0x1186, v25;
	v25 =	vsel vm8, $0x1206, v26;
	v26 =	vsel vm8, $0x1286, v27  }
0xf5: {  	v27 =	vsel vm8, $0x1B86, v28;
	v28 =	vsel vm8, $0x1C06, v29;
	v29 =	vsel vm8, $0x1C86, v30  }
0xf6: {  	v30 =	vsel vm8, $0x1D06, v31;
	v31 =	vsel vm8, $0x1D86, v32;
	v32 =	vsel vm8, $0x1E06, v33  }
0xf7: {  	v33 =	vsel vm8, $0x1E86, v34;
	v34 =	vsel vm8, $0x1F06, v35;
	v35 =	vsel vm8, $0x1F86, v36  }
0xf8: {  	v36 =	vsel vm8, $0x1806, v37;
	v37 =	vsel vm8, $0x1886, v38;
	v38 =	vsel vm8, $0x1906, v39  }
0xf9: {  	v39 =	vsel vm8, $0x1986, v40;
	v49 =	vimm.s32 $0x1F1E1D1C;
	v40 =	vsel vm6, $0x1A87, v61  }
0xfa: {  	v41 =	vsel vm7, $0x1B88, v41;
	v61 =	vimm.s32 $0x13121110;
	v42 =	vunpack.c.0.s8.s32 v49  }
0xfb: {  	v0 =	vsel vm6, $0xD87, v0;
	v1 =	vsel vm6, $0xE07, v1;
	v2 =	vsel vm6, $0xE87, v2  }
0xfc: {  	v3 =	vsel vm6, $0xF07, v3;
	v4 =	vsel vm6, $0xF87, v4;
	v5 =	vsel vm6, $0x807, v5  }
0xfd: {  	v6 =	vsel vm6, $0x887, v6;
	v7 =	vsel vm6, $0x907, v7;
	v8 =	vsel vm6, $0x987, v8  }
0xfe: {  	v9 =	vsel vm6, $0xA07, v9;
	v10 =	vsel vm6, $0xA87, v10;
	v11 =	vsel vm6, $0xB07, v11  }
0xff: {  	v12 =	vsel vm6, $0x1407, v12;
	v13 =	vsel vm6, $0x1487, v13;
	v14 =	vsel vm6, $0x1507, v14  }
0x100: {  	v15 =	vsel vm6, $0x1587, v15;
	v16 =	vsel vm6, $0x1607, v16;
	v17 =	vsel vm6, $0x1687, v17  }
0x101: {  	v18 =	vsel vm6, $0x1707, v18;
	v19 =	vsel vm6, $0x1787, v19;
	v20 =	vsel vm6, $0x1007, v20  }
0x102: {  	v21 =	vsel vm6, $0x1087, v21;
	v22 =	vsel vm6, $0x1107, v22;
	v23 =	vsel vm6, $0x1187, v23  }
0x103: {  	v24 =	vsel vm6, $0x1207, v24;
	v25 =	vsel vm6, $0x1287, v25;
	v26 =	vsel vm6, $0x1307, v26  }
0x104: {  	v27 =	vsel vm6, $0x1C07, v27;
	v28 =	vsel vm6, $0x1C87, v28;
	v29 =	vsel vm6, $0x1D07, v29  }
0x105: {  	v30 =	vsel vm6, $0x1D87, v30;
	v31 =	vsel vm6, $0x1E07, v31;
	v32 =	vsel vm6, $0x1E87, v32  }
0x106: {  	v33 =	vsel vm6, $0x1F07, v33;
	v34 =	vsel vm6, $0x1F87, v34;
	v35 =	vsel vm6, $0x1807, v35  }
0x107: {  	v36 =	vsel vm6, $0x1887, v36;
	v37 =	vsel vm6, $0x1907, v37;
	v38 =	vsel vm6, $0x1987, v38  }
0x108: {  	v39 =	vsel vm6, $0x1A07, v39;
	v40 =	vsel vm7, $0x1B08, v40;
	v49 =	vunpack.c.0.s8.s32 v45  }
0x109: {  	v41 =	vsel vm5, $0x1C09, v41;
	v0 =	vsel vm7, $0xE08, v0;
	v1 =	vsel vm7, $0xE88, v1  }
0x10a: {  	v2 =	vsel vm7, $0xF08, v2;
	v3 =	vsel vm7, $0xF88, v3;
	v4 =	vsel vm7, $0x808, v4  }
0x10b: {  	v5 =	vsel vm7, $0x888, v5;
	v6 =	vsel vm7, $0x908, v6;
	v7 =	vsel vm7, $0x988, v7  }
0x10c: {  	v8 =	vsel vm7, $0xA08, v8;
	v9 =	vsel vm7, $0xA88, v9;
	v10 =	vsel vm7, $0xB08, v10  }
0x10d: {  	v11 =	vsel vm7, $0xB88, v11;
	v12 =	vsel vm7, $0x1488, v12;
	v13 =	vsel vm7, $0x1508, v13  }
0x10e: {  	v14 =	vsel vm7, $0x1588, v14;
	v15 =	vsel vm7, $0x1608, v15;
	v16 =	vsel vm7, $0x1688, v16  }
0x10f: {  	v17 =	vsel vm7, $0x1708, v17;
	v18 =	vsel vm7, $0x1788, v18;
	v19 =	vsel vm7, $0x1008, v19  }
0x110: {  	v20 =	vsel vm7, $0x1088, v20;
	v21 =	vsel vm7, $0x1108, v21;
	v22 =	vsel vm7, $0x1188, v22  }
0x111: {  	v23 =	vsel vm7, $0x1208, v23;
	v24 =	vsel vm7, $0x1288, v24;
	v25 =	vsel vm7, $0x1308, v25  }
0x112: {  	v26 =	vsel vm7, $0x1388, v26;
	v27 =	vsel vm7, $0x1C88, v27;
	v28 =	vsel vm7, $0x1D08, v28  }
0x113: {  	v29 =	vsel vm7, $0x1D88, v29;
	v30 =	vsel vm7, $0x1E08, v30;
	v31 =	vsel vm7, $0x1E88, v31  }
0x114: {  	v32 =	vsel vm7, $0x1F08, v32;
	v33 =	vsel vm7, $0x1F88, v33;
	v34 =	vsel vm7, $0x1808, v34  }
0x115: {  	v35 =	vsel vm7, $0x1888, v35;
	v36 =	vsel vm7, $0x1908, v36;
	v37 =	vsel vm7, $0x1988, v37  }
0x116: {  	v38 =	vsel vm7, $0x1A08, v38;
	v39 =	vsel vm7, $0x1A88, v39;
	[tilespmem:$0x1F950] =	vst v42;
	v42 =	vunpack.c.0.s8.s32 v61  }
0x117: {  	v0 =	vsel vm5, $0xE89, v0;
	v1 =	vsel vm5, $0xF09, v1;
	v2 =	vsel vm5, $0xF89, v2  }
0x118: {  	v3 =	vsel vm5, $0x809, v3;
	v4 =	vsel vm5, $0x889, v4;
	v5 =	vsel vm5, $0x909, v5  }
0x119: {  	v6 =	vsel vm5, $0x989, v6;
	v7 =	vsel vm5, $0xA09, v7;
	v8 =	vsel vm5, $0xA89, v8  }
0x11a: {  	v9 =	vsel vm5, $0xB09, v9;
	v10 =	vsel vm5, $0xB89, v10;
	v11 =	vsel vm5, $0xC09, v11  }
0x11b: {  	v12 =	vsel vm5, $0x1509, v12;
	v13 =	vsel vm5, $0x1589, v13;
	v14 =	vsel vm5, $0x1609, v14  }
0x11c: {  	v15 =	vsel vm5, $0x1689, v15;
	v16 =	vsel vm5, $0x1709, v16;
	v17 =	vsel vm5, $0x1789, v17  }
0x11d: {  	v18 =	vsel vm5, $0x1009, v18;
	v19 =	vsel vm5, $0x1089, v19;
	v20 =	vsel vm5, $0x1109, v20  }
0x11e: {  	v21 =	vsel vm5, $0x1189, v21;
	v22 =	vsel vm5, $0x1209, v22;
	v23 =	vsel vm5, $0x1289, v23  }
0x11f: {  	v24 =	vsel vm5, $0x1309, v24;
	v25 =	vsel vm5, $0x1389, v25;
	v26 =	vsel vm5, $0x1409, v26  }
0x120: {  	v27 =	vsel vm5, $0x1D09, v27;
	v28 =	vsel vm5, $0x1D89, v28;
	v29 =	vsel vm5, $0x1E09, v29  }
0x121: {  	v30 =	vsel vm5, $0x1E89, v30;
	v31 =	vsel vm5, $0x1F09, v31;
	v32 =	vsel vm5, $0x1F89, v32  }
0x122: {  	v33 =	vsel vm5, $0x1809, v33;
	v34 =	vsel vm5, $0x1889, v34;
	v35 =	vsel vm5, $0x1909, v35  }
0x123: {  	v36 =	vsel vm5, $0x1989, v36;
	v37 =	vsel vm5, $0x1A09, v37;
	v38 =	vsel vm5, $0x1A89, v38  }
0x124: {  	v39 =	vsel vm5, $0x1B09, v39;
	v61 =	vimm.s32 $0x1B1A1918;
	v0 =	vsel vm3, $0xF0A, v0  }
0x125: {  	v1 =	vsel vm3, $0xF8A, v1;
	v2 =	vsel vm3, $0x80A, v2;
	v32 =	vsel vm3, $0x180A, v32  }
0x126: {  	[tilespmem:$0x1F960] =	vst v42;
	v42 =	vunpack.c.0.s8.s32 v61;
	v0 =	vsel vm4, $0xF8B, v0;
	v1 =	vsel vm4, $0x80B, v1  }
0x127: {  	v2 =	vsel vm4, $0x88B, v2;
	v0 =	vsel vm2, $0x80C, v0;
	v1 =	vsel vm2, $0x88C, v1  }
0x128: {  	v2 =	vsel vm2, $0x90C, v2;
	v0 =	vsel vm0, $0x88D, v0;
	v1 =	vsel vm0, $0x90D, v1  }
0x129: {  	[tilespmem:$0x1F980] =	vst v42;
	v42 =	vsel vm3, $0x190A, v34;
	v61 =	vsel vm1, $0x90E, v0;
	v45 =	vsel vm1, $0x98E, v1  }
0x12a: {  	v0 =	vsel vm0, $0x98D, v2;
	v1 =	vsel vm3, $0x90A, v4;
	v2 =	vsel vm3, $0x98A, v5  }
0x12b: {  	v4 =	vsel vm3, $0x178A, v16;
	v5 =	vsel vm3, $0x100A, v17;
	v17 =	vsel vm3, $0x120A, v21  }
0x12c: {  	[tilespmem:$0x1F970] =	vst v49;
	v21 =	vsel vm3, $0x1E8A, v29;
	v49 =	vsel vm1, $0xA0E, v0;
	v0 =	vsel vm3, $0x88A, v3  }
0x12d: {  	v1 =	vsel vm4, $0x98B, v1;
	v2 =	vsel vm4, $0xA0B, v2;
	v3 =	vsel vm3, $0x170A, v15  }
0x12e: {  	v4 =	vsel vm4, $0x100B, v4;
	v5 =	vsel vm4, $0x108B, v5;
	v15 =	vsel vm3, $0x1D8A, v27  }
0x12f: {  	v27 =	vsel vm3, $0x1B8A, v39;
	v0 =	vsel vm4, $0x90B, v0;
	v1 =	vsel vm2, $0xA0C, v1  }
0x130: {  	v2 =	vsel vm2, $0xA8C, v2;
	v3 =	vsel vm4, $0x178B, v3;
	v15 =	vsel vm4, $0x1E0B, v15  }
0x131: {  	v27 =	vsel vm4, $0x1C0B, v27;
	v4 =	vsel vm2, $0x108C, v4;
	v0 =	vsel vm2, $0x98C, v0  }
0x132: {  	v5 =	vsel vm2, $0x110C, v5;
	v1 =	vsel vm0, $0xA8D, v1;
	v0 =	vsel vm0, $0xA0D, v0  }
0x133: {  	[tilespmem:$0x1F930] =	vst v43;
	v3 =	vsel vm2, $0x100C, v3;
	v15 =	vsel vm2, $0x1E8C, v15;
	v43 =	vsel vm1, $0xA8E, v0  }
0x134: {  	v0 =	vsel vm1, $0xB0E, v1;
	v1 =	vsel vm3, $0xA8A, v7;
	v7 =	vsel vm3, $0x110A, v19  }
0x135: {  	v19 =	vsel vm3, $0x130A, v23;
	v23 =	vsel vm3, $0x1F8A, v31;
	v31 =	vimm.s32 $0x202F2E2D  }
0x136: {  	[tilespmem:$0x1F990] =	vst v0;
	v0 =	vsel vm0, $0xB0D, v2;
	v1 =	vsel vm4, $0xB0B, v1;
	v2 =	vsel vm3, $0xB0A, v8  }
0x137: {  	v7 =	vsel vm4, $0x118B, v7;
	v8 =	vsel vm3, $0x118A, v20;
	v0 =	vsel vm1, $0xB8E, v0  }
0x138: {  	v20 =	vsel vm3, $0x1E0A, v28;
	v1 =	vsel vm2, $0xB8C, v1;
	[tilespmem:$0x1F9A0] =	vst v0;
	v0 =	vsel vm3, $0xA0A, v6  }
0x139: {  	v2 =	vsel vm4, $0xB8B, v2;
	v8 =	vsel vm4, $0x120B, v8;
	v0 =	vsel vm4, $0xA8B, v0  }
0x13a: {  	v16 =	vsel vm4, $0x1E8B, v20;
	v20 =	vsel vm4, $0x188B, v32;
	v0 =	vsel vm2, $0xB0C, v0  }
0x13b: {  	v32 =	vmovc v60;
	v60 =	vmovc v55;
	v55 =	vsel vm3, $0x198A, v35;
	v7 =	vsel vm2, $0x120C, v7;
	v0 =	vsel vm0, $0xB8D, v0  }
0x13c: {  	v1 =	vsel vm0, $0xC0D, v1;
	v2 =	vsel vm2, $0xC0C, v2;
	v0 =	vsel vm1, $0xC0E, v0  }
0x13d: {  	v6 =	vsel vm3, $0x108A, v18;
	v18 =	vsel vm3, $0x128A, v22;
	[tilespmem:$0x1F9B0] =	vst v0;
	v0 =	vsel vm1, $0xC8E, v1  }
0x13e: {  	v22 =	vsel vm3, $0x1F0A, v30;
	v30 =	vimm.s32 $0x2C2B2A29;
	[tilespmem:$0x1F9C0] =	vst v0;
	v0 =	vsel vm0, $0xC8D, v2  }
0x13f: {  	v8 =	vsel vm2, $0x128C, v8;
	v16 =	vsel vm2, $0x1F0C, v16;
	v0 =	vsel vm1, $0xD0E, v0  }
0x140: {  	v20 =	vsel vm2, $0x190C, v20;
	v6 =	vsel vm4, $0x110B, v6;
	[tilespmem:$0x1F9D0] =	vst v0;
	v0 =	vsel vm3, $0xB8A, v9  }
0x141: {  	v30 =	vunpack.c.0.s8.s32 v30;
	v1 =	vsel vm3, $0xC0A, v10;
	v0 =	vsel vm4, $0xC0B, v0  }
0x142: {  	v6 =	vsel vm2, $0x118C, v6;
	v1 =	vsel vm4, $0xC8B, v1;
	v0 =	vsel vm2, $0xC8C, v0  }
0x143: {  	v2 =	vsel vm3, $0xC8A, v11;
	v1 =	vsel vm2, $0xD0C, v1;
	v0 =	vsel vm0, $0xD0D, v0  }
0x144: {  	[tilespmem:$0x1FA10] =	vst v30;
	v2 =	vsel vm4, $0xD0B, v2;
	v1 =	vsel vm0, $0xD8D, v1;
	v0 =	vsel vm1, $0xD8E, v0  }
0x145: {  	v30 =	vunpack.c.0.s8.s32 v31;
	v2 =	vsel vm2, $0xD8C, v2;
	[tilespmem:$0x1F9E0] =	vst v0;
	v0 =	vsel vm1, $0xE0E, v1  }
0x146: {  	v10 =	vsel vm4, $0x130B, v18;
	v18 =	vsel vm4, $0x1F8B, v22;
	[tilespmem:$0x1F9F0] =	vst v0;
	v0 =	vsel vm0, $0xE0D, v2  }
0x147: {  	v22 =	vsel vm4, $0x198B, v42;
	[tilespmem:$0x1FA20] =	vst v30;
	v30 =	vimm.s32 $0x24232221;
	v0 =	vsel vm1, $0xE8E, v0  }
0x148: {  	v11 =	vsel vm4, $0x138B, v19;
	v1 =	vsel vm3, $0x160A, v13;
	[tilespmem:$0x1FA00] =	vst v0;
	v0 =	vsel vm3, $0x158A, v12  }
0x149: {  	v19 =	vsel vm4, $0x180B, v23;
	v1 =	vsel vm4, $0x168B, v1;
	v0 =	vsel vm4, $0x160B, v0  }
0x14a: {  	v2 =	vsel vm3, $0x168A, v14;
	v1 =	vsel vm2, $0x170C, v1;
	v0 =	vsel vm2, $0x168C, v0  }
0x14b: {  	v2 =	vsel vm4, $0x170B, v2;
	v1 =	vsel vm0, $0x178D, v1;
	v0 =	vsel vm0, $0x170D, v0  }
0x14c: {  	v2 =	vsel vm2, $0x178C, v2;
	v35 =	vsel vm1, $0x178E, v0;
	v0 =	vsel vm1, $0x100E, v1  }
0x14d: {  	v23 =	vsel vm4, $0x1A0B, v55;
	v10 =	vsel vm2, $0x138C, v10;
	[tilespmem:$0x1FA40] =	vst v0;
	v0 =	vsel vm0, $0x100D, v2  }
0x14e: {  	v18 =	vsel vm2, $0x180C, v18;
	v34 =	vsel vm1, $0x108E, v0;
	v0 =	vsel vm0, $0x108D, v3  }
0x14f: {  	v22 =	vsel vm2, $0x1A0C, v22;
	v1 =	vsel vm0, $0x110D, v4;
	v0 =	vsel vm1, $0x110E, v0  }
0x150: {  	v30 =	vunpack.c.0.s8.s32 v30;
	v11 =	vsel vm2, $0x140C, v11;
	[tilespmem:$0x1FA50] =	vst v0;
	v0 =	vsel vm1, $0x118E, v1  }
0x151: {  	v19 =	vsel vm2, $0x188C, v19;
	v9 =	vsel vm4, $0x128B, v17;
	[tilespmem:$0x1FA60] =	vst v0;
	v0 =	vsel vm0, $0x118D, v5  }
0x152: {  	v17 =	vsel vm4, $0x1F0B, v21;
	v21 =	vsel vm3, $0x188A, v33;
	v0 =	vsel vm1, $0x120E, v0  }
0x153: {  	v23 =	vsel vm2, $0x1A8C, v23;
	v21 =	vsel vm4, $0x190B, v21;
	[tilespmem:$0x1FA80] =	vst v0;
	v0 =	vsel vm0, $0x120D, v6  }
0x154: {  	v9 =	vsel vm2, $0x130C, v9;
	v1 =	vsel vm0, $0x128D, v7;
	v0 =	vsel vm1, $0x128E, v0  }
0x155: {  	v17 =	vsel vm2, $0x1F8C, v17;
	v21 =	vsel vm2, $0x198C, v21;
	[tilespmem:$0x1FA90] =	vst v0;
	v0 =	vsel vm1, $0x130E, v1  }
0x156: {  	v13 =	vsel vm3, $0x140A, v25;
	v25 =	vsel vm3, $0x1A8A, v37;
	[tilespmem:$0x1FAA0] =	vst v0;
	v0 =	vsel vm0, $0x130D, v8  }
0x157: {  	v13 =	vsel vm4, $0x148B, v13;
	v14 =	vsel vm3, $0x148A, v26;
	v0 =	vsel vm1, $0x138E, v0  }
0x158: {  	v25 =	vsel vm4, $0x1B0B, v25;
	v26 =	vsel vm3, $0x1B0A, v38;
	[tilespmem:$0x1FAB0] =	vst v0;
	v0 =	vsel vm0, $0x138D, v9  }
0x159: {  	v14 =	vsel vm4, $0x150B, v14;
	v1 =	vsel vm0, $0x140D, v10;
	v0 =	vsel vm1, $0x140E, v0  }
0x15a: {  	v26 =	vsel vm4, $0x1B8B, v26;
	v12 =	vsel vm3, $0x138A, v24;
	[tilespmem:$0x1FAC0] =	vst v0;
	v0 =	vsel vm1, $0x148E, v1  }
0x15b: {  	v13 =	vsel vm2, $0x150C, v13;
	v12 =	vsel vm4, $0x140B, v12;
	[tilespmem:$0x1FAD0] =	vst v0;
	v0 =	vsel vm0, $0x148D, v11  }
0x15c: {  	v25 =	vsel vm2, $0x1B8C, v25;
	v12 =	vsel vm2, $0x148C, v12;
	v0 =	vsel vm1, $0x150E, v0  }
0x15d: {  	v24 =	vsel vm3, $0x1A0A, v36;
	v14 =	vsel vm2, $0x158C, v14;
	[tilespmem:$0x1FAE0] =	vst v0;
	v0 =	vsel vm0, $0x150D, v12  }
0x15e: {  	v24 =	vsel vm4, $0x1A8B, v24;
	v1 =	vsel vm0, $0x158D, v13;
	v0 =	vsel vm1, $0x158E, v0  }
0x15f: {  	v33 =	vmovc v57;
	v24 =	vsel vm2, $0x1B0C, v24;
	v57 =	vsel vm1, $0x160E, v1;
	[tilespmem:$0x1FAF0] =	vst v0;
	v0 =	vsel vm0, $0x160D, v14  }
0x160: {  	v1 =	vsel vm0, $0x1F8D, v16;
	v31 =	vsel vm1, $0x168E, v0;
	v0 =	vsel vm0, $0x1F0D, v15  }
0x161: {  	[tilespmem:$0x1FA30] =	vst v30;
	v30 =	vmovc v51;
	v7 =	vsel vm1, $0x180E, v1;
	v51 =	vsel vm1, $0x1F8E, v0;
	v0 =	vsel vm0, $0x180D, v17  }
0x162: {  	v1 =	vsel vm0, $0x190D, v19;
	v16 =	vsel vm1, $0x188E, v0;
	v0 =	vsel vm0, $0x188D, v18  }
0x163: {  	v8 =	vsel vm1, $0x198E, v1;
	v9 =	vsel vm1, $0x190E, v0;
	v0 =	vsel vm0, $0x198D, v20  }
0x164: {  	v1 =	vsel vm0, $0x1A8D, v22;
	v17 =	vsel vm1, $0x1A0E, v0;
	v0 =	vsel vm0, $0x1A0D, v21  }
0x165: {  	v13 =	vsel vm1, $0x1B0E, v1;
	v10 =	vsel vm1, $0x1A8E, v0;
	v0 =	vsel vm0, $0x1B0D, v23  }
0x166: {  	v1 =	vsel vm0, $0x1C0D, v25;
	v14 =	vsel vm1, $0x1B8E, v0;
	v0 =	vsel vm0, $0x1B8D, v24  }
0x167: {  	v26 =	vsel vm2, $0x1C0C, v26;
	v20 =	vsel vm1, $0x1C0E, v0;
	v0 =	vsel vm1, $0x1C8E, v1  }
0x168: {  	v29 =	vsel vm3, $0x1C8A, v41;
	v27 =	vsel vm2, $0x1C8C, v27;
	[tilespmem:$0x1FB20] =	vst v0;
	v0 =	vsel vm0, $0x1C8D, v26  }
0x169: {  	v29 =	vsel vm4, $0x1D0B, v29;
	v11 =	vsel vm1, $0x1D0E, v0;
	v0 =	vsel vm0, $0x1D0D, v27  }
0x16a: {  	v40 =	vsel vm5, $0x1B89, v40;
	v29 =	vsel vm2, $0x1D8C, v29;
	v0 =	vsel vm1, $0x1D8E, v0  }
0x16b: {  	v28 =	vsel vm3, $0x1C0A, v40;
	[tilespmem:$0x1FB60] =	vst v0;
	v0 =	vsel vm0, $0x1E0D, v29  }
0x16c: {  	v28 =	vsel vm4, $0x1C8B, v28;
	v0 =	vsel vm1, $0x1E8E, v0  }
0x16d: {  	v28 =	vsel vm2, $0x1D0C, v28;
	[tilespmem:$0x1FB70] =	vst v0;
	v0 =	vimm.s32 $0x28272625  }
0x16e: {  	v1 =	vsel vm0, $0x1D8D, v28;
	v0 =	vunpack.c.0.s8.s32 v0  }
0x16f: {  	v41 =	vsel vm1, $0x1E0E, v1;
	v1 =	vimm.s32 $0x2D2C2B2A  }
0x170: {  	[tilespmem:$0x1FB80] =	vst v0;
	v0 =	vunpack.c.0.s8.s32 v1;
	_ =	sdelay $0x1  }
0x171: {  	[tilespmem:$0x1FB90] =	vst v0;
	v0 =	vimm.s32 $0x21202F2E  }
0x172: {  	v0 =	vunpack.c.0.s8.s32 v0;
	_ =	sdelay $0x1  }
0x173: {  	[tilespmem:$0x1FBA0] =	vst v0;
	v0 =	vimm.s32 $0x25242322  }
0x174: {  	v0 =	vunpack.c.0.s8.s32 v0  }
0x175: {  	v1 =	vimm.s32 $0x29282726  }
0x176: {  	[tilespmem:$0x1FBB0] =	vst v0;
	v0 =	vunpack.c.0.s8.s32 v1;
	_ =	sdelay $0x1  }
0x177: {  	[tilespmem:$0x1FBC0] =	vst v0;
	v0 =	vimm.s32 $0x2E2D2C2B  }
0x178: {  	v0 =	vunpack.c.0.s8.s32 v0;
	_ =	sdelay $0x1  }
0x179: {  	[tilespmem:$0x1FBD0] =	vst v0;
	v0 =	vimm.s32 $0x2221202F  }
0x17a: {  	v0 =	vunpack.c.0.s8.s32 v0  }
0x17b: {  	v1 =	vimm.s32 $0x26252423  }
0x17c: {  	[tilespmem:$0x1FBE0] =	vst v0;
	v0 =	vunpack.c.0.s8.s32 v1;
	_ =	sdelay $0x1  }
0x17d: {  	[tilespmem:$0x1FBF0] =	vst v0;
	v0 =	vimm.s32 $0x2A292827  }
0x17e: {  	v0 =	vunpack.c.0.s8.s32 v0;
	_ =	sdelay $0x1  }
0x17f: {  	[tilespmem:$0x1FC00] =	vst v0;
	v0 =	vimm.s32 $0x2F2E2D2C  }
0x180: {  	v0 =	vunpack.c.0.s8.s32 v0  }
0x181: {  	v1 =	vimm.s32 $0x23222120  }
0x182: {  	[tilespmem:$0x1FC10] =	vst v0;
	v0 =	vunpack.c.0.s8.s32 v1;
	_ =	sdelay $0x1  }
0x183: {  	[tilespmem:$0x1FC20] =	vst v0;
	v0 =	vimm.s32 $0x27262524  }
0x184: {  	v0 =	vunpack.c.0.s8.s32 v0;
	_ =	sdelay $0x1  }
0x185: {  	[tilespmem:$0x1FC30] =	vst v0;
	v0 =	vimm.s32 $0x2B2A2928  }
0x186: {  	v0 =	vunpack.c.0.s8.s32 v0  }
0x187: {  	v1 =	vimm.s32 $0x3C3B3A39  }
0x188: {  	[tilespmem:$0x1FC40] =	vst v0;
	v0 =	vunpack.c.0.s8.s32 v1;
	_ =	sdelay $0x1  }
0x189: {  	[tilespmem:$0x1FC50] =	vst v0;
	v0 =	vimm.s32 $0x303F3E3D  }
0x18a: {  	v0 =	vunpack.c.0.s8.s32 v0;
	_ =	sdelay $0x1  }
0x18b: {  	[tilespmem:$0x1FC60] =	vst v0;
	v0 =	vimm.s32 $0x34333231  }
0x18c: {  	v0 =	vunpack.c.0.s8.s32 v0  }
0x18d: {  	v1 =	vimm.s32 $0x38373635  }
0x18e: {  	[tilespmem:$0x1FC70] =	vst v0;
	v0 =	vunpack.c.0.s8.s32 v1;
	_ =	sdelay $0x1  }
0x18f: {  	[tilespmem:$0x1FC80] =	vst v0;
	v0 =	vimm.s32 $0x3D3C3B3A  }
0x190: {  	v0 =	vunpack.c.0.s8.s32 v0;
	_ =	sdelay $0x1  }
0x191: {  	[tilespmem:$0x1FC90] =	vst v0;
	v0 =	vimm.s32 $0x31303F3E  }
0x192: {  	v0 =	vunpack.c.0.s8.s32 v0  }
0x193: {  	v1 =	vimm.s32 $0x35343332  }
0x194: {  	[tilespmem:$0x1FCA0] =	vst v0;
	v0 =	vunpack.c.0.s8.s32 v1;
	_ =	sdelay $0x1  }
0x195: {  	[tilespmem:$0x1FCB0] =	vst v0;
	v0 =	vimm.s32 $0x39383736  }
0x196: {  	v0 =	vunpack.c.0.s8.s32 v0;
	_ =	sdelay $0x1  }
0x197: {  	[tilespmem:$0x1FCC0] =	vst v0;
	v0 =	vimm.s32 $0x3E3D3C3B  }
0x198: {  	v39 =	vld [tilespmem:$0x1FB50];
	v0 =	vunpack.c.0.s8.s32 v0  }
0x199: {  	v42 =	vmovc v62;
	v62 =	vmov v48;
	v48 =	vmov v52;
	v52 =	vld [tilespmem:$0x1FA70];
	v1 =	vimm.s32 $0x3231303F  }
0x19a: {  	s3 =	rddreg [dreg:$0x0];
	v55 =	vmov v63;
	v63 =	vmov v43;
	v43 =	vld [tilespmem:$0x1FB30];
	[tilespmem:$0x1FCD0] =	vst v0;
	v0 =	vunpack.c.0.s8.s32 v1  }
0x19b: {  	s6 =	rddreg [dreg:$0x1];
	s2 =	simm.s32 $0x0;
	v4 =	vld [tilespmem:$0x1FB00]  }
0x19c: {  	s1 =	srdreg.scid;
	[smem:$0x7FF] =	sst s2;
	v5 =	vld [tilespmem:$0x1FB10];
	[tilespmem:$0x1FCE0] =	vst v0  }
0x19d: {  	s4 =	sand.u32 $0x1, s1;
	s1 =	rddreg [dreg:$0x2];
	v26 =	vld [tilespmem:$0x1FB40];
	_ =	strace $0x80000047;
	[tilespmem:$0x1FD80] =	vst v59  }
0x19e: {  	[tilespmem:$0x1FD90] =	vst v53  }
0x19f: {  	[tilespmem:$0x1FDB0] =	vst v54  }
0x1a0: {  	[tilespmem:$0x1FDC0] =	vst v58  }
0x1a1: {  	[tilespmem:$0x1FDE0] =	vst v33  }
0x1a2: {  	[tilespmem:$0x1FDF0] =	vst v56  }
0x1a3: {  	[tilespmem:$0x1FE00] =	vst v55  }
0x1a4: {  	[tilespmem:$0x1FE10] =	vst v60  }
0x1a5: {  	[tilespmem:$0x1FE20] =	vst v48  }
0x1a6: {  	[tilespmem:$0x1FE30] =	vst v46  }
0x1a7: {  	[tilespmem:$0x1FE40] =	vst v62  }
0x1a8: {  	v12 =	vlaneseq.u32;
	[tilespmem:$0x1FE50] =	vst v47  }
0x1a9: {  	v2 =	vmul.u32 $0x32, v12;
	[tilespmem:$0x1FE60] =	vst v50  }
0x1aa: {  	v29 =	vmul.u32 $0x81, v12;
	[tilespmem:$0x1FE70] =	vst v30  }
0x1ab: {  	[tilespmem:$0x1FE80] =	vst v2  }
0x1ac: {  	[tilespmem:$0x1FE90] =	vst v29  }
0x1ad: {  	[tilespmem:$0x1FEA0] =	vst v34  }
0x1ae: {  	[tilespmem:$0x1FEB0] =	vst v32  }
0x1af: {  	[tilespmem:$0x1FEC0] =	vst v57  }
0x1b0: {  	[tilespmem:$0x1FED0] =	vst v35  }
0x1b1: {  	[tilespmem:$0x1FEE0] =	vst v31  }
0x1b2: {  	[tilespmem:$0x1FEF0] =	vst v51  }
0x1b3: {  	[tilespmem:$0x1FF00] =	vst v7  }
0x1b4: {  	[tilespmem:$0x1FF10] =	vst v16  }
0x1b5: {  	[tilespmem:$0x1FF20] =	vst v9  }
0x1b6: {  	[tilespmem:$0x1FF30] =	vst v8  }
0x1b7: {  	v0 =	vimm.s32 $0x36353433;
	[tilespmem:$0x1FF40] =	vst v17  }
0x1b8: {  	v0 =	vunpack.c.0.s8.s32 v0;
	[tilespmem:$0x1FF50] =	vst v10  }
0x1b9: {  	[tilespmem:$0x1FF60] =	vst v13  }
0x1ba: {  	[tilespmem:$0x1FCF0] =	vst v0;
	v0 =	vimm.s32 $0x3A393837  }
0x1bb: {  	[tilespmem:$0x1FF70] =	vst v14;
	v0 =	vunpack.c.0.s8.s32 v0  }
0x1bc: {  	v1 =	vimm.s32 $0x3F3E3D3C;
	[tilespmem:$0x1FF80] =	vst v42  }
0x1bd: {  	[tilespmem:$0x1FD00] =	vst v0;
	v0 =	vunpack.c.0.s8.s32 v1  }
0x1be: {  	[tilespmem:$0x1FF90] =	vst v44  }
0x1bf: {  	[tilespmem:$0x1FD10] =	vst v0;
	v0 =	vimm.s32 $0x33323130  }
0x1c0: {  	[tilespmem:$0x1FFA0] =	vst v20;
	v0 =	vunpack.c.0.s8.s32 v0  }
0x1c1: {  	[tilespmem:$0x1FFB0] =	vst v11  }
0x1c2: {  	[tilespmem:$0x1FD20] =	vst v0;
	v0 =	vimm.s32 $0x37363534  }
0x1c3: {  	[tilespmem:$0x1FFC0] =	vst v41;
	v0 =	vunpack.c.0.s8.s32 v0  }
0x1c4: {  	[tilespmem:$0x1FFD0] =	vst v45;
	v1 =	vimm.s32 $0x3B3A3938  }
0x1c5: {  	s0 =	stileid.u32;
	[tilespmem:$0x1FD30] =	vst v0;
	v0 =	vunpack.c.0.s8.s32 v1  }
0x1c6: {  	s10 =	simm.s32 $0xC800;
	s11 =	simm.s32 $0x1;
	s12 =	simm.s32 $0xE800;
	[tilespmem:$0x1FFE0] =	vst v61  }
0x1c7: {  	s13 =	simm.s32 $0x10800;
	s14 =	simm.s32 $0x400;
	s15 =	simm.s32 $0x20000;
	[tilespmem:$0x1FD40] =	vst v0;
	v0 =	vmul.u32 $0x40, v12  }
0x1c8: {  	s16 =	simm.s32 $0x12800;
	s17 =	simm.s32 $0x2;
	s31 =	sshll.u32 s0, $0x1;
	[tilespmem:$0x1FFF0] =	vst v49  }
0x1c9: {  	s18 =	simm.s32 $0x0;
	s5 =	sor.u32 s4, s31;
	s4 =	ssub.s32 $0x2, s4;
	[tilespmem:$0x1FD50] =	vst v0;
	v0 =	vor.u32 $0x10, v12  }
0x1ca: {  	s7 =	smul.u32 $0xC80, s5;
	s8 =	sshrl.u32 s4, $0x1;
	s9 =	sshll.u32 s5, $0x9;
	vm0 =	vcmask $0x1F10;
	[tilespmem:$0x1FD60] =	vst v0;
	v0 =	vor.u32 $0x800, v29  }
0x1cb: {  	s8 =	ssub.s32 s4, s8;
	s6 =	sadd.s32 s6, s9;
	s9 =	simm.s32 $0x6400;
	[tilespmem:$0x1FD70] =	vst v0;
	v0 =	vsel vm0, v53, v59  }
0x1cc: {  	s7 =	sadd.s32 s7, s3;
	s3 =	sadd.s32 $0x19400, s3;
	s5 =	smax.u32 s8, $0x1;
	[tilespmem:$0x1FDA0] =	vst v0;
	v0 =	vsel vm0, v58, v54  }
0x1cd: {  	s8 =	simm.s32 $0x80;
	s4 =	sadd.s32 $0x400, s7;
	s7 =	simm.s32 $0x3;
	v3 =	vimm.s32 $0x0;
	[tilespmem:$0x1FDD0] =	vst v0  }
.LBB2_1:
0x1ce: {  	s19 =	smul.u32 $0x29, s2;
	_ =	sdelay $0x1  }
0x1cf: {  	s19 =	sshrl.u32 s19, $0xB  }
0x1d0: {  	s19 =	sand.u32 $0x1F, s19  }
0x1d1: {  	s20 =	smul.u32 $0x32, s19;
	_ =	sdelay $0x1  }
0x1d2: {  	s19 =	smul.u32 $0x1900, s19;
	s20 =	ssub.s32 $0x0, s20  }
0x1d3: {  	s20 =	sand.u32 $0xFF, s20  }
0x1d4: {  	s21 =	sor.u32 s20, s19  }
0x1d5: {  	v0 =	vadd.s32 s21, v2  }
0x1d6: {  	[tilespmem:s2], [sflag:$0x3] =	stream.linear.gather [hbm4b:s4+s2], $0x6400, $0x38;
	[tilespmem:$0x14800] =	vst v63  }
0x1d7: {  	_ =	swait.ge [sflag:s7], $0x6400  }
0x1d8: {  	[sflag:s7] =	ssyncset.done $0x0  }
0x1d9: {  	[sflag:s7] =	ssyncadd.s32 $0xFFFF9C00  }
0x1da: {  	v0 =	vld.idx.msk [tilespmem:v0+s2+$0x0], $0xffff;
	_ =	sdelay $0x2  }
0x1db: {  	s19 =	sadd.s32 $0x320, s21  }
0x1dc: {  	v1 =	vadd.s32 s19, v2  }
0x1dd: {  	vm1 =	vgt.s32 v0, $0x7AFFF  }
0x1de: {  	v0 =	vshll.u32 v0, $0x1;
	v15 =	vsel vm1, $0xFFF0A001, v3  }
0x1df: {  	s19 =	simm.s32 $0x6440;
	v0 =	vadd.s32 v0, v15  }
0x1e0: {  	[tilespmem:s19+$0xFFFFFFC0] =	vst v0  }
0x1e1: {  	v0 =	vld.idx.msk [tilespmem:v1+s2+$0x0], $0xffff;
	_ =	sdelay $0x2  }
0x1e2: {  	s20 =	sadd.s32 $0x640, s21  }
0x1e3: {  	v1 =	vadd.s32 s20, v2  }
0x1e4: {  	vm1 =	vgt.s32 v0, $0x7AFFF  }
0x1e5: {  	v0 =	vshll.u32 v0, $0x1;
	v15 =	vsel vm1, $0xFFF0A001, v3  }
0x1e6: {  	v0 =	vadd.s32 v0, v15  }
0x1e7: {  	[tilespmem:s19+$0xFFFFFFD0] =	vst v0  }
0x1e8: {  	v0 =	vld.idx.msk [tilespmem:v1+s2+$0x0], $0xffff;
	_ =	sdelay $0x2  }
0x1e9: {  	s28 =	sadd.s32 $0x960, s21  }
0x1ea: {  	v1 =	vadd.s32 s28, v2  }
0x1eb: {  	vm1 =	vgt.s32 v0, $0x7AFFF  }
0x1ec: {  	v0 =	vshll.u32 v0, $0x1;
	v15 =	vsel vm1, $0xFFF0A001, v3  }
0x1ed: {  	v0 =	vadd.s32 v0, v15  }
0x1ee: {  	[tilespmem:s19+$0xFFFFFFE0] =	vst v0  }
0x1ef: {  	v0 =	vld.idx.msk [tilespmem:v1+s2+$0x0], $0xffff;
	_ =	sdelay $0x2  }
0x1f0: {  	s29 =	sadd.s32 $0xC80, s21  }
0x1f1: {  	v1 =	vadd.s32 s29, v2  }
0x1f2: {  	vm1 =	vgt.s32 v0, $0x7AFFF  }
0x1f3: {  	v0 =	vshll.u32 v0, $0x1;
	v15 =	vsel vm1, $0xFFF0A001, v3  }
0x1f4: {  	v0 =	vadd.s32 v0, v15  }
0x1f5: {  	[tilespmem:s19+$0xFFFFFFF0] =	vst v0  }
0x1f6: {  	v0 =	vld.idx.msk [tilespmem:v1+s2+$0x0], $0xffff;
	_ =	sdelay $0x2  }
0x1f7: {  	s30 =	sadd.s32 $0xFA0, s21  }
0x1f8: {  	v1 =	vadd.s32 s30, v2  }
0x1f9: {  	vm1 =	vgt.s32 v0, $0x7AFFF  }
0x1fa: {  	v0 =	vshll.u32 v0, $0x1;
	v15 =	vsel vm1, $0xFFF0A001, v3  }
0x1fb: {  	v0 =	vadd.s32 v0, v15  }
0x1fc: {  	[tilespmem:s19+$0x0] =	vst v0  }
0x1fd: {  	v0 =	vld.idx.msk [tilespmem:v1+s2+$0x0], $0xffff;
	_ =	sdelay $0x2  }
0x1fe: {  	s31 =	sadd.s32 $0x12C0, s21  }
0x1ff: {  	v1 =	vadd.s32 s31, v2  }
0x200: {  	vm1 =	vgt.s32 v0, $0x7AFFF  }
0x201: {  	v0 =	vshll.u32 v0, $0x1;
	v15 =	vsel vm1, $0xFFF0A001, v3  }
0x202: {  	v0 =	vadd.s32 v0, v15  }
0x203: {  	[tilespmem:s19+$0x10] =	vst v0  }
0x204: {  	v15 =	vld.idx.msk [tilespmem:v1+s2+$0x0], $0xffff;
	_ =	sdelay $0x2  }
0x205: {  	s21 =	sadd.s32 $0x15E0, s21  }
0x206: {  	s20 =	simm.s32 $0x1;
	v0 =	vadd.s32 s21, v2  }
0x207: {  	s22 =	smul.u32 $0x29, s20;
	s21 =	simm.s32 $0x2;
	vm1 =	vgt.s32 v15, $0x7AFFF  }
.LBB2_2:
0x208: {  	p0 =	sne.s32 s21, $0xC7;
	v1 =	vshll.u32 v15, $0x1;
	v15 =	vsel vm1, $0xFFF0A001, v3  }
0x209: {  	s22 =	sshrl.u32 s22, $0xB;
	v1 =	vadd.s32 v1, v15  }
0x20a: {  	s22 =	sand.u32 $0x1F, s22;
	[tilespmem:s19+$0x20] =	vst v1  }
0x20b: {  	s23 =	smul.u32 $0x32, s22;
	v0 =	vld.idx.msk [tilespmem:v0+s2+$0x0], $0xffff;
	_ =	sdelay $0x1  }
0x20c: {  	s22 =	smul.u32 $0x1900, s22;
	s23 =	ssub.s32 s20, s23;
	s20 =	smov.u32 s21  }
0x20d: {  	s23 =	sand.u32 $0xFF, s23  }
0x20e: {  	s22 =	sor.u32 s23, s22  }
0x20f: {  	v1 =	vadd.s32 s22, v2  }
0x210: {  	vm1 =	vgt.s32 v0, $0x7AFFF  }
0x211: {  	v0 =	vshll.u32 v0, $0x1;
	v15 =	vsel vm1, $0xFFF0A001, v3  }
0x212: {  	v0 =	vadd.s32 v0, v15  }
0x213: {  	[tilespmem:s19+$0x30] =	vst v0  }
0x214: {  	v0 =	vld.idx.msk [tilespmem:v1+s2+$0x0], $0xffff;
	_ =	sdelay $0x3  }
0x215: {  	s23 =	sadd.s32 $0x320, s22  }
0x216: {  	v1 =	vadd.s32 s23, v2  }
0x217: {  	vm1 =	vgt.s32 v0, $0x7AFFF  }
0x218: {  	v0 =	vshll.u32 v0, $0x1;
	v15 =	vsel vm1, $0xFFF0A001, v3  }
0x219: {  	s19 =	sadd.s32 $0x80, s19;
	v0 =	vadd.s32 v0, v15  }
0x21a: {  	[tilespmem:s19+$0xFFFFFFC0] =	vst v0  }
0x21b: {  	v0 =	vld.idx.msk [tilespmem:v1+s2+$0x0], $0xffff;
	_ =	sdelay $0x3  }
0x21c: {  	s23 =	sadd.s32 $0x640, s22  }
0x21d: {  	v1 =	vadd.s32 s23, v2  }
0x21e: {  	vm1 =	vgt.s32 v0, $0x7AFFF  }
0x21f: {  	v0 =	vshll.u32 v0, $0x1;
	v15 =	vsel vm1, $0xFFF0A001, v3  }
0x220: {  	v0 =	vadd.s32 v0, v15  }
0x221: {  	[tilespmem:s19+$0xFFFFFFD0] =	vst v0  }
0x222: {  	v0 =	vld.idx.msk [tilespmem:v1+s2+$0x0], $0xffff;
	_ =	sdelay $0x3  }
0x223: {  	s23 =	sadd.s32 $0x960, s22  }
0x224: {  	v1 =	vadd.s32 s23, v2  }
0x225: {  	vm1 =	vgt.s32 v0, $0x7AFFF  }
0x226: {  	v0 =	vshll.u32 v0, $0x1;
	v15 =	vsel vm1, $0xFFF0A001, v3  }
0x227: {  	v0 =	vadd.s32 v0, v15  }
0x228: {  	[tilespmem:s19+$0xFFFFFFE0] =	vst v0  }
0x229: {  	v0 =	vld.idx.msk [tilespmem:v1+s2+$0x0], $0xffff;
	_ =	sdelay $0x3  }
0x22a: {  	s23 =	sadd.s32 $0xC80, s22  }
0x22b: {  	v1 =	vadd.s32 s23, v2  }
0x22c: {  	vm1 =	vgt.s32 v0, $0x7AFFF  }
0x22d: {  	v0 =	vshll.u32 v0, $0x1;
	v15 =	vsel vm1, $0xFFF0A001, v3  }
0x22e: {  	v0 =	vadd.s32 v0, v15  }
0x22f: {  	[tilespmem:s19+$0xFFFFFFF0] =	vst v0  }
0x230: {  	v0 =	vld.idx.msk [tilespmem:v1+s2+$0x0], $0xffff;
	_ =	sdelay $0x3  }
0x231: {  	s23 =	sadd.s32 $0xFA0, s22  }
0x232: {  	v1 =	vadd.s32 s23, v2  }
0x233: {  	vm1 =	vgt.s32 v0, $0x7AFFF  }
0x234: {  	v0 =	vshll.u32 v0, $0x1;
	v15 =	vsel vm1, $0xFFF0A001, v3  }
0x235: {  	v0 =	vadd.s32 v0, v15  }
0x236: {  	[tilespmem:s19+$0x0] =	vst v0  }
0x237: {  	v0 =	vld.idx.msk [tilespmem:v1+s2+$0x0], $0xffff;
	_ =	sdelay $0x3  }
0x238: {  	s23 =	sadd.s32 $0x12C0, s22  }
0x239: {  	v1 =	vadd.s32 s23, v2  }
0x23a: {  	vm1 =	vgt.s32 v0, $0x7AFFF  }
0x23b: {  	v0 =	vshll.u32 v0, $0x1;
	v15 =	vsel vm1, $0xFFF0A001, v3  }
0x23c: {  	v0 =	vadd.s32 v0, v15  }
0x23d: {  	[tilespmem:s19+$0x10] =	vst v0  }
0x23e: {  	v15 =	vld.idx.msk [tilespmem:v1+s2+$0x0], $0xffff;
	_ =	sdelay $0x1  }
.Ltmp0:
0x23f: {  	(pc) =	sbr.rel @p0 .LBB2_2-.Ltmp0, $4  }
0x240: {  	_ = 	snop  }
0x241: {  	s22 =	sadd.s32 $0x15E0, s22  }
0x242: {  	v0 =	vadd.s32 s22, v2  }
0x243: {  	s21 =	sadd.s32 $0x1, s21;
	s22 =	smul.u32 $0x29, s20;
	vm1 =	vgt.s32 v15, $0x7AFFF  }
0x244: {  	_ = 	snop  }
0x245: {  	v1 =	vshll.u32 v15, $0x1;
	v15 =	vsel vm1, $0xFFF0A001, v3;
	s21 =	sshrl.u32 s22, $0xB  }
0x246: {  	v1 =	vadd.s32 v1, v15;
	s21 =	sand.u32 $0x1F, s21  }
0x247: {  	[tilespmem:s19+$0x20] =	vst v1;
	s24 =	smul.u32 $0x32, s21  }
0x248: {  	v0 =	vld.idx.msk [tilespmem:v0+s2+$0x0], $0xffff  }
0x249: {  	s21 =	smul.u32 $0x1900, s21;
	s20 =	ssub.s32 s20, s24  }
0x24a: {  	s20 =	sand.u32 $0xFF, s20  }
0x24b: {  	s20 =	sor.u32 s20, s21  }
0x24c: {  	v36 =	vadd.s32 s20, v2  }
0x24d: {  	vm1 =	vgt.s32 v0, $0x7AFFF  }
0x24e: {  	v0 =	vshll.u32 v0, $0x1;
	v15 =	vsel vm1, $0xFFF0A001, v3  }
0x24f: {  	v0 =	vadd.s32 v0, v15  }
0x250: {  	[tilespmem:s19+$0x30] =	vst v0  }
0x251: {  	v0 =	vld.idx.msk [tilespmem:v36+s2+$0x0], $0xffff;
	_ =	sdelay $0x2  }
0x252: {  	s21 =	sadd.s32 $0x320, s20  }
0x253: {  	v37 =	vadd.s32 s21, v2  }
0x254: {  	vm1 =	vgt.s32 v0, $0x7AFFF  }
0x255: {  	v0 =	vshll.u32 v0, $0x1;
	v15 =	vsel vm1, $0xFFF0A001, v3  }
0x256: {  	s25 =	sadd.s32 $0x80, s19;
	v0 =	vadd.s32 v0, v15  }
0x257: {  	[tilespmem:s25+$0xFFFFFFC0] =	vst v0  }
0x258: {  	v0 =	vld.idx.msk [tilespmem:v37+s2+$0x0], $0xffff;
	_ =	sdelay $0x2  }
0x259: {  	s26 =	sadd.s32 $0x640, s20  }
0x25a: {  	v38 =	vadd.s32 s26, v2  }
0x25b: {  	vm1 =	vgt.s32 v0, $0x7AFFF  }
0x25c: {  	v0 =	vshll.u32 v0, $0x1;
	v15 =	vsel vm1, $0xFFF0A001, v3  }
0x25d: {  	v0 =	vadd.s32 v0, v15  }
0x25e: {  	[tilespmem:s25+$0xFFFFFFD0] =	vst v0  }
0x25f: {  	v0 =	vld.idx.msk [tilespmem:v38+s2+$0x0], $0xffff;
	_ =	sdelay $0x2  }
0x260: {  	s28 =	sadd.s32 $0x960, s20  }
0x261: {  	v40 =	vadd.s32 s28, v2  }
0x262: {  	vm1 =	vgt.s32 v0, $0x7AFFF  }
0x263: {  	v0 =	vshll.u32 v0, $0x1;
	v15 =	vsel vm1, $0xFFF0A001, v3  }
0x264: {  	v0 =	vadd.s32 v0, v15  }
0x265: {  	[tilespmem:s25+$0xFFFFFFE0] =	vst v0  }
0x266: {  	v0 =	vld.idx.msk [tilespmem:v40+s2+$0x0], $0xffff;
	_ =	sdelay $0x2  }
0x267: {  	s29 =	sadd.s32 $0xC80, s20  }
0x268: {  	v41 =	vadd.s32 s29, v2  }
0x269: {  	vm1 =	vgt.s32 v0, $0x7AFFF  }
0x26a: {  	v0 =	vshll.u32 v0, $0x1;
	v15 =	vsel vm1, $0xFFF0A001, v3  }
0x26b: {  	v0 =	vadd.s32 v0, v15  }
0x26c: {  	[tilespmem:s25+$0xFFFFFFF0] =	vst v0  }
0x26d: {  	v0 =	vld.idx.msk [tilespmem:v41+s2+$0x0], $0xffff;
	_ =	sdelay $0x2  }
0x26e: {  	s30 =	sadd.s32 $0xFA0, s20  }
0x26f: {  	v53 =	vadd.s32 s30, v2  }
0x270: {  	vm1 =	vgt.s32 v0, $0x7AFFF  }
0x271: {  	v0 =	vshll.u32 v0, $0x1;
	v15 =	vsel vm1, $0xFFF0A001, v3  }
0x272: {  	v0 =	vadd.s32 v0, v15  }
0x273: {  	[tilespmem:s25+$0x0] =	vst v0  }
0x274: {  	v0 =	vld.idx.msk [tilespmem:v53+s2+$0x0], $0xffff;
	_ =	sdelay $0x2  }
0x275: {  	s31 =	sadd.s32 $0x12C0, s20  }
0x276: {  	v54 =	vadd.s32 s31, v2  }
0x277: {  	vm1 =	vgt.s32 v0, $0x7AFFF  }
0x278: {  	v0 =	vshll.u32 v0, $0x1;
	v15 =	vsel vm1, $0xFFF0A001, v3  }
0x279: {  	v0 =	vadd.s32 v0, v15  }
0x27a: {  	[tilespmem:s25+$0x10] =	vst v0  }
0x27b: {  	v0 =	vld.idx.msk [tilespmem:v54+s2+$0x0], $0xffff;
	_ =	sdelay $0x2  }
0x27c: {  	s20 =	sadd.s32 $0x15E0, s20  }
0x27d: {  	v58 =	vadd.s32 s20, v2  }
0x27e: {  	vm1 =	vgt.s32 v0, $0x7AFFF  }
0x27f: {  	v0 =	vshll.u32 v0, $0x1;
	v15 =	vsel vm1, $0xFFF0A001, v3  }
0x280: {  	v0 =	vadd.s32 v0, v15  }
0x281: {  	[tilespmem:s25+$0x20] =	vst v0  }
0x282: {  	v0 =	vld.idx.msk [tilespmem:v58+s2+$0x0], $0xffff;
	_ =	sdelay $0x4  }
0x283: {  	vm1 =	vgt.s32 v0, $0x7AFFF  }
0x284: {  	v0 =	vshll.u32 v0, $0x1;
	v59 =	vsel vm1, $0xFFF0A001, v3  }
0x285: {  	v0 =	vadd.s32 v0, v59  }
0x286: {  	s20 =	simm.s32 $0x0;
	s19 =	simm.s32 $0x0;
	[tilespmem:s25+$0x30] =	vst v0  }
0x287: {  	[tilespmem:s10], [sflag:$0x1] =	stream.indirect.gather [hbm4b:s3+s8], $0x40, s9, s8, $0xb8;
	[tilespmem:$0x14800] =	vst v63  }
.LBB2_4:
0x288: {  	_ =	swait.ge [sflag:s11], $0x2000  }
0x289: {  	v1 =	vld [tilespmem:$0x1FD50];
	_ =	sdelay $0x1  }
0x28a: {  	s21 =	sshllo.u32 s20, $0x1  }
0x28b: {  	v0 =	vmov s19;
	s22 =	sshll.u32 s21, $0x7  }
0x28c: {  	[sflag:s11] =	ssyncset.done $0x0;
	v0 =	vshll.u32 v0, $0x6;
	s22 =	sand.u32 $0x3FFFFF80, s22  }
0x28d: {  	p0 =	seq.s32 s20, $0x0;
	[sflag:s11] =	ssyncadd.s32 $0xFFFFE000;
	s22 =	sadd.s32 $0x6400, s22;
	v0 =	vor.u32 v1, v0  }
0x28e: {  	[tilespmem:s12], [sflag:$0x1] =	stream.indirect.gather [hbm4b:s3+s8], $0x40, s22, s8, $0xb8;
	v1 =	vor.u32 v12, v0;
	[tilespmem:$0x14800] =	vst v63  }
0x28f: {  	s22 =	simm.s32 @!p0 $0x2  }
0x290: {  	_ =	swait.ge @!p0 [sflag:s22], $0x2000  }
0x291: {  	[sflag:s22] =	ssyncset.done @!p0 $0x0  }
0x292: {  	[sflag:s22] =	ssyncadd.s32 @!p0 $0xFFFFE000  }
0x293: {  	v15 =	vor.u32 s19, v29;
	v1 =	vld.idx.msk [tilespmem:v1+s10+$0x0], $0xffff  }
0x294: {  	v16 =	vor.u32 v33, v0;
	_ =	sdelay $0x3  }
0x295: {  	[tilespmem:v15+s13+$0x0] =	vst.idx.msk $0xffff, v1  }
0x296: {  	v15 =	vor.u32 s19, v56;
	v1 =	vld.idx.msk [tilespmem:v16+s10+$0x0], $0xffff  }
0x297: {  	v16 =	vor.u32 v52, v0;
	_ =	sdelay $0x3  }
0x298: {  	[tilespmem:v15+s13+$0x0] =	vst.idx.msk $0xffff, v1  }
0x299: {  	v15 =	vor.u32 s19, v55;
	v1 =	vld.idx.msk [tilespmem:v16+s10+$0x0], $0xffff  }
0x29a: {  	v16 =	vor.u32 v60, v0;
	_ =	sdelay $0x3  }
0x29b: {  	[tilespmem:v15+s13+$0x0] =	vst.idx.msk $0xffff, v1  }
0x29c: {  	v15 =	vor.u32 s19, v48;
	v1 =	vld.idx.msk [tilespmem:v16+s10+$0x0], $0xffff  }
0x29d: {  	v16 =	vor.u32 v46, v0;
	_ =	sdelay $0x3  }
0x29e: {  	[tilespmem:v15+s13+$0x0] =	vst.idx.msk $0xffff, v1  }
0x29f: {  	v15 =	vor.u32 s19, v62;
	v1 =	vld.idx.msk [tilespmem:v16+s10+$0x0], $0xffff  }
0x2a0: {  	v16 =	vor.u32 v47, v0;
	_ =	sdelay $0x3  }
0x2a1: {  	[tilespmem:v15+s13+$0x0] =	vst.idx.msk $0xffff, v1  }
0x2a2: {  	v15 =	vor.u32 s19, v43;
	v1 =	vld.idx.msk [tilespmem:v16+s10+$0x0], $0xffff  }
0x2a3: {  	v16 =	vor.u32 v26, v0  }
0x2a4: {  	v2 =	vld [tilespmem:$0x1F7F0];
	_ =	sdelay $0x2  }
0x2a5: {  	[tilespmem:v15+s13+$0x0] =	vst.idx.msk $0xffff, v1  }
0x2a6: {  	v15 =	vor.u32 s19, v32;
	v1 =	vld.idx.msk [tilespmem:v16+s10+$0x0], $0xffff  }
0x2a7: {  	v16 =	vor.u32 v2, v0  }
0x2a8: {  	v2 =	vld [tilespmem:$0x1F800];
	_ =	sdelay $0x2  }
0x2a9: {  	[tilespmem:v15+s13+$0x0] =	vst.idx.msk $0xffff, v1  }
0x2aa: {  	v15 =	vor.u32 s19, v39;
	v1 =	vld.idx.msk [tilespmem:v16+s10+$0x0], $0xffff  }
0x2ab: {  	v16 =	vor.u32 v2, v0;
	_ =	sdelay $0x3  }
0x2ac: {  	[tilespmem:v15+s13+$0x0] =	vst.idx.msk $0xffff, v1  }
0x2ad: {  	v15 =	vor.u32 s19, v50;
	v1 =	vld.idx.msk [tilespmem:v16+s10+$0x0], $0xffff  }
0x2ae: {  	v16 =	vor.u32 v4, v0  }
0x2af: {  	v2 =	vld [tilespmem:$0x1F810];
	_ =	sdelay $0x2  }
0x2b0: {  	[tilespmem:v15+s13+$0x0] =	vst.idx.msk $0xffff, v1  }
0x2b1: {  	v1 =	vld.idx.msk [tilespmem:v16+s10+$0x0], $0xffff  }
0x2b2: {  	v15 =	vor.u32 s19, v42;
	v16 =	vor.u32 v2, v0;
	v2 =	vld [tilespmem:$0x1F820];
	_ =	sdelay $0x4  }
0x2b3: {  	[tilespmem:v15+s13+$0x0] =	vst.idx.msk $0xffff, v1;
	v15 =	vor.u32 s19, v2;
	v2 =	vld [tilespmem:$0x1F830];
	_ =	sdelay $0x3  }
0x2b4: {  	v1 =	vld.idx.msk [tilespmem:v16+s10+$0x0], $0xffff  }
0x2b5: {  	v16 =	vor.u32 v2, v0;
	_ =	sdelay $0x3  }
0x2b6: {  	v2 =	vld [tilespmem:$0x1F840];
	[tilespmem:v15+s13+$0x0] =	vst.idx.msk $0xffff, v1  }
0x2b7: {  	v15 =	vor.u32 s19, v30;
	v1 =	vld.idx.msk [tilespmem:v16+s10+$0x0], $0xffff;
	_ =	sdelay $0x3  }
0x2b8: {  	v16 =	vor.u32 v5, v0  }
0x2b9: {  	[tilespmem:v15+s13+$0x0] =	vst.idx.msk $0xffff, v1;
	v15 =	vor.u32 s19, v2;
	v2 =	vld [tilespmem:$0x1F850];
	_ =	sdelay $0x3  }
0x2ba: {  	v1 =	vld.idx.msk [tilespmem:v16+s10+$0x0], $0xffff  }
0x2bb: {  	v16 =	vor.u32 v2, v0;
	v2 =	vld [tilespmem:$0x1F860];
	_ =	sdelay $0x4  }
0x2bc: {  	[tilespmem:v15+s13+$0x0] =	vst.idx.msk $0xffff, v1;
	v15 =	vor.u32 s19, v2;
	v2 =	vld [tilespmem:$0x1F870];
	_ =	sdelay $0x3  }
0x2bd: {  	v1 =	vld.idx.msk [tilespmem:v16+s10+$0x0], $0xffff  }
0x2be: {  	v16 =	vor.u32 v2, v0;
	v2 =	vld [tilespmem:$0x1F880];
	_ =	sdelay $0x4  }
0x2bf: {  	[tilespmem:v15+s13+$0x0] =	vst.idx.msk $0xffff, v1;
	v15 =	vor.u32 s19, v2;
	v2 =	vld [tilespmem:$0x1F890];
	_ =	sdelay $0x3  }
0x2c0: {  	v1 =	vld.idx.msk [tilespmem:v16+s10+$0x0], $0xffff  }
0x2c1: {  	v16 =	vor.u32 v2, v0;
	v2 =	vld [tilespmem:$0x1F8A0];
	_ =	sdelay $0x4  }
0x2c2: {  	[tilespmem:v15+s13+$0x0] =	vst.idx.msk $0xffff, v1;
	v15 =	vor.u32 s19, v2;
	v2 =	vld [tilespmem:$0x1FD60];
	_ =	sdelay $0x1  }
0x2c3: {  	v22 =	vld [tilespmem:$0x1FDA0]  }
0x2c4: {  	v24 =	vld [tilespmem:$0x1FDD0]  }
0x2c5: {  	v1 =	vld.idx.msk [tilespmem:v16+s10+$0x0], $0xffff  }
0x2c6: {  	v16 =	vor.u32 v2, v0;
	v2 =	vld [tilespmem:$0x1FD70]  }
0x2c7: {  	v54 =	vmov v7;
	v7 =	vld [tilespmem:$0x1F8C0]  }
0x2c8: {  	v8 =	vld [tilespmem:$0x1F8D0]  }
0x2c9: {  	v9 =	vld [tilespmem:$0x1F8E0]  }
0x2ca: {  	v10 =	vld [tilespmem:$0x1F8F0];
	v3 =	vcombine.low v24, v22;
	[tilespmem:v15+s13+$0x0] =	vst.idx.msk $0xffff, v1  }
0x2cb: {  	v1 =	vld.idx.msk [tilespmem:v16+s10+$0x0], $0xffff;
	v16 =	vor.u32 s19, v2  }
0x2cc: {  	v17 =	vor.u32 v3, v0;
	v2 =	vld [tilespmem:$0x1F8B0]  }
0x2cd: {  	v11 =	vld [tilespmem:$0x1F900]  }
0x2ce: {  	v13 =	vld [tilespmem:$0x1F920]  }
0x2cf: {  	v14 =	vld [tilespmem:$0x1F930];
	[tilespmem:$0x1F5B0] =	vst v3;
	v4 =	vsel vm0, v8, v7;
	v5 =	vsel vm0, v10, v9  }
0x2d0: {  	v12 =	vld [tilespmem:$0x1F910];
	v3 =	vcombine.low v5, v4;
	[tilespmem:v16+s13+$0x0] =	vst.idx.msk $0xffff, v1  }
0x2d1: {  	v1 =	vld.idx.msk [tilespmem:v17+s10+$0x0], $0xffff;
	v17 =	vor.u32 s19, v2  }
0x2d2: {  	v18 =	vor.u32 v3, v0  }
0x2d3: {  	v37 =	vld [tilespmem:$0x1F980]  }
0x2d4: {  	v15 =	vld [tilespmem:$0x1F950]  }
0x2d5: {  	v25 =	vsel vm0, v14, v13;
	v6 =	vsel vm0, v12, v11;
	v16 =	vld [tilespmem:$0x1F960]  }
0x2d6: {  	v2 =	vcombine.low v25, v6;
	[tilespmem:v17+s13+$0x0] =	vst.idx.msk $0xffff, v1;
	v17 =	vld [tilespmem:$0x1F970]  }
0x2d7: {  	v1 =	vld.idx.msk [tilespmem:v18+s10+$0x0], $0xffff;
	v18 =	vor.u32 s19, v44  }
0x2d8: {  	v19 =	vor.u32 v2, v0  }
0x2d9: {  	[tilespmem:$0x1F5D0] =	vst v2;
	v2 =	vld [tilespmem:$0x1F940];
	_ =	sdelay $0x2  }
0x2da: {  	v23 =	vsel vm0, v16, v15;
	v38 =	vsel vm0, v37, v17;
	[tilespmem:v18+s13+$0x0] =	vst.idx.msk $0xffff, v1  }
0x2db: {  	[tilespmem:$0x1F5C0] =	vst v3;
	v3 =	vcombine.low v38, v23;
	v1 =	vld.idx.msk [tilespmem:v19+s10+$0x0], $0xffff  }
0x2dc: {  	v19 =	vor.u32 s19, v2;
	v2 =	vld [tilespmem:$0x1FD90]  }
0x2dd: {  	[tilespmem:$0x1F5E0] =	vst v3;
	v20 =	vor.u32 v3, v0;
	v3 =	vld [tilespmem:$0x1FDB0];
	_ =	sdelay $0x4  }
0x2de: {  	v58 =	vmov v30;
	v30 =	vsel vm0, v3, v2;
	v2 =	vld [tilespmem:$0x1FD80]  }
0x2df: {  	v3 =	vld [tilespmem:$0x1FDC0];
	_ =	sdelay $0x4  }
0x2e0: {  	v28 =	vmov v26;
	v26 =	vmov v31;
	v31 =	vsel vm0, v2, v3  }
0x2e1: {  	[tilespmem:v19+s13+$0x0] =	vst.idx.msk $0xffff, v1;
	v2 =	vcombine.low v31, v30  }
0x2e2: {  	v1 =	vld.idx.msk [tilespmem:v20+s10+$0x0], $0xffff;
	v20 =	vor.u32 s19, v61  }
0x2e3: {  	[tilespmem:$0x1F5F0] =	vst v2;
	v2 =	vor.u32 v2, v0;
	_ =	sdelay $0x2  }
0x2e4: {  	v27 =	vmovc v33;
	v41 =	vmovc v56;
	v33 =	vsel vm0, v7, v10;
	v56 =	vmov v32;
	v32 =	vsel vm0, v9, v8  }
0x2e5: {  	[tilespmem:v20+s13+$0x0] =	vst.idx.msk $0xffff, v1;
	v3 =	vcombine.low v33, v32  }
0x2e6: {  	v1 =	vld.idx.msk [tilespmem:v2+s10+$0x0], $0xffff;
	v2 =	vor.u32 s19, v45  }
0x2e7: {  	[tilespmem:$0x1F600] =	vst v3;
	v3 =	vor.u32 v3, v0;
	_ =	sdelay $0x2  }
0x2e8: {  	v53 =	vsel vm0, v11, v14;
	v7 =	vsel vm0, v13, v12  }
0x2e9: {  	v8 =	vcombine.low v53, v7;
	[tilespmem:v2+s13+$0x0] =	vst.idx.msk $0xffff, v1  }
0x2ea: {  	v2 =	vor.u32 s19, v49;
	v1 =	vld.idx.msk [tilespmem:v3+s10+$0x0], $0xffff  }
0x2eb: {  	v3 =	vor.u32 v8, v0;
	_ =	sdelay $0x3  }
0x2ec: {  	[tilespmem:v2+s13+$0x0] =	vst.idx.msk $0xffff, v1  }
0x2ed: {  	v2 =	vor.u32 s19, v63;
	v1 =	vld.idx.msk [tilespmem:v3+s10+$0x0], $0xffff;
	_ =	sdelay $0x1  }
0x2ee: {  	v36 =	vsel vm0, v17, v16;
	v37 =	vsel vm0, v15, v37  }
0x2ef: {  	[tilespmem:$0x1F610] =	vst v8;
	v8 =	vcombine.low v37, v36;
	_ =	sdelay $0x1  }
0x2f0: {  	v36 =	vor.u32 v8, v0;
	[tilespmem:v2+s13+$0x0] =	vst.idx.msk $0xffff, v1;
	v2 =	vld [tilespmem:$0x1F990];
	_ =	sdelay $0x3  }
0x2f1: {  	v3 =	vcombine.low v22, v24  }
0x2f2: {  	v18 =	vmov v57;
	v1 =	vld.idx.msk [tilespmem:v36+s10+$0x0], $0xffff;
	v57 =	vor.u32 s19, v2  }
0x2f3: {  	v59 =	vor.u32 v3, v0;
	v2 =	vld [tilespmem:$0x1F9A0];
	_ =	sdelay $0x3  }
0x2f4: {  	[tilespmem:v57+s13+$0x0] =	vst.idx.msk $0xffff, v1  }
0x2f5: {  	v2 =	vor.u32 s19, v2;
	v1 =	vld.idx.msk [tilespmem:v59+s10+$0x0], $0xffff;
	_ =	sdelay $0x2  }
0x2f6: {  	[tilespmem:$0x1F630] =	vst v3;
	v3 =	vcombine.low v4, v5;
	_ =	sdelay $0x1  }
0x2f7: {  	v40 =	vor.u32 v3, v0;
	[tilespmem:v2+s13+$0x0] =	vst.idx.msk $0xffff, v1;
	v2 =	vld [tilespmem:$0x1F9B0];
	_ =	sdelay $0x4  }
0x2f8: {  	v1 =	vld.idx.msk [tilespmem:v40+s10+$0x0], $0xffff;
	v2 =	vor.u32 s19, v2;
	_ =	sdelay $0x1  }
0x2f9: {  	[tilespmem:$0x1F640] =	vst v3;
	v3 =	vcombine.low v6, v25;
	_ =	sdelay $0x1  }
0x2fa: {  	[tilespmem:$0x1F650] =	vst v3  }
0x2fb: {  	v3 =	vor.u32 v3, v0;
	[tilespmem:v2+s13+$0x0] =	vst.idx.msk $0xffff, v1;
	v2 =	vld [tilespmem:$0x1F9C0];
	_ =	sdelay $0x3  }
0x2fc: {  	v4 =	vcombine.low v23, v38  }
0x2fd: {  	v1 =	vld.idx.msk [tilespmem:v3+s10+$0x0], $0xffff;
	v3 =	vor.u32 s19, v2  }
0x2fe: {  	v2 =	vor.u32 v4, v0;
	_ =	sdelay $0x3  }
0x2ff: {  	[tilespmem:v3+s13+$0x0] =	vst.idx.msk $0xffff, v1  }
0x300: {  	v1 =	vld.idx.msk [tilespmem:v2+s10+$0x0], $0xffff  }
0x301: {  	v2 =	vld [tilespmem:$0x1F9D0];
	_ =	sdelay $0x4  }
0x302: {  	v2 =	vor.u32 s19, v2;
	_ =	sdelay $0x1  }
0x303: {  	v3 =	vcombine.low v30, v31;
	_ =	sdelay $0x1  }
0x304: {  	[tilespmem:$0x1F670] =	vst v3  }
0x305: {  	v3 =	vor.u32 v3, v0;
	[tilespmem:v2+s13+$0x0] =	vst.idx.msk $0xffff, v1;
	v2 =	vld [tilespmem:$0x1F9E0];
	_ =	sdelay $0x4  }
0x306: {  	v1 =	vld.idx.msk [tilespmem:v3+s10+$0x0], $0xffff;
	v2 =	vor.u32 s19, v2;
	_ =	sdelay $0x2  }
0x307: {  	[tilespmem:$0x1F660] =	vst v4;
	v4 =	vcombine.low v32, v33;
	_ =	sdelay $0x1  }
0x308: {  	v30 =	vor.u32 v4, v0;
	[tilespmem:v2+s13+$0x0] =	vst.idx.msk $0xffff, v1;
	v2 =	vld [tilespmem:$0x1F9F0];
	_ =	sdelay $0x3  }
0x309: {  	v3 =	vcombine.low v7, v53  }
0x30a: {  	v1 =	vld.idx.msk [tilespmem:v30+s10+$0x0], $0xffff;
	v30 =	vor.u32 s19, v2  }
0x30b: {  	v31 =	vor.u32 v3, v0;
	v2 =	vld [tilespmem:$0x1FA00];
	_ =	sdelay $0x1  }
0x30c: {  	v5 =	vld [tilespmem:$0x1FB80];
	[tilespmem:$0x1F680] =	vst v4  }
0x30d: {  	v4 =	vld [tilespmem:$0x1FA30];
	[tilespmem:$0x1F690] =	vst v3  }
0x30e: {  	v21 =	vlaneseq.u32;
	v3 =	vld [tilespmem:$0x1FA20];
	[tilespmem:v30+s13+$0x0] =	vst.idx.msk $0xffff, v1  }
0x30f: {  	v30 =	vor.u32 s19, v2;
	v2 =	vor.u32 $0x20, v21;
	v1 =	vld.idx.msk [tilespmem:v31+s10+$0x0], $0xffff  }
0x310: {  	[tilespmem:$0x1F6A0] =	vst v2;
	v31 =	vor.u32 v2, v0;
	v2 =	vld [tilespmem:$0x1FA10];
	_ =	sdelay $0x3  }
0x311: {  	v12 =	vld [tilespmem:$0x1FBB0];
	v6 =	vor.u32 $0x1000, v29  }
0x312: {  	v13 =	vld [tilespmem:$0x1FBC0];
	v9 =	vmov v35;
	[tilespmem:$0x1F6B0] =	vst v6;
	v57 =	vsel vm0, v5, v4;
	v35 =	vsel vm0, v3, v2  }
0x313: {  	[tilespmem:v30+s13+$0x0] =	vst.idx.msk $0xffff, v1;
	v30 =	vor.u32 s19, v6;
	v6 =	vld [tilespmem:$0x1FB90];
	v7 =	vcombine.low v57, v35  }
0x314: {  	v1 =	vld.idx.msk [tilespmem:v31+s10+$0x0], $0xffff  }
0x315: {  	[tilespmem:$0x1F6C0] =	vst v7;
	v31 =	vor.u32 v7, v0;
	v7 =	vld [tilespmem:$0x1FBA0];
	_ =	sdelay $0x2  }
0x316: {  	v14 =	vld [tilespmem:$0x1FBD0]  }
0x317: {  	v17 =	vld [tilespmem:$0x1FC00]  }
0x318: {  	v11 =	vmov v34;
	v22 =	vld [tilespmem:$0x1FBE0];
	v36 =	vsel vm0, v13, v12;
	v34 =	vsel vm0, v7, v6  }
0x319: {  	v25 =	vld [tilespmem:$0x1FBF0];
	[tilespmem:v30+s13+$0x0] =	vst.idx.msk $0xffff, v1;
	v10 =	vcombine.low v36, v34  }
0x31a: {  	v30 =	vor.u32 s19, v9;
	v1 =	vld.idx.msk [tilespmem:v31+s10+$0x0], $0xffff  }
0x31b: {  	[tilespmem:$0x1F6D0] =	vst v10;
	v31 =	vor.u32 v10, v0;
	v10 =	vld [tilespmem:$0x1FA40]  }
0x31c: {  	v16 =	vld [tilespmem:$0x1FC10]  }
0x31d: {  	v19 =	vld [tilespmem:$0x1FC20]  }
0x31e: {  	v20 =	vld [tilespmem:$0x1FC30];
	v37 =	vsel vm0, v22, v14;
	v38 =	vsel vm0, v17, v25  }
0x31f: {  	v15 =	vcombine.low v38, v37;
	v21 =	vld [tilespmem:$0x1FC40];
	[tilespmem:v30+s13+$0x0] =	vst.idx.msk $0xffff, v1  }
0x320: {  	v1 =	vld.idx.msk [tilespmem:v31+s10+$0x0], $0xffff;
	v30 =	vor.u32 s19, v10  }
0x321: {  	v31 =	vor.u32 v15, v0;
	_ =	sdelay $0x1  }
0x322: {  	[tilespmem:$0x1F620] =	vst v8  }
0x323: {  	v8 =	vmovc v60;
	v24 =	vmov v49;
	v49 =	vsel vm0, v19, v16;
	[tilespmem:$0x1F6E0] =	vst v15;
	v60 =	vsel vm0, v21, v20  }
0x324: {  	v10 =	vmov v46;
	v15 =	vcombine.low v60, v49;
	v46 =	vsel vm0, v2, v5;
	v2 =	vld [tilespmem:$0x1FA50];
	[tilespmem:v30+s13+$0x0] =	vst.idx.msk $0xffff, v1  }
0x325: {  	v30 =	vor.u32 s19, v11;
	v1 =	vld.idx.msk [tilespmem:v31+s10+$0x0], $0xffff  }
0x326: {  	v31 =	vor.u32 v15, v0;
	_ =	sdelay $0x2  }
0x327: {  	[tilespmem:$0x1F6F0] =	vst v15;
	v15 =	vsel vm0, v4, v3  }
0x328: {  	v3 =	vcombine.low v46, v15;
	[tilespmem:v30+s13+$0x0] =	vst.idx.msk $0xffff, v1;
	v30 =	vor.u32 s19, v2;
	v2 =	vld [tilespmem:$0x1FA60]  }
0x329: {  	v1 =	vld.idx.msk [tilespmem:v31+s10+$0x0], $0xffff  }
0x32a: {  	v31 =	vor.u32 v3, v0;
	_ =	sdelay $0x2  }
0x32b: {  	v53 =	vsel vm0, v6, v13;
	v40 =	vsel vm0, v12, v7;
	[tilespmem:$0x1F700] =	vst v3  }
0x32c: {  	v3 =	vcombine.low v53, v40;
	[tilespmem:v30+s13+$0x0] =	vst.idx.msk $0xffff, v1;
	v30 =	vor.u32 s19, v2;
	v2 =	vld [tilespmem:$0x1FA80]  }
0x32d: {  	v1 =	vld.idx.msk [tilespmem:v31+s10+$0x0], $0xffff  }
0x32e: {  	v25 =	vsel vm0, v25, v22;
	v7 =	vmovc v55;
	v55 =	vsel vm0, v14, v17;
	v31 =	vor.u32 v3, v0  }
0x32f: {  	[tilespmem:$0x1F710] =	vst v3;
	v3 =	vcombine.low v55, v25;
	_ =	sdelay $0x1  }
0x330: {  	[tilespmem:$0x1F720] =	vst v3  }
0x331: {  	v22 =	vor.u32 s19, v2;
	[tilespmem:v30+s13+$0x0] =	vst.idx.msk $0xffff, v1  }
0x332: {  	v2 =	vsel vm0, v16, v21;
	v1 =	vld.idx.msk [tilespmem:v31+s10+$0x0], $0xffff;
	v31 =	vor.u32 v3, v0;
	v3 =	vsel vm0, v20, v19  }
0x333: {  	v3 =	vcombine.low v2, v3;
	v2 =	vld [tilespmem:$0x1FA90];
	_ =	sdelay $0x3  }
0x334: {  	[tilespmem:v22+s13+$0x0] =	vst.idx.msk $0xffff, v1  }
0x335: {  	v1 =	vld.idx.msk [tilespmem:v31+s10+$0x0], $0xffff;
	v2 =	vor.u32 s19, v2;
	_ =	sdelay $0x4  }
0x336: {  	v31 =	vor.u32 v3, v0;
	[tilespmem:v2+s13+$0x0] =	vst.idx.msk $0xffff, v1;
	v2 =	vld [tilespmem:$0x1FAA0];
	_ =	sdelay $0x4  }
0x337: {  	v1 =	vld.idx.msk [tilespmem:v31+s10+$0x0], $0xffff;
	v2 =	vor.u32 s19, v2;
	_ =	sdelay $0x1  }
0x338: {  	[tilespmem:$0x1F730] =	vst v3;
	v3 =	vcombine.low v35, v57;
	_ =	sdelay $0x1  }
0x339: {  	[tilespmem:$0x1F740] =	vst v3  }
0x33a: {  	v3 =	vor.u32 v3, v0;
	[tilespmem:v2+s13+$0x0] =	vst.idx.msk $0xffff, v1;
	v2 =	vld [tilespmem:$0x1FAB0];
	_ =	sdelay $0x4  }
0x33b: {  	v1 =	vld.idx.msk [tilespmem:v3+s10+$0x0], $0xffff;
	v2 =	vor.u32 s19, v2;
	_ =	sdelay $0x2  }
0x33c: {  	v16 =	vcombine.low v34, v36;
	_ =	sdelay $0x1  }
0x33d: {  	v3 =	vor.u32 v16, v0;
	[tilespmem:v2+s13+$0x0] =	vst.idx.msk $0xffff, v1;
	v2 =	vld [tilespmem:$0x1FAC0];
	_ =	sdelay $0x4  }
0x33e: {  	v1 =	vld.idx.msk [tilespmem:v3+s10+$0x0], $0xffff;
	v2 =	vor.u32 s19, v2;
	_ =	sdelay $0x2  }
0x33f: {  	[tilespmem:$0x1F750] =	vst v16;
	v16 =	vcombine.low v37, v38;
	_ =	sdelay $0x1  }
0x340: {  	v3 =	vor.u32 v16, v0;
	[tilespmem:v2+s13+$0x0] =	vst.idx.msk $0xffff, v1;
	v2 =	vld [tilespmem:$0x1FAD0];
	_ =	sdelay $0x4  }
0x341: {  	v1 =	vld.idx.msk [tilespmem:v3+s10+$0x0], $0xffff;
	v2 =	vor.u32 s19, v2;
	_ =	sdelay $0x2  }
0x342: {  	[tilespmem:$0x1F760] =	vst v16;
	v16 =	vcombine.low v49, v60;
	_ =	sdelay $0x1  }
0x343: {  	v3 =	vor.u32 v16, v0;
	[tilespmem:v2+s13+$0x0] =	vst.idx.msk $0xffff, v1;
	v2 =	vld [tilespmem:$0x1FAE0];
	_ =	sdelay $0x4  }
0x344: {  	v1 =	vld.idx.msk [tilespmem:v3+s10+$0x0], $0xffff;
	v2 =	vor.u32 s19, v2;
	_ =	sdelay $0x2  }
0x345: {  	[tilespmem:$0x1F770] =	vst v16;
	v16 =	vcombine.low v15, v46;
	_ =	sdelay $0x1  }
0x346: {  	v3 =	vor.u32 v16, v0;
	[tilespmem:v2+s13+$0x0] =	vst.idx.msk $0xffff, v1;
	v2 =	vld [tilespmem:$0x1FAF0];
	_ =	sdelay $0x3  }
0x347: {  	v46 =	vcombine.low v40, v53  }
0x348: {  	v1 =	vld.idx.msk [tilespmem:v3+s10+$0x0], $0xffff;
	v3 =	vor.u32 s19, v2  }
0x349: {  	v2 =	vor.u32 v46, v0;
	_ =	sdelay $0x3  }
0x34a: {  	v9 =	vmov v48;
	v48 =	vcombine.low v25, v55;
	[tilespmem:v3+s13+$0x0] =	vst.idx.msk $0xffff, v1  }
0x34b: {  	v1 =	vld.idx.msk [tilespmem:v2+s10+$0x0], $0xffff;
	v2 =	vor.u32 s19, v18  }
0x34c: {  	v3 =	vor.u32 v48, v0  }
0x34d: {  	v14 =	vmov v28;
	v28 =	vld [tilespmem:$0x1FC50]  }
0x34e: {  	v36 =	vld [tilespmem:$0x1FC60]  }
0x34f: {  	v22 =	vld [tilespmem:$0x1FC70]  }
0x350: {  	v33 =	vlaneseq.u32;
	v37 =	vld [tilespmem:$0x1FC80];
	[tilespmem:v2+s13+$0x0] =	vst.idx.msk $0xffff, v1  }
0x351: {  	v19 =	vor.u32 $0x30, v33;
	v2 =	vor.u32 s19, v26;
	v1 =	vld.idx.msk [tilespmem:v3+s10+$0x0], $0xffff  }
0x352: {  	v3 =	vor.u32 v19, v0  }
0x353: {  	v17 =	vmov v50;
	v50 =	vld [tilespmem:$0x1FCC0]  }
0x354: {  	v21 =	vld [tilespmem:$0x1FCB0]  }
0x355: {  	v13 =	vmovc v43;
	v43 =	vmov v18;
	v33 =	vld [tilespmem:$0x1FC90];
	v59 =	vsel vm0, v36, v28;
	v18 =	vsel vm0, v37, v22  }
0x356: {  	v11 =	vmovc v62;
	v62 =	vor.u32 $0x1800, v29;
	v60 =	vmov v42;
	v49 =	vld [tilespmem:$0x1FCA0];
	v42 =	vcombine.low v18, v59;
	[tilespmem:v2+s13+$0x0] =	vst.idx.msk $0xffff, v1  }
0x357: {  	v2 =	vor.u32 s19, v62;
	v1 =	vld.idx.msk [tilespmem:v3+s10+$0x0], $0xffff  }
0x358: {  	v3 =	vor.u32 v42, v0;
	_ =	sdelay $0x2  }
0x359: {  	v5 =	vmov v41;
	v41 =	vsel vm0, v50, v21;
	v32 =	vsel vm0, v49, v33  }
0x35a: {  	v6 =	vmov v52;
	v52 =	vld [tilespmem:$0x1FCE0];
	v31 =	vmov v26;
	v26 =	vcombine.low v41, v32;
	[tilespmem:v2+s13+$0x0] =	vst.idx.msk $0xffff, v1  }
0x35b: {  	v2 =	vor.u32 s19, v51;
	v1 =	vld.idx.msk [tilespmem:v3+s10+$0x0], $0xffff  }
0x35c: {  	v25 =	vld [tilespmem:$0x1FCF0];
	v3 =	vor.u32 v26, v0  }
0x35d: {  	v35 =	vld [tilespmem:$0x1FCD0]  }
0x35e: {  	v53 =	vld [tilespmem:$0x1FD00];
	_ =	sdelay $0x1  }
0x35f: {  	v23 =	vmov v61;
	v61 =	vld [tilespmem:$0x1FD30];
	[tilespmem:v2+s13+$0x0] =	vst.idx.msk $0xffff, v1  }
0x360: {  	v1 =	vor.u32 s19, v54;
	v2 =	vld.idx.msk [tilespmem:v3+s10+$0x0], $0xffff  }
0x361: {  	v12 =	vmov v47;
	v47 =	vmov v16;
	v16 =	vld [tilespmem:$0x1FD20]  }
0x362: {  	v30 =	vmovc v51;
	v20 =	vmov v58;
	v55 =	vsel vm0, v52, v35;
	v58 =	vsel vm0, v53, v25;
	v51 =	vld [tilespmem:$0x1FD10]  }
0x363: {  	v40 =	vmov v54;
	v34 =	vcombine.low v58, v55;
	v54 =	vld [tilespmem:$0x1FD40];
	_ =	sdelay $0x1  }
0x364: {  	v3 =	vor.u32 v34, v0;
	[tilespmem:v1+s13+$0x0] =	vst.idx.msk $0xffff, v2;
	v2 =	vld [tilespmem:$0x1FF10];
	_ =	sdelay $0x2  }
0x365: {  	v4 =	vmov v27;
	v27 =	vsel vm0, v16, v51;
	v15 =	vsel vm0, v54, v61  }
0x366: {  	v57 =	vmov v39;
	v39 =	vcombine.low v15, v27  }
0x367: {  	v1 =	vld.idx.msk [tilespmem:v3+s10+$0x0], $0xffff;
	v3 =	vor.u32 s19, v2  }
0x368: {  	v38 =	vmov v2;
	v2 =	vor.u32 v39, v0;
	_ =	sdelay $0x3  }
0x369: {  	[tilespmem:v3+s13+$0x0] =	vst.idx.msk $0xffff, v1  }
0x36a: {  	v1 =	vld.idx.msk [tilespmem:v2+s10+$0x0], $0xffff  }
0x36b: {  	v2 =	vld [tilespmem:$0x1FF20];
	_ =	sdelay $0x4  }
0x36c: {  	[tilespmem:$0x1F780] =	vst v15;
	v15 =	vsel vm0, v28, v37;
	v37 =	vmov v2;
	v2 =	vor.u32 s19, v2;
	_ =	sdelay $0x1  }
0x36d: {  	v22 =	vsel vm0, v22, v36  }
0x36e: {  	[tilespmem:$0x1F790] =	vst v27;
	v27 =	vcombine.low v15, v22  }
0x36f: {  	[tilespmem:$0x1F7B0] =	vst v22  }
0x370: {  	v22 =	vor.u32 v27, v0;
	[tilespmem:v2+s13+$0x0] =	vst.idx.msk $0xffff, v1;
	v2 =	vld [tilespmem:$0x1FF30];
	_ =	sdelay $0x4  }
0x371: {  	v1 =	vld.idx.msk [tilespmem:v22+s10+$0x0], $0xffff;
	v36 =	vmov v2;
	v2 =	vor.u32 s19, v2;
	_ =	sdelay $0x1  }
0x372: {  	[tilespmem:$0x1F7A0] =	vst v15;
	v15 =	vsel vm0, v33, v50;
	v3 =	vsel vm0, v21, v49  }
0x373: {  	v49 =	vcombine.low v15, v3  }
0x374: {  	[tilespmem:$0x1F7C0] =	vst v15  }
0x375: {  	v15 =	vmov v3;
	v3 =	vor.u32 v49, v0;
	[tilespmem:v2+s13+$0x0] =	vst.idx.msk $0xffff, v1;
	v1 =	vld [tilespmem:$0x1FF40];
	_ =	sdelay $0x2  }
0x376: {  	v21 =	vsel vm0, v25, v52;
	v22 =	vsel vm0, v35, v53  }
0x377: {  	[tilespmem:$0x1F7E0] =	vst v21;
	v50 =	vcombine.low v22, v21  }
0x378: {  	v2 =	vsel vm0, v61, v16;
	v21 =	vld.idx.msk [tilespmem:v3+s10+$0x0], $0xffff;
	v35 =	vmovc v1;
	v3 =	vor.u32 s19, v1;
	v1 =	vsel vm0, v51, v54  }
0x379: {  	[tilespmem:$0x1F7D0] =	vst v22;
	v22 =	vor.u32 v50, v0;
	v51 =	vcombine.low v1, v2;
	v2 =	vld [tilespmem:$0x1FF50];
	_ =	sdelay $0x3  }
0x37a: {  	[tilespmem:v3+s13+$0x0] =	vst.idx.msk $0xffff, v21  }
0x37b: {  	v1 =	vld.idx.msk [tilespmem:v22+s10+$0x0], $0xffff;
	v33 =	vmov v2;
	v2 =	vor.u32 s19, v2;
	_ =	sdelay $0x4  }
0x37c: {  	v3 =	vor.u32 v51, v0;
	[tilespmem:v2+s13+$0x0] =	vst.idx.msk $0xffff, v1;
	v2 =	vld [tilespmem:$0x1FF60];
	_ =	sdelay $0x4  }
0x37d: {  	v1 =	vld.idx.msk [tilespmem:v3+s10+$0x0], $0xffff;
	v52 =	vmov v2;
	v2 =	vor.u32 s19, v2;
	_ =	sdelay $0x2  }
0x37e: {  	v28 =	vcombine.low v59, v18;
	_ =	sdelay $0x1  }
0x37f: {  	v3 =	vor.u32 v28, v0;
	[tilespmem:v2+s13+$0x0] =	vst.idx.msk $0xffff, v1;
	v2 =	vld [tilespmem:$0x1FF70];
	_ =	sdelay $0x4  }
0x380: {  	v1 =	vld.idx.msk [tilespmem:v3+s10+$0x0], $0xffff;
	v18 =	vmov v2;
	v2 =	vor.u32 s19, v2;
	_ =	sdelay $0x2  }
0x381: {  	v32 =	vcombine.low v32, v41;
	_ =	sdelay $0x1  }
0x382: {  	v3 =	vor.u32 v32, v0;
	[tilespmem:v2+s13+$0x0] =	vst.idx.msk $0xffff, v1;
	v2 =	vld [tilespmem:$0x1FFA0];
	_ =	sdelay $0x4  }
0x383: {  	v1 =	vld.idx.msk [tilespmem:v3+s10+$0x0], $0xffff;
	v3 =	vor.u32 s19, v2;
	_ =	sdelay $0x3  }
0x384: {  	v53 =	vcombine.low v55, v58;
	v22 =	vld [tilespmem:$0x1FB20]  }
0x385: {  	[tilespmem:v3+s13+$0x0] =	vst.idx.msk $0xffff, v1;
	v1 =	vld [tilespmem:$0x1F780]  }
0x386: {  	v59 =	vmov v2;
	v2 =	vor.u32 v53, v0;
	v3 =	vld [tilespmem:$0x1F790];
	_ =	sdelay $0x4  }
0x387: {  	v54 =	vcombine.low v3, v1;
	v1 =	vld.idx.msk [tilespmem:v2+s10+$0x0], $0xffff;
	v2 =	vor.u32 s19, v22;
	_ =	sdelay $0x4  }
0x388: {  	[tilespmem:v2+s13+$0x0] =	vst.idx.msk $0xffff, v1;
	v1 =	vld [tilespmem:$0x1F7A0]  }
0x389: {  	v2 =	vld [tilespmem:$0x1F7B0];
	_ =	sdelay $0x4  }
0x38a: {  	v3 =	vor.u32 v54, v0;
	v55 =	vcombine.low v2, v1;
	v2 =	vld [tilespmem:$0x1FFB0];
	_ =	sdelay $0x4  }
0x38b: {  	v1 =	vld.idx.msk [tilespmem:v3+s10+$0x0], $0xffff;
	v58 =	vmov v2;
	v2 =	vor.u32 s19, v2;
	_ =	sdelay $0x4  }
0x38c: {  	[tilespmem:v2+s13+$0x0] =	vst.idx.msk $0xffff, v1;
	v1 =	vld [tilespmem:$0x1F7C0]  }
0x38d: {  	v25 =	vld [tilespmem:$0x1FB60];
	v3 =	vor.u32 v55, v0;
	_ =	sdelay $0x3  }
0x38e: {  	v15 =	vcombine.low v15, v1  }
0x38f: {  	v2 =	vor.u32 s19, v25;
	v3 =	vld.idx.msk [tilespmem:v3+s10+$0x0], $0xffff  }
0x390: {  	v1 =	vor.u32 v15, v0;
	_ =	sdelay $0x3  }
0x391: {  	[tilespmem:v2+s13+$0x0] =	vst.idx.msk $0xffff, v3  }
0x392: {  	v21 =	vld.idx.msk [tilespmem:v1+s10+$0x0], $0xffff  }
0x393: {  	v1 =	vld [tilespmem:$0x1FFC0];
	_ =	sdelay $0x1  }
0x394: {  	v2 =	vld [tilespmem:$0x1F7D0]  }
0x395: {  	v3 =	vld [tilespmem:$0x1F7E0];
	_ =	sdelay $0x1  }
0x396: {  	v41 =	vmov v1;
	v1 =	vor.u32 s19, v1;
	_ =	sdelay $0x2  }
0x397: {  	v16 =	vcombine.low v3, v2  }
0x398: {  	s23 =	simm.s32 $0x10;
	v61 =	vld [tilespmem:$0x1F820]  }
0x399: {  	s25 =	simm.s32 $0x20;
	s24 =	simm.s32 $0x0;
	s22 =	sshll.u32 s20, $0x1;
	v0 =	vor.u32 v16, v0;
	[tilespmem:v1+s13+$0x0] =	vst.idx.msk $0xffff, v21;
	v1 =	vmov s23;
	v21 =	vld [tilespmem:$0x1FB70]  }
.LBB2_5:
0x39a: {  	_ =	sdelay $0x3  }
0x39b: {  	v2 =	vld.idx.msk [tilespmem:v0+s10+$0x0], $0xffff  }
0x39c: {  	v0 =	vld [tilespmem:$0x1FD50];
	_ =	sdelay $0x3  }
0x39d: {  	v1 =	vshll.u32 v1, $0x6  }
0x39e: {  	v3 =	vlaneseq.u32;
	v0 =	vor.u32 v0, v1;
	v1 =	vor.u32 s24, v21  }
0x39f: {  	v3 =	vor.u32 v3, v0;
	_ =	sdelay $0x3  }
0x3a0: {  	s24 =	smov.u32 s23;
	[tilespmem:v1+s13+$0x0] =	vst.idx.msk $0xffff, v2  }
0x3a1: {  	v2 =	vor.u32 s24, v29;
	v1 =	vld.idx.msk [tilespmem:v3+s10+$0x0], $0xffff  }
0x3a2: {  	v3 =	vor.u32 v4, v0;
	_ =	sdelay $0x3  }
0x3a3: {  	[tilespmem:v2+s13+$0x0] =	vst.idx.msk $0xffff, v1  }
0x3a4: {  	v2 =	vor.u32 s24, v5;
	v1 =	vld.idx.msk [tilespmem:v3+s10+$0x0], $0xffff  }
0x3a5: {  	v3 =	vor.u32 v6, v0;
	_ =	sdelay $0x3  }
0x3a6: {  	[tilespmem:v2+s13+$0x0] =	vst.idx.msk $0xffff, v1  }
0x3a7: {  	v2 =	vor.u32 s24, v7;
	v1 =	vld.idx.msk [tilespmem:v3+s10+$0x0], $0xffff  }
0x3a8: {  	v3 =	vor.u32 v8, v0;
	_ =	sdelay $0x3  }
0x3a9: {  	[tilespmem:v2+s13+$0x0] =	vst.idx.msk $0xffff, v1  }
0x3aa: {  	v2 =	vor.u32 s24, v9;
	v1 =	vld.idx.msk [tilespmem:v3+s10+$0x0], $0xffff  }
0x3ab: {  	v3 =	vor.u32 v10, v0;
	_ =	sdelay $0x3  }
0x3ac: {  	[tilespmem:v2+s13+$0x0] =	vst.idx.msk $0xffff, v1  }
0x3ad: {  	v2 =	vor.u32 s24, v11;
	v1 =	vld.idx.msk [tilespmem:v3+s10+$0x0], $0xffff  }
0x3ae: {  	v3 =	vor.u32 v12, v0;
	_ =	sdelay $0x3  }
0x3af: {  	[tilespmem:v2+s13+$0x0] =	vst.idx.msk $0xffff, v1  }
0x3b0: {  	v2 =	vor.u32 s24, v13;
	v1 =	vld.idx.msk [tilespmem:v3+s10+$0x0], $0xffff  }
0x3b1: {  	v3 =	vor.u32 v14, v0;
	_ =	sdelay $0x3  }
0x3b2: {  	[tilespmem:v2+s13+$0x0] =	vst.idx.msk $0xffff, v1  }
0x3b3: {  	v1 =	vld.idx.msk [tilespmem:v3+s10+$0x0], $0xffff  }
0x3b4: {  	v3 =	vld [tilespmem:$0x1F7F0];
	_ =	sdelay $0x3  }
0x3b5: {  	v2 =	vor.u32 s24, v56  }
0x3b6: {  	v3 =	vor.u32 v3, v0;
	_ =	sdelay $0x3  }
0x3b7: {  	[tilespmem:v2+s13+$0x0] =	vst.idx.msk $0xffff, v1  }
0x3b8: {  	v1 =	vld.idx.msk [tilespmem:v3+s10+$0x0], $0xffff  }
0x3b9: {  	v3 =	vld [tilespmem:$0x1F800];
	_ =	sdelay $0x3  }
0x3ba: {  	v2 =	vor.u32 s24, v57  }
0x3bb: {  	v3 =	vor.u32 v3, v0;
	_ =	sdelay $0x3  }
0x3bc: {  	[tilespmem:v2+s13+$0x0] =	vst.idx.msk $0xffff, v1  }
0x3bd: {  	v1 =	vld.idx.msk [tilespmem:v3+s10+$0x0], $0xffff  }
0x3be: {  	v3 =	vld [tilespmem:$0x1FB00];
	_ =	sdelay $0x3  }
0x3bf: {  	v2 =	vor.u32 s24, v17  }
0x3c0: {  	v3 =	vor.u32 v3, v0;
	_ =	sdelay $0x3  }
0x3c1: {  	[tilespmem:v2+s13+$0x0] =	vst.idx.msk $0xffff, v1  }
0x3c2: {  	v1 =	vld.idx.msk [tilespmem:v3+s10+$0x0], $0xffff  }
0x3c3: {  	v3 =	vld [tilespmem:$0x1F810];
	_ =	sdelay $0x3  }
0x3c4: {  	v2 =	vor.u32 s24, v60  }
0x3c5: {  	v3 =	vor.u32 v3, v0;
	_ =	sdelay $0x3  }
0x3c6: {  	[tilespmem:v2+s13+$0x0] =	vst.idx.msk $0xffff, v1  }
0x3c7: {  	v1 =	vld.idx.msk [tilespmem:v3+s10+$0x0], $0xffff  }
0x3c8: {  	v3 =	vld [tilespmem:$0x1F830];
	_ =	sdelay $0x3  }
0x3c9: {  	v2 =	vor.u32 s24, v61  }
0x3ca: {  	v3 =	vor.u32 v3, v0;
	_ =	sdelay $0x3  }
0x3cb: {  	[tilespmem:v2+s13+$0x0] =	vst.idx.msk $0xffff, v1  }
0x3cc: {  	v1 =	vld.idx.msk [tilespmem:v3+s10+$0x0], $0xffff  }
0x3cd: {  	v3 =	vld [tilespmem:$0x1FB10];
	_ =	sdelay $0x3  }
0x3ce: {  	v2 =	vor.u32 s24, v20  }
0x3cf: {  	v3 =	vor.u32 v3, v0;
	_ =	sdelay $0x3  }
0x3d0: {  	[tilespmem:v2+s13+$0x0] =	vst.idx.msk $0xffff, v1;
	v2 =	vld [tilespmem:$0x1F840]  }
0x3d1: {  	v1 =	vld.idx.msk [tilespmem:v3+s10+$0x0], $0xffff  }
0x3d2: {  	v3 =	vld [tilespmem:$0x1F850];
	_ =	sdelay $0x3  }
0x3d3: {  	v2 =	vor.u32 s24, v2  }
0x3d4: {  	v3 =	vor.u32 v3, v0;
	_ =	sdelay $0x3  }
0x3d5: {  	[tilespmem:v2+s13+$0x0] =	vst.idx.msk $0xffff, v1;
	v2 =	vld [tilespmem:$0x1F860]  }
0x3d6: {  	v1 =	vld.idx.msk [tilespmem:v3+s10+$0x0], $0xffff  }
0x3d7: {  	v3 =	vld [tilespmem:$0x1F870];
	_ =	sdelay $0x3  }
0x3d8: {  	v2 =	vor.u32 s24, v2  }
0x3d9: {  	v3 =	vor.u32 v3, v0;
	_ =	sdelay $0x3  }
0x3da: {  	[tilespmem:v2+s13+$0x0] =	vst.idx.msk $0xffff, v1;
	v2 =	vld [tilespmem:$0x1F880]  }
0x3db: {  	v1 =	vld.idx.msk [tilespmem:v3+s10+$0x0], $0xffff  }
0x3dc: {  	v3 =	vld [tilespmem:$0x1F890];
	_ =	sdelay $0x3  }
0x3dd: {  	v2 =	vor.u32 s24, v2  }
0x3de: {  	v3 =	vor.u32 v3, v0;
	_ =	sdelay $0x3  }
0x3df: {  	[tilespmem:v2+s13+$0x0] =	vst.idx.msk $0xffff, v1;
	v2 =	vld [tilespmem:$0x1F8A0]  }
0x3e0: {  	v1 =	vld.idx.msk [tilespmem:v3+s10+$0x0], $0xffff  }
0x3e1: {  	v3 =	vld [tilespmem:$0x1FD60];
	_ =	sdelay $0x3  }
0x3e2: {  	v2 =	vor.u32 s24, v2  }
0x3e3: {  	v3 =	vor.u32 v3, v0;
	_ =	sdelay $0x3  }
0x3e4: {  	[tilespmem:v2+s13+$0x0] =	vst.idx.msk $0xffff, v1;
	v2 =	vld [tilespmem:$0x1FD70]  }
0x3e5: {  	v1 =	vld.idx.msk [tilespmem:v3+s10+$0x0], $0xffff  }
0x3e6: {  	v3 =	vld [tilespmem:$0x1F5B0];
	_ =	sdelay $0x3  }
0x3e7: {  	v2 =	vor.u32 s24, v2  }
0x3e8: {  	v3 =	vor.u32 v3, v0;
	_ =	sdelay $0x3  }
0x3e9: {  	[tilespmem:v2+s13+$0x0] =	vst.idx.msk $0xffff, v1;
	v2 =	vld [tilespmem:$0x1F8B0]  }
0x3ea: {  	v1 =	vld.idx.msk [tilespmem:v3+s10+$0x0], $0xffff  }
0x3eb: {  	v3 =	vld [tilespmem:$0x1F5C0];
	_ =	sdelay $0x3  }
0x3ec: {  	v2 =	vor.u32 s24, v2  }
0x3ed: {  	v3 =	vor.u32 v3, v0;
	_ =	sdelay $0x3  }
0x3ee: {  	[tilespmem:v2+s13+$0x0] =	vst.idx.msk $0xffff, v1  }
0x3ef: {  	v1 =	vld.idx.msk [tilespmem:v3+s10+$0x0], $0xffff  }
0x3f0: {  	v3 =	vld [tilespmem:$0x1F5D0];
	_ =	sdelay $0x3  }
0x3f1: {  	v2 =	vor.u32 s24, v44  }
0x3f2: {  	v3 =	vor.u32 v3, v0;
	_ =	sdelay $0x3  }
0x3f3: {  	[tilespmem:v2+s13+$0x0] =	vst.idx.msk $0xffff, v1;
	v2 =	vld [tilespmem:$0x1F940]  }
0x3f4: {  	v1 =	vld.idx.msk [tilespmem:v3+s10+$0x0], $0xffff  }
0x3f5: {  	v3 =	vld [tilespmem:$0x1F5E0];
	_ =	sdelay $0x3  }
0x3f6: {  	v2 =	vor.u32 s24, v2  }
0x3f7: {  	v3 =	vor.u32 v3, v0;
	_ =	sdelay $0x3  }
0x3f8: {  	[tilespmem:v2+s13+$0x0] =	vst.idx.msk $0xffff, v1  }
0x3f9: {  	v1 =	vld.idx.msk [tilespmem:v3+s10+$0x0], $0xffff  }
0x3fa: {  	v3 =	vld [tilespmem:$0x1F5F0];
	_ =	sdelay $0x3  }
0x3fb: {  	v2 =	vor.u32 s24, v23  }
0x3fc: {  	v3 =	vor.u32 v3, v0;
	_ =	sdelay $0x3  }
0x3fd: {  	[tilespmem:v2+s13+$0x0] =	vst.idx.msk $0xffff, v1  }
0x3fe: {  	v1 =	vld.idx.msk [tilespmem:v3+s10+$0x0], $0xffff  }
0x3ff: {  	v3 =	vld [tilespmem:$0x1F600];
	_ =	sdelay $0x3  }
0x400: {  	v2 =	vor.u32 s24, v45  }
0x401: {  	v3 =	vor.u32 v3, v0;
	_ =	sdelay $0x3  }
0x402: {  	[tilespmem:v2+s13+$0x0] =	vst.idx.msk $0xffff, v1  }
0x403: {  	v1 =	vld.idx.msk [tilespmem:v3+s10+$0x0], $0xffff  }
0x404: {  	v3 =	vld [tilespmem:$0x1F610];
	_ =	sdelay $0x3  }
0x405: {  	v2 =	vor.u32 s24, v24  }
0x406: {  	v3 =	vor.u32 v3, v0;
	_ =	sdelay $0x3  }
0x407: {  	[tilespmem:v2+s13+$0x0] =	vst.idx.msk $0xffff, v1  }
0x408: {  	v1 =	vld.idx.msk [tilespmem:v3+s10+$0x0], $0xffff  }
0x409: {  	v3 =	vld [tilespmem:$0x1F620];
	_ =	sdelay $0x3  }
0x40a: {  	v2 =	vor.u32 s24, v63  }
0x40b: {  	v3 =	vor.u32 v3, v0;
	_ =	sdelay $0x3  }
0x40c: {  	[tilespmem:v2+s13+$0x0] =	vst.idx.msk $0xffff, v1;
	v2 =	vld [tilespmem:$0x1F990]  }
0x40d: {  	v1 =	vld.idx.msk [tilespmem:v3+s10+$0x0], $0xffff  }
0x40e: {  	v3 =	vld [tilespmem:$0x1F630];
	_ =	sdelay $0x3  }
0x40f: {  	v2 =	vor.u32 s24, v2  }
0x410: {  	v3 =	vor.u32 v3, v0;
	_ =	sdelay $0x3  }
0x411: {  	[tilespmem:v2+s13+$0x0] =	vst.idx.msk $0xffff, v1;
	v2 =	vld [tilespmem:$0x1F9A0]  }
0x412: {  	v1 =	vld.idx.msk [tilespmem:v3+s10+$0x0], $0xffff  }
0x413: {  	v3 =	vld [tilespmem:$0x1F640];
	_ =	sdelay $0x3  }
0x414: {  	v2 =	vor.u32 s24, v2  }
0x415: {  	v3 =	vor.u32 v3, v0;
	_ =	sdelay $0x3  }
0x416: {  	[tilespmem:v2+s13+$0x0] =	vst.idx.msk $0xffff, v1;
	v2 =	vld [tilespmem:$0x1F9B0]  }
0x417: {  	v1 =	vld.idx.msk [tilespmem:v3+s10+$0x0], $0xffff  }
0x418: {  	v3 =	vld [tilespmem:$0x1F650];
	_ =	sdelay $0x3  }
0x419: {  	v2 =	vor.u32 s24, v2  }
0x41a: {  	v3 =	vor.u32 v3, v0;
	_ =	sdelay $0x3  }
0x41b: {  	[tilespmem:v2+s13+$0x0] =	vst.idx.msk $0xffff, v1;
	v2 =	vld [tilespmem:$0x1F9C0]  }
0x41c: {  	v1 =	vld.idx.msk [tilespmem:v3+s10+$0x0], $0xffff  }
0x41d: {  	v3 =	vld [tilespmem:$0x1F660];
	_ =	sdelay $0x3  }
0x41e: {  	v2 =	vor.u32 s24, v2  }
0x41f: {  	v3 =	vor.u32 v3, v0;
	_ =	sdelay $0x3  }
0x420: {  	[tilespmem:v2+s13+$0x0] =	vst.idx.msk $0xffff, v1;
	v2 =	vld [tilespmem:$0x1F9D0]  }
0x421: {  	v1 =	vld.idx.msk [tilespmem:v3+s10+$0x0], $0xffff  }
0x422: {  	v3 =	vld [tilespmem:$0x1F670];
	_ =	sdelay $0x3  }
0x423: {  	v2 =	vor.u32 s24, v2  }
0x424: {  	v3 =	vor.u32 v3, v0;
	_ =	sdelay $0x3  }
0x425: {  	[tilespmem:v2+s13+$0x0] =	vst.idx.msk $0xffff, v1;
	v2 =	vld [tilespmem:$0x1F9E0]  }
0x426: {  	v1 =	vld.idx.msk [tilespmem:v3+s10+$0x0], $0xffff  }
0x427: {  	v3 =	vld [tilespmem:$0x1F680];
	_ =	sdelay $0x3  }
0x428: {  	v2 =	vor.u32 s24, v2  }
0x429: {  	v3 =	vor.u32 v3, v0;
	_ =	sdelay $0x3  }
0x42a: {  	[tilespmem:v2+s13+$0x0] =	vst.idx.msk $0xffff, v1;
	v2 =	vld [tilespmem:$0x1F9F0]  }
0x42b: {  	v1 =	vld.idx.msk [tilespmem:v3+s10+$0x0], $0xffff  }
0x42c: {  	v3 =	vld [tilespmem:$0x1F690];
	_ =	sdelay $0x3  }
0x42d: {  	v2 =	vor.u32 s24, v2  }
0x42e: {  	v3 =	vor.u32 v3, v0;
	_ =	sdelay $0x3  }
0x42f: {  	[tilespmem:v2+s13+$0x0] =	vst.idx.msk $0xffff, v1;
	v2 =	vld [tilespmem:$0x1FA00]  }
0x430: {  	v1 =	vld.idx.msk [tilespmem:v3+s10+$0x0], $0xffff  }
0x431: {  	v3 =	vld [tilespmem:$0x1F6A0];
	_ =	sdelay $0x3  }
0x432: {  	v2 =	vor.u32 s24, v2  }
0x433: {  	v3 =	vor.u32 v3, v0;
	_ =	sdelay $0x3  }
0x434: {  	[tilespmem:v2+s13+$0x0] =	vst.idx.msk $0xffff, v1;
	v2 =	vld [tilespmem:$0x1F6B0]  }
0x435: {  	v1 =	vld.idx.msk [tilespmem:v3+s10+$0x0], $0xffff  }
0x436: {  	v3 =	vld [tilespmem:$0x1F6C0];
	_ =	sdelay $0x3  }
0x437: {  	v2 =	vor.u32 s24, v2  }
0x438: {  	v3 =	vor.u32 v3, v0;
	_ =	sdelay $0x3  }
0x439: {  	[tilespmem:v2+s13+$0x0] =	vst.idx.msk $0xffff, v1;
	v2 =	vld [tilespmem:$0x1FED0]  }
0x43a: {  	v1 =	vld.idx.msk [tilespmem:v3+s10+$0x0], $0xffff  }
0x43b: {  	v3 =	vld [tilespmem:$0x1F6D0];
	_ =	sdelay $0x3  }
0x43c: {  	v2 =	vor.u32 s24, v2  }
0x43d: {  	v3 =	vor.u32 v3, v0;
	_ =	sdelay $0x3  }
0x43e: {  	[tilespmem:v2+s13+$0x0] =	vst.idx.msk $0xffff, v1;
	v2 =	vld [tilespmem:$0x1FA40]  }
0x43f: {  	v1 =	vld.idx.msk [tilespmem:v3+s10+$0x0], $0xffff  }
0x440: {  	v3 =	vld [tilespmem:$0x1F6E0];
	_ =	sdelay $0x3  }
0x441: {  	v2 =	vor.u32 s24, v2  }
0x442: {  	v3 =	vor.u32 v3, v0;
	_ =	sdelay $0x3  }
0x443: {  	[tilespmem:v2+s13+$0x0] =	vst.idx.msk $0xffff, v1;
	v2 =	vld [tilespmem:$0x1FEA0]  }
0x444: {  	v1 =	vld.idx.msk [tilespmem:v3+s10+$0x0], $0xffff  }
0x445: {  	v3 =	vld [tilespmem:$0x1F6F0];
	_ =	sdelay $0x3  }
0x446: {  	v2 =	vor.u32 s24, v2  }
0x447: {  	v3 =	vor.u32 v3, v0;
	_ =	sdelay $0x3  }
0x448: {  	[tilespmem:v2+s13+$0x0] =	vst.idx.msk $0xffff, v1;
	v2 =	vld [tilespmem:$0x1FA50]  }
0x449: {  	v1 =	vld.idx.msk [tilespmem:v3+s10+$0x0], $0xffff  }
0x44a: {  	v3 =	vld [tilespmem:$0x1F700];
	_ =	sdelay $0x3  }
0x44b: {  	v2 =	vor.u32 s24, v2  }
0x44c: {  	v3 =	vor.u32 v3, v0;
	_ =	sdelay $0x3  }
0x44d: {  	[tilespmem:v2+s13+$0x0] =	vst.idx.msk $0xffff, v1;
	v2 =	vld [tilespmem:$0x1FA60]  }
0x44e: {  	v1 =	vld.idx.msk [tilespmem:v3+s10+$0x0], $0xffff  }
0x44f: {  	v3 =	vld [tilespmem:$0x1F710];
	_ =	sdelay $0x3  }
0x450: {  	v2 =	vor.u32 s24, v2  }
0x451: {  	v3 =	vor.u32 v3, v0;
	_ =	sdelay $0x3  }
0x452: {  	[tilespmem:v2+s13+$0x0] =	vst.idx.msk $0xffff, v1;
	v2 =	vld [tilespmem:$0x1FA80]  }
0x453: {  	v1 =	vld.idx.msk [tilespmem:v3+s10+$0x0], $0xffff  }
0x454: {  	v3 =	vld [tilespmem:$0x1F720];
	_ =	sdelay $0x3  }
0x455: {  	v2 =	vor.u32 s24, v2  }
0x456: {  	v3 =	vor.u32 v3, v0;
	_ =	sdelay $0x3  }
0x457: {  	[tilespmem:v2+s13+$0x0] =	vst.idx.msk $0xffff, v1;
	v2 =	vld [tilespmem:$0x1FA90]  }
0x458: {  	v1 =	vld.idx.msk [tilespmem:v3+s10+$0x0], $0xffff  }
0x459: {  	v3 =	vld [tilespmem:$0x1F730];
	_ =	sdelay $0x3  }
0x45a: {  	v2 =	vor.u32 s24, v2  }
0x45b: {  	v3 =	vor.u32 v3, v0;
	_ =	sdelay $0x3  }
0x45c: {  	[tilespmem:v2+s13+$0x0] =	vst.idx.msk $0xffff, v1;
	v2 =	vld [tilespmem:$0x1FAA0]  }
0x45d: {  	v1 =	vld.idx.msk [tilespmem:v3+s10+$0x0], $0xffff  }
0x45e: {  	v3 =	vld [tilespmem:$0x1F740];
	_ =	sdelay $0x2  }
0x45f: {  	v2 =	vor.u32 s24, v2;
	_ =	sdelay $0x1  }
0x460: {  	v3 =	vor.u32 v3, v0;
	_ =	sdelay $0x2  }
0x461: {  	[tilespmem:v2+s13+$0x0] =	vst.idx.msk $0xffff, v1;
	v2 =	vld [tilespmem:$0x1FAB0];
	_ =	sdelay $0x1  }
0x462: {  	v1 =	vld.idx.msk [tilespmem:v3+s10+$0x0], $0xffff  }
0x463: {  	v3 =	vld [tilespmem:$0x1F750];
	_ =	sdelay $0x1  }
0x464: {  	v2 =	vor.u32 s24, v2;
	_ =	sdelay $0x2  }
0x465: {  	v3 =	vor.u32 v3, v0;
	_ =	sdelay $0x1  }
0x466: {  	[tilespmem:v2+s13+$0x0] =	vst.idx.msk $0xffff, v1;
	v2 =	vld [tilespmem:$0x1FAC0];
	_ =	sdelay $0x2  }
0x467: {  	v1 =	vld.idx.msk [tilespmem:v3+s10+$0x0], $0xffff  }
0x468: {  	v3 =	vld [tilespmem:$0x1F760]  }
0x469: {  	v2 =	vor.u32 s24, v2;
	_ =	sdelay $0x3  }
0x46a: {  	v3 =	vor.u32 v3, v0  }
0x46b: {  	[tilespmem:v2+s13+$0x0] =	vst.idx.msk $0xffff, v1;
	v2 =	vld [tilespmem:$0x1FAD0];
	_ =	sdelay $0x3  }
0x46c: {  	v1 =	vld.idx.msk [tilespmem:v3+s10+$0x0], $0xffff  }
0x46d: {  	v2 =	vor.u32 s24, v2;
	v3 =	vld [tilespmem:$0x1F770];
	_ =	sdelay $0x4  }
0x46e: {  	v3 =	vor.u32 v3, v0;
	[tilespmem:v2+s13+$0x0] =	vst.idx.msk $0xffff, v1;
	v2 =	vld [tilespmem:$0x1FAE0];
	_ =	sdelay $0x4  }
0x46f: {  	v1 =	vld.idx.msk [tilespmem:v3+s10+$0x0], $0xffff;
	v2 =	vor.u32 s24, v2;
	_ =	sdelay $0x4  }
0x470: {  	v3 =	vor.u32 v47, v0;
	[tilespmem:v2+s13+$0x0] =	vst.idx.msk $0xffff, v1;
	v2 =	vld [tilespmem:$0x1FAF0];
	_ =	sdelay $0x4  }
0x471: {  	v1 =	vld.idx.msk [tilespmem:v3+s10+$0x0], $0xffff;
	v2 =	vor.u32 s24, v2  }
0x472: {  	v3 =	vor.u32 v46, v0;
	_ =	sdelay $0x3  }
0x473: {  	[tilespmem:v2+s13+$0x0] =	vst.idx.msk $0xffff, v1  }
0x474: {  	v2 =	vor.u32 s24, v43;
	v1 =	vld.idx.msk [tilespmem:v3+s10+$0x0], $0xffff  }
0x475: {  	v3 =	vor.u32 v48, v0;
	_ =	sdelay $0x3  }
0x476: {  	[tilespmem:v2+s13+$0x0] =	vst.idx.msk $0xffff, v1  }
0x477: {  	v2 =	vor.u32 s24, v31;
	v1 =	vld.idx.msk [tilespmem:v3+s10+$0x0], $0xffff  }
0x478: {  	v3 =	vor.u32 v19, v0;
	_ =	sdelay $0x3  }
0x479: {  	[tilespmem:v2+s13+$0x0] =	vst.idx.msk $0xffff, v1  }
0x47a: {  	v2 =	vor.u32 s24, v62;
	v1 =	vld.idx.msk [tilespmem:v3+s10+$0x0], $0xffff  }
0x47b: {  	v3 =	vor.u32 v42, v0;
	_ =	sdelay $0x3  }
0x47c: {  	[tilespmem:v2+s13+$0x0] =	vst.idx.msk $0xffff, v1  }
0x47d: {  	v2 =	vor.u32 s24, v30;
	v1 =	vld.idx.msk [tilespmem:v3+s10+$0x0], $0xffff  }
0x47e: {  	v3 =	vor.u32 v26, v0;
	_ =	sdelay $0x3  }
0x47f: {  	[tilespmem:v2+s13+$0x0] =	vst.idx.msk $0xffff, v1  }
0x480: {  	v2 =	vor.u32 s24, v40;
	v1 =	vld.idx.msk [tilespmem:v3+s10+$0x0], $0xffff  }
0x481: {  	v3 =	vor.u32 v34, v0;
	_ =	sdelay $0x3  }
0x482: {  	[tilespmem:v2+s13+$0x0] =	vst.idx.msk $0xffff, v1  }
0x483: {  	v2 =	vor.u32 s24, v38;
	v1 =	vld.idx.msk [tilespmem:v3+s10+$0x0], $0xffff  }
0x484: {  	v3 =	vor.u32 v39, v0;
	_ =	sdelay $0x3  }
0x485: {  	[tilespmem:v2+s13+$0x0] =	vst.idx.msk $0xffff, v1  }
0x486: {  	v2 =	vor.u32 s24, v37;
	v1 =	vld.idx.msk [tilespmem:v3+s10+$0x0], $0xffff  }
0x487: {  	v3 =	vor.u32 v27, v0;
	_ =	sdelay $0x3  }
0x488: {  	[tilespmem:v2+s13+$0x0] =	vst.idx.msk $0xffff, v1  }
0x489: {  	v2 =	vor.u32 s24, v36;
	v1 =	vld.idx.msk [tilespmem:v3+s10+$0x0], $0xffff  }
0x48a: {  	v3 =	vor.u32 v49, v0;
	_ =	sdelay $0x3  }
0x48b: {  	[tilespmem:v2+s13+$0x0] =	vst.idx.msk $0xffff, v1  }
0x48c: {  	v2 =	vor.u32 s24, v35;
	v1 =	vld.idx.msk [tilespmem:v3+s10+$0x0], $0xffff  }
0x48d: {  	v3 =	vor.u32 v50, v0;
	_ =	sdelay $0x3  }
0x48e: {  	[tilespmem:v2+s13+$0x0] =	vst.idx.msk $0xffff, v1  }
0x48f: {  	v2 =	vor.u32 s24, v33;
	v1 =	vld.idx.msk [tilespmem:v3+s10+$0x0], $0xffff  }
0x490: {  	v3 =	vor.u32 v51, v0;
	_ =	sdelay $0x3  }
0x491: {  	[tilespmem:v2+s13+$0x0] =	vst.idx.msk $0xffff, v1  }
0x492: {  	v2 =	vor.u32 s24, v52;
	v1 =	vld.idx.msk [tilespmem:v3+s10+$0x0], $0xffff  }
0x493: {  	v3 =	vor.u32 v28, v0;
	_ =	sdelay $0x3  }
0x494: {  	[tilespmem:v2+s13+$0x0] =	vst.idx.msk $0xffff, v1  }
0x495: {  	v2 =	vor.u32 s24, v18;
	v1 =	vld.idx.msk [tilespmem:v3+s10+$0x0], $0xffff  }
0x496: {  	v3 =	vor.u32 v32, v0;
	_ =	sdelay $0x3  }
0x497: {  	[tilespmem:v2+s13+$0x0] =	vst.idx.msk $0xffff, v1  }
0x498: {  	v2 =	vor.u32 s24, v59;
	v1 =	vld.idx.msk [tilespmem:v3+s10+$0x0], $0xffff  }
0x499: {  	v3 =	vor.u32 v53, v0;
	_ =	sdelay $0x3  }
0x49a: {  	[tilespmem:v2+s13+$0x0] =	vst.idx.msk $0xffff, v1  }
0x49b: {  	v2 =	vor.u32 s24, v22;
	v1 =	vld.idx.msk [tilespmem:v3+s10+$0x0], $0xffff  }
0x49c: {  	v3 =	vor.u32 v54, v0;
	_ =	sdelay $0x3  }
0x49d: {  	[tilespmem:v2+s13+$0x0] =	vst.idx.msk $0xffff, v1  }
0x49e: {  	v2 =	vor.u32 s24, v58;
	v1 =	vld.idx.msk [tilespmem:v3+s10+$0x0], $0xffff  }
0x49f: {  	v3 =	vor.u32 v55, v0;
	_ =	sdelay $0x3  }
0x4a0: {  	[tilespmem:v2+s13+$0x0] =	vst.idx.msk $0xffff, v1  }
0x4a1: {  	v2 =	vor.u32 s24, v25;
	v1 =	vld.idx.msk [tilespmem:v3+s10+$0x0], $0xffff  }
0x4a2: {  	v3 =	vor.u32 v15, v0;
	_ =	sdelay $0x3  }
0x4a3: {  	[tilespmem:v2+s13+$0x0] =	vst.idx.msk $0xffff, v1  }
0x4a4: {  	p0 =	sne.s32 s25, $0x70;
	v2 =	vld.idx.msk [tilespmem:v3+s10+$0x0], $0xffff;
	v3 =	vor.u32 s24, v41  }
.Ltmp1:
0x4a5: {  	_ = 	snop;
	(pc) =	sbr.rel @p0 .LBB2_5-.Ltmp1, $3  }
0x4a6: {  	_ =	sdelay $0x1  }
0x4a7: {  	s23 =	smov.u32 s25  }
0x4a8: {  	s25 =	sadd.s32 $0x10, s25;
	v0 =	vor.u32 v16, v0;
	v1 =	vmov s23;
	[tilespmem:v3+s13+$0x0] =	vst.idx.msk $0xffff, v2  }
0x4a9: {  	_ =	sdelay $0x3  }
0x4aa: {  	v2 =	vld.idx.msk [tilespmem:v0+s10+$0x0], $0xffff  }
0x4ab: {  	v0 =	vld [tilespmem:$0x1FD50];
	_ =	sdelay $0x3  }
0x4ac: {  	v1 =	vshll.u32 v1, $0x6  }
0x4ad: {  	v3 =	vlaneseq.u32;
	v0 =	vor.u32 v0, v1;
	v1 =	vor.u32 s24, v21  }
0x4ae: {  	v3 =	vor.u32 v3, v0;
	_ =	sdelay $0x3  }
0x4af: {  	[tilespmem:v1+s13+$0x0] =	vst.idx.msk $0xffff, v2  }
0x4b0: {  	v2 =	vor.u32 s23, v29;
	v1 =	vld.idx.msk [tilespmem:v3+s10+$0x0], $0xffff  }
0x4b1: {  	v3 =	vor.u32 v4, v0;
	_ =	sdelay $0x3  }
0x4b2: {  	[tilespmem:v2+s13+$0x0] =	vst.idx.msk $0xffff, v1  }
0x4b3: {  	v2 =	vor.u32 s23, v5;
	v1 =	vld.idx.msk [tilespmem:v3+s10+$0x0], $0xffff  }
0x4b4: {  	v3 =	vor.u32 v6, v0;
	_ =	sdelay $0x3  }
0x4b5: {  	[tilespmem:v2+s13+$0x0] =	vst.idx.msk $0xffff, v1  }
0x4b6: {  	v2 =	vor.u32 s23, v7;
	v1 =	vld.idx.msk [tilespmem:v3+s10+$0x0], $0xffff  }
0x4b7: {  	v3 =	vor.u32 v8, v0;
	_ =	sdelay $0x3  }
0x4b8: {  	[tilespmem:v2+s13+$0x0] =	vst.idx.msk $0xffff, v1  }
0x4b9: {  	v2 =	vor.u32 s23, v9;
	v1 =	vld.idx.msk [tilespmem:v3+s10+$0x0], $0xffff  }
0x4ba: {  	v3 =	vor.u32 v10, v0;
	_ =	sdelay $0x3  }
0x4bb: {  	[tilespmem:v2+s13+$0x0] =	vst.idx.msk $0xffff, v1  }
0x4bc: {  	v2 =	vor.u32 s23, v11;
	v1 =	vld.idx.msk [tilespmem:v3+s10+$0x0], $0xffff  }
0x4bd: {  	v3 =	vor.u32 v12, v0;
	_ =	sdelay $0x3  }
0x4be: {  	[tilespmem:v2+s13+$0x0] =	vst.idx.msk $0xffff, v1  }
0x4bf: {  	v2 =	vor.u32 s23, v13;
	v1 =	vld.idx.msk [tilespmem:v3+s10+$0x0], $0xffff  }
0x4c0: {  	v3 =	vor.u32 v14, v0  }
0x4c1: {  	v5 =	vld [tilespmem:$0x1F7F0];
	_ =	sdelay $0x2  }
0x4c2: {  	[tilespmem:v2+s13+$0x0] =	vst.idx.msk $0xffff, v1  }
0x4c3: {  	v2 =	vor.u32 s23, v56;
	v1 =	vld.idx.msk [tilespmem:v3+s10+$0x0], $0xffff  }
0x4c4: {  	v3 =	vor.u32 v5, v0  }
0x4c5: {  	v6 =	vld [tilespmem:$0x1F800];
	_ =	sdelay $0x2  }
0x4c6: {  	[tilespmem:v2+s13+$0x0] =	vst.idx.msk $0xffff, v1  }
0x4c7: {  	v2 =	vor.u32 s23, v57;
	v1 =	vld.idx.msk [tilespmem:v3+s10+$0x0], $0xffff  }
0x4c8: {  	v3 =	vor.u32 v6, v0  }
0x4c9: {  	v12 =	vld [tilespmem:$0x1FB00];
	_ =	sdelay $0x2  }
0x4ca: {  	[tilespmem:v2+s13+$0x0] =	vst.idx.msk $0xffff, v1  }
0x4cb: {  	v2 =	vor.u32 s23, v17;
	v1 =	vld.idx.msk [tilespmem:v3+s10+$0x0], $0xffff  }
0x4cc: {  	v3 =	vor.u32 v12, v0  }
0x4cd: {  	v7 =	vld [tilespmem:$0x1F810];
	_ =	sdelay $0x2  }
0x4ce: {  	[tilespmem:v2+s13+$0x0] =	vst.idx.msk $0xffff, v1  }
0x4cf: {  	v2 =	vor.u32 s23, v60;
	v1 =	vld.idx.msk [tilespmem:v3+s10+$0x0], $0xffff  }
0x4d0: {  	v3 =	vor.u32 v7, v0;
	_ =	sdelay $0x2  }
0x4d1: {  	v14 =	vld [tilespmem:$0x1F830]  }
0x4d2: {  	[tilespmem:v2+s13+$0x0] =	vst.idx.msk $0xffff, v1  }
0x4d3: {  	v2 =	vor.u32 s23, v61;
	v1 =	vld.idx.msk [tilespmem:v3+s10+$0x0], $0xffff;
	_ =	sdelay $0x2  }
0x4d4: {  	v3 =	vor.u32 v14, v0;
	_ =	sdelay $0x1  }
0x4d5: {  	[tilespmem:v2+s13+$0x0] =	vst.idx.msk $0xffff, v1;
	v2 =	vor.u32 s23, v20;
	v20 =	vld [tilespmem:$0x1FB10];
	_ =	sdelay $0x2  }
0x4d6: {  	v1 =	vld.idx.msk [tilespmem:v3+s10+$0x0], $0xffff;
	_ =	sdelay $0x1  }
0x4d7: {  	v3 =	vor.u32 v20, v0;
	_ =	sdelay $0x2  }
0x4d8: {  	[tilespmem:v2+s13+$0x0] =	vst.idx.msk $0xffff, v1;
	v2 =	vld [tilespmem:$0x1F840];
	_ =	sdelay $0x1  }
0x4d9: {  	v1 =	vld.idx.msk [tilespmem:v3+s10+$0x0], $0xffff  }
0x4da: {  	v3 =	vld [tilespmem:$0x1F850];
	_ =	sdelay $0x1  }
0x4db: {  	v2 =	vor.u32 s23, v2;
	_ =	sdelay $0x2  }
0x4dc: {  	v3 =	vor.u32 v3, v0;
	_ =	sdelay $0x1  }
0x4dd: {  	[tilespmem:v2+s13+$0x0] =	vst.idx.msk $0xffff, v1;
	v2 =	vld [tilespmem:$0x1F860];
	_ =	sdelay $0x2  }
0x4de: {  	v1 =	vld.idx.msk [tilespmem:v3+s10+$0x0], $0xffff  }
0x4df: {  	v3 =	vld [tilespmem:$0x1F870]  }
0x4e0: {  	v2 =	vor.u32 s23, v2;
	_ =	sdelay $0x3  }
0x4e1: {  	v3 =	vor.u32 v3, v0  }
0x4e2: {  	[tilespmem:v2+s13+$0x0] =	vst.idx.msk $0xffff, v1;
	v2 =	vld [tilespmem:$0x1F880];
	_ =	sdelay $0x3  }
0x4e3: {  	v1 =	vld.idx.msk [tilespmem:v3+s10+$0x0], $0xffff  }
0x4e4: {  	v3 =	vld [tilespmem:$0x1F890];
	v2 =	vor.u32 s23, v2;
	_ =	sdelay $0x4  }
0x4e5: {  	v3 =	vor.u32 v3, v0;
	[tilespmem:v2+s13+$0x0] =	vst.idx.msk $0xffff, v1;
	v2 =	vld [tilespmem:$0x1F8A0]  }
0x4e6: {  	v9 =	vld [tilespmem:$0x1FD60];
	_ =	sdelay $0x3  }
0x4e7: {  	v1 =	vld.idx.msk [tilespmem:v3+s10+$0x0], $0xffff;
	v2 =	vor.u32 s23, v2  }
0x4e8: {  	v56 =	vmov v57;
	v57 =	vld [tilespmem:$0x1FD70];
	v3 =	vor.u32 v9, v0;
	_ =	sdelay $0x3  }
0x4e9: {  	v10 =	vld [tilespmem:$0x1F5B0];
	[tilespmem:v2+s13+$0x0] =	vst.idx.msk $0xffff, v1  }
0x4ea: {  	v2 =	vor.u32 s23, v57;
	v1 =	vld.idx.msk [tilespmem:v3+s10+$0x0], $0xffff;
	_ =	sdelay $0x4  }
0x4eb: {  	v3 =	vor.u32 v10, v0;
	[tilespmem:v2+s13+$0x0] =	vst.idx.msk $0xffff, v1;
	v2 =	vld [tilespmem:$0x1F8B0]  }
0x4ec: {  	v13 =	vld [tilespmem:$0x1F5C0];
	_ =	sdelay $0x3  }
0x4ed: {  	v1 =	vld.idx.msk [tilespmem:v3+s10+$0x0], $0xffff;
	v2 =	vor.u32 s23, v2  }
0x4ee: {  	v3 =	vor.u32 v13, v0  }
0x4ef: {  	v4 =	vld [tilespmem:$0x1F5D0];
	_ =	sdelay $0x2  }
0x4f0: {  	[tilespmem:v2+s13+$0x0] =	vst.idx.msk $0xffff, v1  }
0x4f1: {  	v2 =	vor.u32 s23, v44;
	v1 =	vld.idx.msk [tilespmem:v3+s10+$0x0], $0xffff  }
0x4f2: {  	v3 =	vor.u32 v4, v0;
	_ =	sdelay $0x3  }
0x4f3: {  	v8 =	vld [tilespmem:$0x1F940];
	[tilespmem:v2+s13+$0x0] =	vst.idx.msk $0xffff, v1  }
0x4f4: {  	v1 =	vld.idx.msk [tilespmem:v3+s10+$0x0], $0xffff  }
0x4f5: {  	v3 =	vld [tilespmem:$0x1F5E0];
	_ =	sdelay $0x3  }
0x4f6: {  	v2 =	vor.u32 s23, v8  }
0x4f7: {  	v3 =	vor.u32 v3, v0;
	_ =	sdelay $0x3  }
0x4f8: {  	[tilespmem:v2+s13+$0x0] =	vst.idx.msk $0xffff, v1  }
0x4f9: {  	v1 =	vld.idx.msk [tilespmem:v3+s10+$0x0], $0xffff  }
0x4fa: {  	v3 =	vld [tilespmem:$0x1F5F0];
	_ =	sdelay $0x3  }
0x4fb: {  	v2 =	vor.u32 s23, v23  }
0x4fc: {  	v3 =	vor.u32 v3, v0;
	_ =	sdelay $0x3  }
0x4fd: {  	[tilespmem:v2+s13+$0x0] =	vst.idx.msk $0xffff, v1  }
0x4fe: {  	v1 =	vld.idx.msk [tilespmem:v3+s10+$0x0], $0xffff  }
0x4ff: {  	v3 =	vld [tilespmem:$0x1F600];
	_ =	sdelay $0x3  }
0x500: {  	v2 =	vor.u32 s23, v45  }
0x501: {  	v3 =	vor.u32 v3, v0;
	_ =	sdelay $0x3  }
0x502: {  	[tilespmem:v2+s13+$0x0] =	vst.idx.msk $0xffff, v1  }
0x503: {  	v1 =	vld.idx.msk [tilespmem:v3+s10+$0x0], $0xffff  }
0x504: {  	v3 =	vld [tilespmem:$0x1F610];
	_ =	sdelay $0x3  }
0x505: {  	v2 =	vor.u32 s23, v24  }
0x506: {  	v3 =	vor.u32 v3, v0;
	_ =	sdelay $0x3  }
0x507: {  	[tilespmem:v2+s13+$0x0] =	vst.idx.msk $0xffff, v1  }
0x508: {  	v1 =	vld.idx.msk [tilespmem:v3+s10+$0x0], $0xffff  }
0x509: {  	v3 =	vld [tilespmem:$0x1F620];
	_ =	sdelay $0x3  }
0x50a: {  	v2 =	vor.u32 s23, v63  }
0x50b: {  	v3 =	vor.u32 v3, v0;
	_ =	sdelay $0x3  }
0x50c: {  	[tilespmem:v2+s13+$0x0] =	vst.idx.msk $0xffff, v1;
	v2 =	vld [tilespmem:$0x1F990]  }
0x50d: {  	v1 =	vld.idx.msk [tilespmem:v3+s10+$0x0], $0xffff  }
0x50e: {  	v3 =	vld [tilespmem:$0x1F630];
	_ =	sdelay $0x3  }
0x50f: {  	v2 =	vor.u32 s23, v2  }
0x510: {  	v3 =	vor.u32 v3, v0;
	_ =	sdelay $0x3  }
0x511: {  	[tilespmem:v2+s13+$0x0] =	vst.idx.msk $0xffff, v1;
	v2 =	vld [tilespmem:$0x1F9A0]  }
0x512: {  	v1 =	vld.idx.msk [tilespmem:v3+s10+$0x0], $0xffff  }
0x513: {  	v3 =	vld [tilespmem:$0x1F640];
	_ =	sdelay $0x3  }
0x514: {  	v2 =	vor.u32 s23, v2  }
0x515: {  	v3 =	vor.u32 v3, v0;
	_ =	sdelay $0x3  }
0x516: {  	[tilespmem:v2+s13+$0x0] =	vst.idx.msk $0xffff, v1;
	v2 =	vld [tilespmem:$0x1F9B0]  }
0x517: {  	v1 =	vld.idx.msk [tilespmem:v3+s10+$0x0], $0xffff  }
0x518: {  	v3 =	vld [tilespmem:$0x1F650];
	_ =	sdelay $0x3  }
0x519: {  	v2 =	vor.u32 s23, v2  }
0x51a: {  	v3 =	vor.u32 v3, v0;
	_ =	sdelay $0x3  }
0x51b: {  	[tilespmem:v2+s13+$0x0] =	vst.idx.msk $0xffff, v1;
	v2 =	vld [tilespmem:$0x1F9C0]  }
0x51c: {  	v1 =	vld.idx.msk [tilespmem:v3+s10+$0x0], $0xffff  }
0x51d: {  	v3 =	vld [tilespmem:$0x1F660];
	_ =	sdelay $0x3  }
0x51e: {  	v2 =	vor.u32 s23, v2  }
0x51f: {  	v3 =	vor.u32 v3, v0;
	_ =	sdelay $0x3  }
0x520: {  	[tilespmem:v2+s13+$0x0] =	vst.idx.msk $0xffff, v1;
	v2 =	vld [tilespmem:$0x1F9D0]  }
0x521: {  	v1 =	vld.idx.msk [tilespmem:v3+s10+$0x0], $0xffff  }
0x522: {  	v3 =	vld [tilespmem:$0x1F670];
	_ =	sdelay $0x3  }
0x523: {  	v2 =	vor.u32 s23, v2  }
0x524: {  	v3 =	vor.u32 v3, v0;
	_ =	sdelay $0x3  }
0x525: {  	[tilespmem:v2+s13+$0x0] =	vst.idx.msk $0xffff, v1;
	v2 =	vld [tilespmem:$0x1F9E0]  }
0x526: {  	v1 =	vld.idx.msk [tilespmem:v3+s10+$0x0], $0xffff  }
0x527: {  	v3 =	vld [tilespmem:$0x1F680];
	_ =	sdelay $0x3  }
0x528: {  	v2 =	vor.u32 s23, v2  }
0x529: {  	v3 =	vor.u32 v3, v0;
	_ =	sdelay $0x3  }
0x52a: {  	[tilespmem:v2+s13+$0x0] =	vst.idx.msk $0xffff, v1;
	v2 =	vld [tilespmem:$0x1F9F0]  }
0x52b: {  	v1 =	vld.idx.msk [tilespmem:v3+s10+$0x0], $0xffff  }
0x52c: {  	v3 =	vld [tilespmem:$0x1F690];
	_ =	sdelay $0x3  }
0x52d: {  	v2 =	vor.u32 s23, v2  }
0x52e: {  	v3 =	vor.u32 v3, v0;
	_ =	sdelay $0x3  }
0x52f: {  	[tilespmem:v2+s13+$0x0] =	vst.idx.msk $0xffff, v1;
	v2 =	vld [tilespmem:$0x1FA00]  }
0x530: {  	v1 =	vld.idx.msk [tilespmem:v3+s10+$0x0], $0xffff  }
0x531: {  	v3 =	vld [tilespmem:$0x1F6A0];
	_ =	sdelay $0x3  }
0x532: {  	v2 =	vor.u32 s23, v2  }
0x533: {  	v3 =	vor.u32 v3, v0;
	_ =	sdelay $0x3  }
0x534: {  	[tilespmem:v2+s13+$0x0] =	vst.idx.msk $0xffff, v1;
	v2 =	vld [tilespmem:$0x1F6B0]  }
0x535: {  	v1 =	vld.idx.msk [tilespmem:v3+s10+$0x0], $0xffff  }
0x536: {  	v3 =	vld [tilespmem:$0x1F6C0];
	_ =	sdelay $0x3  }
0x537: {  	v2 =	vor.u32 s23, v2  }
0x538: {  	v3 =	vor.u32 v3, v0;
	_ =	sdelay $0x3  }
0x539: {  	[tilespmem:v2+s13+$0x0] =	vst.idx.msk $0xffff, v1;
	v2 =	vld [tilespmem:$0x1FED0]  }
0x53a: {  	v1 =	vld.idx.msk [tilespmem:v3+s10+$0x0], $0xffff  }
0x53b: {  	v3 =	vld [tilespmem:$0x1F6D0];
	_ =	sdelay $0x3  }
0x53c: {  	v2 =	vor.u32 s23, v2  }
0x53d: {  	v3 =	vor.u32 v3, v0;
	_ =	sdelay $0x3  }
0x53e: {  	v11 =	vld [tilespmem:$0x1FA40];
	[tilespmem:v2+s13+$0x0] =	vst.idx.msk $0xffff, v1  }
0x53f: {  	v1 =	vld.idx.msk [tilespmem:v3+s10+$0x0], $0xffff  }
0x540: {  	v3 =	vld [tilespmem:$0x1F6E0];
	_ =	sdelay $0x3  }
0x541: {  	v2 =	vor.u32 s23, v11  }
0x542: {  	v3 =	vor.u32 v3, v0;
	_ =	sdelay $0x3  }
0x543: {  	[tilespmem:v2+s13+$0x0] =	vst.idx.msk $0xffff, v1;
	v2 =	vld [tilespmem:$0x1FEA0]  }
0x544: {  	v1 =	vld.idx.msk [tilespmem:v3+s10+$0x0], $0xffff  }
0x545: {  	v3 =	vld [tilespmem:$0x1F6F0];
	_ =	sdelay $0x3  }
0x546: {  	v2 =	vor.u32 s23, v2  }
0x547: {  	v3 =	vor.u32 v3, v0;
	_ =	sdelay $0x3  }
0x548: {  	v17 =	vld [tilespmem:$0x1FA50];
	[tilespmem:v2+s13+$0x0] =	vst.idx.msk $0xffff, v1  }
0x549: {  	v1 =	vld.idx.msk [tilespmem:v3+s10+$0x0], $0xffff  }
0x54a: {  	v3 =	vld [tilespmem:$0x1F700];
	_ =	sdelay $0x3  }
0x54b: {  	v2 =	vor.u32 s23, v17  }
0x54c: {  	v3 =	vor.u32 v3, v0;
	_ =	sdelay $0x3  }
0x54d: {  	[tilespmem:v2+s13+$0x0] =	vst.idx.msk $0xffff, v1;
	v2 =	vld [tilespmem:$0x1FA60]  }
0x54e: {  	v1 =	vld.idx.msk [tilespmem:v3+s10+$0x0], $0xffff  }
0x54f: {  	v3 =	vld [tilespmem:$0x1F710];
	_ =	sdelay $0x3  }
0x550: {  	v2 =	vor.u32 s23, v2  }
0x551: {  	v3 =	vor.u32 v3, v0;
	_ =	sdelay $0x3  }
0x552: {  	[tilespmem:v2+s13+$0x0] =	vst.idx.msk $0xffff, v1;
	v2 =	vld [tilespmem:$0x1FA80]  }
0x553: {  	v1 =	vld.idx.msk [tilespmem:v3+s10+$0x0], $0xffff  }
0x554: {  	v3 =	vld [tilespmem:$0x1F720];
	_ =	sdelay $0x3  }
0x555: {  	v2 =	vor.u32 s23, v2  }
0x556: {  	v3 =	vor.u32 v3, v0;
	_ =	sdelay $0x3  }
0x557: {  	[tilespmem:v2+s13+$0x0] =	vst.idx.msk $0xffff, v1;
	v2 =	vld [tilespmem:$0x1FA90]  }
0x558: {  	v1 =	vld.idx.msk [tilespmem:v3+s10+$0x0], $0xffff  }
0x559: {  	v3 =	vld [tilespmem:$0x1F730];
	_ =	sdelay $0x3  }
0x55a: {  	v2 =	vor.u32 s23, v2  }
0x55b: {  	v3 =	vor.u32 v3, v0;
	_ =	sdelay $0x3  }
0x55c: {  	[tilespmem:v2+s13+$0x0] =	vst.idx.msk $0xffff, v1;
	v2 =	vld [tilespmem:$0x1FAA0]  }
0x55d: {  	v1 =	vld.idx.msk [tilespmem:v3+s10+$0x0], $0xffff  }
0x55e: {  	v3 =	vld [tilespmem:$0x1F740];
	_ =	sdelay $0x2  }
0x55f: {  	v2 =	vor.u32 s23, v2;
	_ =	sdelay $0x1  }
0x560: {  	v3 =	vor.u32 v3, v0;
	_ =	sdelay $0x2  }
0x561: {  	[tilespmem:v2+s13+$0x0] =	vst.idx.msk $0xffff, v1;
	v2 =	vld [tilespmem:$0x1FAB0];
	_ =	sdelay $0x1  }
0x562: {  	v1 =	vld.idx.msk [tilespmem:v3+s10+$0x0], $0xffff  }
0x563: {  	v3 =	vld [tilespmem:$0x1F750];
	_ =	sdelay $0x1  }
0x564: {  	v2 =	vor.u32 s23, v2;
	_ =	sdelay $0x2  }
0x565: {  	v3 =	vor.u32 v3, v0;
	_ =	sdelay $0x1  }
0x566: {  	[tilespmem:v2+s13+$0x0] =	vst.idx.msk $0xffff, v1;
	v2 =	vld [tilespmem:$0x1FAC0];
	_ =	sdelay $0x2  }
0x567: {  	v1 =	vld.idx.msk [tilespmem:v3+s10+$0x0], $0xffff  }
0x568: {  	v3 =	vld [tilespmem:$0x1F760]  }
0x569: {  	v2 =	vor.u32 s23, v2;
	_ =	sdelay $0x3  }
0x56a: {  	v3 =	vor.u32 v3, v0  }
0x56b: {  	[tilespmem:v2+s13+$0x0] =	vst.idx.msk $0xffff, v1;
	v2 =	vld [tilespmem:$0x1FAD0];
	_ =	sdelay $0x3  }
0x56c: {  	v1 =	vld.idx.msk [tilespmem:v3+s10+$0x0], $0xffff  }
0x56d: {  	v2 =	vor.u32 s23, v2;
	v3 =	vld [tilespmem:$0x1F770];
	_ =	sdelay $0x4  }
0x56e: {  	v3 =	vor.u32 v3, v0;
	[tilespmem:v2+s13+$0x0] =	vst.idx.msk $0xffff, v1;
	v2 =	vld [tilespmem:$0x1FAE0];
	_ =	sdelay $0x4  }
0x56f: {  	v1 =	vld.idx.msk [tilespmem:v3+s10+$0x0], $0xffff;
	v2 =	vor.u32 s23, v2;
	_ =	sdelay $0x4  }
0x570: {  	v3 =	vor.u32 v47, v0;
	[tilespmem:v2+s13+$0x0] =	vst.idx.msk $0xffff, v1;
	v2 =	vld [tilespmem:$0x1FAF0];
	_ =	sdelay $0x4  }
0x571: {  	v1 =	vld.idx.msk [tilespmem:v3+s10+$0x0], $0xffff;
	v2 =	vor.u32 s23, v2  }
0x572: {  	v3 =	vor.u32 v46, v0;
	_ =	sdelay $0x3  }
0x573: {  	[tilespmem:v2+s13+$0x0] =	vst.idx.msk $0xffff, v1  }
0x574: {  	v2 =	vor.u32 s23, v43;
	v1 =	vld.idx.msk [tilespmem:v3+s10+$0x0], $0xffff  }
0x575: {  	v3 =	vor.u32 v48, v0;
	_ =	sdelay $0x3  }
0x576: {  	[tilespmem:v2+s13+$0x0] =	vst.idx.msk $0xffff, v1  }
0x577: {  	v2 =	vor.u32 s23, v31;
	v1 =	vld.idx.msk [tilespmem:v3+s10+$0x0], $0xffff  }
0x578: {  	v3 =	vor.u32 v19, v0;
	_ =	sdelay $0x3  }
0x579: {  	[tilespmem:v2+s13+$0x0] =	vst.idx.msk $0xffff, v1  }
0x57a: {  	v2 =	vor.u32 s23, v62;
	v1 =	vld.idx.msk [tilespmem:v3+s10+$0x0], $0xffff  }
0x57b: {  	v3 =	vor.u32 v42, v0;
	_ =	sdelay $0x3  }
0x57c: {  	[tilespmem:v2+s13+$0x0] =	vst.idx.msk $0xffff, v1  }
0x57d: {  	v2 =	vor.u32 s23, v30;
	v1 =	vld.idx.msk [tilespmem:v3+s10+$0x0], $0xffff  }
0x57e: {  	v3 =	vor.u32 v26, v0;
	_ =	sdelay $0x3  }
0x57f: {  	[tilespmem:v2+s13+$0x0] =	vst.idx.msk $0xffff, v1  }
0x580: {  	v2 =	vor.u32 s23, v40;
	v1 =	vld.idx.msk [tilespmem:v3+s10+$0x0], $0xffff  }
0x581: {  	v3 =	vor.u32 v34, v0;
	_ =	sdelay $0x3  }
0x582: {  	[tilespmem:v2+s13+$0x0] =	vst.idx.msk $0xffff, v1  }
0x583: {  	v2 =	vor.u32 s23, v38;
	v1 =	vld.idx.msk [tilespmem:v3+s10+$0x0], $0xffff  }
0x584: {  	v3 =	vor.u32 v39, v0;
	_ =	sdelay $0x3  }
0x585: {  	[tilespmem:v2+s13+$0x0] =	vst.idx.msk $0xffff, v1  }
0x586: {  	v2 =	vor.u32 s23, v37;
	v1 =	vld.idx.msk [tilespmem:v3+s10+$0x0], $0xffff  }
0x587: {  	v3 =	vor.u32 v27, v0;
	_ =	sdelay $0x3  }
0x588: {  	[tilespmem:v2+s13+$0x0] =	vst.idx.msk $0xffff, v1  }
0x589: {  	v2 =	vor.u32 s23, v36;
	v1 =	vld.idx.msk [tilespmem:v3+s10+$0x0], $0xffff  }
0x58a: {  	v3 =	vor.u32 v49, v0;
	_ =	sdelay $0x3  }
0x58b: {  	[tilespmem:v2+s13+$0x0] =	vst.idx.msk $0xffff, v1  }
0x58c: {  	v2 =	vor.u32 s23, v35;
	v1 =	vld.idx.msk [tilespmem:v3+s10+$0x0], $0xffff  }
0x58d: {  	v3 =	vor.u32 v50, v0;
	_ =	sdelay $0x3  }
0x58e: {  	[tilespmem:v2+s13+$0x0] =	vst.idx.msk $0xffff, v1  }
0x58f: {  	v2 =	vor.u32 s23, v33;
	v1 =	vld.idx.msk [tilespmem:v3+s10+$0x0], $0xffff  }
0x590: {  	v3 =	vor.u32 v51, v0;
	_ =	sdelay $0x3  }
0x591: {  	[tilespmem:v2+s13+$0x0] =	vst.idx.msk $0xffff, v1  }
0x592: {  	v2 =	vor.u32 s23, v52;
	v1 =	vld.idx.msk [tilespmem:v3+s10+$0x0], $0xffff  }
0x593: {  	v3 =	vor.u32 v28, v0;
	_ =	sdelay $0x3  }
0x594: {  	[tilespmem:v2+s13+$0x0] =	vst.idx.msk $0xffff, v1  }
0x595: {  	v2 =	vor.u32 s23, v18;
	v1 =	vld.idx.msk [tilespmem:v3+s10+$0x0], $0xffff  }
0x596: {  	v3 =	vor.u32 v32, v0;
	_ =	sdelay $0x3  }
0x597: {  	[tilespmem:v2+s13+$0x0] =	vst.idx.msk $0xffff, v1  }
0x598: {  	v2 =	vor.u32 s23, v59;
	v1 =	vld.idx.msk [tilespmem:v3+s10+$0x0], $0xffff  }
0x599: {  	v3 =	vor.u32 v53, v0;
	_ =	sdelay $0x3  }
0x59a: {  	[tilespmem:v2+s13+$0x0] =	vst.idx.msk $0xffff, v1  }
0x59b: {  	v2 =	vor.u32 s23, v22;
	v1 =	vld.idx.msk [tilespmem:v3+s10+$0x0], $0xffff  }
0x59c: {  	v3 =	vor.u32 v54, v0;
	_ =	sdelay $0x3  }
0x59d: {  	[tilespmem:v2+s13+$0x0] =	vst.idx.msk $0xffff, v1  }
0x59e: {  	v2 =	vor.u32 s23, v58;
	v1 =	vld.idx.msk [tilespmem:v3+s10+$0x0], $0xffff  }
0x59f: {  	v3 =	vor.u32 v55, v0;
	_ =	sdelay $0x2  }
0x5a0: {  	[tilespmem:$0x1F4B0] =	vst v47  }
0x5a1: {  	[tilespmem:v2+s13+$0x0] =	vst.idx.msk $0xffff, v1  }
0x5a2: {  	[tilespmem:$0x1F4C0] =	vst v46;
	v2 =	vor.u32 s23, v25;
	v1 =	vld.idx.msk [tilespmem:v3+s10+$0x0], $0xffff  }
0x5a3: {  	[tilespmem:$0x1F4D0] =	vst v48;
	v3 =	vor.u32 v15, v0  }
0x5a4: {  	[tilespmem:$0x1F4E0] =	vst v19  }
0x5a5: {  	[tilespmem:$0x1F4F0] =	vst v62  }
0x5a6: {  	[tilespmem:$0x1F500] =	vst v42  }
0x5a7: {  	[tilespmem:v2+s13+$0x0] =	vst.idx.msk $0xffff, v1  }
0x5a8: {  	[tilespmem:$0x1F510] =	vst v26;
	v2 =	vor.u32 s23, v41;
	v1 =	vld.idx.msk [tilespmem:v3+s10+$0x0], $0xffff  }
0x5a9: {  	[tilespmem:$0x1F520] =	vst v39;
	v0 =	vor.u32 v16, v0  }
0x5aa: {  	[tilespmem:$0x1F530] =	vst v27  }
0x5ab: {  	[tilespmem:$0x1F540] =	vst v49  }
0x5ac: {  	[tilespmem:$0x1F550] =	vst v51;
	s25 =	smulhi.u32 $0x51EB851F, s22  }
0x5ad: {  	[tilespmem:v2+s13+$0x0] =	vst.idx.msk $0xffff, v1  }
0x5ae: {  	[tilespmem:$0x1F560] =	vst v28;
	s28 =	smulhi.u32 $0x51EB851F, s20;
	s26 =	sshrl.u32 s25, $0x4;
	v1 =	vor.u32 s23, v21;
	v0 =	vld.idx.msk [tilespmem:v0+s10+$0x0], $0xffff  }
0x5af: {  	[tilespmem:$0x1F570] =	vst v32;
	s23 =	smul.u32 $0x32, s26  }
0x5b0: {  	[tilespmem:$0x1F580] =	vst v55;
	s24 =	sshll.u32 s28, $0x4  }
0x5b1: {  	[tilespmem:$0x1F590] =	vst v15;
	s30 =	sand.u32 $0xFFFFFF80, s24;
	s29 =	ssub.s32 s22, s23  }
0x5b2: {  	[tilespmem:$0x1F5A0] =	vst v16;
	s22 =	sadd.s32 s6, s30;
	s31 =	sshll.u32 s29, $0x11  }
0x5b3: {  	p0 =	seq.s32 s20, $0x63;
	s23 =	sadd.s32 s31, s22;
	[tilespmem:v1+s13+$0x0] =	vst.idx.msk $0xffff, v0  }
0x5b4: {  	[hbm4b:s23+s14] =	stream.strided.scatter [tilespmem:s13], [sflag:$0x2], $0x2000, s15, s14, $0x38;
	[tilespmem:$0x14800] =	vst v63  }
0x5b5: {  	p1 =	seq.s32 @!p0 s20, $0x0;
	s23 =	sshll.u32 @!p0 s20, $0x8;
	_ =	swait.ge [sflag:s11], $0x2000  }
0x5b6: {  	s25 =	simm.s32 @!p0 $0xC800;
	s23 =	sand.u32 @!p0 $0x3FFFFF00, s23;
	[sflag:s11] =	ssyncset.done $0x0  }
0x5b7: {  	s24 =	simm.s32 @!p0 $0x80;
	s23 =	sadd.s32 @!p0 $0x6500, s23;
	[sflag:s11] =	ssyncadd.s32 $0xFFFFE000  }
0x5b8: {  	[tilespmem:s25], [sflag:$0x1] =	stream.indirect.gather @!p0 [hbm4b:s3+s24], $0x40, s23, s24, $0xb8;
	[tilespmem:$0x14800] =	vst v63  }
0x5b9: {  	p0 =	por p0, !p1  }
0x5ba: {  	_ =	swait.ge @p0 [sflag:s17], $0x2000  }
0x5bb: {  	v1 =	vld [tilespmem:$0x1FD50];
	_ =	sdelay $0x1  }
0x5bc: {  	s24 =	simm.s32 $0x0  }
0x5bd: {  	v0 =	vmov s24  }
0x5be: {  	v0 =	vshll.u32 v0, $0x6  }
0x5bf: {  	v16 =	vmovc v7;
	v7 =	vmovc v11;
	v11 =	vmov v1;
	v0 =	vor.u32 v1, v0;
	v1 =	vlaneseq.u32  }
0x5c0: {  	v2 =	vld [tilespmem:$0x1FE90];
	v1 =	vor.u32 v1, v0  }
0x5c1: {  	v3 =	vld [tilespmem:$0x1FDE0];
	_ =	sdelay $0x1  }
0x5c2: {  	[sflag:s17] =	ssyncset.done @p0 $0x0  }
0x5c3: {  	[sflag:s17] =	ssyncadd.s32 @p0 $0xFFFFE000  }
0x5c4: {  	v2 =	vor.u32 s24, v2;
	v1 =	vld.idx.msk [tilespmem:v1+s12+$0x0], $0xffff  }
0x5c5: {  	v3 =	vor.u32 v3, v0;
	_ =	sdelay $0x3  }
0x5c6: {  	[tilespmem:v2+s16+$0x0] =	vst.idx.msk $0xffff, v1;
	v2 =	vld [tilespmem:$0x1FDF0]  }
0x5c7: {  	v1 =	vld.idx.msk [tilespmem:v3+s12+$0x0], $0xffff  }
0x5c8: {  	v3 =	vld [tilespmem:$0x1FA70];
	_ =	sdelay $0x3  }
0x5c9: {  	v2 =	vor.u32 s24, v2  }
0x5ca: {  	v3 =	vor.u32 v3, v0;
	_ =	sdelay $0x3  }
0x5cb: {  	[tilespmem:v2+s16+$0x0] =	vst.idx.msk $0xffff, v1;
	v2 =	vld [tilespmem:$0x1FE00]  }
0x5cc: {  	v1 =	vld.idx.msk [tilespmem:v3+s12+$0x0], $0xffff  }
0x5cd: {  	v3 =	vld [tilespmem:$0x1FE10];
	_ =	sdelay $0x2  }
0x5ce: {  	v2 =	vor.u32 s24, v2;
	_ =	sdelay $0x1  }
0x5cf: {  	v3 =	vor.u32 v3, v0;
	_ =	sdelay $0x2  }
0x5d0: {  	[tilespmem:v2+s16+$0x0] =	vst.idx.msk $0xffff, v1;
	v2 =	vld [tilespmem:$0x1FE20];
	_ =	sdelay $0x1  }
0x5d1: {  	v1 =	vld.idx.msk [tilespmem:v3+s12+$0x0], $0xffff  }
0x5d2: {  	v3 =	vld [tilespmem:$0x1FE30];
	_ =	sdelay $0x1  }
0x5d3: {  	v2 =	vor.u32 s24, v2;
	_ =	sdelay $0x2  }
0x5d4: {  	v3 =	vor.u32 v3, v0;
	_ =	sdelay $0x1  }
0x5d5: {  	[tilespmem:v2+s16+$0x0] =	vst.idx.msk $0xffff, v1;
	v2 =	vld [tilespmem:$0x1FE40];
	_ =	sdelay $0x2  }
0x5d6: {  	v1 =	vld.idx.msk [tilespmem:v3+s12+$0x0], $0xffff  }
0x5d7: {  	v3 =	vld [tilespmem:$0x1FE50]  }
0x5d8: {  	v2 =	vor.u32 s24, v2;
	_ =	sdelay $0x3  }
0x5d9: {  	v3 =	vor.u32 v3, v0  }
0x5da: {  	[tilespmem:v2+s16+$0x0] =	vst.idx.msk $0xffff, v1;
	v2 =	vld [tilespmem:$0x1FB30];
	_ =	sdelay $0x3  }
0x5db: {  	v1 =	vld.idx.msk [tilespmem:v3+s12+$0x0], $0xffff  }
0x5dc: {  	v3 =	vld [tilespmem:$0x1FB40];
	v2 =	vor.u32 s24, v2;
	_ =	sdelay $0x4  }
0x5dd: {  	v3 =	vor.u32 v3, v0;
	[tilespmem:v2+s16+$0x0] =	vst.idx.msk $0xffff, v1;
	v2 =	vld [tilespmem:$0x1FEB0];
	_ =	sdelay $0x4  }
0x5de: {  	v31 =	vmov v5;
	v1 =	vld.idx.msk [tilespmem:v3+s12+$0x0], $0xffff;
	v2 =	vor.u32 s24, v2  }
0x5df: {  	v3 =	vor.u32 v31, v0;
	_ =	sdelay $0x3  }
0x5e0: {  	[tilespmem:v2+s16+$0x0] =	vst.idx.msk $0xffff, v1  }
0x5e1: {  	v2 =	vor.u32 s24, v56;
	v1 =	vld.idx.msk [tilespmem:v3+s12+$0x0], $0xffff;
	_ =	sdelay $0x3  }
0x5e2: {  	v18 =	vmov v6  }
0x5e3: {  	v3 =	vor.u32 v18, v0;
	[tilespmem:v2+s16+$0x0] =	vst.idx.msk $0xffff, v1;
	v2 =	vld [tilespmem:$0x1FE60];
	_ =	sdelay $0x4  }
0x5e4: {  	v1 =	vld.idx.msk [tilespmem:v3+s12+$0x0], $0xffff;
	v2 =	vor.u32 s24, v2;
	_ =	sdelay $0x3  }
0x5e5: {  	v30 =	vmov v12  }
0x5e6: {  	v3 =	vor.u32 v30, v0;
	[tilespmem:v2+s16+$0x0] =	vst.idx.msk $0xffff, v1;
	v2 =	vld [tilespmem:$0x1FF80];
	_ =	sdelay $0x4  }
0x5e7: {  	v1 =	vld.idx.msk [tilespmem:v3+s12+$0x0], $0xffff;
	v2 =	vor.u32 s24, v2  }
0x5e8: {  	v3 =	vor.u32 v16, v0;
	_ =	sdelay $0x3  }
0x5e9: {  	v60 =	vmov v61;
	[tilespmem:v2+s16+$0x0] =	vst.idx.msk $0xffff, v1  }
0x5ea: {  	v2 =	vor.u32 s24, v60;
	v1 =	vld.idx.msk [tilespmem:v3+s12+$0x0], $0xffff;
	_ =	sdelay $0x3  }
0x5eb: {  	v61 =	vmov v34;
	v34 =	vmov v14  }
0x5ec: {  	v3 =	vor.u32 v34, v0;
	[tilespmem:v2+s16+$0x0] =	vst.idx.msk $0xffff, v1;
	v2 =	vld [tilespmem:$0x1FE70];
	_ =	sdelay $0x4  }
0x5ed: {  	v1 =	vld.idx.msk [tilespmem:v3+s12+$0x0], $0xffff;
	v2 =	vor.u32 s24, v2  }
0x5ee: {  	v27 =	vmov v20  }
0x5ef: {  	v3 =	vor.u32 v27, v0;
	_ =	sdelay $0x2  }
0x5f0: {  	[tilespmem:v2+s16+$0x0] =	vst.idx.msk $0xffff, v1;
	v2 =	vld [tilespmem:$0x1F840];
	_ =	sdelay $0x1  }
0x5f1: {  	v1 =	vld.idx.msk [tilespmem:v3+s12+$0x0], $0xffff  }
0x5f2: {  	v3 =	vld [tilespmem:$0x1F850];
	_ =	sdelay $0x1  }
0x5f3: {  	v2 =	vor.u32 s24, v2;
	_ =	sdelay $0x2  }
0x5f4: {  	v3 =	vor.u32 v3, v0;
	_ =	sdelay $0x1  }
0x5f5: {  	[tilespmem:v2+s16+$0x0] =	vst.idx.msk $0xffff, v1;
	v2 =	vld [tilespmem:$0x1F860];
	_ =	sdelay $0x2  }
0x5f6: {  	v1 =	vld.idx.msk [tilespmem:v3+s12+$0x0], $0xffff  }
0x5f7: {  	v3 =	vld [tilespmem:$0x1F870]  }
0x5f8: {  	v2 =	vor.u32 s24, v2;
	_ =	sdelay $0x3  }
0x5f9: {  	v3 =	vor.u32 v3, v0  }
0x5fa: {  	[tilespmem:v2+s16+$0x0] =	vst.idx.msk $0xffff, v1;
	v2 =	vld [tilespmem:$0x1F880];
	_ =	sdelay $0x3  }
0x5fb: {  	v1 =	vld.idx.msk [tilespmem:v3+s12+$0x0], $0xffff  }
0x5fc: {  	v3 =	vld [tilespmem:$0x1F890];
	v2 =	vor.u32 s24, v2;
	_ =	sdelay $0x4  }
0x5fd: {  	v3 =	vor.u32 v3, v0;
	[tilespmem:v2+s16+$0x0] =	vst.idx.msk $0xffff, v1;
	v2 =	vld [tilespmem:$0x1F8A0];
	_ =	sdelay $0x4  }
0x5fe: {  	v5 =	vmov v9;
	v1 =	vld.idx.msk [tilespmem:v3+s12+$0x0], $0xffff;
	v2 =	vor.u32 s24, v2  }
0x5ff: {  	v3 =	vor.u32 v5, v0;
	_ =	sdelay $0x3  }
0x600: {  	v29 =	vmov v8;
	v8 =	vmov v57;
	[tilespmem:v2+s16+$0x0] =	vst.idx.msk $0xffff, v1  }
0x601: {  	v2 =	vor.u32 s24, v8;
	v1 =	vld.idx.msk [tilespmem:v3+s12+$0x0], $0xffff;
	_ =	sdelay $0x3  }
0x602: {  	v22 =	vmov v10  }
0x603: {  	v3 =	vor.u32 v22, v0;
	[tilespmem:v2+s16+$0x0] =	vst.idx.msk $0xffff, v1;
	v2 =	vld [tilespmem:$0x1F8B0];
	_ =	sdelay $0x4  }
0x604: {  	v1 =	vld.idx.msk [tilespmem:v3+s12+$0x0], $0xffff;
	v2 =	vor.u32 s24, v2;
	_ =	sdelay $0x3  }
0x605: {  	v57 =	vmov v13  }
0x606: {  	v3 =	vor.u32 v57, v0;
	[tilespmem:v2+s16+$0x0] =	vst.idx.msk $0xffff, v1;
	v2 =	vld [tilespmem:$0x1FF90];
	_ =	sdelay $0x4  }
0x607: {  	v1 =	vld.idx.msk [tilespmem:v3+s12+$0x0], $0xffff;
	v2 =	vor.u32 s24, v2  }
0x608: {  	v3 =	vor.u32 v4, v0  }
0x609: {  	v39 =	vld [tilespmem:$0x1F5E0];
	_ =	sdelay $0x2  }
0x60a: {  	[tilespmem:v2+s16+$0x0] =	vst.idx.msk $0xffff, v1  }
0x60b: {  	v2 =	vor.u32 s24, v29;
	v1 =	vld.idx.msk [tilespmem:v3+s12+$0x0], $0xffff  }
0x60c: {  	v3 =	vor.u32 v39, v0  }
0x60d: {  	v49 =	vld [tilespmem:$0x1F5F0];
	_ =	sdelay $0x2  }
0x60e: {  	v44 =	vmov v23;
	[tilespmem:v2+s16+$0x0] =	vst.idx.msk $0xffff, v1  }
0x60f: {  	v2 =	vor.u32 s24, v44;
	v1 =	vld.idx.msk [tilespmem:v3+s12+$0x0], $0xffff  }
0x610: {  	v3 =	vor.u32 v49, v0  }
0x611: {  	v26 =	vmov v50;
	v50 =	vld [tilespmem:$0x1F600];
	_ =	sdelay $0x2  }
0x612: {  	[tilespmem:v2+s16+$0x0] =	vst.idx.msk $0xffff, v1  }
0x613: {  	v2 =	vor.u32 s24, v45;
	v1 =	vld.idx.msk [tilespmem:v3+s12+$0x0], $0xffff  }
0x614: {  	v3 =	vor.u32 v50, v0  }
0x615: {  	v51 =	vld [tilespmem:$0x1F610];
	_ =	sdelay $0x2  }
0x616: {  	v23 =	vmov v24;
	[tilespmem:v2+s16+$0x0] =	vst.idx.msk $0xffff, v1  }
0x617: {  	v2 =	vor.u32 s24, v23;
	v1 =	vld.idx.msk [tilespmem:v3+s12+$0x0], $0xffff  }
0x618: {  	v3 =	vor.u32 v51, v0;
	_ =	sdelay $0x3  }
0x619: {  	v19 =	vmov v63;
	v52 =	vld [tilespmem:$0x1F620];
	[tilespmem:v2+s16+$0x0] =	vst.idx.msk $0xffff, v1  }
0x61a: {  	v2 =	vor.u32 s24, v19;
	v1 =	vld.idx.msk [tilespmem:v3+s12+$0x0], $0xffff;
	_ =	sdelay $0x4  }
0x61b: {  	v3 =	vor.u32 v52, v0;
	[tilespmem:v2+s16+$0x0] =	vst.idx.msk $0xffff, v1;
	v2 =	vld [tilespmem:$0x1F990];
	_ =	sdelay $0x3  }
0x61c: {  	v24 =	vmov v53;
	v53 =	vld [tilespmem:$0x1F630]  }
0x61d: {  	v1 =	vld.idx.msk [tilespmem:v3+s12+$0x0], $0xffff;
	v2 =	vor.u32 s24, v2;
	_ =	sdelay $0x4  }
0x61e: {  	v3 =	vor.u32 v53, v0;
	[tilespmem:v2+s16+$0x0] =	vst.idx.msk $0xffff, v1;
	v2 =	vld [tilespmem:$0x1F9A0];
	_ =	sdelay $0x3  }
0x61f: {  	v28 =	vmov v54;
	v54 =	vld [tilespmem:$0x1F640]  }
0x620: {  	v1 =	vld.idx.msk [tilespmem:v3+s12+$0x0], $0xffff;
	v2 =	vor.u32 s24, v2;
	_ =	sdelay $0x4  }
0x621: {  	v3 =	vor.u32 v54, v0;
	[tilespmem:v2+s16+$0x0] =	vst.idx.msk $0xffff, v1;
	v2 =	vld [tilespmem:$0x1F9B0];
	_ =	sdelay $0x3  }
0x622: {  	v55 =	vld [tilespmem:$0x1F650]  }
0x623: {  	v1 =	vld.idx.msk [tilespmem:v3+s12+$0x0], $0xffff;
	v2 =	vor.u32 s24, v2;
	_ =	sdelay $0x4  }
0x624: {  	v3 =	vor.u32 v55, v0;
	[tilespmem:v2+s16+$0x0] =	vst.idx.msk $0xffff, v1;
	v2 =	vld [tilespmem:$0x1F9C0];
	_ =	sdelay $0x3  }
0x625: {  	v15 =	vld [tilespmem:$0x1F660]  }
0x626: {  	v1 =	vld.idx.msk [tilespmem:v3+s12+$0x0], $0xffff;
	v2 =	vor.u32 s24, v2;
	_ =	sdelay $0x3  }
0x627: {  	v3 =	vor.u32 v15, v0  }
0x628: {  	[tilespmem:v2+s16+$0x0] =	vst.idx.msk $0xffff, v1;
	v2 =	vld [tilespmem:$0x1F9D0];
	_ =	sdelay $0x3  }
0x629: {  	v1 =	vld.idx.msk [tilespmem:v3+s12+$0x0], $0xffff  }
0x62a: {  	v3 =	vld [tilespmem:$0x1F670];
	v2 =	vor.u32 s24, v2;
	_ =	sdelay $0x4  }
0x62b: {  	v3 =	vor.u32 v3, v0;
	[tilespmem:v2+s16+$0x0] =	vst.idx.msk $0xffff, v1;
	v2 =	vld [tilespmem:$0x1F9E0];
	_ =	sdelay $0x3  }
0x62c: {  	v58 =	vld [tilespmem:$0x1F680]  }
0x62d: {  	v1 =	vld.idx.msk [tilespmem:v3+s12+$0x0], $0xffff;
	v2 =	vor.u32 s24, v2;
	_ =	sdelay $0x4  }
0x62e: {  	v3 =	vor.u32 v58, v0;
	[tilespmem:v2+s16+$0x0] =	vst.idx.msk $0xffff, v1;
	v2 =	vld [tilespmem:$0x1F9F0];
	_ =	sdelay $0x3  }
0x62f: {  	v59 =	vld [tilespmem:$0x1F690]  }
0x630: {  	v1 =	vld.idx.msk [tilespmem:v3+s12+$0x0], $0xffff;
	v2 =	vor.u32 s24, v2;
	_ =	sdelay $0x4  }
0x631: {  	v3 =	vor.u32 v59, v0;
	[tilespmem:v2+s16+$0x0] =	vst.idx.msk $0xffff, v1;
	v2 =	vld [tilespmem:$0x1FA00]  }
0x632: {  	v12 =	vld [tilespmem:$0x1F6A0];
	_ =	sdelay $0x3  }
0x633: {  	v1 =	vld.idx.msk [tilespmem:v3+s12+$0x0], $0xffff;
	v2 =	vor.u32 s24, v2  }
0x634: {  	v32 =	vld [tilespmem:$0x1F6B0];
	v3 =	vor.u32 v12, v0;
	_ =	sdelay $0x3  }
0x635: {  	v33 =	vld [tilespmem:$0x1F6C0];
	[tilespmem:v2+s16+$0x0] =	vst.idx.msk $0xffff, v1  }
0x636: {  	v2 =	vor.u32 s24, v32;
	v1 =	vld.idx.msk [tilespmem:v3+s12+$0x0], $0xffff;
	_ =	sdelay $0x4  }
0x637: {  	v3 =	vor.u32 v33, v0;
	[tilespmem:v2+s16+$0x0] =	vst.idx.msk $0xffff, v1;
	v2 =	vld [tilespmem:$0x1FED0]  }
0x638: {  	v35 =	vld [tilespmem:$0x1F6D0];
	_ =	sdelay $0x3  }
0x639: {  	v1 =	vld.idx.msk [tilespmem:v3+s12+$0x0], $0xffff;
	v2 =	vor.u32 s24, v2  }
0x63a: {  	v3 =	vor.u32 v35, v0;
	_ =	sdelay $0x3  }
0x63b: {  	v36 =	vld [tilespmem:$0x1F6E0];
	[tilespmem:v2+s16+$0x0] =	vst.idx.msk $0xffff, v1  }
0x63c: {  	v2 =	vor.u32 s24, v7;
	v1 =	vld.idx.msk [tilespmem:v3+s12+$0x0], $0xffff;
	_ =	sdelay $0x4  }
0x63d: {  	v3 =	vor.u32 v36, v0;
	[tilespmem:v2+s16+$0x0] =	vst.idx.msk $0xffff, v1;
	v2 =	vld [tilespmem:$0x1FEA0]  }
0x63e: {  	v37 =	vld [tilespmem:$0x1F6F0];
	_ =	sdelay $0x3  }
0x63f: {  	v1 =	vld.idx.msk [tilespmem:v3+s12+$0x0], $0xffff;
	v2 =	vor.u32 s24, v2  }
0x640: {  	v3 =	vor.u32 v37, v0;
	_ =	sdelay $0x3  }
0x641: {  	v6 =	vmov v17;
	v38 =	vld [tilespmem:$0x1F700];
	[tilespmem:v2+s16+$0x0] =	vst.idx.msk $0xffff, v1  }
0x642: {  	v2 =	vor.u32 s24, v6;
	v1 =	vld.idx.msk [tilespmem:v3+s12+$0x0], $0xffff;
	_ =	sdelay $0x4  }
0x643: {  	v3 =	vor.u32 v38, v0;
	[tilespmem:v2+s16+$0x0] =	vst.idx.msk $0xffff, v1;
	v2 =	vld [tilespmem:$0x1FA60];
	_ =	sdelay $0x3  }
0x644: {  	v40 =	vld [tilespmem:$0x1F710]  }
0x645: {  	v1 =	vld.idx.msk [tilespmem:v3+s12+$0x0], $0xffff;
	v2 =	vor.u32 s24, v2;
	_ =	sdelay $0x4  }
0x646: {  	v3 =	vor.u32 v40, v0;
	[tilespmem:v2+s16+$0x0] =	vst.idx.msk $0xffff, v1;
	v2 =	vld [tilespmem:$0x1FA80];
	_ =	sdelay $0x3  }
0x647: {  	v10 =	vld [tilespmem:$0x1F720]  }
0x648: {  	v1 =	vld.idx.msk [tilespmem:v3+s12+$0x0], $0xffff;
	v2 =	vor.u32 s24, v2;
	_ =	sdelay $0x4  }
0x649: {  	v3 =	vor.u32 v10, v0;
	[tilespmem:v2+s16+$0x0] =	vst.idx.msk $0xffff, v1;
	v2 =	vld [tilespmem:$0x1FA90];
	_ =	sdelay $0x3  }
0x64a: {  	v41 =	vld [tilespmem:$0x1F730]  }
0x64b: {  	v1 =	vld.idx.msk [tilespmem:v3+s12+$0x0], $0xffff;
	v2 =	vor.u32 s24, v2;
	_ =	sdelay $0x4  }
0x64c: {  	v3 =	vor.u32 v41, v0;
	[tilespmem:v2+s16+$0x0] =	vst.idx.msk $0xffff, v1;
	v2 =	vld [tilespmem:$0x1FAA0];
	_ =	sdelay $0x3  }
0x64d: {  	v42 =	vld [tilespmem:$0x1F740]  }
0x64e: {  	v1 =	vld.idx.msk [tilespmem:v3+s12+$0x0], $0xffff;
	v2 =	vor.u32 s24, v2;
	_ =	sdelay $0x4  }
0x64f: {  	v3 =	vor.u32 v42, v0;
	[tilespmem:v2+s16+$0x0] =	vst.idx.msk $0xffff, v1;
	v2 =	vld [tilespmem:$0x1FAB0];
	_ =	sdelay $0x3  }
0x650: {  	v14 =	vld [tilespmem:$0x1F750]  }
0x651: {  	v1 =	vld.idx.msk [tilespmem:v3+s12+$0x0], $0xffff;
	v2 =	vor.u32 s24, v2;
	_ =	sdelay $0x4  }
0x652: {  	v3 =	vor.u32 v14, v0;
	[tilespmem:v2+s16+$0x0] =	vst.idx.msk $0xffff, v1;
	v2 =	vld [tilespmem:$0x1FAC0];
	_ =	sdelay $0x3  }
0x653: {  	v43 =	vld [tilespmem:$0x1F760]  }
0x654: {  	v1 =	vld.idx.msk [tilespmem:v3+s12+$0x0], $0xffff;
	v2 =	vor.u32 s24, v2;
	_ =	sdelay $0x4  }
0x655: {  	v3 =	vor.u32 v43, v0;
	[tilespmem:v2+s16+$0x0] =	vst.idx.msk $0xffff, v1;
	v2 =	vld [tilespmem:$0x1FAD0];
	_ =	sdelay $0x3  }
0x656: {  	v45 =	vld [tilespmem:$0x1F770]  }
0x657: {  	v1 =	vld.idx.msk [tilespmem:v3+s12+$0x0], $0xffff;
	v2 =	vor.u32 s24, v2;
	_ =	sdelay $0x4  }
0x658: {  	v3 =	vor.u32 v45, v0;
	[tilespmem:v2+s16+$0x0] =	vst.idx.msk $0xffff, v1;
	v2 =	vld [tilespmem:$0x1FAE0];
	_ =	sdelay $0x3  }
0x659: {  	v46 =	vld [tilespmem:$0x1F4B0]  }
0x65a: {  	v1 =	vld.idx.msk [tilespmem:v3+s12+$0x0], $0xffff;
	v2 =	vor.u32 s24, v2;
	_ =	sdelay $0x4  }
0x65b: {  	v3 =	vor.u32 v46, v0;
	[tilespmem:v2+s16+$0x0] =	vst.idx.msk $0xffff, v1;
	v2 =	vld [tilespmem:$0x1FAF0];
	_ =	sdelay $0x3  }
0x65c: {  	v47 =	vld [tilespmem:$0x1F4C0]  }
0x65d: {  	v1 =	vld.idx.msk [tilespmem:v3+s12+$0x0], $0xffff;
	v2 =	vor.u32 s24, v2;
	_ =	sdelay $0x4  }
0x65e: {  	v3 =	vor.u32 v47, v0;
	[tilespmem:v2+s16+$0x0] =	vst.idx.msk $0xffff, v1;
	v2 =	vld [tilespmem:$0x1FEC0];
	_ =	sdelay $0x3  }
0x65f: {  	v48 =	vld [tilespmem:$0x1F4D0]  }
0x660: {  	v1 =	vld.idx.msk [tilespmem:v3+s12+$0x0], $0xffff;
	v2 =	vor.u32 s24, v2;
	_ =	sdelay $0x4  }
0x661: {  	v3 =	vor.u32 v48, v0;
	[tilespmem:v2+s16+$0x0] =	vst.idx.msk $0xffff, v1;
	v2 =	vld [tilespmem:$0x1FEE0]  }
0x662: {  	v13 =	vld [tilespmem:$0x1F4E0];
	_ =	sdelay $0x3  }
0x663: {  	v1 =	vld.idx.msk [tilespmem:v3+s12+$0x0], $0xffff;
	v2 =	vor.u32 s24, v2  }
0x664: {  	v62 =	vld [tilespmem:$0x1F4F0];
	v3 =	vor.u32 v13, v0;
	_ =	sdelay $0x3  }
0x665: {  	v63 =	vld [tilespmem:$0x1F500];
	[tilespmem:v2+s16+$0x0] =	vst.idx.msk $0xffff, v1  }
0x666: {  	v2 =	vor.u32 s24, v62;
	v1 =	vld.idx.msk [tilespmem:v3+s12+$0x0], $0xffff;
	_ =	sdelay $0x4  }
0x667: {  	v3 =	vor.u32 v63, v0;
	[tilespmem:v2+s16+$0x0] =	vst.idx.msk $0xffff, v1;
	v2 =	vld [tilespmem:$0x1FEF0];
	_ =	sdelay $0x3  }
0x668: {  	v56 =	vld [tilespmem:$0x1F510]  }
0x669: {  	v1 =	vld.idx.msk [tilespmem:v3+s12+$0x0], $0xffff;
	v2 =	vor.u32 s24, v2;
	_ =	sdelay $0x4  }
0x66a: {  	v3 =	vor.u32 v56, v0;
	[tilespmem:v2+s16+$0x0] =	vst.idx.msk $0xffff, v1;
	v2 =	vld [tilespmem:$0x1FF00];
	_ =	sdelay $0x4  }
0x66b: {  	v1 =	vld.idx.msk [tilespmem:v3+s12+$0x0], $0xffff;
	v2 =	vor.u32 s24, v2;
	_ =	sdelay $0x4  }
0x66c: {  	v3 =	vor.u32 v61, v0;
	[tilespmem:v2+s16+$0x0] =	vst.idx.msk $0xffff, v1;
	v2 =	vld [tilespmem:$0x1FF10];
	_ =	sdelay $0x3  }
0x66d: {  	v17 =	vld [tilespmem:$0x1F520]  }
0x66e: {  	v1 =	vld.idx.msk [tilespmem:v3+s12+$0x0], $0xffff;
	v2 =	vor.u32 s24, v2;
	_ =	sdelay $0x3  }
0x66f: {  	v3 =	vor.u32 v17, v0  }
0x670: {  	[tilespmem:v2+s16+$0x0] =	vst.idx.msk $0xffff, v1;
	v2 =	vld [tilespmem:$0x1FF20];
	_ =	sdelay $0x3  }
0x671: {  	v1 =	vld.idx.msk [tilespmem:v3+s12+$0x0], $0xffff  }
0x672: {  	v3 =	vld [tilespmem:$0x1F530];
	v2 =	vor.u32 s24, v2;
	_ =	sdelay $0x4  }
0x673: {  	v3 =	vor.u32 v3, v0;
	[tilespmem:v2+s16+$0x0] =	vst.idx.msk $0xffff, v1;
	v2 =	vld [tilespmem:$0x1FF30];
	_ =	sdelay $0x3  }
0x674: {  	v60 =	vld [tilespmem:$0x1F540]  }
0x675: {  	v1 =	vld.idx.msk [tilespmem:v3+s12+$0x0], $0xffff;
	v2 =	vor.u32 s24, v2;
	_ =	sdelay $0x4  }
0x676: {  	v3 =	vor.u32 v60, v0;
	[tilespmem:v2+s16+$0x0] =	vst.idx.msk $0xffff, v1;
	v2 =	vld [tilespmem:$0x1FF40];
	_ =	sdelay $0x4  }
0x677: {  	v1 =	vld.idx.msk [tilespmem:v3+s12+$0x0], $0xffff;
	v2 =	vor.u32 s24, v2;
	_ =	sdelay $0x4  }
0x678: {  	v3 =	vor.u32 v26, v0;
	[tilespmem:v2+s16+$0x0] =	vst.idx.msk $0xffff, v1;
	v2 =	vld [tilespmem:$0x1FF50];
	_ =	sdelay $0x3  }
0x679: {  	v20 =	vld [tilespmem:$0x1F550]  }
0x67a: {  	v1 =	vld.idx.msk [tilespmem:v3+s12+$0x0], $0xffff;
	v2 =	vor.u32 s24, v2;
	_ =	sdelay $0x4  }
0x67b: {  	v3 =	vor.u32 v20, v0;
	[tilespmem:v2+s16+$0x0] =	vst.idx.msk $0xffff, v1;
	v2 =	vld [tilespmem:$0x1FF60];
	_ =	sdelay $0x3  }
0x67c: {  	v44 =	vld [tilespmem:$0x1F560]  }
0x67d: {  	v1 =	vld.idx.msk [tilespmem:v3+s12+$0x0], $0xffff;
	v2 =	vor.u32 s24, v2;
	_ =	sdelay $0x4  }
0x67e: {  	v3 =	vor.u32 v44, v0;
	[tilespmem:v2+s16+$0x0] =	vst.idx.msk $0xffff, v1;
	v2 =	vld [tilespmem:$0x1FF70];
	_ =	sdelay $0x3  }
0x67f: {  	v23 =	vld [tilespmem:$0x1F570]  }
0x680: {  	v1 =	vld.idx.msk [tilespmem:v3+s12+$0x0], $0xffff;
	v2 =	vor.u32 s24, v2;
	_ =	sdelay $0x4  }
0x681: {  	v3 =	vor.u32 v23, v0;
	[tilespmem:v2+s16+$0x0] =	vst.idx.msk $0xffff, v1;
	v2 =	vld [tilespmem:$0x1FFA0];
	_ =	sdelay $0x4  }
0x682: {  	v1 =	vld.idx.msk [tilespmem:v3+s12+$0x0], $0xffff;
	v2 =	vor.u32 s24, v2;
	_ =	sdelay $0x4  }
0x683: {  	v3 =	vor.u32 v24, v0;
	[tilespmem:v2+s16+$0x0] =	vst.idx.msk $0xffff, v1;
	v2 =	vld [tilespmem:$0x1FB20];
	_ =	sdelay $0x4  }
0x684: {  	v1 =	vld.idx.msk [tilespmem:v3+s12+$0x0], $0xffff;
	v2 =	vor.u32 s24, v2;
	_ =	sdelay $0x4  }
0x685: {  	v3 =	vor.u32 v28, v0;
	[tilespmem:v2+s16+$0x0] =	vst.idx.msk $0xffff, v1;
	v2 =	vld [tilespmem:$0x1FFB0];
	_ =	sdelay $0x3  }
0x686: {  	v21 =	vld [tilespmem:$0x1F580]  }
0x687: {  	v1 =	vld.idx.msk [tilespmem:v3+s12+$0x0], $0xffff;
	v2 =	vor.u32 s24, v2;
	_ =	sdelay $0x4  }
0x688: {  	v3 =	vor.u32 v21, v0;
	[tilespmem:v2+s16+$0x0] =	vst.idx.msk $0xffff, v1;
	v2 =	vld [tilespmem:$0x1FB60];
	_ =	sdelay $0x3  }
0x689: {  	v25 =	vld [tilespmem:$0x1F590]  }
0x68a: {  	v1 =	vld.idx.msk [tilespmem:v3+s12+$0x0], $0xffff;
	v2 =	vor.u32 s24, v2;
	_ =	sdelay $0x4  }
0x68b: {  	v3 =	vor.u32 v25, v0;
	[tilespmem:v2+s16+$0x0] =	vst.idx.msk $0xffff, v1;
	v2 =	vld [tilespmem:$0x1FFC0];
	_ =	sdelay $0x3  }
0x68c: {  	v8 =	vld [tilespmem:$0x1F5A0]  }
0x68d: {  	v1 =	vld.idx.msk [tilespmem:v3+s12+$0x0], $0xffff;
	v2 =	vor.u32 s24, v2;
	_ =	sdelay $0x3  }
0x68e: {  	s23 =	simm.s32 $0x10  }
0x68f: {  	v9 =	vmovc v29;
	s25 =	simm.s32 $0x20;
	v29 =	vmov v57;
	v57 =	vld [tilespmem:$0x1FB70];
	v0 =	vor.u32 v8, v0;
	[tilespmem:v2+s16+$0x0] =	vst.idx.msk $0xffff, v1;
	v1 =	vmov s23  }
.LBB2_7:
0x690: {  	_ =	sdelay $0x2  }
0x691: {  	v1 =	vshll.u32 v1, $0x6  }
0x692: {  	v2 =	vld.idx.msk [tilespmem:v0+s12+$0x0], $0xffff;
	v3 =	vlaneseq.u32;
	v0 =	vor.u32 v11, v1;
	v1 =	vor.u32 s24, v57  }
0x693: {  	v3 =	vor.u32 v3, v0;
	_ =	sdelay $0x3  }
0x694: {  	[tilespmem:v1+s16+$0x0] =	vst.idx.msk $0xffff, v2;
	v2 =	vld [tilespmem:$0x1FE90]  }
0x695: {  	v1 =	vld.idx.msk [tilespmem:v3+s12+$0x0], $0xffff  }
0x696: {  	v3 =	vld [tilespmem:$0x1FDE0];
	_ =	sdelay $0x2  }
0x697: {  	s24 =	smov.u32 s23  }
0x698: {  	v2 =	vor.u32 s24, v2  }
0x699: {  	v3 =	vor.u32 v3, v0;
	_ =	sdelay $0x3  }
0x69a: {  	[tilespmem:v2+s16+$0x0] =	vst.idx.msk $0xffff, v1;
	v2 =	vld [tilespmem:$0x1FDF0]  }
0x69b: {  	v1 =	vld.idx.msk [tilespmem:v3+s12+$0x0], $0xffff  }
0x69c: {  	v3 =	vld [tilespmem:$0x1FA70];
	_ =	sdelay $0x3  }
0x69d: {  	v2 =	vor.u32 s24, v2  }
0x69e: {  	v3 =	vor.u32 v3, v0;
	_ =	sdelay $0x3  }
0x69f: {  	[tilespmem:v2+s16+$0x0] =	vst.idx.msk $0xffff, v1;
	v2 =	vld [tilespmem:$0x1FE00]  }
0x6a0: {  	v1 =	vld.idx.msk [tilespmem:v3+s12+$0x0], $0xffff  }
0x6a1: {  	v3 =	vld [tilespmem:$0x1FE10];
	_ =	sdelay $0x2  }
0x6a2: {  	v2 =	vor.u32 s24, v2;
	_ =	sdelay $0x1  }
0x6a3: {  	v3 =	vor.u32 v3, v0;
	_ =	sdelay $0x2  }
0x6a4: {  	[tilespmem:v2+s16+$0x0] =	vst.idx.msk $0xffff, v1;
	v2 =	vld [tilespmem:$0x1FE20];
	_ =	sdelay $0x1  }
0x6a5: {  	v1 =	vld.idx.msk [tilespmem:v3+s12+$0x0], $0xffff  }
0x6a6: {  	v3 =	vld [tilespmem:$0x1FE30];
	_ =	sdelay $0x1  }
0x6a7: {  	v2 =	vor.u32 s24, v2;
	_ =	sdelay $0x2  }
0x6a8: {  	v3 =	vor.u32 v3, v0;
	_ =	sdelay $0x1  }
0x6a9: {  	[tilespmem:v2+s16+$0x0] =	vst.idx.msk $0xffff, v1;
	v2 =	vld [tilespmem:$0x1FE40];
	_ =	sdelay $0x2  }
0x6aa: {  	v1 =	vld.idx.msk [tilespmem:v3+s12+$0x0], $0xffff  }
0x6ab: {  	v3 =	vld [tilespmem:$0x1FE50]  }
0x6ac: {  	v2 =	vor.u32 s24, v2;
	_ =	sdelay $0x3  }
0x6ad: {  	v3 =	vor.u32 v3, v0  }
0x6ae: {  	[tilespmem:v2+s16+$0x0] =	vst.idx.msk $0xffff, v1;
	v2 =	vld [tilespmem:$0x1FB30];
	_ =	sdelay $0x3  }
0x6af: {  	v1 =	vld.idx.msk [tilespmem:v3+s12+$0x0], $0xffff  }
0x6b0: {  	v3 =	vld [tilespmem:$0x1FB40];
	v2 =	vor.u32 s24, v2;
	_ =	sdelay $0x4  }
0x6b1: {  	v3 =	vor.u32 v3, v0;
	[tilespmem:v2+s16+$0x0] =	vst.idx.msk $0xffff, v1;
	v2 =	vld [tilespmem:$0x1FEB0];
	_ =	sdelay $0x4  }
0x6b2: {  	v1 =	vld.idx.msk [tilespmem:v3+s12+$0x0], $0xffff;
	v2 =	vor.u32 s24, v2;
	_ =	sdelay $0x4  }
0x6b3: {  	v3 =	vor.u32 v31, v0;
	[tilespmem:v2+s16+$0x0] =	vst.idx.msk $0xffff, v1;
	v2 =	vld [tilespmem:$0x1FB50];
	_ =	sdelay $0x4  }
0x6b4: {  	v1 =	vld.idx.msk [tilespmem:v3+s12+$0x0], $0xffff;
	v2 =	vor.u32 s24, v2;
	_ =	sdelay $0x4  }
0x6b5: {  	v3 =	vor.u32 v18, v0;
	[tilespmem:v2+s16+$0x0] =	vst.idx.msk $0xffff, v1;
	v2 =	vld [tilespmem:$0x1FE60];
	_ =	sdelay $0x4  }
0x6b6: {  	v1 =	vld.idx.msk [tilespmem:v3+s12+$0x0], $0xffff;
	v2 =	vor.u32 s24, v2;
	_ =	sdelay $0x4  }
0x6b7: {  	v3 =	vor.u32 v30, v0;
	[tilespmem:v2+s16+$0x0] =	vst.idx.msk $0xffff, v1;
	v2 =	vld [tilespmem:$0x1FF80];
	_ =	sdelay $0x4  }
0x6b8: {  	v1 =	vld.idx.msk [tilespmem:v3+s12+$0x0], $0xffff;
	v2 =	vor.u32 s24, v2;
	_ =	sdelay $0x4  }
0x6b9: {  	v3 =	vor.u32 v16, v0;
	[tilespmem:v2+s16+$0x0] =	vst.idx.msk $0xffff, v1;
	v2 =	vld [tilespmem:$0x1F820];
	_ =	sdelay $0x4  }
0x6ba: {  	v1 =	vld.idx.msk [tilespmem:v3+s12+$0x0], $0xffff;
	v2 =	vor.u32 s24, v2;
	_ =	sdelay $0x4  }
0x6bb: {  	v3 =	vor.u32 v34, v0;
	[tilespmem:v2+s16+$0x0] =	vst.idx.msk $0xffff, v1;
	v2 =	vld [tilespmem:$0x1FE70];
	_ =	sdelay $0x4  }
0x6bc: {  	v1 =	vld.idx.msk [tilespmem:v3+s12+$0x0], $0xffff;
	v2 =	vor.u32 s24, v2;
	_ =	sdelay $0x1  }
0x6bd: {  	v3 =	vor.u32 v27, v0;
	_ =	sdelay $0x2  }
0x6be: {  	[tilespmem:v2+s16+$0x0] =	vst.idx.msk $0xffff, v1;
	v2 =	vld [tilespmem:$0x1F840];
	_ =	sdelay $0x1  }
0x6bf: {  	v1 =	vld.idx.msk [tilespmem:v3+s12+$0x0], $0xffff  }
0x6c0: {  	v3 =	vld [tilespmem:$0x1F850];
	_ =	sdelay $0x1  }
0x6c1: {  	v2 =	vor.u32 s24, v2;
	_ =	sdelay $0x2  }
0x6c2: {  	v3 =	vor.u32 v3, v0;
	_ =	sdelay $0x1  }
0x6c3: {  	[tilespmem:v2+s16+$0x0] =	vst.idx.msk $0xffff, v1;
	v2 =	vld [tilespmem:$0x1F860];
	_ =	sdelay $0x2  }
0x6c4: {  	v1 =	vld.idx.msk [tilespmem:v3+s12+$0x0], $0xffff  }
0x6c5: {  	v3 =	vld [tilespmem:$0x1F870]  }
0x6c6: {  	v2 =	vor.u32 s24, v2;
	_ =	sdelay $0x3  }
0x6c7: {  	v3 =	vor.u32 v3, v0  }
0x6c8: {  	[tilespmem:v2+s16+$0x0] =	vst.idx.msk $0xffff, v1;
	v2 =	vld [tilespmem:$0x1F880];
	_ =	sdelay $0x3  }
0x6c9: {  	v1 =	vld.idx.msk [tilespmem:v3+s12+$0x0], $0xffff  }
0x6ca: {  	v3 =	vld [tilespmem:$0x1F890];
	v2 =	vor.u32 s24, v2;
	_ =	sdelay $0x4  }
0x6cb: {  	v3 =	vor.u32 v3, v0;
	[tilespmem:v2+s16+$0x0] =	vst.idx.msk $0xffff, v1;
	v2 =	vld [tilespmem:$0x1F8A0];
	_ =	sdelay $0x4  }
0x6cc: {  	v1 =	vld.idx.msk [tilespmem:v3+s12+$0x0], $0xffff;
	v2 =	vor.u32 s24, v2;
	_ =	sdelay $0x4  }
0x6cd: {  	v3 =	vor.u32 v5, v0;
	[tilespmem:v2+s16+$0x0] =	vst.idx.msk $0xffff, v1;
	v2 =	vld [tilespmem:$0x1FD70];
	_ =	sdelay $0x4  }
0x6ce: {  	v1 =	vld.idx.msk [tilespmem:v3+s12+$0x0], $0xffff;
	v2 =	vor.u32 s24, v2;
	_ =	sdelay $0x4  }
0x6cf: {  	v3 =	vor.u32 v22, v0;
	[tilespmem:v2+s16+$0x0] =	vst.idx.msk $0xffff, v1;
	v2 =	vld [tilespmem:$0x1F8B0];
	_ =	sdelay $0x4  }
0x6d0: {  	v1 =	vld.idx.msk [tilespmem:v3+s12+$0x0], $0xffff;
	v2 =	vor.u32 s24, v2;
	_ =	sdelay $0x4  }
0x6d1: {  	v3 =	vor.u32 v29, v0;
	[tilespmem:v2+s16+$0x0] =	vst.idx.msk $0xffff, v1;
	v2 =	vld [tilespmem:$0x1FF90];
	_ =	sdelay $0x4  }
0x6d2: {  	v1 =	vld.idx.msk [tilespmem:v3+s12+$0x0], $0xffff;
	v2 =	vor.u32 s24, v2  }
0x6d3: {  	v3 =	vor.u32 v4, v0;
	_ =	sdelay $0x3  }
0x6d4: {  	[tilespmem:v2+s16+$0x0] =	vst.idx.msk $0xffff, v1  }
0x6d5: {  	v2 =	vor.u32 s24, v9;
	v1 =	vld.idx.msk [tilespmem:v3+s12+$0x0], $0xffff;
	_ =	sdelay $0x4  }
0x6d6: {  	v3 =	vor.u32 v39, v0;
	[tilespmem:v2+s16+$0x0] =	vst.idx.msk $0xffff, v1;
	v2 =	vld [tilespmem:$0x1FFE0];
	_ =	sdelay $0x4  }
0x6d7: {  	v1 =	vld.idx.msk [tilespmem:v3+s12+$0x0], $0xffff;
	v2 =	vor.u32 s24, v2;
	_ =	sdelay $0x4  }
0x6d8: {  	v3 =	vor.u32 v49, v0;
	[tilespmem:v2+s16+$0x0] =	vst.idx.msk $0xffff, v1;
	v2 =	vld [tilespmem:$0x1FFD0];
	_ =	sdelay $0x4  }
0x6d9: {  	v1 =	vld.idx.msk [tilespmem:v3+s12+$0x0], $0xffff;
	v2 =	vor.u32 s24, v2;
	_ =	sdelay $0x4  }
0x6da: {  	v3 =	vor.u32 v50, v0;
	[tilespmem:v2+s16+$0x0] =	vst.idx.msk $0xffff, v1;
	v2 =	vld [tilespmem:$0x1FFF0];
	_ =	sdelay $0x4  }
0x6db: {  	v1 =	vld.idx.msk [tilespmem:v3+s12+$0x0], $0xffff;
	v2 =	vor.u32 s24, v2  }
0x6dc: {  	v3 =	vor.u32 v51, v0;
	_ =	sdelay $0x3  }
0x6dd: {  	[tilespmem:v2+s16+$0x0] =	vst.idx.msk $0xffff, v1  }
0x6de: {  	v2 =	vor.u32 s24, v19;
	v1 =	vld.idx.msk [tilespmem:v3+s12+$0x0], $0xffff;
	_ =	sdelay $0x4  }
0x6df: {  	v3 =	vor.u32 v52, v0;
	[tilespmem:v2+s16+$0x0] =	vst.idx.msk $0xffff, v1;
	v2 =	vld [tilespmem:$0x1F990];
	_ =	sdelay $0x4  }
0x6e0: {  	v1 =	vld.idx.msk [tilespmem:v3+s12+$0x0], $0xffff;
	v2 =	vor.u32 s24, v2;
	_ =	sdelay $0x4  }
0x6e1: {  	v3 =	vor.u32 v53, v0;
	[tilespmem:v2+s16+$0x0] =	vst.idx.msk $0xffff, v1;
	v2 =	vld [tilespmem:$0x1F9A0];
	_ =	sdelay $0x4  }
0x6e2: {  	v1 =	vld.idx.msk [tilespmem:v3+s12+$0x0], $0xffff;
	v2 =	vor.u32 s24, v2;
	_ =	sdelay $0x4  }
0x6e3: {  	v3 =	vor.u32 v54, v0;
	[tilespmem:v2+s16+$0x0] =	vst.idx.msk $0xffff, v1;
	v2 =	vld [tilespmem:$0x1F9B0];
	_ =	sdelay $0x4  }
0x6e4: {  	v1 =	vld.idx.msk [tilespmem:v3+s12+$0x0], $0xffff;
	v2 =	vor.u32 s24, v2;
	_ =	sdelay $0x4  }
0x6e5: {  	v3 =	vor.u32 v55, v0;
	[tilespmem:v2+s16+$0x0] =	vst.idx.msk $0xffff, v1;
	v2 =	vld [tilespmem:$0x1F9C0];
	_ =	sdelay $0x4  }
0x6e6: {  	v1 =	vld.idx.msk [tilespmem:v3+s12+$0x0], $0xffff;
	v2 =	vor.u32 s24, v2;
	_ =	sdelay $0x3  }
0x6e7: {  	v3 =	vor.u32 v15, v0  }
0x6e8: {  	[tilespmem:v2+s16+$0x0] =	vst.idx.msk $0xffff, v1;
	v2 =	vld [tilespmem:$0x1F9D0];
	_ =	sdelay $0x3  }
0x6e9: {  	v1 =	vld.idx.msk [tilespmem:v3+s12+$0x0], $0xffff  }
0x6ea: {  	v3 =	vld [tilespmem:$0x1F670];
	v2 =	vor.u32 s24, v2;
	_ =	sdelay $0x4  }
0x6eb: {  	v3 =	vor.u32 v3, v0;
	[tilespmem:v2+s16+$0x0] =	vst.idx.msk $0xffff, v1;
	v2 =	vld [tilespmem:$0x1F9E0];
	_ =	sdelay $0x4  }
0x6ec: {  	v1 =	vld.idx.msk [tilespmem:v3+s12+$0x0], $0xffff;
	v2 =	vor.u32 s24, v2;
	_ =	sdelay $0x4  }
0x6ed: {  	v3 =	vor.u32 v58, v0;
	[tilespmem:v2+s16+$0x0] =	vst.idx.msk $0xffff, v1;
	v2 =	vld [tilespmem:$0x1F9F0];
	_ =	sdelay $0x4  }
0x6ee: {  	v1 =	vld.idx.msk [tilespmem:v3+s12+$0x0], $0xffff;
	v2 =	vor.u32 s24, v2;
	_ =	sdelay $0x4  }
0x6ef: {  	v3 =	vor.u32 v59, v0;
	[tilespmem:v2+s16+$0x0] =	vst.idx.msk $0xffff, v1;
	v2 =	vld [tilespmem:$0x1FA00];
	_ =	sdelay $0x4  }
0x6f0: {  	v1 =	vld.idx.msk [tilespmem:v3+s12+$0x0], $0xffff;
	v2 =	vor.u32 s24, v2  }
0x6f1: {  	v3 =	vor.u32 v12, v0;
	_ =	sdelay $0x3  }
0x6f2: {  	[tilespmem:v2+s16+$0x0] =	vst.idx.msk $0xffff, v1  }
0x6f3: {  	v2 =	vor.u32 s24, v32;
	v1 =	vld.idx.msk [tilespmem:v3+s12+$0x0], $0xffff;
	_ =	sdelay $0x4  }
0x6f4: {  	v3 =	vor.u32 v33, v0;
	[tilespmem:v2+s16+$0x0] =	vst.idx.msk $0xffff, v1;
	v2 =	vld [tilespmem:$0x1FED0];
	_ =	sdelay $0x4  }
0x6f5: {  	v1 =	vld.idx.msk [tilespmem:v3+s12+$0x0], $0xffff;
	v2 =	vor.u32 s24, v2  }
0x6f6: {  	v3 =	vor.u32 v35, v0;
	_ =	sdelay $0x3  }
0x6f7: {  	[tilespmem:v2+s16+$0x0] =	vst.idx.msk $0xffff, v1  }
0x6f8: {  	v2 =	vor.u32 s24, v7;
	v1 =	vld.idx.msk [tilespmem:v3+s12+$0x0], $0xffff;
	_ =	sdelay $0x4  }
0x6f9: {  	v3 =	vor.u32 v36, v0;
	[tilespmem:v2+s16+$0x0] =	vst.idx.msk $0xffff, v1;
	v2 =	vld [tilespmem:$0x1FEA0];
	_ =	sdelay $0x4  }
0x6fa: {  	v1 =	vld.idx.msk [tilespmem:v3+s12+$0x0], $0xffff;
	v2 =	vor.u32 s24, v2  }
0x6fb: {  	v3 =	vor.u32 v37, v0;
	_ =	sdelay $0x3  }
0x6fc: {  	[tilespmem:v2+s16+$0x0] =	vst.idx.msk $0xffff, v1  }
0x6fd: {  	v2 =	vor.u32 s24, v6;
	v1 =	vld.idx.msk [tilespmem:v3+s12+$0x0], $0xffff;
	_ =	sdelay $0x4  }
0x6fe: {  	v3 =	vor.u32 v38, v0;
	[tilespmem:v2+s16+$0x0] =	vst.idx.msk $0xffff, v1;
	v2 =	vld [tilespmem:$0x1FA60];
	_ =	sdelay $0x4  }
0x6ff: {  	v1 =	vld.idx.msk [tilespmem:v3+s12+$0x0], $0xffff;
	v2 =	vor.u32 s24, v2;
	_ =	sdelay $0x4  }
0x700: {  	v3 =	vor.u32 v40, v0;
	[tilespmem:v2+s16+$0x0] =	vst.idx.msk $0xffff, v1;
	v2 =	vld [tilespmem:$0x1FA80];
	_ =	sdelay $0x4  }
0x701: {  	v1 =	vld.idx.msk [tilespmem:v3+s12+$0x0], $0xffff;
	v2 =	vor.u32 s24, v2;
	_ =	sdelay $0x4  }
0x702: {  	v3 =	vor.u32 v10, v0;
	[tilespmem:v2+s16+$0x0] =	vst.idx.msk $0xffff, v1;
	v2 =	vld [tilespmem:$0x1FA90];
	_ =	sdelay $0x4  }
0x703: {  	v1 =	vld.idx.msk [tilespmem:v3+s12+$0x0], $0xffff;
	v2 =	vor.u32 s24, v2;
	_ =	sdelay $0x4  }
0x704: {  	v3 =	vor.u32 v41, v0;
	[tilespmem:v2+s16+$0x0] =	vst.idx.msk $0xffff, v1;
	v2 =	vld [tilespmem:$0x1FAA0];
	_ =	sdelay $0x4  }
0x705: {  	v1 =	vld.idx.msk [tilespmem:v3+s12+$0x0], $0xffff;
	v2 =	vor.u32 s24, v2;
	_ =	sdelay $0x4  }
0x706: {  	v3 =	vor.u32 v42, v0;
	[tilespmem:v2+s16+$0x0] =	vst.idx.msk $0xffff, v1;
	v2 =	vld [tilespmem:$0x1FAB0];
	_ =	sdelay $0x4  }
0x707: {  	v1 =	vld.idx.msk [tilespmem:v3+s12+$0x0], $0xffff;
	v2 =	vor.u32 s24, v2;
	_ =	sdelay $0x4  }
0x708: {  	v3 =	vor.u32 v14, v0;
	[tilespmem:v2+s16+$0x0] =	vst.idx.msk $0xffff, v1;
	v2 =	vld [tilespmem:$0x1FAC0];
	_ =	sdelay $0x4  }
0x709: {  	v1 =	vld.idx.msk [tilespmem:v3+s12+$0x0], $0xffff;
	v2 =	vor.u32 s24, v2;
	_ =	sdelay $0x4  }
0x70a: {  	v3 =	vor.u32 v43, v0;
	[tilespmem:v2+s16+$0x0] =	vst.idx.msk $0xffff, v1;
	v2 =	vld [tilespmem:$0x1FAD0];
	_ =	sdelay $0x4  }
0x70b: {  	v1 =	vld.idx.msk [tilespmem:v3+s12+$0x0], $0xffff;
	v2 =	vor.u32 s24, v2;
	_ =	sdelay $0x4  }
0x70c: {  	v3 =	vor.u32 v45, v0;
	[tilespmem:v2+s16+$0x0] =	vst.idx.msk $0xffff, v1;
	v2 =	vld [tilespmem:$0x1FAE0];
	_ =	sdelay $0x4  }
0x70d: {  	v1 =	vld.idx.msk [tilespmem:v3+s12+$0x0], $0xffff;
	v2 =	vor.u32 s24, v2;
	_ =	sdelay $0x4  }
0x70e: {  	v3 =	vor.u32 v46, v0;
	[tilespmem:v2+s16+$0x0] =	vst.idx.msk $0xffff, v1;
	v2 =	vld [tilespmem:$0x1FAF0];
	_ =	sdelay $0x4  }
0x70f: {  	v1 =	vld.idx.msk [tilespmem:v3+s12+$0x0], $0xffff;
	v2 =	vor.u32 s24, v2;
	_ =	sdelay $0x4  }
0x710: {  	v3 =	vor.u32 v47, v0;
	[tilespmem:v2+s16+$0x0] =	vst.idx.msk $0xffff, v1;
	v2 =	vld [tilespmem:$0x1FEC0];
	_ =	sdelay $0x4  }
0x711: {  	v1 =	vld.idx.msk [tilespmem:v3+s12+$0x0], $0xffff;
	v2 =	vor.u32 s24, v2;
	_ =	sdelay $0x4  }
0x712: {  	v3 =	vor.u32 v48, v0;
	[tilespmem:v2+s16+$0x0] =	vst.idx.msk $0xffff, v1;
	v2 =	vld [tilespmem:$0x1FEE0];
	_ =	sdelay $0x4  }
0x713: {  	v1 =	vld.idx.msk [tilespmem:v3+s12+$0x0], $0xffff;
	v2 =	vor.u32 s24, v2  }
0x714: {  	v3 =	vor.u32 v13, v0;
	_ =	sdelay $0x3  }
0x715: {  	[tilespmem:v2+s16+$0x0] =	vst.idx.msk $0xffff, v1  }
0x716: {  	v2 =	vor.u32 s24, v62;
	v1 =	vld.idx.msk [tilespmem:v3+s12+$0x0], $0xffff;
	_ =	sdelay $0x4  }
0x717: {  	v3 =	vor.u32 v63, v0;
	[tilespmem:v2+s16+$0x0] =	vst.idx.msk $0xffff, v1;
	v2 =	vld [tilespmem:$0x1FEF0];
	_ =	sdelay $0x4  }
0x718: {  	v1 =	vld.idx.msk [tilespmem:v3+s12+$0x0], $0xffff;
	v2 =	vor.u32 s24, v2;
	_ =	sdelay $0x4  }
0x719: {  	v3 =	vor.u32 v56, v0;
	[tilespmem:v2+s16+$0x0] =	vst.idx.msk $0xffff, v1;
	v2 =	vld [tilespmem:$0x1FF00];
	_ =	sdelay $0x4  }
0x71a: {  	v1 =	vld.idx.msk [tilespmem:v3+s12+$0x0], $0xffff;
	v2 =	vor.u32 s24, v2;
	_ =	sdelay $0x4  }
0x71b: {  	v3 =	vor.u32 v61, v0;
	[tilespmem:v2+s16+$0x0] =	vst.idx.msk $0xffff, v1;
	v2 =	vld [tilespmem:$0x1FF10];
	_ =	sdelay $0x4  }
0x71c: {  	v1 =	vld.idx.msk [tilespmem:v3+s12+$0x0], $0xffff;
	v2 =	vor.u32 s24, v2;
	_ =	sdelay $0x3  }
0x71d: {  	v3 =	vor.u32 v17, v0  }
0x71e: {  	[tilespmem:v2+s16+$0x0] =	vst.idx.msk $0xffff, v1;
	v2 =	vld [tilespmem:$0x1FF20];
	_ =	sdelay $0x3  }
0x71f: {  	v1 =	vld.idx.msk [tilespmem:v3+s12+$0x0], $0xffff  }
0x720: {  	v3 =	vld [tilespmem:$0x1F530];
	v2 =	vor.u32 s24, v2;
	_ =	sdelay $0x4  }
0x721: {  	v3 =	vor.u32 v3, v0;
	[tilespmem:v2+s16+$0x0] =	vst.idx.msk $0xffff, v1;
	v2 =	vld [tilespmem:$0x1FF30];
	_ =	sdelay $0x4  }
0x722: {  	v1 =	vld.idx.msk [tilespmem:v3+s12+$0x0], $0xffff;
	v2 =	vor.u32 s24, v2;
	_ =	sdelay $0x4  }
0x723: {  	v3 =	vor.u32 v60, v0;
	[tilespmem:v2+s16+$0x0] =	vst.idx.msk $0xffff, v1;
	v2 =	vld [tilespmem:$0x1FF40];
	_ =	sdelay $0x4  }
0x724: {  	v1 =	vld.idx.msk [tilespmem:v3+s12+$0x0], $0xffff;
	v2 =	vor.u32 s24, v2;
	_ =	sdelay $0x4  }
0x725: {  	v3 =	vor.u32 v26, v0;
	[tilespmem:v2+s16+$0x0] =	vst.idx.msk $0xffff, v1;
	v2 =	vld [tilespmem:$0x1FF50];
	_ =	sdelay $0x4  }
0x726: {  	v1 =	vld.idx.msk [tilespmem:v3+s12+$0x0], $0xffff;
	v2 =	vor.u32 s24, v2;
	_ =	sdelay $0x4  }
0x727: {  	v3 =	vor.u32 v20, v0;
	[tilespmem:v2+s16+$0x0] =	vst.idx.msk $0xffff, v1;
	v2 =	vld [tilespmem:$0x1FF60];
	_ =	sdelay $0x4  }
0x728: {  	v1 =	vld.idx.msk [tilespmem:v3+s12+$0x0], $0xffff;
	v2 =	vor.u32 s24, v2;
	_ =	sdelay $0x4  }
0x729: {  	v3 =	vor.u32 v44, v0;
	[tilespmem:v2+s16+$0x0] =	vst.idx.msk $0xffff, v1;
	v2 =	vld [tilespmem:$0x1FF70];
	_ =	sdelay $0x4  }
0x72a: {  	v1 =	vld.idx.msk [tilespmem:v3+s12+$0x0], $0xffff;
	v2 =	vor.u32 s24, v2;
	_ =	sdelay $0x4  }
0x72b: {  	v3 =	vor.u32 v23, v0;
	[tilespmem:v2+s16+$0x0] =	vst.idx.msk $0xffff, v1;
	v2 =	vld [tilespmem:$0x1FFA0];
	_ =	sdelay $0x4  }
0x72c: {  	v1 =	vld.idx.msk [tilespmem:v3+s12+$0x0], $0xffff;
	v2 =	vor.u32 s24, v2;
	_ =	sdelay $0x4  }
0x72d: {  	v3 =	vor.u32 v24, v0;
	[tilespmem:v2+s16+$0x0] =	vst.idx.msk $0xffff, v1;
	v2 =	vld [tilespmem:$0x1FB20];
	_ =	sdelay $0x4  }
0x72e: {  	v1 =	vld.idx.msk [tilespmem:v3+s12+$0x0], $0xffff;
	v2 =	vor.u32 s24, v2;
	_ =	sdelay $0x4  }
0x72f: {  	v3 =	vor.u32 v28, v0;
	[tilespmem:v2+s16+$0x0] =	vst.idx.msk $0xffff, v1;
	v2 =	vld [tilespmem:$0x1FFB0];
	_ =	sdelay $0x4  }
0x730: {  	v1 =	vld.idx.msk [tilespmem:v3+s12+$0x0], $0xffff;
	v2 =	vor.u32 s24, v2;
	_ =	sdelay $0x4  }
0x731: {  	v3 =	vor.u32 v21, v0;
	[tilespmem:v2+s16+$0x0] =	vst.idx.msk $0xffff, v1;
	v2 =	vld [tilespmem:$0x1FB60];
	_ =	sdelay $0x4  }
0x732: {  	v1 =	vld.idx.msk [tilespmem:v3+s12+$0x0], $0xffff;
	v2 =	vor.u32 s24, v2;
	_ =	sdelay $0x4  }
0x733: {  	v3 =	vor.u32 v25, v0;
	[tilespmem:v2+s16+$0x0] =	vst.idx.msk $0xffff, v1;
	v1 =	vld [tilespmem:$0x1FFC0];
	_ =	sdelay $0x4  }
0x734: {  	p0 =	sne.s32 s25, $0x70;
	v2 =	vld.idx.msk [tilespmem:v3+s12+$0x0], $0xffff;
	v3 =	vor.u32 s24, v1  }
.Ltmp2:
0x735: {  	_ = 	snop;
	(pc) =	sbr.rel @p0 .LBB2_7-.Ltmp2, $3  }
0x736: {  	_ =	sdelay $0x1  }
0x737: {  	s23 =	smov.u32 s25  }
0x738: {  	s25 =	sadd.s32 $0x10, s25;
	v0 =	vor.u32 v8, v0;
	v1 =	vmov s23;
	[tilespmem:v3+s16+$0x0] =	vst.idx.msk $0xffff, v2  }
0x739: {  	_ =	sdelay $0x2  }
0x73a: {  	v1 =	vshll.u32 v1, $0x6  }
0x73b: {  	v2 =	vld.idx.msk [tilespmem:v0+s12+$0x0], $0xffff;
	v3 =	vlaneseq.u32;
	v0 =	vor.u32 v11, v1;
	v11 =	vor.u32 s24, v57  }
0x73c: {  	v3 =	vor.u32 v3, v0;
	_ =	sdelay $0x3  }
0x73d: {  	[tilespmem:v11+s16+$0x0] =	vst.idx.msk $0xffff, v2;
	v11 =	vld [tilespmem:$0x1FE90]  }
0x73e: {  	v1 =	vld.idx.msk [tilespmem:v3+s12+$0x0], $0xffff  }
0x73f: {  	v3 =	vld [tilespmem:$0x1FDE0];
	_ =	sdelay $0x3  }
0x740: {  	v2 =	vor.u32 s23, v11  }
0x741: {  	v3 =	vor.u32 v3, v0;
	_ =	sdelay $0x3  }
0x742: {  	v11 =	vld [tilespmem:$0x1FDF0];
	[tilespmem:v2+s16+$0x0] =	vst.idx.msk $0xffff, v1  }
0x743: {  	v1 =	vld.idx.msk [tilespmem:v3+s12+$0x0], $0xffff  }
0x744: {  	v3 =	vld [tilespmem:$0x1FA70];
	_ =	sdelay $0x3  }
0x745: {  	v2 =	vor.u32 s23, v11  }
0x746: {  	v3 =	vor.u32 v3, v0;
	_ =	sdelay $0x3  }
0x747: {  	v11 =	vld [tilespmem:$0x1FE00];
	[tilespmem:v2+s16+$0x0] =	vst.idx.msk $0xffff, v1  }
0x748: {  	v1 =	vld.idx.msk [tilespmem:v3+s12+$0x0], $0xffff  }
0x749: {  	v3 =	vld [tilespmem:$0x1FE10];
	_ =	sdelay $0x3  }
0x74a: {  	v2 =	vor.u32 s23, v11  }
0x74b: {  	v3 =	vor.u32 v3, v0;
	_ =	sdelay $0x3  }
0x74c: {  	v11 =	vld [tilespmem:$0x1FE20];
	[tilespmem:v2+s16+$0x0] =	vst.idx.msk $0xffff, v1  }
0x74d: {  	v1 =	vld.idx.msk [tilespmem:v3+s12+$0x0], $0xffff  }
0x74e: {  	v3 =	vld [tilespmem:$0x1FE30];
	_ =	sdelay $0x3  }
0x74f: {  	v2 =	vor.u32 s23, v11  }
0x750: {  	v3 =	vor.u32 v3, v0;
	_ =	sdelay $0x3  }
0x751: {  	v11 =	vld [tilespmem:$0x1FE40];
	[tilespmem:v2+s16+$0x0] =	vst.idx.msk $0xffff, v1  }
0x752: {  	v1 =	vld.idx.msk [tilespmem:v3+s12+$0x0], $0xffff  }
0x753: {  	v3 =	vld [tilespmem:$0x1FE50];
	_ =	sdelay $0x3  }
0x754: {  	v2 =	vor.u32 s23, v11  }
0x755: {  	v3 =	vor.u32 v3, v0;
	_ =	sdelay $0x3  }
0x756: {  	v11 =	vld [tilespmem:$0x1FB30];
	[tilespmem:v2+s16+$0x0] =	vst.idx.msk $0xffff, v1  }
0x757: {  	v1 =	vld.idx.msk [tilespmem:v3+s12+$0x0], $0xffff  }
0x758: {  	v3 =	vld [tilespmem:$0x1FB40];
	_ =	sdelay $0x3  }
0x759: {  	v2 =	vor.u32 s23, v11  }
0x75a: {  	v11 =	vld [tilespmem:$0x1FEB0];
	v3 =	vor.u32 v3, v0;
	_ =	sdelay $0x3  }
0x75b: {  	[tilespmem:v2+s16+$0x0] =	vst.idx.msk $0xffff, v1  }
0x75c: {  	v2 =	vor.u32 s23, v11;
	v1 =	vld.idx.msk [tilespmem:v3+s12+$0x0], $0xffff  }
0x75d: {  	v11 =	vld [tilespmem:$0x1FB50];
	v3 =	vor.u32 v31, v0;
	_ =	sdelay $0x3  }
0x75e: {  	[tilespmem:v2+s16+$0x0] =	vst.idx.msk $0xffff, v1  }
0x75f: {  	v2 =	vor.u32 s23, v11;
	v1 =	vld.idx.msk [tilespmem:v3+s12+$0x0], $0xffff  }
0x760: {  	v3 =	vor.u32 v18, v0;
	v18 =	vld [tilespmem:$0x1FE60];
	_ =	sdelay $0x3  }
0x761: {  	[tilespmem:v2+s16+$0x0] =	vst.idx.msk $0xffff, v1  }
0x762: {  	v2 =	vor.u32 s23, v18;
	v1 =	vld.idx.msk [tilespmem:v3+s12+$0x0], $0xffff  }
0x763: {  	v31 =	vld [tilespmem:$0x1FF80];
	v3 =	vor.u32 v30, v0;
	_ =	sdelay $0x3  }
0x764: {  	[tilespmem:v2+s16+$0x0] =	vst.idx.msk $0xffff, v1  }
0x765: {  	v11 =	vor.u32 s23, v31;
	v1 =	vld.idx.msk [tilespmem:v3+s12+$0x0], $0xffff  }
0x766: {  	v18 =	vld [tilespmem:$0x1F820];
	v3 =	vor.u32 v16, v0;
	_ =	sdelay $0x3  }
0x767: {  	[tilespmem:v11+s16+$0x0] =	vst.idx.msk $0xffff, v1  }
0x768: {  	v2 =	vor.u32 s23, v18;
	v1 =	vld.idx.msk [tilespmem:v3+s12+$0x0], $0xffff  }
0x769: {  	v30 =	vld [tilespmem:$0x1FE70];
	v3 =	vor.u32 v34, v0;
	_ =	sdelay $0x3  }
0x76a: {  	[tilespmem:v2+s16+$0x0] =	vst.idx.msk $0xffff, v1  }
0x76b: {  	v11 =	vor.u32 s23, v30;
	v1 =	vld.idx.msk [tilespmem:v3+s12+$0x0], $0xffff  }
0x76c: {  	v3 =	vor.u32 v27, v0;
	_ =	sdelay $0x3  }
0x76d: {  	v16 =	vld [tilespmem:$0x1F840];
	[tilespmem:v11+s16+$0x0] =	vst.idx.msk $0xffff, v1  }
0x76e: {  	v1 =	vld.idx.msk [tilespmem:v3+s12+$0x0], $0xffff  }
0x76f: {  	v3 =	vld [tilespmem:$0x1F850];
	_ =	sdelay $0x3  }
0x770: {  	v2 =	vor.u32 s23, v16  }
0x771: {  	v3 =	vor.u32 v3, v0;
	_ =	sdelay $0x3  }
0x772: {  	v18 =	vld [tilespmem:$0x1F860];
	[tilespmem:v2+s16+$0x0] =	vst.idx.msk $0xffff, v1  }
0x773: {  	v1 =	vld.idx.msk [tilespmem:v3+s12+$0x0], $0xffff  }
0x774: {  	v3 =	vld [tilespmem:$0x1F870];
	_ =	sdelay $0x3  }
0x775: {  	v2 =	vor.u32 s23, v18  }
0x776: {  	v3 =	vor.u32 v3, v0;
	_ =	sdelay $0x3  }
0x777: {  	v34 =	vld [tilespmem:$0x1F880];
	[tilespmem:v2+s16+$0x0] =	vst.idx.msk $0xffff, v1  }
0x778: {  	v1 =	vld.idx.msk [tilespmem:v3+s12+$0x0], $0xffff  }
0x779: {  	v3 =	vld [tilespmem:$0x1F890];
	_ =	sdelay $0x3  }
0x77a: {  	v2 =	vor.u32 s23, v34  }
0x77b: {  	v11 =	vld [tilespmem:$0x1F8A0];
	v3 =	vor.u32 v3, v0;
	_ =	sdelay $0x3  }
0x77c: {  	[tilespmem:v2+s16+$0x0] =	vst.idx.msk $0xffff, v1  }
0x77d: {  	v2 =	vor.u32 s23, v11;
	v1 =	vld.idx.msk [tilespmem:v3+s12+$0x0], $0xffff  }
0x77e: {  	v16 =	vld [tilespmem:$0x1FD70];
	v3 =	vor.u32 v5, v0;
	_ =	sdelay $0x3  }
0x77f: {  	[tilespmem:v2+s16+$0x0] =	vst.idx.msk $0xffff, v1  }
0x780: {  	v2 =	vor.u32 s23, v16;
	v1 =	vld.idx.msk [tilespmem:v3+s12+$0x0], $0xffff  }
0x781: {  	v18 =	vld [tilespmem:$0x1F8B0];
	v3 =	vor.u32 v22, v0;
	_ =	sdelay $0x3  }
0x782: {  	[tilespmem:v2+s16+$0x0] =	vst.idx.msk $0xffff, v1  }
0x783: {  	v2 =	vor.u32 s23, v18;
	v1 =	vld.idx.msk [tilespmem:v3+s12+$0x0], $0xffff  }
0x784: {  	v3 =	vor.u32 v29, v0;
	v29 =	vld [tilespmem:$0x1FF90];
	_ =	sdelay $0x3  }
0x785: {  	[tilespmem:v2+s16+$0x0] =	vst.idx.msk $0xffff, v1  }
0x786: {  	v22 =	vor.u32 s23, v29;
	v1 =	vld.idx.msk [tilespmem:v3+s12+$0x0], $0xffff  }
0x787: {  	v3 =	vor.u32 v4, v0;
	_ =	sdelay $0x3  }
0x788: {  	[tilespmem:v22+s16+$0x0] =	vst.idx.msk $0xffff, v1  }
0x789: {  	v34 =	vor.u32 s23, v9;
	v1 =	vld.idx.msk [tilespmem:v3+s12+$0x0], $0xffff;
	_ =	sdelay $0x4  }
0x78a: {  	v3 =	vor.u32 v39, v0;
	[tilespmem:v34+s16+$0x0] =	vst.idx.msk $0xffff, v1;
	v34 =	vld [tilespmem:$0x1FFE0];
	_ =	sdelay $0x4  }
0x78b: {  	v1 =	vld.idx.msk [tilespmem:v3+s12+$0x0], $0xffff;
	v39 =	vor.u32 s23, v34  }
0x78c: {  	v4 =	vld [tilespmem:$0x1FFD0];
	v3 =	vor.u32 v49, v0;
	_ =	sdelay $0x3  }
0x78d: {  	[tilespmem:v39+s16+$0x0] =	vst.idx.msk $0xffff, v1  }
0x78e: {  	v49 =	vor.u32 s23, v4;
	v1 =	vld.idx.msk [tilespmem:v3+s12+$0x0], $0xffff;
	_ =	sdelay $0x4  }
0x78f: {  	v3 =	vor.u32 v50, v0;
	[tilespmem:v49+s16+$0x0] =	vst.idx.msk $0xffff, v1;
	v49 =	vld [tilespmem:$0x1FFF0];
	_ =	sdelay $0x4  }
0x790: {  	v1 =	vld.idx.msk [tilespmem:v3+s12+$0x0], $0xffff;
	v50 =	vor.u32 s23, v49  }
0x791: {  	v3 =	vor.u32 v51, v0;
	_ =	sdelay $0x3  }
0x792: {  	[tilespmem:v50+s16+$0x0] =	vst.idx.msk $0xffff, v1  }
0x793: {  	v51 =	vor.u32 s23, v19;
	v1 =	vld.idx.msk [tilespmem:v3+s12+$0x0], $0xffff  }
0x794: {  	v3 =	vor.u32 v52, v0;
	v52 =	vld [tilespmem:$0x1F990];
	_ =	sdelay $0x3  }
0x795: {  	[tilespmem:v51+s16+$0x0] =	vst.idx.msk $0xffff, v1  }
0x796: {  	v2 =	vor.u32 s23, v52;
	v1 =	vld.idx.msk [tilespmem:v3+s12+$0x0], $0xffff  }
0x797: {  	v3 =	vor.u32 v53, v0;
	v53 =	vld [tilespmem:$0x1F9A0];
	_ =	sdelay $0x3  }
0x798: {  	[tilespmem:v2+s16+$0x0] =	vst.idx.msk $0xffff, v1  }
0x799: {  	v2 =	vor.u32 s23, v53;
	v1 =	vld.idx.msk [tilespmem:v3+s12+$0x0], $0xffff  }
0x79a: {  	v3 =	vor.u32 v54, v0;
	v54 =	vld [tilespmem:$0x1F9B0];
	_ =	sdelay $0x3  }
0x79b: {  	[tilespmem:v2+s16+$0x0] =	vst.idx.msk $0xffff, v1  }
0x79c: {  	v2 =	vor.u32 s23, v54;
	v1 =	vld.idx.msk [tilespmem:v3+s12+$0x0], $0xffff  }
0x79d: {  	v9 =	vld [tilespmem:$0x1F9C0];
	v3 =	vor.u32 v55, v0;
	_ =	sdelay $0x3  }
0x79e: {  	[tilespmem:v2+s16+$0x0] =	vst.idx.msk $0xffff, v1  }
0x79f: {  	v2 =	vor.u32 s23, v9;
	v1 =	vld.idx.msk [tilespmem:v3+s12+$0x0], $0xffff  }
0x7a0: {  	v3 =	vor.u32 v15, v0;
	_ =	sdelay $0x3  }
0x7a1: {  	v11 =	vld [tilespmem:$0x1F9D0];
	[tilespmem:v2+s16+$0x0] =	vst.idx.msk $0xffff, v1  }
0x7a2: {  	v1 =	vld.idx.msk [tilespmem:v3+s12+$0x0], $0xffff  }
0x7a3: {  	v3 =	vld [tilespmem:$0x1F670];
	_ =	sdelay $0x3  }
0x7a4: {  	v2 =	vor.u32 s23, v11  }
0x7a5: {  	v16 =	vld [tilespmem:$0x1F9E0];
	v3 =	vor.u32 v3, v0;
	_ =	sdelay $0x3  }
0x7a6: {  	[tilespmem:v2+s16+$0x0] =	vst.idx.msk $0xffff, v1  }
0x7a7: {  	v2 =	vor.u32 s23, v16;
	v1 =	vld.idx.msk [tilespmem:v3+s12+$0x0], $0xffff  }
0x7a8: {  	v18 =	vld [tilespmem:$0x1F9F0];
	v3 =	vor.u32 v58, v0;
	_ =	sdelay $0x3  }
0x7a9: {  	[tilespmem:v2+s16+$0x0] =	vst.idx.msk $0xffff, v1  }
0x7aa: {  	v2 =	vor.u32 s23, v18;
	v1 =	vld.idx.msk [tilespmem:v3+s12+$0x0], $0xffff  }
0x7ab: {  	v22 =	vld [tilespmem:$0x1FA00];
	v3 =	vor.u32 v59, v0;
	_ =	sdelay $0x3  }
0x7ac: {  	[tilespmem:v2+s16+$0x0] =	vst.idx.msk $0xffff, v1  }
0x7ad: {  	v2 =	vor.u32 s23, v22;
	v1 =	vld.idx.msk [tilespmem:v3+s12+$0x0], $0xffff  }
0x7ae: {  	v3 =	vor.u32 v12, v0;
	_ =	sdelay $0x3  }
0x7af: {  	[tilespmem:v2+s16+$0x0] =	vst.idx.msk $0xffff, v1  }
0x7b0: {  	v32 =	vor.u32 s23, v32;
	v1 =	vld.idx.msk [tilespmem:v3+s12+$0x0], $0xffff  }
0x7b1: {  	v5 =	vld [tilespmem:$0x1FED0];
	v3 =	vor.u32 v33, v0;
	_ =	sdelay $0x3  }
0x7b2: {  	[tilespmem:v32+s16+$0x0] =	vst.idx.msk $0xffff, v1  }
0x7b3: {  	v33 =	vor.u32 s23, v5;
	v1 =	vld.idx.msk [tilespmem:v3+s12+$0x0], $0xffff  }
0x7b4: {  	v3 =	vor.u32 v35, v0;
	_ =	sdelay $0x3  }
0x7b5: {  	[tilespmem:v33+s16+$0x0] =	vst.idx.msk $0xffff, v1  }
0x7b6: {  	v39 =	vor.u32 s23, v7;
	v1 =	vld.idx.msk [tilespmem:v3+s12+$0x0], $0xffff  }
0x7b7: {  	v12 =	vld [tilespmem:$0x1FEA0];
	v3 =	vor.u32 v36, v0;
	_ =	sdelay $0x3  }
0x7b8: {  	[tilespmem:v39+s16+$0x0] =	vst.idx.msk $0xffff, v1  }
0x7b9: {  	v50 =	vor.u32 s23, v12;
	v1 =	vld.idx.msk [tilespmem:v3+s12+$0x0], $0xffff  }
0x7ba: {  	v3 =	vor.u32 v37, v0;
	_ =	sdelay $0x3  }
0x7bb: {  	[tilespmem:v50+s16+$0x0] =	vst.idx.msk $0xffff, v1  }
0x7bc: {  	v51 =	vor.u32 s23, v6;
	v1 =	vld.idx.msk [tilespmem:v3+s12+$0x0], $0xffff  }
0x7bd: {  	v52 =	vld [tilespmem:$0x1FA60];
	v3 =	vor.u32 v38, v0;
	_ =	sdelay $0x3  }
0x7be: {  	[tilespmem:v51+s16+$0x0] =	vst.idx.msk $0xffff, v1  }
0x7bf: {  	v2 =	vor.u32 s23, v52;
	v1 =	vld.idx.msk [tilespmem:v3+s12+$0x0], $0xffff  }
0x7c0: {  	v53 =	vld [tilespmem:$0x1FA80];
	v3 =	vor.u32 v40, v0;
	_ =	sdelay $0x3  }
0x7c1: {  	[tilespmem:v2+s16+$0x0] =	vst.idx.msk $0xffff, v1  }
0x7c2: {  	v2 =	vor.u32 s23, v53;
	v1 =	vld.idx.msk [tilespmem:v3+s12+$0x0], $0xffff  }
0x7c3: {  	v54 =	vld [tilespmem:$0x1FA90];
	v3 =	vor.u32 v10, v0;
	_ =	sdelay $0x3  }
0x7c4: {  	[tilespmem:v2+s16+$0x0] =	vst.idx.msk $0xffff, v1  }
0x7c5: {  	v2 =	vor.u32 s23, v54;
	v1 =	vld.idx.msk [tilespmem:v3+s12+$0x0], $0xffff  }
0x7c6: {  	v55 =	vld [tilespmem:$0x1FAA0];
	v3 =	vor.u32 v41, v0;
	_ =	sdelay $0x3  }
0x7c7: {  	[tilespmem:v2+s16+$0x0] =	vst.idx.msk $0xffff, v1  }
0x7c8: {  	v2 =	vor.u32 s23, v55;
	v1 =	vld.idx.msk [tilespmem:v3+s12+$0x0], $0xffff  }
0x7c9: {  	v58 =	vld [tilespmem:$0x1FAB0];
	v3 =	vor.u32 v42, v0;
	_ =	sdelay $0x3  }
0x7ca: {  	[tilespmem:v2+s16+$0x0] =	vst.idx.msk $0xffff, v1  }
0x7cb: {  	v2 =	vor.u32 s23, v58;
	v1 =	vld.idx.msk [tilespmem:v3+s12+$0x0], $0xffff  }
0x7cc: {  	v59 =	vld [tilespmem:$0x1FAC0];
	v3 =	vor.u32 v14, v0;
	_ =	sdelay $0x3  }
0x7cd: {  	[tilespmem:v2+s16+$0x0] =	vst.idx.msk $0xffff, v1  }
0x7ce: {  	v2 =	vor.u32 s23, v59;
	v1 =	vld.idx.msk [tilespmem:v3+s12+$0x0], $0xffff  }
0x7cf: {  	v9 =	vld [tilespmem:$0x1FAD0];
	v3 =	vor.u32 v43, v0;
	_ =	sdelay $0x3  }
0x7d0: {  	[tilespmem:v2+s16+$0x0] =	vst.idx.msk $0xffff, v1  }
0x7d1: {  	v2 =	vor.u32 s23, v9;
	v1 =	vld.idx.msk [tilespmem:v3+s12+$0x0], $0xffff  }
0x7d2: {  	v10 =	vld [tilespmem:$0x1FAE0];
	v3 =	vor.u32 v45, v0;
	_ =	sdelay $0x3  }
0x7d3: {  	[tilespmem:v2+s16+$0x0] =	vst.idx.msk $0xffff, v1  }
0x7d4: {  	v2 =	vor.u32 s23, v10;
	v1 =	vld.idx.msk [tilespmem:v3+s12+$0x0], $0xffff  }
0x7d5: {  	v11 =	vld [tilespmem:$0x1FAF0];
	v3 =	vor.u32 v46, v0;
	_ =	sdelay $0x3  }
0x7d6: {  	[tilespmem:v2+s16+$0x0] =	vst.idx.msk $0xffff, v1  }
0x7d7: {  	v2 =	vor.u32 s23, v11;
	v1 =	vld.idx.msk [tilespmem:v3+s12+$0x0], $0xffff  }
0x7d8: {  	v10 =	vld [tilespmem:$0x1FEC0];
	v3 =	vor.u32 v47, v0;
	_ =	sdelay $0x3  }
0x7d9: {  	[tilespmem:v2+s16+$0x0] =	vst.idx.msk $0xffff, v1  }
0x7da: {  	v16 =	vor.u32 s23, v10;
	v1 =	vld.idx.msk [tilespmem:v3+s12+$0x0], $0xffff  }
0x7db: {  	v14 =	vld [tilespmem:$0x1FEE0];
	v3 =	vor.u32 v48, v0;
	_ =	sdelay $0x3  }
0x7dc: {  	[tilespmem:v16+s16+$0x0] =	vst.idx.msk $0xffff, v1  }
0x7dd: {  	v18 =	vor.u32 s23, v14;
	v1 =	vld.idx.msk [tilespmem:v3+s12+$0x0], $0xffff  }
0x7de: {  	v3 =	vor.u32 v13, v0;
	_ =	sdelay $0x3  }
0x7df: {  	[tilespmem:v18+s16+$0x0] =	vst.idx.msk $0xffff, v1  }
0x7e0: {  	v22 =	vor.u32 s23, v62;
	v1 =	vld.idx.msk [tilespmem:v3+s12+$0x0], $0xffff  }
0x7e1: {  	v51 =	vld [tilespmem:$0x1FEF0];
	v3 =	vor.u32 v63, v0;
	_ =	sdelay $0x3  }
0x7e2: {  	[tilespmem:v22+s16+$0x0] =	vst.idx.msk $0xffff, v1  }
0x7e3: {  	v32 =	vor.u32 s23, v51;
	v1 =	vld.idx.msk [tilespmem:v3+s12+$0x0], $0xffff  }
0x7e4: {  	v7 =	vld [tilespmem:$0x1FF00];
	v3 =	vor.u32 v56, v0;
	_ =	sdelay $0x3  }
0x7e5: {  	[tilespmem:v32+s16+$0x0] =	vst.idx.msk $0xffff, v1  }
0x7e6: {  	v33 =	vor.u32 s23, v7;
	v1 =	vld.idx.msk [tilespmem:v3+s12+$0x0], $0xffff  }
0x7e7: {  	v35 =	vld [tilespmem:$0x1FF10];
	v3 =	vor.u32 v61, v0;
	_ =	sdelay $0x3  }
0x7e8: {  	[tilespmem:v33+s16+$0x0] =	vst.idx.msk $0xffff, v1  }
0x7e9: {  	v39 =	vor.u32 s23, v35;
	v1 =	vld.idx.msk [tilespmem:v3+s12+$0x0], $0xffff  }
0x7ea: {  	v3 =	vor.u32 v17, v0;
	_ =	sdelay $0x3  }
0x7eb: {  	v40 =	vld [tilespmem:$0x1FF20];
	[tilespmem:v39+s16+$0x0] =	vst.idx.msk $0xffff, v1  }
0x7ec: {  	v1 =	vld.idx.msk [tilespmem:v3+s12+$0x0], $0xffff  }
0x7ed: {  	v3 =	vld [tilespmem:$0x1F530];
	_ =	sdelay $0x3  }
0x7ee: {  	v41 =	vor.u32 s23, v40  }
0x7ef: {  	v42 =	vld [tilespmem:$0x1FF30];
	v3 =	vor.u32 v3, v0;
	_ =	sdelay $0x3  }
0x7f0: {  	[tilespmem:v41+s16+$0x0] =	vst.idx.msk $0xffff, v1  }
0x7f1: {  	v43 =	vor.u32 s23, v42;
	v1 =	vld.idx.msk [tilespmem:v3+s12+$0x0], $0xffff  }
0x7f2: {  	v45 =	vld [tilespmem:$0x1FF40];
	v3 =	vor.u32 v60, v0;
	_ =	sdelay $0x3  }
0x7f3: {  	[tilespmem:v43+s16+$0x0] =	vst.idx.msk $0xffff, v1  }
0x7f4: {  	v46 =	vor.u32 s23, v45;
	v1 =	vld.idx.msk [tilespmem:v3+s12+$0x0], $0xffff  }
0x7f5: {  	v47 =	vld [tilespmem:$0x1FF50];
	v3 =	vor.u32 v26, v0;
	_ =	sdelay $0x3  }
0x7f6: {  	[tilespmem:v46+s16+$0x0] =	vst.idx.msk $0xffff, v1  }
0x7f7: {  	v48 =	vor.u32 s23, v47;
	v1 =	vld.idx.msk [tilespmem:v3+s12+$0x0], $0xffff  }
0x7f8: {  	v50 =	vld [tilespmem:$0x1FF60];
	v3 =	vor.u32 v20, v0;
	_ =	sdelay $0x3  }
0x7f9: {  	[tilespmem:v48+s16+$0x0] =	vst.idx.msk $0xffff, v1  }
0x7fa: {  	v52 =	vor.u32 s23, v50;
	v1 =	vld.idx.msk [tilespmem:v3+s12+$0x0], $0xffff  }
0x7fb: {  	v53 =	vld [tilespmem:$0x1FF70];
	v3 =	vor.u32 v44, v0;
	_ =	sdelay $0x3  }
0x7fc: {  	[tilespmem:v52+s16+$0x0] =	vst.idx.msk $0xffff, v1  }
0x7fd: {  	v54 =	vor.u32 s23, v53;
	v1 =	vld.idx.msk [tilespmem:v3+s12+$0x0], $0xffff  }
0x7fe: {  	v55 =	vld [tilespmem:$0x1FFA0];
	v3 =	vor.u32 v23, v0;
	_ =	sdelay $0x3  }
0x7ff: {  	[tilespmem:v54+s16+$0x0] =	vst.idx.msk $0xffff, v1  }
0x800: {  	v56 =	vor.u32 s23, v55;
	v1 =	vld.idx.msk [tilespmem:v3+s12+$0x0], $0xffff  }
0x801: {  	v58 =	vld [tilespmem:$0x1FB20];
	v3 =	vor.u32 v24, v0;
	_ =	sdelay $0x3  }
0x802: {  	[tilespmem:v56+s16+$0x0] =	vst.idx.msk $0xffff, v1  }
0x803: {  	v2 =	vor.u32 s23, v58;
	v1 =	vld.idx.msk [tilespmem:v3+s12+$0x0], $0xffff  }
0x804: {  	v24 =	vld [tilespmem:$0x1FFB0];
	v3 =	vor.u32 v28, v0;
	_ =	sdelay $0x3  }
0x805: {  	[tilespmem:v2+s16+$0x0] =	vst.idx.msk $0xffff, v1  }
0x806: {  	v59 =	vor.u32 s23, v24;
	v1 =	vld.idx.msk [tilespmem:v3+s12+$0x0], $0xffff  }
0x807: {  	v60 =	vld [tilespmem:$0x1FB60];
	v3 =	vor.u32 v21, v0;
	_ =	sdelay $0x3  }
0x808: {  	v50 =	vld [tilespmem:$0x1FE60];
	[tilespmem:v59+s16+$0x0] =	vst.idx.msk $0xffff, v1  }
0x809: {  	v2 =	vor.u32 s23, v60;
	v1 =	vld.idx.msk [tilespmem:v3+s12+$0x0], $0xffff  }
0x80a: {  	v61 =	vld [tilespmem:$0x1FFC0];
	v3 =	vor.u32 v25, v0  }
0x80b: {  	v45 =	vmov v4;
	v4 =	vld [tilespmem:$0x1FB00]  }
0x80c: {  	v47 =	vld [tilespmem:$0x1FE50]  }
0x80d: {  	v55 =	vld [tilespmem:$0x1FE00]  }
0x80e: {  	v32 =	vld [tilespmem:$0x1FEB0];
	[tilespmem:v2+s16+$0x0] =	vst.idx.msk $0xffff, v1  }
0x80f: {  	v62 =	vor.u32 s23, v61;
	v1 =	vld.idx.msk [tilespmem:v3+s12+$0x0], $0xffff  }
0x810: {  	v33 =	vld [tilespmem:$0x1FDE0];
	v0 =	vor.u32 v8, v0  }
0x811: {  	v39 =	vld [tilespmem:$0x1FB50]  }
0x812: {  	v43 =	vld [tilespmem:$0x1FB30]  }
0x813: {  	s29 =	smulhi.u32 $0x51EB851F, s21;
	v26 =	vld [tilespmem:$0x1FB40]  }
0x814: {  	v46 =	vld [tilespmem:$0x1FE30];
	[tilespmem:v62+s16+$0x0] =	vst.idx.msk $0xffff, v1  }
0x815: {  	s20 =	sadd.s32 $0x1, s20;
	s30 =	sshrl.u32 s29, $0x4;
	v63 =	vor.u32 s23, v57;
	v0 =	vld.idx.msk [tilespmem:v0+s12+$0x0], $0xffff  }
0x816: {  	p0 =	sne.s32 s20, $0x64;
	v48 =	vld [tilespmem:$0x1FE20];
	s23 =	smul.u32 $0x32, s30  }
.Ltmp3:
0x817: {  	v44 =	vmov v29;
	v29 =	vld [tilespmem:$0x1FE90];
	(pc) =	sbr.rel @p0 .LBB2_4-.Ltmp3, $4  }
0x818: {  	v52 =	vld [tilespmem:$0x1FA70];
	s31 =	ssub.s32 s21, s23  }
0x819: {  	v56 =	vld [tilespmem:$0x1FDF0];
	s21 =	sshll.u32 s31, $0x11  }
0x81a: {  	v35 =	vmovc v5;
	v5 =	vmov v27;
	v42 =	vmov v31;
	v31 =	vmov v14;
	v60 =	vld [tilespmem:$0x1FE10];
	s21 =	sadd.s32 s21, s22;
	[tilespmem:v63+s16+$0x0] =	vst.idx.msk $0xffff, v0  }
0x81b: {  	v57 =	vmovc v10;
	v61 =	vmovc v34;
	v34 =	vmov v12;
	v12 =	vlaneseq.u32;
	v62 =	vld [tilespmem:$0x1FE40];
	v63 =	vmov v19;
	[hbm4b:s21+s14] =	stream.strided.scatter [tilespmem:s16], [sflag:$0x2], $0x2000, s15, s14, $0x38  }
0x81c: {  	s18 =	sadd.s32 $0x1, s18  }
0x81d: {  	_ =	swait.ge [sflag:s17], $0x2000;
	p0 =	sne.s32 s18, s5  }
.Ltmp4:
0x81e: {  	[sflag:s17] =	ssyncset.done $0x0;
	(pc) =	sbr.rel @p0 .LBB2_1-.Ltmp4, $4  }
0x81f: {  	[sflag:s17] =	ssyncadd.s32 $0xFFFFE000  }
0x820: {  	_ =	swait.ge [sflag:s17], $0x2000  }
0x821: {  	[sflag:s17] =	ssyncset.done $0x0  }
0x822: {  	v3 =	vimm.s32 $0x0;
	v2 =	vld [tilespmem:$0x1FE80];
	[sflag:s17] =	ssyncadd.s32 $0xFFFFE000  }
0x823: {  	_ =	sfence.sel $0x180000  }
0x824: {  	[bflag:$0x0] =	sbarrier.arrive $0xFFFF  }
0x825: {  	p0 =	sne.s32 s0, $0x0;
	_ =	strace $0x90000047  }
0x826: {  	s0 =	sadd.s32 @!p0 $0x100000, s1;
	[bflag:$0x2] =	sbarrier.arrive $0xFFFF  }
0x827: {  	[sflag:s0] =	ssyncadd.tile.s32 @!p0 $0x1;
	_ =	shalt  }
.Lfunc_end2:
_tile_overlayer_lowered:
.L_overlay_start_2:
0x828: {  	(tag) =	ssettag $0x2  }
0x829: {  	s0 =	rddreg [dreg:$0x0];
	s2 =	stileid.u32  }
0x82a: {  	s1 =	rddreg [dreg:$0x1];
	p0 =	sne.s32 s2, $0x0  }
0x82b: {  	s3 =	rddreg [dreg:$0x2];
	[bflag:$0x3] =	sbarrier.arrive $0xFFFF;
	s2 =	simm.s32 @!p0 $0x1C03  }
0x82c: {  	[timem:s3], [sflag:s2] =	dma.local @!p0 [hbm:s0], s1  }
0x82d: {  	s0 =	simm.s32 @!p0 $0x3  }
0x82e: {  	_ =	swait.ge @!p0 [sflag:s0], s1  }
0x82f: {  	s1 =	ssub.s32 @!p0 $0x0, s1;
	[sflag:s0] =	ssyncset.done @!p0 $0x0  }
0x830: {  	[sflag:s0] =	ssyncadd.s32 @!p0 s1  }
0x831: {  	[bflag:$0x3] =	sbarrier.arrive $0xFFFF  }
0x832: {  	_ =	shalt  }

</sc_bundles>
